<compile_context>
chip_gen: v7x
topology: tpu7x:2x2x1
jax: 0.10.2.dev20260603
libtpu: 0.0.44.dev20260713+nightly
codegen_flags: <defaults>
</compile_context>

<pallas_src>
import functools

import jax
import jax.numpy as jnp
from jax import lax
from jax.experimental import pallas as pl
from jax.experimental.pallas import tpu as pltpu
from jax.experimental.pallas import tpu_sc as plsc

B, T, H, W = 4, 16, 64, 64
NCLS = 8192
CO = 16
NG = 9
NROWS = B * T * H
NUM_CORES = 2
NUM_SUBCORES = 16
NW = NUM_CORES * NUM_SUBCORES
ROWS_PER = NROWS // NW
NBUF = 2
TH = T * H


def _sc_body(table_hbm, idx4_hbm, bias_hbm, out_hbm, pidx_v, buf_v, acc_v, bias_v, *sems):
    isems, gsems, osems = sems[0:NBUF], sems[NBUF : 2 * NBUF], sems[2 * NBUF :]
    wid = lax.axis_index("c") * NUM_SUBCORES + lax.axis_index("s")
    base = wid * ROWS_PER
    lane = lax.iota(jnp.int32, 16)
    pltpu.sync_copy(bias_hbm, bias_v)
    bvec = bias_v[...]

    def rdecomp(r):
        return r >> 10, (r >> 6) & (T - 1), r & (H - 1)

    for ps in range(2):
        b_, t, _ = rdecomp(base + ps * H)
        for dt in range(3):
            ct = jnp.maximum(t + (dt - 2), 0)
            pltpu.async_copy(idx4_hbm.at[b_, ct], pidx_v.at[ps, dt], isems[0])
    for _ in range(6):
        pltpu.make_async_copy(
            idx4_hbm.at[0, 0], pidx_v.at[0, 0], isems[0]
        ).wait()

    def idx_ref(rr, g):
        h = rr & (H - 1)
        ch = jnp.clip(h + (g % 3 - 1), 0, H - 1)
        return pidx_v.at[(rr >> 6) & 1, g // 3, ch]

    def fire_gathers(s, rr):
        for g in range(NG):
            pltpu.async_copy(
                table_hbm.at[g].at[idx_ref(rr, g)], buf_v.at[s, g], gsems[s]
            )

    def wait_gathers(s, rr):
        for g in range(NG):
            pltpu.make_async_copy(
                table_hbm.at[g].at[idx_ref(rr, g)], buf_v.at[s, g], gsems[s]
            ).wait()

    def wait_out(s):
        pltpu.make_async_copy(
            acc_v.at[s], out_hbm.at[0, :, 0, 0, :], osems[s]
        ).wait()

    def accumulate(s):
        def tree_sum(vals):
            while len(vals) > 1:
                vals = [
                    vals[i] + vals[i + 1] if i + 1 < len(vals) else vals[i]
                    for i in range(0, len(vals), 2)
                ]
            return vals[0]

        def sum_a(w):
            return tree_sum([buf_v[s, g, w, pl.ds(0, 32)] for g in range(NG)])

        def sum_b(w):
            return tree_sum([buf_v[s, g, w, pl.ds(32, 32)] for g in range(NG)])

        def unpk(v):
            return plsc.unpack(
                v, format=plsc.PackFormat.INTERLEAVED,
                preferred_element_type=jnp.float32,
            )

        def emit(wpos, val):
            plsc.store_scatter(acc_v.at[s], [lane, lane * 0 + wpos], val)

        a0, a1 = unpk(sum_a(0))
        b2, _ = unpk(sum_b(1))
        emit(0, (a0 + bvec) + (a1 + b2))

        @pl.loop(1, W - 1, init_carry=a0, unroll=4)
        def _w(wpos, carry):
            a0w, a1w = unpk(sum_a(wpos))
            b2w, _ = unpk(sum_b(wpos + 1))
            emit(wpos, (carry + bvec) + (a1w + b2w))
            return a0w

        a0l, a1l = unpk(sum_a(W - 1))
        b2l, _ = unpk(sum_b(W - 1))
        emit(W - 1, (_w + bvec) + (a1l + b2l))

    for s in range(NBUF):
        fire_gathers(s, s)

    @pl.loop(0, ROWS_PER, step=NBUF)
    def _row(r0):
        for s in range(NBUF):
            rr = r0 + s
            r = base + rr
            wait_gathers(s, rr)

            @pl.when(rr >= NBUF)
            def _wo():
                wait_out(s)

            accumulate(s)
            b_, t, h = rdecomp(r)
            pltpu.async_copy(acc_v.at[s], out_hbm.at[b_, :, t, h, :], osems[s])

            @pl.when(rr + NBUF < ROWS_PER)
            def _fg():
                fire_gathers(s, rr + NBUF)

    for s in range(NBUF):
        wait_out(s)


_sc_call = functools.partial(
    pl.kernel,
    out_type=jax.ShapeDtypeStruct((B, CO, T, H, W), jnp.float32),
    mesh=plsc.VectorSubcoreMesh(core_axis_name="c", subcore_axis_name="s"),
    scratch_types=[
        pltpu.VMEM((2, 3, H, W), jnp.int32),
        pltpu.VMEM((NBUF, NG, W, 4 * CO), jnp.bfloat16),
        pltpu.VMEM((NBUF, CO, W), jnp.float32),
        pltpu.VMEM((CO,), jnp.float32),
    ]
    + [pltpu.SemaphoreType.DMA] * (3 * NBUF),
    compiler_params=pltpu.CompilerParams(
        use_tc_tiling_on_sc=False, needs_layout_passes=False
    ),
)(_sc_body)


def kernel(indices, weight, bias):
    wz = jnp.pad(weight.astype(jnp.bfloat16), ((0, 0),) * 4 + ((0, 1),))
    tabp = (
        wz.reshape(CO, NCLS, 3, 3, 2, 2)
        .transpose(2, 3, 1, 4, 0, 5)
        .reshape(NG, NCLS, 4 * CO)
    )
    return _sc_call(tabp, indices, bias)

# --- scband reference (transcript-rebuilt; emitter-appended) ---
"""Pipeline reference for scband-one-hot-conv3d-42485816492655 (READ-ONLY COPY).

The authoritative reference and input builder live on the scoring server;
editing this copy changes nothing except your own understanding.
"""

import jax, jax.numpy as jnp
import numpy as np

NUM_CLASSES = 8192
C_OUT = 16
KT, KH, KW = 3, 3, 3
B, T, H, W = 4, 16, 64, 64


def setup_inputs(seed: int = 0) -> dict:
    key = jax.random.key(seed)
    k1, k2 = jax.random.split(key, 2)
    indices = jax.random.randint(k1, (B, T, H, W), 0, NUM_CLASSES, dtype=jnp.int32)
    fan_in = NUM_CLASSES * KT * KH * KW
    bound = float(np.sqrt(6.0 / ((1.0 + 5.0) * fan_in)))  # kaiming_uniform with a=sqrt(5)
    weight = jax.random.uniform(k2, (C_OUT, NUM_CLASSES, KT, KH, KW), dtype=jnp.float32, minval=-bound, maxval=bound)
    bias = jnp.zeros((C_OUT,), dtype=jnp.float32)
    return {"indices": indices, "weight": weight, "bias": bias}


def reference(indices, weight, bias):
    # Causal temporal pad (replicate first frame) + spatial replicate pad, on integer indices.
    padded = jnp.pad(indices, ((0, 0), (KT - 1, 0), (KH // 2, KH // 2), (KW // 2, KW // 2)), mode='edge')
    acc = jnp.zeros((B, T, H, W, C_OUT), dtype=weight.dtype)
    for dt in range(KT):
        for dh in range(KH):
            for dw in range(KW):
                idx = padded[:, dt:dt + T, dh:dh + H, dw:dw + W]  # (B,T,H,W)
                table = weight[:, :, dt, dh, dw].T  # (num_classes, C_out)
                acc = acc + jnp.take(table, idx, axis=0)  # gather -> (B,T,H,W,C_out)
    out = jnp.moveaxis(acc, -1, 1) + bias[None, :, None, None, None]
    return out

if __name__ == "__main__":
    import jax
    _d = setup_inputs()
    print(jax.jit(kernel)(*tuple(_d.values())))

</pallas_src>

<mosaic_0001>
#map = affine_map<(d0, d1) -> (0, 0, 0)>
#map1 = affine_map<(d0, d1) -> (0, 0, 0, 0)>
#map2 = affine_map<(d0, d1) -> (0)>
#map3 = affine_map<(d0, d1) -> (0, 0, 0, 0, 0)>
module attributes {stable_mosaic.version = 14 : i64} {
  func.func @_sc_body(%arg0: i32, %arg1: i32, %arg2: memref<9x8192x64xbf16, #tpu.memory_space<hbm>>, %arg3: memref<4x16x64x64xi32, #tpu.memory_space<hbm>>, %arg4: memref<16xf32, #tpu.memory_space<hbm>>, %arg5: memref<4x16x16x64x64xf32, #tpu.memory_space<hbm>>, %arg6: memref<2x3x64x64xi32, #tpu.memory_space<vmem>>, %arg7: memref<2x9x64x64xbf16, #tpu.memory_space<vmem>>, %arg8: memref<2x16x64xf32, #tpu.memory_space<vmem>>, %arg9: memref<16xf32, #tpu.memory_space<vmem>>, %arg10: memref<!tpu.dma_semaphore, #tpu.memory_space<semaphore_mem>>, %arg11: memref<!tpu.dma_semaphore, #tpu.memory_space<semaphore_mem>>, %arg12: memref<!tpu.dma_semaphore, #tpu.memory_space<semaphore_mem>>, %arg13: memref<!tpu.dma_semaphore, #tpu.memory_space<semaphore_mem>>, %arg14: memref<!tpu.dma_semaphore, #tpu.memory_space<semaphore_mem>>, %arg15: memref<!tpu.dma_semaphore, #tpu.memory_space<semaphore_mem>>) attributes {dimension_semantics = [#tpu.dimension_semantics<core_parallel>, #tpu.dimension_semantics<subcore_parallel>], iteration_bounds = array<i64: 2, 16>, scalar_prefetch = 0 : i64, scratch_operands = 10 : i64, tpu.core_type = #tpu.core_type<sc_vector_subcore>, window_params = [{transform_indices = #map}, {transform_indices = #map1}, {transform_indices = #map2}, {transform_indices = #map3}]} {
    %mul3A = arith.constant 16 : i32
    %mul3A_0 = arith.muli %arg0, %mul3A : i32
    %add3A = arith.addi %mul3A_0, %arg1 : i32
    %mul3A_1 = arith.constant 128 : i32
    %mul3A_2 = arith.muli %add3A, %mul3A_1 : i32
    %iota3A = tpu.iota {dimensions = array<i32: 0>} : vector<16xi32>
    "tpu.region"() ({
      %run_scoped3A = tpu.sem_alloc : memref<!tpu.dma_semaphore, #tpu.memory_space<semaphore_mem>>
      tpu.enqueue_dma source(%arg4 : memref<16xf32, #tpu.memory_space<hbm>>) target(%arg9 : memref<16xf32, #tpu.memory_space<vmem>>) target_semaphore(%run_scoped3A : memref<!tpu.dma_semaphore, #tpu.memory_space<semaphore_mem>>)
      tpu.wait_dma2 semaphore(%run_scoped3A : memref<!tpu.dma_semaphore, #tpu.memory_space<semaphore_mem>>) src(%arg4 : memref<16xf32, #tpu.memory_space<hbm>>) dst(%arg9 : memref<16xf32, #tpu.memory_space<vmem>>)
      tpu.yield
    }) : () -> ()
    %get3A = arith.constant 0 : index
    %get3A_3 = tpu.vector_load %arg9[%get3A] {strides = array<i32>} : memref<16xf32, #tpu.memory_space<vmem>>, vector<16xf32>,
    %add3A_4 = arith.constant 0 : i32
    %add3A_5 = arith.addi %mul3A_2, %add3A_4 : i32
    %shift_right_arithmetic3A = arith.constant 10 : i32
    %shift_right_arithmetic3A_6 = arith.shrsi %add3A_5, %shift_right_arithmetic3A : i32
    %shift_right_arithmetic3A_7 = arith.constant 6 : i32
    %shift_right_arithmetic3A_8 = arith.shrsi %add3A_5, %shift_right_arithmetic3A_7 : i32
    %and3A = arith.constant 15 : i32
    %and3A_9 = arith.andi %shift_right_arithmetic3A_8, %and3A : i32
    %and3A_10 = arith.constant 63 : i32
    %and3A_11 = arith.andi %add3A_5, %and3A_10 : i32
    %add3A_12 = arith.constant -2 : i32
    %add3A_13 = arith.addi %and3A_9, %add3A_12 : i32
    %max3A = arith.constant 0 : i32
    %max3A_14 = arith.maxsi %add3A_13, %max3A : i32
    %dma_start3A = arith.constant 0 : i32
    %dma_start3A_15 = arith.constant 0 : i32
    %dma_start3A_16 = arith.constant 0 : i32
    %dma_start3A_17 = arith.constant 0 : i32
    %dma_start3A_18 = tpu.memref_slice %arg6[%dma_start3A, %dma_start3A_15, %dma_start3A_16, %dma_start3A_17] : memref<2x3x64x64xi32, #tpu.memory_space<vmem>> -> memref<1x1x64x64xi32, #tpu.memory_space<vmem>>
    %dma_start3A_19 = tpu.memref_squeeze %dma_start3A_18 : memref<1x1x64x64xi32, #tpu.memory_space<vmem>> -> memref<64x64xi32, #tpu.memory_space<vmem>>
    %dma_start3A_20 = arith.constant 0 : i32
    %dma_start3A_21 = arith.constant 0 : i32
    %dma_start3A_22 = tpu.memref_slice %arg3[%shift_right_arithmetic3A_6, %max3A_14, %dma_start3A_20, %dma_start3A_21] : memref<4x16x64x64xi32, #tpu.memory_space<hbm>> -> memref<1x1x64x64xi32, #tpu.memory_space<hbm>>
    %dma_start3A_23 = tpu.memref_squeeze %dma_start3A_22 : memref<1x1x64x64xi32, #tpu.memory_space<hbm>> -> memref<64x64xi32, #tpu.memory_space<hbm>>
    %dma_start3A_24 = arith.constant 0 : i32
    %dma_start3A_25 = arith.constant 0 : i32
    %dma_start3A_26 = tpu.memref_slice %arg6[%dma_start3A, %dma_start3A_15, %dma_start3A_24, %dma_start3A_25] : memref<2x3x64x64xi32, #tpu.memory_space<vmem>> -> memref<1x1x64x64xi32, #tpu.memory_space<vmem>>
    %dma_start3A_27 = tpu.memref_squeeze %dma_start3A_26 : memref<1x1x64x64xi32, #tpu.memory_space<vmem>> -> memref<64x64xi32, #tpu.memory_space<vmem>>
    %dma_start3A_28 = arith.constant 0 : i32
    %dma_start3A_29 = arith.constant 0 : i32
    %dma_start3A_30 = tpu.memref_slice %arg3[%shift_right_arithmetic3A_6, %max3A_14, %dma_start3A_28, %dma_start3A_29] : memref<4x16x64x64xi32, #tpu.memory_space<hbm>> -> memref<1x1x64x64xi32, #tpu.memory_space<hbm>>
    %dma_start3A_31 = tpu.memref_squeeze %dma_start3A_30 : memref<1x1x64x64xi32, #tpu.memory_space<hbm>> -> memref<64x64xi32, #tpu.memory_space<hbm>>
    tpu.enqueue_dma source(%dma_start3A_31 : memref<64x64xi32, #tpu.memory_space<hbm>>) target(%dma_start3A_27 : memref<64x64xi32, #tpu.memory_space<vmem>>) target_semaphore(%arg10 : memref<!tpu.dma_semaphore, #tpu.memory_space<semaphore_mem>>)
    %add3A_32 = arith.constant -1 : i32
    %add3A_33 = arith.addi %and3A_9, %add3A_32 : i32
    %max3A_34 = arith.constant 0 : i32
    %max3A_35 = arith.maxsi %add3A_33, %max3A_34 : i32
    %dma_start3A_36 = arith.constant 0 : i32
    %dma_start3A_37 = arith.constant 1 : i32
    %dma_start3A_38 = arith.constant 0 : i32
    %dma_start3A_39 = arith.constant 0 : i32
    %dma_start3A_40 = tpu.memref_slice %arg6[%dma_start3A_36, %dma_start3A_37, %dma_start3A_38, %dma_start3A_39] : memref<2x3x64x64xi32, #tpu.memory_space<vmem>> -> memref<1x1x64x64xi32, #tpu.memory_space<vmem>>
    %dma_start3A_41 = tpu.memref_squeeze %dma_start3A_40 : memref<1x1x64x64xi32, #tpu.memory_space<vmem>> -> memref<64x64xi32, #tpu.memory_space<vmem>>
    %dma_start3A_42 = arith.constant 0 : i32
    %dma_start3A_43 = arith.constant 0 : i32
    %dma_start3A_44 = tpu.memref_slice %arg3[%shift_right_arithmetic3A_6, %max3A_35, %dma_start3A_42, %dma_start3A_43] : memref<4x16x64x64xi32, #tpu.memory_space<hbm>> -> memref<1x1x64x64xi32, #tpu.memory_space<hbm>>
    %dma_start3A_45 = tpu.memref_squeeze %dma_start3A_44 : memref<1x1x64x64xi32, #tpu.memory_space<hbm>> -> memref<64x64xi32, #tpu.memory_space<hbm>>
    %dma_start3A_46 = arith.constant 0 : i32
    %dma_start3A_47 = arith.constant 0 : i32
    %dma_start3A_48 = tpu.memref_slice %arg6[%dma_start3A_36, %dma_start3A_37, %dma_start3A_46, %dma_start3A_47] : memref<2x3x64x64xi32, #tpu.memory_space<vmem>> -> memref<1x1x64x64xi32, #tpu.memory_space<vmem>>
    %dma_start3A_49 = tpu.memref_squeeze %dma_start3A_48 : memref<1x1x64x64xi32, #tpu.memory_space<vmem>> -> memref<64x64xi32, #tpu.memory_space<vmem>>
    %dma_start3A_50 = arith.constant 0 : i32
    %dma_start3A_51 = arith.constant 0 : i32
    %dma_start3A_52 = tpu.memref_slice %arg3[%shift_right_arithmetic3A_6, %max3A_35, %dma_start3A_50, %dma_start3A_51] : memref<4x16x64x64xi32, #tpu.memory_space<hbm>> -> memref<1x1x64x64xi32, #tpu.memory_space<hbm>>
    %dma_start3A_53 = tpu.memref_squeeze %dma_start3A_52 : memref<1x1x64x64xi32, #tpu.memory_space<hbm>> -> memref<64x64xi32, #tpu.memory_space<hbm>>
    tpu.enqueue_dma source(%dma_start3A_53 : memref<64x64xi32, #tpu.memory_space<hbm>>) target(%dma_start3A_49 : memref<64x64xi32, #tpu.memory_space<vmem>>) target_semaphore(%arg10 : memref<!tpu.dma_semaphore, #tpu.memory_space<semaphore_mem>>)
    %add3A_54 = arith.constant 0 : i32
    %add3A_55 = arith.addi %and3A_9, %add3A_54 : i32
    %max3A_56 = arith.constant 0 : i32
    %max3A_57 = arith.maxsi %add3A_55, %max3A_56 : i32
    %dma_start3A_58 = arith.constant 0 : i32
    %dma_start3A_59 = arith.constant 2 : i32
    %dma_start3A_60 = arith.constant 0 : i32
    %dma_start3A_61 = arith.constant 0 : i32
    %dma_start3A_62 = tpu.memref_slice %arg6[%dma_start3A_58, %dma_start3A_59, %dma_start3A_60, %dma_start3A_61] : memref<2x3x64x64xi32, #tpu.memory_space<vmem>> -> memref<1x1x64x64xi32, #tpu.memory_space<vmem>>
    %dma_start3A_63 = tpu.memref_squeeze %dma_start3A_62 : memref<1x1x64x64xi32, #tpu.memory_space<vmem>> -> memref<64x64xi32, #tpu.memory_space<vmem>>
    %dma_start3A_64 = arith.constant 0 : i32
    %dma_start3A_65 = arith.constant 0 : i32
    %dma_start3A_66 = tpu.memref_slice %arg3[%shift_right_arithmetic3A_6, %max3A_57, %dma_start3A_64, %dma_start3A_65] : memref<4x16x64x64xi32, #tpu.memory_space<hbm>> -> memref<1x1x64x64xi32, #tpu.memory_space<hbm>>
    %dma_start3A_67 = tpu.memref_squeeze %dma_start3A_66 : memref<1x1x64x64xi32, #tpu.memory_space<hbm>> -> memref<64x64xi32, #tpu.memory_space<hbm>>
    %dma_start3A_68 = arith.constant 0 : i32
    %dma_start3A_69 = arith.constant 0 : i32
    %dma_start3A_70 = tpu.memref_slice %arg6[%dma_start3A_58, %dma_start3A_59, %dma_start3A_68, %dma_start3A_69] : memref<2x3x64x64xi32, #tpu.memory_space<vmem>> -> memref<1x1x64x64xi32, #tpu.memory_space<vmem>>
    %dma_start3A_71 = tpu.memref_squeeze %dma_start3A_70 : memref<1x1x64x64xi32, #tpu.memory_space<vmem>> -> memref<64x64xi32, #tpu.memory_space<vmem>>
    %dma_start3A_72 = arith.constant 0 : i32
    %dma_start3A_73 = arith.constant 0 : i32
    %dma_start3A_74 = tpu.memref_slice %arg3[%shift_right_arithmetic3A_6, %max3A_57, %dma_start3A_72, %dma_start3A_73] : memref<4x16x64x64xi32, #tpu.memory_space<hbm>> -> memref<1x1x64x64xi32, #tpu.memory_space<hbm>>
    %dma_start3A_75 = tpu.memref_squeeze %dma_start3A_74 : memref<1x1x64x64xi32, #tpu.memory_space<hbm>> -> memref<64x64xi32, #tpu.memory_space<hbm>>
    tpu.enqueue_dma source(%dma_start3A_75 : memref<64x64xi32, #tpu.memory_space<hbm>>) target(%dma_start3A_71 : memref<64x64xi32, #tpu.memory_space<vmem>>) target_semaphore(%arg10 : memref<!tpu.dma_semaphore, #tpu.memory_space<semaphore_mem>>)
    %add3A_76 = arith.constant 64 : i32
    %add3A_77 = arith.addi %mul3A_2, %add3A_76 : i32
    %shift_right_arithmetic3A_78 = arith.constant 10 : i32
    %shift_right_arithmetic3A_79 = arith.shrsi %add3A_77, %shift_right_arithmetic3A_78 : i32
    %shift_right_arithmetic3A_80 = arith.constant 6 : i32
    %shift_right_arithmetic3A_81 = arith.shrsi %add3A_77, %shift_right_arithmetic3A_80 : i32
    %and3A_82 = arith.constant 15 : i32
    %and3A_83 = arith.andi %shift_right_arithmetic3A_81, %and3A_82 : i32
    %and3A_84 = arith.constant 63 : i32
    %and3A_85 = arith.andi %add3A_77, %and3A_84 : i32
    %add3A_86 = arith.constant -2 : i32
    %add3A_87 = arith.addi %and3A_83, %add3A_86 : i32
    %max3A_88 = arith.constant 0 : i32
    %max3A_89 = arith.maxsi %add3A_87, %max3A_88 : i32
    %dma_start3A_90 = arith.constant 1 : i32
    %dma_start3A_91 = arith.constant 0 : i32
    %dma_start3A_92 = arith.constant 0 : i32
    %dma_start3A_93 = arith.constant 0 : i32
    %dma_start3A_94 = tpu.memref_slice %arg6[%dma_start3A_90, %dma_start3A_91, %dma_start3A_92, %dma_start3A_93] : memref<2x3x64x64xi32, #tpu.memory_space<vmem>> -> memref<1x1x64x64xi32, #tpu.memory_space<vmem>>
    %dma_start3A_95 = tpu.memref_squeeze %dma_start3A_94 : memref<1x1x64x64xi32, #tpu.memory_space<vmem>> -> memref<64x64xi32, #tpu.memory_space<vmem>>
    %dma_start3A_96 = arith.constant 0 : i32
    %dma_start3A_97 = arith.constant 0 : i32
    %dma_start3A_98 = tpu.memref_slice %arg3[%shift_right_arithmetic3A_79, %max3A_89, %dma_start3A_96, %dma_start3A_97] : memref<4x16x64x64xi32, #tpu.memory_space<hbm>> -> memref<1x1x64x64xi32, #tpu.memory_space<hbm>>
    %dma_start3A_99 = tpu.memref_squeeze %dma_start3A_98 : memref<1x1x64x64xi32, #tpu.memory_space<hbm>> -> memref<64x64xi32, #tpu.memory_space<hbm>>
    %dma_start3A_100 = arith.constant 0 : i32
    %dma_start3A_101 = arith.constant 0 : i32
    %dma_start3A_102 = tpu.memref_slice %arg6[%dma_start3A_90, %dma_start3A_91, %dma_start3A_100, %dma_start3A_101] : memref<2x3x64x64xi32, #tpu.memory_space<vmem>> -> memref<1x1x64x64xi32, #tpu.memory_space<vmem>>
    %dma_start3A_103 = tpu.memref_squeeze %dma_start3A_102 : memref<1x1x64x64xi32, #tpu.memory_space<vmem>> -> memref<64x64xi32, #tpu.memory_space<vmem>>
    %dma_start3A_104 = arith.constant 0 : i32
    %dma_start3A_105 = arith.constant 0 : i32
    %dma_start3A_106 = tpu.memref_slice %arg3[%shift_right_arithmetic3A_79, %max3A_89, %dma_start3A_104, %dma_start3A_105] : memref<4x16x64x64xi32, #tpu.memory_space<hbm>> -> memref<1x1x64x64xi32, #tpu.memory_space<hbm>>
    %dma_start3A_107 = tpu.memref_squeeze %dma_start3A_106 : memref<1x1x64x64xi32, #tpu.memory_space<hbm>> -> memref<64x64xi32, #tpu.memory_space<hbm>>
    tpu.enqueue_dma source(%dma_start3A_107 : memref<64x64xi32, #tpu.memory_space<hbm>>) target(%dma_start3A_103 : memref<64x64xi32, #tpu.memory_space<vmem>>) target_semaphore(%arg10 : memref<!tpu.dma_semaphore, #tpu.memory_space<semaphore_mem>>)
    %add3A_108 = arith.constant -1 : i32
    %add3A_109 = arith.addi %and3A_83, %add3A_108 : i32
    %max3A_110 = arith.constant 0 : i32
    %max3A_111 = arith.maxsi %add3A_109, %max3A_110 : i32
    %dma_start3A_112 = arith.constant 1 : i32
    %dma_start3A_113 = arith.constant 1 : i32
    %dma_start3A_114 = arith.constant 0 : i32
    %dma_start3A_115 = arith.constant 0 : i32
    %dma_start3A_116 = tpu.memref_slice %arg6[%dma_start3A_112, %dma_start3A_113, %dma_start3A_114, %dma_start3A_115] : memref<2x3x64x64xi32, #tpu.memory_space<vmem>> -> memref<1x1x64x64xi32, #tpu.memory_space<vmem>>
    %dma_start3A_117 = tpu.memref_squeeze %dma_start3A_116 : memref<1x1x64x64xi32, #tpu.memory_space<vmem>> -> memref<64x64xi32, #tpu.memory_space<vmem>>
    %dma_start3A_118 = arith.constant 0 : i32
    %dma_start3A_119 = arith.constant 0 : i32
    %dma_start3A_120 = tpu.memref_slice %arg3[%shift_right_arithmetic3A_79, %max3A_111, %dma_start3A_118, %dma_start3A_119] : memref<4x16x64x64xi32, #tpu.memory_space<hbm>> -> memref<1x1x64x64xi32, #tpu.memory_space<hbm>>
    %dma_start3A_121 = tpu.memref_squeeze %dma_start3A_120 : memref<1x1x64x64xi32, #tpu.memory_space<hbm>> -> memref<64x64xi32, #tpu.memory_space<hbm>>
    %dma_start3A_122 = arith.constant 0 : i32
    %dma_start3A_123 = arith.constant 0 : i32
    %dma_start3A_124 = tpu.memref_slice %arg6[%dma_start3A_112, %dma_start3A_113, %dma_start3A_122, %dma_start3A_123] : memref<2x3x64x64xi32, #tpu.memory_space<vmem>> -> memref<1x1x64x64xi32, #tpu.memory_space<vmem>>
    %dma_start3A_125 = tpu.memref_squeeze %dma_start3A_124 : memref<1x1x64x64xi32, #tpu.memory_space<vmem>> -> memref<64x64xi32, #tpu.memory_space<vmem>>
    %dma_start3A_126 = arith.constant 0 : i32
    %dma_start3A_127 = arith.constant 0 : i32
    %dma_start3A_128 = tpu.memref_slice %arg3[%shift_right_arithmetic3A_79, %max3A_111, %dma_start3A_126, %dma_start3A_127] : memref<4x16x64x64xi32, #tpu.memory_space<hbm>> -> memref<1x1x64x64xi32, #tpu.memory_space<hbm>>
    %dma_start3A_129 = tpu.memref_squeeze %dma_start3A_128 : memref<1x1x64x64xi32, #tpu.memory_space<hbm>> -> memref<64x64xi32, #tpu.memory_space<hbm>>
    tpu.enqueue_dma source(%dma_start3A_129 : memref<64x64xi32, #tpu.memory_space<hbm>>) target(%dma_start3A_125 : memref<64x64xi32, #tpu.memory_space<vmem>>) target_semaphore(%arg10 : memref<!tpu.dma_semaphore, #tpu.memory_space<semaphore_mem>>)
    %add3A_130 = arith.constant 0 : i32
    %add3A_131 = arith.addi %and3A_83, %add3A_130 : i32
    %max3A_132 = arith.constant 0 : i32
    %max3A_133 = arith.maxsi %add3A_131, %max3A_132 : i32
    %dma_start3A_134 = arith.constant 1 : i32
    %dma_start3A_135 = arith.constant 2 : i32
    %dma_start3A_136 = arith.constant 0 : i32
    %dma_start3A_137 = arith.constant 0 : i32
    %dma_start3A_138 = tpu.memref_slice %arg6[%dma_start3A_134, %dma_start3A_135, %dma_start3A_136, %dma_start3A_137] : memref<2x3x64x64xi32, #tpu.memory_space<vmem>> -> memref<1x1x64x64xi32, #tpu.memory_space<vmem>>
    %dma_start3A_139 = tpu.memref_squeeze %dma_start3A_138 : memref<1x1x64x64xi32, #tpu.memory_space<vmem>> -> memref<64x64xi32, #tpu.memory_space<vmem>>
    %dma_start3A_140 = arith.constant 0 : i32
    %dma_start3A_141 = arith.constant 0 : i32
    %dma_start3A_142 = tpu.memref_slice %arg3[%shift_right_arithmetic3A_79, %max3A_133, %dma_start3A_140, %dma_start3A_141] : memref<4x16x64x64xi32, #tpu.memory_space<hbm>> -> memref<1x1x64x64xi32, #tpu.memory_space<hbm>>
    %dma_start3A_143 = tpu.memref_squeeze %dma_start3A_142 : memref<1x1x64x64xi32, #tpu.memory_space<hbm>> -> memref<64x64xi32, #tpu.memory_space<hbm>>
    %dma_start3A_144 = arith.constant 0 : i32
    %dma_start3A_145 = arith.constant 0 : i32
    %dma_start3A_146 = tpu.memref_slice %arg6[%dma_start3A_134, %dma_start3A_135, %dma_start3A_144, %dma_start3A_145] : memref<2x3x64x64xi32, #tpu.memory_space<vmem>> -> memref<1x1x64x64xi32, #tpu.memory_space<vmem>>
    %dma_start3A_147 = tpu.memref_squeeze %dma_start3A_146 : memref<1x1x64x64xi32, #tpu.memory_space<vmem>> -> memref<64x64xi32, #tpu.memory_space<vmem>>
    %dma_start3A_148 = arith.constant 0 : i32
    %dma_start3A_149 = arith.constant 0 : i32
    %dma_start3A_150 = tpu.memref_slice %arg3[%shift_right_arithmetic3A_79, %max3A_133, %dma_start3A_148, %dma_start3A_149] : memref<4x16x64x64xi32, #tpu.memory_space<hbm>> -> memref<1x1x64x64xi32, #tpu.memory_space<hbm>>
    %dma_start3A_151 = tpu.memref_squeeze %dma_start3A_150 : memref<1x1x64x64xi32, #tpu.memory_space<hbm>> -> memref<64x64xi32, #tpu.memory_space<hbm>>
    tpu.enqueue_dma source(%dma_start3A_151 : memref<64x64xi32, #tpu.memory_space<hbm>>) target(%dma_start3A_147 : memref<64x64xi32, #tpu.memory_space<vmem>>) target_semaphore(%arg10 : memref<!tpu.dma_semaphore, #tpu.memory_space<semaphore_mem>>)
    %dma_wait3A = arith.constant 0 : i32
    %dma_wait3A_152 = arith.constant 0 : i32
    %dma_wait3A_153 = arith.constant 0 : i32
    %dma_wait3A_154 = arith.constant 0 : i32
    %dma_wait3A_155 = arith.constant 0 : i32
    %dma_wait3A_156 = arith.constant 0 : i32
    %dma_wait3A_157 = tpu.memref_slice %arg6[%dma_wait3A_153, %dma_wait3A_154, %dma_wait3A_155, %dma_wait3A_156] : memref<2x3x64x64xi32, #tpu.memory_space<vmem>> -> memref<1x1x64x64xi32, #tpu.memory_space<vmem>>
    %dma_wait3A_158 = tpu.memref_squeeze %dma_wait3A_157 : memref<1x1x64x64xi32, #tpu.memory_space<vmem>> -> memref<64x64xi32, #tpu.memory_space<vmem>>
    %dma_wait3A_159 = arith.constant 0 : i32
    %dma_wait3A_160 = arith.constant 0 : i32
    %dma_wait3A_161 = tpu.memref_slice %arg3[%dma_wait3A, %dma_wait3A_152, %dma_wait3A_159, %dma_wait3A_160] : memref<4x16x64x64xi32, #tpu.memory_space<hbm>> -> memref<1x1x64x64xi32, #tpu.memory_space<hbm>>
    %dma_wait3A_162 = tpu.memref_squeeze %dma_wait3A_161 : memref<1x1x64x64xi32, #tpu.memory_space<hbm>> -> memref<64x64xi32, #tpu.memory_space<hbm>>
    %dma_wait3A_163 = arith.constant 0 : i32
    %dma_wait3A_164 = arith.constant 0 : i32
    %dma_wait3A_165 = tpu.memref_slice %arg6[%dma_wait3A_153, %dma_wait3A_154, %dma_wait3A_163, %dma_wait3A_164] : memref<2x3x64x64xi32, #tpu.memory_space<vmem>> -> memref<1x1x64x64xi32, #tpu.memory_space<vmem>>
    %dma_wait3A_166 = tpu.memref_squeeze %dma_wait3A_165 : memref<1x1x64x64xi32, #tpu.memory_space<vmem>> -> memref<64x64xi32, #tpu.memory_space<vmem>>
    %dma_wait3A_167 = arith.constant 0 : i32
    %dma_wait3A_168 = arith.constant 0 : i32
    %dma_wait3A_169 = tpu.memref_slice %arg3[%dma_wait3A, %dma_wait3A_152, %dma_wait3A_167, %dma_wait3A_168] : memref<4x16x64x64xi32, #tpu.memory_space<hbm>> -> memref<1x1x64x64xi32, #tpu.memory_space<hbm>>
    %dma_wait3A_170 = tpu.memref_squeeze %dma_wait3A_169 : memref<1x1x64x64xi32, #tpu.memory_space<hbm>> -> memref<64x64xi32, #tpu.memory_space<hbm>>
    tpu.wait_dma2 semaphore(%arg10 : memref<!tpu.dma_semaphore, #tpu.memory_space<semaphore_mem>>) src(%dma_wait3A_170 : memref<64x64xi32, #tpu.memory_space<hbm>>) dst(%dma_wait3A_166 : memref<64x64xi32, #tpu.memory_space<vmem>>)
    %dma_wait3A_171 = arith.constant 0 : i32
    %dma_wait3A_172 = arith.constant 0 : i32
    %dma_wait3A_173 = arith.constant 0 : i32
    %dma_wait3A_174 = arith.constant 0 : i32
    %dma_wait3A_175 = arith.constant 0 : i32
    %dma_wait3A_176 = arith.constant 0 : i32
    %dma_wait3A_177 = tpu.memref_slice %arg6[%dma_wait3A_173, %dma_wait3A_174, %dma_wait3A_175, %dma_wait3A_176] : memref<2x3x64x64xi32, #tpu.memory_space<vmem>> -> memref<1x1x64x64xi32, #tpu.memory_space<vmem>>
    %dma_wait3A_178 = tpu.memref_squeeze %dma_wait3A_177 : memref<1x1x64x64xi32, #tpu.memory_space<vmem>> -> memref<64x64xi32, #tpu.memory_space<vmem>>
    %dma_wait3A_179 = arith.constant 0 : i32
    %dma_wait3A_180 = arith.constant 0 : i32
    %dma_wait3A_181 = tpu.memref_slice %arg3[%dma_wait3A_171, %dma_wait3A_172, %dma_wait3A_179, %dma_wait3A_180] : memref<4x16x64x64xi32, #tpu.memory_space<hbm>> -> memref<1x1x64x64xi32, #tpu.memory_space<hbm>>
    %dma_wait3A_182 = tpu.memref_squeeze %dma_wait3A_181 : memref<1x1x64x64xi32, #tpu.memory_space<hbm>> -> memref<64x64xi32, #tpu.memory_space<hbm>>
    %dma_wait3A_183 = arith.constant 0 : i32
    %dma_wait3A_184 = arith.constant 0 : i32
    %dma_wait3A_185 = tpu.memref_slice %arg6[%dma_wait3A_173, %dma_wait3A_174, %dma_wait3A_183, %dma_wait3A_184] : memref<2x3x64x64xi32, #tpu.memory_space<vmem>> -> memref<1x1x64x64xi32, #tpu.memory_space<vmem>>
    %dma_wait3A_186 = tpu.memref_squeeze %dma_wait3A_185 : memref<1x1x64x64xi32, #tpu.memory_space<vmem>> -> memref<64x64xi32, #tpu.memory_space<vmem>>
    %dma_wait3A_187 = arith.constant 0 : i32
    %dma_wait3A_188 = arith.constant 0 : i32
    %dma_wait3A_189 = tpu.memref_slice %arg3[%dma_wait3A_171, %dma_wait3A_172, %dma_wait3A_187, %dma_wait3A_188] : memref<4x16x64x64xi32, #tpu.memory_space<hbm>> -> memref<1x1x64x64xi32, #tpu.memory_space<hbm>>
    %dma_wait3A_190 = tpu.memref_squeeze %dma_wait3A_189 : memref<1x1x64x64xi32, #tpu.memory_space<hbm>> -> memref<64x64xi32, #tpu.memory_space<hbm>>
    tpu.wait_dma2 semaphore(%arg10 : memref<!tpu.dma_semaphore, #tpu.memory_space<semaphore_mem>>) src(%dma_wait3A_190 : memref<64x64xi32, #tpu.memory_space<hbm>>) dst(%dma_wait3A_186 : memref<64x64xi32, #tpu.memory_space<vmem>>)
    %dma_wait3A_191 = arith.constant 0 : i32
    %dma_wait3A_192 = arith.constant 0 : i32
    %dma_wait3A_193 = arith.constant 0 : i32
    %dma_wait3A_194 = arith.constant 0 : i32
    %dma_wait3A_195 = arith.constant 0 : i32
    %dma_wait3A_196 = arith.constant 0 : i32
    %dma_wait3A_197 = tpu.memref_slice %arg6[%dma_wait3A_193, %dma_wait3A_194, %dma_wait3A_195, %dma_wait3A_196] : memref<2x3x64x64xi32, #tpu.memory_space<vmem>> -> memref<1x1x64x64xi32, #tpu.memory_space<vmem>>
    %dma_wait3A_198 = tpu.memref_squeeze %dma_wait3A_197 : memref<1x1x64x64xi32, #tpu.memory_space<vmem>> -> memref<64x64xi32, #tpu.memory_space<vmem>>
    %dma_wait3A_199 = arith.constant 0 : i32
    %dma_wait3A_200 = arith.constant 0 : i32
    %dma_wait3A_201 = tpu.memref_slice %arg3[%dma_wait3A_191, %dma_wait3A_192, %dma_wait3A_199, %dma_wait3A_200] : memref<4x16x64x64xi32, #tpu.memory_space<hbm>> -> memref<1x1x64x64xi32, #tpu.memory_space<hbm>>
    %dma_wait3A_202 = tpu.memref_squeeze %dma_wait3A_201 : memref<1x1x64x64xi32, #tpu.memory_space<hbm>> -> memref<64x64xi32, #tpu.memory_space<hbm>>
    %dma_wait3A_203 = arith.constant 0 : i32
    %dma_wait3A_204 = arith.constant 0 : i32
    %dma_wait3A_205 = tpu.memref_slice %arg6[%dma_wait3A_193, %dma_wait3A_194, %dma_wait3A_203, %dma_wait3A_204] : memref<2x3x64x64xi32, #tpu.memory_space<vmem>> -> memref<1x1x64x64xi32, #tpu.memory_space<vmem>>
    %dma_wait3A_206 = tpu.memref_squeeze %dma_wait3A_205 : memref<1x1x64x64xi32, #tpu.memory_space<vmem>> -> memref<64x64xi32, #tpu.memory_space<vmem>>
    %dma_wait3A_207 = arith.constant 0 : i32
    %dma_wait3A_208 = arith.constant 0 : i32
    %dma_wait3A_209 = tpu.memref_slice %arg3[%dma_wait3A_191, %dma_wait3A_192, %dma_wait3A_207, %dma_wait3A_208] : memref<4x16x64x64xi32, #tpu.memory_space<hbm>> -> memref<1x1x64x64xi32, #tpu.memory_space<hbm>>
    %dma_wait3A_210 = tpu.memref_squeeze %dma_wait3A_209 : memref<1x1x64x64xi32, #tpu.memory_space<hbm>> -> memref<64x64xi32, #tpu.memory_space<hbm>>
    tpu.wait_dma2 semaphore(%arg10 : memref<!tpu.dma_semaphore, #tpu.memory_space<semaphore_mem>>) src(%dma_wait3A_210 : memref<64x64xi32, #tpu.memory_space<hbm>>) dst(%dma_wait3A_206 : memref<64x64xi32, #tpu.memory_space<vmem>>)
    %dma_wait3A_211 = arith.constant 0 : i32
    %dma_wait3A_212 = arith.constant 0 : i32
    %dma_wait3A_213 = arith.constant 0 : i32
    %dma_wait3A_214 = arith.constant 0 : i32
    %dma_wait3A_215 = arith.constant 0 : i32
    %dma_wait3A_216 = arith.constant 0 : i32
    %dma_wait3A_217 = tpu.memref_slice %arg6[%dma_wait3A_213, %dma_wait3A_214, %dma_wait3A_215, %dma_wait3A_216] : memref<2x3x64x64xi32, #tpu.memory_space<vmem>> -> memref<1x1x64x64xi32, #tpu.memory_space<vmem>>
    %dma_wait3A_218 = tpu.memref_squeeze %dma_wait3A_217 : memref<1x1x64x64xi32, #tpu.memory_space<vmem>> -> memref<64x64xi32, #tpu.memory_space<vmem>>
    %dma_wait3A_219 = arith.constant 0 : i32
    %dma_wait3A_220 = arith.constant 0 : i32
    %dma_wait3A_221 = tpu.memref_slice %arg3[%dma_wait3A_211, %dma_wait3A_212, %dma_wait3A_219, %dma_wait3A_220] : memref<4x16x64x64xi32, #tpu.memory_space<hbm>> -> memref<1x1x64x64xi32, #tpu.memory_space<hbm>>
    %dma_wait3A_222 = tpu.memref_squeeze %dma_wait3A_221 : memref<1x1x64x64xi32, #tpu.memory_space<hbm>> -> memref<64x64xi32, #tpu.memory_space<hbm>>
    %dma_wait3A_223 = arith.constant 0 : i32
    %dma_wait3A_224 = arith.constant 0 : i32
    %dma_wait3A_225 = tpu.memref_slice %arg6[%dma_wait3A_213, %dma_wait3A_214, %dma_wait3A_223, %dma_wait3A_224] : memref<2x3x64x64xi32, #tpu.memory_space<vmem>> -> memref<1x1x64x64xi32, #tpu.memory_space<vmem>>
    %dma_wait3A_226 = tpu.memref_squeeze %dma_wait3A_225 : memref<1x1x64x64xi32, #tpu.memory_space<vmem>> -> memref<64x64xi32, #tpu.memory_space<vmem>>
    %dma_wait3A_227 = arith.constant 0 : i32
    %dma_wait3A_228 = arith.constant 0 : i32
    %dma_wait3A_229 = tpu.memref_slice %arg3[%dma_wait3A_211, %dma_wait3A_212, %dma_wait3A_227, %dma_wait3A_228] : memref<4x16x64x64xi32, #tpu.memory_space<hbm>> -> memref<1x1x64x64xi32, #tpu.memory_space<hbm>>
    %dma_wait3A_230 = tpu.memref_squeeze %dma_wait3A_229 : memref<1x1x64x64xi32, #tpu.memory_space<hbm>> -> memref<64x64xi32, #tpu.memory_space<hbm>>
    tpu.wait_dma2 semaphore(%arg10 : memref<!tpu.dma_semaphore, #tpu.memory_space<semaphore_mem>>) src(%dma_wait3A_230 : memref<64x64xi32, #tpu.memory_space<hbm>>) dst(%dma_wait3A_226 : memref<64x64xi32, #tpu.memory_space<vmem>>)
    %dma_wait3A_231 = arith.constant 0 : i32
    %dma_wait3A_232 = arith.constant 0 : i32
    %dma_wait3A_233 = arith.constant 0 : i32
    %dma_wait3A_234 = arith.constant 0 : i32
    %dma_wait3A_235 = arith.constant 0 : i32
    %dma_wait3A_236 = arith.constant 0 : i32
    %dma_wait3A_237 = tpu.memref_slice %arg6[%dma_wait3A_233, %dma_wait3A_234, %dma_wait3A_235, %dma_wait3A_236] : memref<2x3x64x64xi32, #tpu.memory_space<vmem>> -> memref<1x1x64x64xi32, #tpu.memory_space<vmem>>
    %dma_wait3A_238 = tpu.memref_squeeze %dma_wait3A_237 : memref<1x1x64x64xi32, #tpu.memory_space<vmem>> -> memref<64x64xi32, #tpu.memory_space<vmem>>
    %dma_wait3A_239 = arith.constant 0 : i32
    %dma_wait3A_240 = arith.constant 0 : i32
    %dma_wait3A_241 = tpu.memref_slice %arg3[%dma_wait3A_231, %dma_wait3A_232, %dma_wait3A_239, %dma_wait3A_240] : memref<4x16x64x64xi32, #tpu.memory_space<hbm>> -> memref<1x1x64x64xi32, #tpu.memory_space<hbm>>
    %dma_wait3A_242 = tpu.memref_squeeze %dma_wait3A_241 : memref<1x1x64x64xi32, #tpu.memory_space<hbm>> -> memref<64x64xi32, #tpu.memory_space<hbm>>
    %dma_wait3A_243 = arith.constant 0 : i32
    %dma_wait3A_244 = arith.constant 0 : i32
    %dma_wait3A_245 = tpu.memref_slice %arg6[%dma_wait3A_233, %dma_wait3A_234, %dma_wait3A_243, %dma_wait3A_244] : memref<2x3x64x64xi32, #tpu.memory_space<vmem>> -> memref<1x1x64x64xi32, #tpu.memory_space<vmem>>
    %dma_wait3A_246 = tpu.memref_squeeze %dma_wait3A_245 : memref<1x1x64x64xi32, #tpu.memory_space<vmem>> -> memref<64x64xi32, #tpu.memory_space<vmem>>
    %dma_wait3A_247 = arith.constant 0 : i32
    %dma_wait3A_248 = arith.constant 0 : i32
    %dma_wait3A_249 = tpu.memref_slice %arg3[%dma_wait3A_231, %dma_wait3A_232, %dma_wait3A_247, %dma_wait3A_248] : memref<4x16x64x64xi32, #tpu.memory_space<hbm>> -> memref<1x1x64x64xi32, #tpu.memory_space<hbm>>
    %dma_wait3A_250 = tpu.memref_squeeze %dma_wait3A_249 : memref<1x1x64x64xi32, #tpu.memory_space<hbm>> -> memref<64x64xi32, #tpu.memory_space<hbm>>
    tpu.wait_dma2 semaphore(%arg10 : memref<!tpu.dma_semaphore, #tpu.memory_space<semaphore_mem>>) src(%dma_wait3A_250 : memref<64x64xi32, #tpu.memory_space<hbm>>) dst(%dma_wait3A_246 : memref<64x64xi32, #tpu.memory_space<vmem>>)
    %dma_wait3A_251 = arith.constant 0 : i32
    %dma_wait3A_252 = arith.constant 0 : i32
    %dma_wait3A_253 = arith.constant 0 : i32
    %dma_wait3A_254 = arith.constant 0 : i32
    %dma_wait3A_255 = arith.constant 0 : i32
    %dma_wait3A_256 = arith.constant 0 : i32
    %dma_wait3A_257 = tpu.memref_slice %arg6[%dma_wait3A_253, %dma_wait3A_254, %dma_wait3A_255, %dma_wait3A_256] : memref<2x3x64x64xi32, #tpu.memory_space<vmem>> -> memref<1x1x64x64xi32, #tpu.memory_space<vmem>>
    %dma_wait3A_258 = tpu.memref_squeeze %dma_wait3A_257 : memref<1x1x64x64xi32, #tpu.memory_space<vmem>> -> memref<64x64xi32, #tpu.memory_space<vmem>>
    %dma_wait3A_259 = arith.constant 0 : i32
    %dma_wait3A_260 = arith.constant 0 : i32
    %dma_wait3A_261 = tpu.memref_slice %arg3[%dma_wait3A_251, %dma_wait3A_252, %dma_wait3A_259, %dma_wait3A_260] : memref<4x16x64x64xi32, #tpu.memory_space<hbm>> -> memref<1x1x64x64xi32, #tpu.memory_space<hbm>>
    %dma_wait3A_262 = tpu.memref_squeeze %dma_wait3A_261 : memref<1x1x64x64xi32, #tpu.memory_space<hbm>> -> memref<64x64xi32, #tpu.memory_space<hbm>>
    %dma_wait3A_263 = arith.constant 0 : i32
    %dma_wait3A_264 = arith.constant 0 : i32
    %dma_wait3A_265 = tpu.memref_slice %arg6[%dma_wait3A_253, %dma_wait3A_254, %dma_wait3A_263, %dma_wait3A_264] : memref<2x3x64x64xi32, #tpu.memory_space<vmem>> -> memref<1x1x64x64xi32, #tpu.memory_space<vmem>>
    %dma_wait3A_266 = tpu.memref_squeeze %dma_wait3A_265 : memref<1x1x64x64xi32, #tpu.memory_space<vmem>> -> memref<64x64xi32, #tpu.memory_space<vmem>>
    %dma_wait3A_267 = arith.constant 0 : i32
    %dma_wait3A_268 = arith.constant 0 : i32
    %dma_wait3A_269 = tpu.memref_slice %arg3[%dma_wait3A_251, %dma_wait3A_252, %dma_wait3A_267, %dma_wait3A_268] : memref<4x16x64x64xi32, #tpu.memory_space<hbm>> -> memref<1x1x64x64xi32, #tpu.memory_space<hbm>>
    %dma_wait3A_270 = tpu.memref_squeeze %dma_wait3A_269 : memref<1x1x64x64xi32, #tpu.memory_space<hbm>> -> memref<64x64xi32, #tpu.memory_space<hbm>>
    tpu.wait_dma2 semaphore(%arg10 : memref<!tpu.dma_semaphore, #tpu.memory_space<semaphore_mem>>) src(%dma_wait3A_270 : memref<64x64xi32, #tpu.memory_space<hbm>>) dst(%dma_wait3A_266 : memref<64x64xi32, #tpu.memory_space<vmem>>)
    %jit3A = arith.constant -1 : i32
    %jit3A_271 = arith.constant 0 : i32
    %jit3A_272 = arith.constant 63 : i32
    %max3A_273 = arith.maxsi %jit3A_271, %jit3A : i32
    %min3A = arith.minsi %jit3A_272, %max3A_273 : i32
    %dma_start3A_274 = arith.constant 0 : i32
    %dma_start3A_275 = arith.constant 0 : i32
    %dma_start3A_276 = arith.constant 0 : i32
    %dma_start3A_277 = arith.constant 0 : i32
    %dma_start3A_278 = arith.constant 0 : i32
    %dma_start3A_279 = arith.constant 0 : i32
    %dma_start3A_280 = arith.constant 0 : i32
    %dma_start3A_281 = tpu.memref_slice %arg7[%dma_start3A_277, %dma_start3A_278, %dma_start3A_279, %dma_start3A_280] : memref<2x9x64x64xbf16, #tpu.memory_space<vmem>> -> memref<1x1x64x64xbf16, #tpu.memory_space<vmem>>
    %dma_start3A_282 = tpu.memref_squeeze %dma_start3A_281 : memref<1x1x64x64xbf16, #tpu.memory_space<vmem>> -> memref<64x64xbf16, #tpu.memory_space<vmem>>
    %dma_start3A_283 = arith.constant 0 : i32
    %dma_start3A_284 = tpu.memref_slice %arg6[%dma_start3A_275, %dma_start3A_276, %min3A, %dma_start3A_283] : memref<2x3x64x64xi32, #tpu.memory_space<vmem>> -> memref<1x1x1x64xi32, #tpu.memory_space<vmem>>
    %dma_start3A_285 = tpu.memref_squeeze %dma_start3A_284 : memref<1x1x1x64xi32, #tpu.memory_space<vmem>> -> memref<64xi32, #tpu.memory_space<vmem>>
    %dma_start3A_286 = arith.constant 0 : i32
    %dma_start3A_287 = arith.constant 0 : i32
    %dma_start3A_288 = tpu.memref_slice %arg2[%dma_start3A_274, %dma_start3A_286, %dma_start3A_287] : memref<9x8192x64xbf16, #tpu.memory_space<hbm>> -> memref<1x8192x64xbf16, #tpu.memory_space<hbm>>
    %dma_start3A_289 = tpu.memref_squeeze %dma_start3A_288 : memref<1x8192x64xbf16, #tpu.memory_space<hbm>> -> memref<8192x64xbf16, #tpu.memory_space<hbm>>
    %dma_start3A_290 = arith.constant 0 : i32
    %dma_start3A_291 = arith.constant 0 : i32
    %dma_start3A_292 = tpu.memref_slice %dma_start3A_289[%dma_start3A_290, %dma_start3A_291] : memref<8192x64xbf16, #tpu.memory_space<hbm>> -> memref<8192x64xbf16, #tpu.memory_space<hbm>>
    tpu.enqueue_indirect_dma source(%dma_start3A_292 : memref<8192x64xbf16, #tpu.memory_space<hbm>>) target(%dma_start3A_282 : memref<64x64xbf16, #tpu.memory_space<vmem>>) offsets(%dma_start3A_285 : memref<64xi32, #tpu.memory_space<vmem>>) semaphore(%arg12 : memref<!tpu.dma_semaphore, #tpu.memory_space<semaphore_mem>>)
    %jit3A_293 = arith.constant 0 : i32
    %jit3A_294 = arith.constant 0 : i32
    %jit3A_295 = arith.constant 63 : i32
    %max3A_296 = arith.maxsi %jit3A_294, %jit3A_293 : i32
    %min3A_297 = arith.minsi %jit3A_295, %max3A_296 : i32
    %dma_start3A_298 = arith.constant 1 : i32
    %dma_start3A_299 = arith.constant 0 : i32
    %dma_start3A_300 = arith.constant 0 : i32
    %dma_start3A_301 = arith.constant 0 : i32
    %dma_start3A_302 = arith.constant 1 : i32
    %dma_start3A_303 = arith.constant 0 : i32
    %dma_start3A_304 = arith.constant 0 : i32
    %dma_start3A_305 = tpu.memref_slice %arg7[%dma_start3A_301, %dma_start3A_302, %dma_start3A_303, %dma_start3A_304] : memref<2x9x64x64xbf16, #tpu.memory_space<vmem>> -> memref<1x1x64x64xbf16, #tpu.memory_space<vmem>>
    %dma_start3A_306 = tpu.memref_squeeze %dma_start3A_305 : memref<1x1x64x64xbf16, #tpu.memory_space<vmem>> -> memref<64x64xbf16, #tpu.memory_space<vmem>>
    %dma_start3A_307 = arith.constant 0 : i32
    %dma_start3A_308 = tpu.memref_slice %arg6[%dma_start3A_299, %dma_start3A_300, %min3A_297, %dma_start3A_307] : memref<2x3x64x64xi32, #tpu.memory_space<vmem>> -> memref<1x1x1x64xi32, #tpu.memory_space<vmem>>
    %dma_start3A_309 = tpu.memref_squeeze %dma_start3A_308 : memref<1x1x1x64xi32, #tpu.memory_space<vmem>> -> memref<64xi32, #tpu.memory_space<vmem>>
    %dma_start3A_310 = arith.constant 0 : i32
    %dma_start3A_311 = arith.constant 0 : i32
    %dma_start3A_312 = tpu.memref_slice %arg2[%dma_start3A_298, %dma_start3A_310, %dma_start3A_311] : memref<9x8192x64xbf16, #tpu.memory_space<hbm>> -> memref<1x8192x64xbf16, #tpu.memory_space<hbm>>
    %dma_start3A_313 = tpu.memref_squeeze %dma_start3A_312 : memref<1x8192x64xbf16, #tpu.memory_space<hbm>> -> memref<8192x64xbf16, #tpu.memory_space<hbm>>
    %dma_start3A_314 = arith.constant 0 : i32
    %dma_start3A_315 = arith.constant 0 : i32
    %dma_start3A_316 = tpu.memref_slice %dma_start3A_313[%dma_start3A_314, %dma_start3A_315] : memref<8192x64xbf16, #tpu.memory_space<hbm>> -> memref<8192x64xbf16, #tpu.memory_space<hbm>>
    tpu.enqueue_indirect_dma source(%dma_start3A_316 : memref<8192x64xbf16, #tpu.memory_space<hbm>>) target(%dma_start3A_306 : memref<64x64xbf16, #tpu.memory_space<vmem>>) offsets(%dma_start3A_309 : memref<64xi32, #tpu.memory_space<vmem>>) semaphore(%arg12 : memref<!tpu.dma_semaphore, #tpu.memory_space<semaphore_mem>>)
    %jit3A_317 = arith.constant 1 : i32
    %jit3A_318 = arith.constant 0 : i32
    %jit3A_319 = arith.constant 63 : i32
    %max3A_320 = arith.maxsi %jit3A_318, %jit3A_317 : i32
    %min3A_321 = arith.minsi %jit3A_319, %max3A_320 : i32
    %dma_start3A_322 = arith.constant 2 : i32
    %dma_start3A_323 = arith.constant 0 : i32
    %dma_start3A_324 = arith.constant 0 : i32
    %dma_start3A_325 = arith.constant 0 : i32
    %dma_start3A_326 = arith.constant 2 : i32
    %dma_start3A_327 = arith.constant 0 : i32
    %dma_start3A_328 = arith.constant 0 : i32
    %dma_start3A_329 = tpu.memref_slice %arg7[%dma_start3A_325, %dma_start3A_326, %dma_start3A_327, %dma_start3A_328] : memref<2x9x64x64xbf16, #tpu.memory_space<vmem>> -> memref<1x1x64x64xbf16, #tpu.memory_space<vmem>>
    %dma_start3A_330 = tpu.memref_squeeze %dma_start3A_329 : memref<1x1x64x64xbf16, #tpu.memory_space<vmem>> -> memref<64x64xbf16, #tpu.memory_space<vmem>>
    %dma_start3A_331 = arith.constant 0 : i32
    %dma_start3A_332 = tpu.memref_slice %arg6[%dma_start3A_323, %dma_start3A_324, %min3A_321, %dma_start3A_331] : memref<2x3x64x64xi32, #tpu.memory_space<vmem>> -> memref<1x1x1x64xi32, #tpu.memory_space<vmem>>
    %dma_start3A_333 = tpu.memref_squeeze %dma_start3A_332 : memref<1x1x1x64xi32, #tpu.memory_space<vmem>> -> memref<64xi32, #tpu.memory_space<vmem>>
    %dma_start3A_334 = arith.constant 0 : i32
    %dma_start3A_335 = arith.constant 0 : i32
    %dma_start3A_336 = tpu.memref_slice %arg2[%dma_start3A_322, %dma_start3A_334, %dma_start3A_335] : memref<9x8192x64xbf16, #tpu.memory_space<hbm>> -> memref<1x8192x64xbf16, #tpu.memory_space<hbm>>
    %dma_start3A_337 = tpu.memref_squeeze %dma_start3A_336 : memref<1x8192x64xbf16, #tpu.memory_space<hbm>> -> memref<8192x64xbf16, #tpu.memory_space<hbm>>
    %dma_start3A_338 = arith.constant 0 : i32
    %dma_start3A_339 = arith.constant 0 : i32
    %dma_start3A_340 = tpu.memref_slice %dma_start3A_337[%dma_start3A_338, %dma_start3A_339] : memref<8192x64xbf16, #tpu.memory_space<hbm>> -> memref<8192x64xbf16, #tpu.memory_space<hbm>>
    tpu.enqueue_indirect_dma source(%dma_start3A_340 : memref<8192x64xbf16, #tpu.memory_space<hbm>>) target(%dma_start3A_330 : memref<64x64xbf16, #tpu.memory_space<vmem>>) offsets(%dma_start3A_333 : memref<64xi32, #tpu.memory_space<vmem>>) semaphore(%arg12 : memref<!tpu.dma_semaphore, #tpu.memory_space<semaphore_mem>>)
    %jit3A_341 = arith.constant -1 : i32
    %jit3A_342 = arith.constant 0 : i32
    %jit3A_343 = arith.constant 63 : i32
    %max3A_344 = arith.maxsi %jit3A_342, %jit3A_341 : i32
    %min3A_345 = arith.minsi %jit3A_343, %max3A_344 : i32
    %dma_start3A_346 = arith.constant 3 : i32
    %dma_start3A_347 = arith.constant 0 : i32
    %dma_start3A_348 = arith.constant 1 : i32
    %dma_start3A_349 = arith.constant 0 : i32
    %dma_start3A_350 = arith.constant 3 : i32
    %dma_start3A_351 = arith.constant 0 : i32
    %dma_start3A_352 = arith.constant 0 : i32
    %dma_start3A_353 = tpu.memref_slice %arg7[%dma_start3A_349, %dma_start3A_350, %dma_start3A_351, %dma_start3A_352] : memref<2x9x64x64xbf16, #tpu.memory_space<vmem>> -> memref<1x1x64x64xbf16, #tpu.memory_space<vmem>>
    %dma_start3A_354 = tpu.memref_squeeze %dma_start3A_353 : memref<1x1x64x64xbf16, #tpu.memory_space<vmem>> -> memref<64x64xbf16, #tpu.memory_space<vmem>>
    %dma_start3A_355 = arith.constant 0 : i32
    %dma_start3A_356 = tpu.memref_slice %arg6[%dma_start3A_347, %dma_start3A_348, %min3A_345, %dma_start3A_355] : memref<2x3x64x64xi32, #tpu.memory_space<vmem>> -> memref<1x1x1x64xi32, #tpu.memory_space<vmem>>
    %dma_start3A_357 = tpu.memref_squeeze %dma_start3A_356 : memref<1x1x1x64xi32, #tpu.memory_space<vmem>> -> memref<64xi32, #tpu.memory_space<vmem>>
    %dma_start3A_358 = arith.constant 0 : i32
    %dma_start3A_359 = arith.constant 0 : i32
    %dma_start3A_360 = tpu.memref_slice %arg2[%dma_start3A_346, %dma_start3A_358, %dma_start3A_359] : memref<9x8192x64xbf16, #tpu.memory_space<hbm>> -> memref<1x8192x64xbf16, #tpu.memory_space<hbm>>
    %dma_start3A_361 = tpu.memref_squeeze %dma_start3A_360 : memref<1x8192x64xbf16, #tpu.memory_space<hbm>> -> memref<8192x64xbf16, #tpu.memory_space<hbm>>
    %dma_start3A_362 = arith.constant 0 : i32
    %dma_start3A_363 = arith.constant 0 : i32
    %dma_start3A_364 = tpu.memref_slice %dma_start3A_361[%dma_start3A_362, %dma_start3A_363] : memref<8192x64xbf16, #tpu.memory_space<hbm>> -> memref<8192x64xbf16, #tpu.memory_space<hbm>>
    tpu.enqueue_indirect_dma source(%dma_start3A_364 : memref<8192x64xbf16, #tpu.memory_space<hbm>>) target(%dma_start3A_354 : memref<64x64xbf16, #tpu.memory_space<vmem>>) offsets(%dma_start3A_357 : memref<64xi32, #tpu.memory_space<vmem>>) semaphore(%arg12 : memref<!tpu.dma_semaphore, #tpu.memory_space<semaphore_mem>>)
    %jit3A_365 = arith.constant 0 : i32
    %jit3A_366 = arith.constant 0 : i32
    %jit3A_367 = arith.constant 63 : i32
    %max3A_368 = arith.maxsi %jit3A_366, %jit3A_365 : i32
    %min3A_369 = arith.minsi %jit3A_367, %max3A_368 : i32
    %dma_start3A_370 = arith.constant 4 : i32
    %dma_start3A_371 = arith.constant 0 : i32
    %dma_start3A_372 = arith.constant 1 : i32
    %dma_start3A_373 = arith.constant 0 : i32
    %dma_start3A_374 = arith.constant 4 : i32
    %dma_start3A_375 = arith.constant 0 : i32
    %dma_start3A_376 = arith.constant 0 : i32
    %dma_start3A_377 = tpu.memref_slice %arg7[%dma_start3A_373, %dma_start3A_374, %dma_start3A_375, %dma_start3A_376] : memref<2x9x64x64xbf16, #tpu.memory_space<vmem>> -> memref<1x1x64x64xbf16, #tpu.memory_space<vmem>>
    %dma_start3A_378 = tpu.memref_squeeze %dma_start3A_377 : memref<1x1x64x64xbf16, #tpu.memory_space<vmem>> -> memref<64x64xbf16, #tpu.memory_space<vmem>>
    %dma_start3A_379 = arith.constant 0 : i32
    %dma_start3A_380 = tpu.memref_slice %arg6[%dma_start3A_371, %dma_start3A_372, %min3A_369, %dma_start3A_379] : memref<2x3x64x64xi32, #tpu.memory_space<vmem>> -> memref<1x1x1x64xi32, #tpu.memory_space<vmem>>
    %dma_start3A_381 = tpu.memref_squeeze %dma_start3A_380 : memref<1x1x1x64xi32, #tpu.memory_space<vmem>> -> memref<64xi32, #tpu.memory_space<vmem>>
    %dma_start3A_382 = arith.constant 0 : i32
    %dma_start3A_383 = arith.constant 0 : i32
    %dma_start3A_384 = tpu.memref_slice %arg2[%dma_start3A_370, %dma_start3A_382, %dma_start3A_383] : memref<9x8192x64xbf16, #tpu.memory_space<hbm>> -> memref<1x8192x64xbf16, #tpu.memory_space<hbm>>
    %dma_start3A_385 = tpu.memref_squeeze %dma_start3A_384 : memref<1x8192x64xbf16, #tpu.memory_space<hbm>> -> memref<8192x64xbf16, #tpu.memory_space<hbm>>
    %dma_start3A_386 = arith.constant 0 : i32
    %dma_start3A_387 = arith.constant 0 : i32
    %dma_start3A_388 = tpu.memref_slice %dma_start3A_385[%dma_start3A_386, %dma_start3A_387] : memref<8192x64xbf16, #tpu.memory_space<hbm>> -> memref<8192x64xbf16, #tpu.memory_space<hbm>>
    tpu.enqueue_indirect_dma source(%dma_start3A_388 : memref<8192x64xbf16, #tpu.memory_space<hbm>>) target(%dma_start3A_378 : memref<64x64xbf16, #tpu.memory_space<vmem>>) offsets(%dma_start3A_381 : memref<64xi32, #tpu.memory_space<vmem>>) semaphore(%arg12 : memref<!tpu.dma_semaphore, #tpu.memory_space<semaphore_mem>>)
    %jit3A_389 = arith.constant 1 : i32
    %jit3A_390 = arith.constant 0 : i32
    %jit3A_391 = arith.constant 63 : i32
    %max3A_392 = arith.maxsi %jit3A_390, %jit3A_389 : i32
    %min3A_393 = arith.minsi %jit3A_391, %max3A_392 : i32
    %dma_start3A_394 = arith.constant 5 : i32
    %dma_start3A_395 = arith.constant 0 : i32
    %dma_start3A_396 = arith.constant 1 : i32
    %dma_start3A_397 = arith.constant 0 : i32
    %dma_start3A_398 = arith.constant 5 : i32
    %dma_start3A_399 = arith.constant 0 : i32
    %dma_start3A_400 = arith.constant 0 : i32
    %dma_start3A_401 = tpu.memref_slice %arg7[%dma_start3A_397, %dma_start3A_398, %dma_start3A_399, %dma_start3A_400] : memref<2x9x64x64xbf16, #tpu.memory_space<vmem>> -> memref<1x1x64x64xbf16, #tpu.memory_space<vmem>>
    %dma_start3A_402 = tpu.memref_squeeze %dma_start3A_401 : memref<1x1x64x64xbf16, #tpu.memory_space<vmem>> -> memref<64x64xbf16, #tpu.memory_space<vmem>>
    %dma_start3A_403 = arith.constant 0 : i32
    %dma_start3A_404 = tpu.memref_slice %arg6[%dma_start3A_395, %dma_start3A_396, %min3A_393, %dma_start3A_403] : memref<2x3x64x64xi32, #tpu.memory_space<vmem>> -> memref<1x1x1x64xi32, #tpu.memory_space<vmem>>
    %dma_start3A_405 = tpu.memref_squeeze %dma_start3A_404 : memref<1x1x1x64xi32, #tpu.memory_space<vmem>> -> memref<64xi32, #tpu.memory_space<vmem>>
    %dma_start3A_406 = arith.constant 0 : i32
    %dma_start3A_407 = arith.constant 0 : i32
    %dma_start3A_408 = tpu.memref_slice %arg2[%dma_start3A_394, %dma_start3A_406, %dma_start3A_407] : memref<9x8192x64xbf16, #tpu.memory_space<hbm>> -> memref<1x8192x64xbf16, #tpu.memory_space<hbm>>
    %dma_start3A_409 = tpu.memref_squeeze %dma_start3A_408 : memref<1x8192x64xbf16, #tpu.memory_space<hbm>> -> memref<8192x64xbf16, #tpu.memory_space<hbm>>
    %dma_start3A_410 = arith.constant 0 : i32
    %dma_start3A_411 = arith.constant 0 : i32
    %dma_start3A_412 = tpu.memref_slice %dma_start3A_409[%dma_start3A_410, %dma_start3A_411] : memref<8192x64xbf16, #tpu.memory_space<hbm>> -> memref<8192x64xbf16, #tpu.memory_space<hbm>>
    tpu.enqueue_indirect_dma source(%dma_start3A_412 : memref<8192x64xbf16, #tpu.memory_space<hbm>>) target(%dma_start3A_402 : memref<64x64xbf16, #tpu.memory_space<vmem>>) offsets(%dma_start3A_405 : memref<64xi32, #tpu.memory_space<vmem>>) semaphore(%arg12 : memref<!tpu.dma_semaphore, #tpu.memory_space<semaphore_mem>>)
    %jit3A_413 = arith.constant -1 : i32
    %jit3A_414 = arith.constant 0 : i32
    %jit3A_415 = arith.constant 63 : i32
    %max3A_416 = arith.maxsi %jit3A_414, %jit3A_413 : i32
    %min3A_417 = arith.minsi %jit3A_415, %max3A_416 : i32
    %dma_start3A_418 = arith.constant 6 : i32
    %dma_start3A_419 = arith.constant 0 : i32
    %dma_start3A_420 = arith.constant 2 : i32
    %dma_start3A_421 = arith.constant 0 : i32
    %dma_start3A_422 = arith.constant 6 : i32
    %dma_start3A_423 = arith.constant 0 : i32
    %dma_start3A_424 = arith.constant 0 : i32
    %dma_start3A_425 = tpu.memref_slice %arg7[%dma_start3A_421, %dma_start3A_422, %dma_start3A_423, %dma_start3A_424] : memref<2x9x64x64xbf16, #tpu.memory_space<vmem>> -> memref<1x1x64x64xbf16, #tpu.memory_space<vmem>>
    %dma_start3A_426 = tpu.memref_squeeze %dma_start3A_425 : memref<1x1x64x64xbf16, #tpu.memory_space<vmem>> -> memref<64x64xbf16, #tpu.memory_space<vmem>>
    %dma_start3A_427 = arith.constant 0 : i32
    %dma_start3A_428 = tpu.memref_slice %arg6[%dma_start3A_419, %dma_start3A_420, %min3A_417, %dma_start3A_427] : memref<2x3x64x64xi32, #tpu.memory_space<vmem>> -> memref<1x1x1x64xi32, #tpu.memory_space<vmem>>
    %dma_start3A_429 = tpu.memref_squeeze %dma_start3A_428 : memref<1x1x1x64xi32, #tpu.memory_space<vmem>> -> memref<64xi32, #tpu.memory_space<vmem>>
    %dma_start3A_430 = arith.constant 0 : i32
    %dma_start3A_431 = arith.constant 0 : i32
    %dma_start3A_432 = tpu.memref_slice %arg2[%dma_start3A_418, %dma_start3A_430, %dma_start3A_431] : memref<9x8192x64xbf16, #tpu.memory_space<hbm>> -> memref<1x8192x64xbf16, #tpu.memory_space<hbm>>
    %dma_start3A_433 = tpu.memref_squeeze %dma_start3A_432 : memref<1x8192x64xbf16, #tpu.memory_space<hbm>> -> memref<8192x64xbf16, #tpu.memory_space<hbm>>
    %dma_start3A_434 = arith.constant 0 : i32
    %dma_start3A_435 = arith.constant 0 : i32
    %dma_start3A_436 = tpu.memref_slice %dma_start3A_433[%dma_start3A_434, %dma_start3A_435] : memref<8192x64xbf16, #tpu.memory_space<hbm>> -> memref<8192x64xbf16, #tpu.memory_space<hbm>>
    tpu.enqueue_indirect_dma source(%dma_start3A_436 : memref<8192x64xbf16, #tpu.memory_space<hbm>>) target(%dma_start3A_426 : memref<64x64xbf16, #tpu.memory_space<vmem>>) offsets(%dma_start3A_429 : memref<64xi32, #tpu.memory_space<vmem>>) semaphore(%arg12 : memref<!tpu.dma_semaphore, #tpu.memory_space<semaphore_mem>>)
    %jit3A_437 = arith.constant 0 : i32
    %jit3A_438 = arith.constant 0 : i32
    %jit3A_439 = arith.constant 63 : i32
    %max3A_440 = arith.maxsi %jit3A_438, %jit3A_437 : i32
    %min3A_441 = arith.minsi %jit3A_439, %max3A_440 : i32
    %dma_start3A_442 = arith.constant 7 : i32
    %dma_start3A_443 = arith.constant 0 : i32
    %dma_start3A_444 = arith.constant 2 : i32
    %dma_start3A_445 = arith.constant 0 : i32
    %dma_start3A_446 = arith.constant 7 : i32
    %dma_start3A_447 = arith.constant 0 : i32
    %dma_start3A_448 = arith.constant 0 : i32
    %dma_start3A_449 = tpu.memref_slice %arg7[%dma_start3A_445, %dma_start3A_446, %dma_start3A_447, %dma_start3A_448] : memref<2x9x64x64xbf16, #tpu.memory_space<vmem>> -> memref<1x1x64x64xbf16, #tpu.memory_space<vmem>>
    %dma_start3A_450 = tpu.memref_squeeze %dma_start3A_449 : memref<1x1x64x64xbf16, #tpu.memory_space<vmem>> -> memref<64x64xbf16, #tpu.memory_space<vmem>>
    %dma_start3A_451 = arith.constant 0 : i32
    %dma_start3A_452 = tpu.memref_slice %arg6[%dma_start3A_443, %dma_start3A_444, %min3A_441, %dma_start3A_451] : memref<2x3x64x64xi32, #tpu.memory_space<vmem>> -> memref<1x1x1x64xi32, #tpu.memory_space<vmem>>
    %dma_start3A_453 = tpu.memref_squeeze %dma_start3A_452 : memref<1x1x1x64xi32, #tpu.memory_space<vmem>> -> memref<64xi32, #tpu.memory_space<vmem>>
    %dma_start3A_454 = arith.constant 0 : i32
    %dma_start3A_455 = arith.constant 0 : i32
    %dma_start3A_456 = tpu.memref_slice %arg2[%dma_start3A_442, %dma_start3A_454, %dma_start3A_455] : memref<9x8192x64xbf16, #tpu.memory_space<hbm>> -> memref<1x8192x64xbf16, #tpu.memory_space<hbm>>
    %dma_start3A_457 = tpu.memref_squeeze %dma_start3A_456 : memref<1x8192x64xbf16, #tpu.memory_space<hbm>> -> memref<8192x64xbf16, #tpu.memory_space<hbm>>
    %dma_start3A_458 = arith.constant 0 : i32
    %dma_start3A_459 = arith.constant 0 : i32
    %dma_start3A_460 = tpu.memref_slice %dma_start3A_457[%dma_start3A_458, %dma_start3A_459] : memref<8192x64xbf16, #tpu.memory_space<hbm>> -> memref<8192x64xbf16, #tpu.memory_space<hbm>>
    tpu.enqueue_indirect_dma source(%dma_start3A_460 : memref<8192x64xbf16, #tpu.memory_space<hbm>>) target(%dma_start3A_450 : memref<64x64xbf16, #tpu.memory_space<vmem>>) offsets(%dma_start3A_453 : memref<64xi32, #tpu.memory_space<vmem>>) semaphore(%arg12 : memref<!tpu.dma_semaphore, #tpu.memory_space<semaphore_mem>>)
    %jit3A_461 = arith.constant 1 : i32
    %jit3A_462 = arith.constant 0 : i32
    %jit3A_463 = arith.constant 63 : i32
    %max3A_464 = arith.maxsi %jit3A_462, %jit3A_461 : i32
    %min3A_465 = arith.minsi %jit3A_463, %max3A_464 : i32
    %dma_start3A_466 = arith.constant 8 : i32
    %dma_start3A_467 = arith.constant 0 : i32
    %dma_start3A_468 = arith.constant 2 : i32
    %dma_start3A_469 = arith.constant 0 : i32
    %dma_start3A_470 = arith.constant 8 : i32
    %dma_start3A_471 = arith.constant 0 : i32
    %dma_start3A_472 = arith.constant 0 : i32
    %dma_start3A_473 = tpu.memref_slice %arg7[%dma_start3A_469, %dma_start3A_470, %dma_start3A_471, %dma_start3A_472] : memref<2x9x64x64xbf16, #tpu.memory_space<vmem>> -> memref<1x1x64x64xbf16, #tpu.memory_space<vmem>>
    %dma_start3A_474 = tpu.memref_squeeze %dma_start3A_473 : memref<1x1x64x64xbf16, #tpu.memory_space<vmem>> -> memref<64x64xbf16, #tpu.memory_space<vmem>>
    %dma_start3A_475 = arith.constant 0 : i32
    %dma_start3A_476 = tpu.memref_slice %arg6[%dma_start3A_467, %dma_start3A_468, %min3A_465, %dma_start3A_475] : memref<2x3x64x64xi32, #tpu.memory_space<vmem>> -> memref<1x1x1x64xi32, #tpu.memory_space<vmem>>
    %dma_start3A_477 = tpu.memref_squeeze %dma_start3A_476 : memref<1x1x1x64xi32, #tpu.memory_space<vmem>> -> memref<64xi32, #tpu.memory_space<vmem>>
    %dma_start3A_478 = arith.constant 0 : i32
    %dma_start3A_479 = arith.constant 0 : i32
    %dma_start3A_480 = tpu.memref_slice %arg2[%dma_start3A_466, %dma_start3A_478, %dma_start3A_479] : memref<9x8192x64xbf16, #tpu.memory_space<hbm>> -> memref<1x8192x64xbf16, #tpu.memory_space<hbm>>
    %dma_start3A_481 = tpu.memref_squeeze %dma_start3A_480 : memref<1x8192x64xbf16, #tpu.memory_space<hbm>> -> memref<8192x64xbf16, #tpu.memory_space<hbm>>
    %dma_start3A_482 = arith.constant 0 : i32
    %dma_start3A_483 = arith.constant 0 : i32
    %dma_start3A_484 = tpu.memref_slice %dma_start3A_481[%dma_start3A_482, %dma_start3A_483] : memref<8192x64xbf16, #tpu.memory_space<hbm>> -> memref<8192x64xbf16, #tpu.memory_space<hbm>>
    tpu.enqueue_indirect_dma source(%dma_start3A_484 : memref<8192x64xbf16, #tpu.memory_space<hbm>>) target(%dma_start3A_474 : memref<64x64xbf16, #tpu.memory_space<vmem>>) offsets(%dma_start3A_477 : memref<64xi32, #tpu.memory_space<vmem>>) semaphore(%arg12 : memref<!tpu.dma_semaphore, #tpu.memory_space<semaphore_mem>>)
    %jit3A_485 = arith.constant 0 : i32
    %jit3A_486 = arith.constant 0 : i32
    %jit3A_487 = arith.constant 63 : i32
    %max3A_488 = arith.maxsi %jit3A_486, %jit3A_485 : i32
    %min3A_489 = arith.minsi %jit3A_487, %max3A_488 : i32
    %dma_start3A_490 = arith.constant 0 : i32
    %dma_start3A_491 = arith.constant 0 : i32
    %dma_start3A_492 = arith.constant 0 : i32
    %dma_start3A_493 = arith.constant 1 : i32
    %dma_start3A_494 = arith.constant 0 : i32
    %dma_start3A_495 = arith.constant 0 : i32
    %dma_start3A_496 = arith.constant 0 : i32
    %dma_start3A_497 = tpu.memref_slice %arg7[%dma_start3A_493, %dma_start3A_494, %dma_start3A_495, %dma_start3A_496] : memref<2x9x64x64xbf16, #tpu.memory_space<vmem>> -> memref<1x1x64x64xbf16, #tpu.memory_space<vmem>>
    %dma_start3A_498 = tpu.memref_squeeze %dma_start3A_497 : memref<1x1x64x64xbf16, #tpu.memory_space<vmem>> -> memref<64x64xbf16, #tpu.memory_space<vmem>>
    %dma_start3A_499 = arith.constant 0 : i32
    %dma_start3A_500 = tpu.memref_slice %arg6[%dma_start3A_491, %dma_start3A_492, %min3A_489, %dma_start3A_499] : memref<2x3x64x64xi32, #tpu.memory_space<vmem>> -> memref<1x1x1x64xi32, #tpu.memory_space<vmem>>
    %dma_start3A_501 = tpu.memref_squeeze %dma_start3A_500 : memref<1x1x1x64xi32, #tpu.memory_space<vmem>> -> memref<64xi32, #tpu.memory_space<vmem>>
    %dma_start3A_502 = arith.constant 0 : i32
    %dma_start3A_503 = arith.constant 0 : i32
    %dma_start3A_504 = tpu.memref_slice %arg2[%dma_start3A_490, %dma_start3A_502, %dma_start3A_503] : memref<9x8192x64xbf16, #tpu.memory_space<hbm>> -> memref<1x8192x64xbf16, #tpu.memory_space<hbm>>
    %dma_start3A_505 = tpu.memref_squeeze %dma_start3A_504 : memref<1x8192x64xbf16, #tpu.memory_space<hbm>> -> memref<8192x64xbf16, #tpu.memory_space<hbm>>
    %dma_start3A_506 = arith.constant 0 : i32
    %dma_start3A_507 = arith.constant 0 : i32
    %dma_start3A_508 = tpu.memref_slice %dma_start3A_505[%dma_start3A_506, %dma_start3A_507] : memref<8192x64xbf16, #tpu.memory_space<hbm>> -> memref<8192x64xbf16, #tpu.memory_space<hbm>>
    tpu.enqueue_indirect_dma source(%dma_start3A_508 : memref<8192x64xbf16, #tpu.memory_space<hbm>>) target(%dma_start3A_498 : memref<64x64xbf16, #tpu.memory_space<vmem>>) offsets(%dma_start3A_501 : memref<64xi32, #tpu.memory_space<vmem>>) semaphore(%arg13 : memref<!tpu.dma_semaphore, #tpu.memory_space<semaphore_mem>>)
    %jit3A_509 = arith.constant 1 : i32
    %jit3A_510 = arith.constant 0 : i32
    %jit3A_511 = arith.constant 63 : i32
    %max3A_512 = arith.maxsi %jit3A_510, %jit3A_509 : i32
    %min3A_513 = arith.minsi %jit3A_511, %max3A_512 : i32
    %dma_start3A_514 = arith.constant 1 : i32
    %dma_start3A_515 = arith.constant 0 : i32
    %dma_start3A_516 = arith.constant 0 : i32
    %dma_start3A_517 = arith.constant 1 : i32
    %dma_start3A_518 = arith.constant 1 : i32
    %dma_start3A_519 = arith.constant 0 : i32
    %dma_start3A_520 = arith.constant 0 : i32
    %dma_start3A_521 = tpu.memref_slice %arg7[%dma_start3A_517, %dma_start3A_518, %dma_start3A_519, %dma_start3A_520] : memref<2x9x64x64xbf16, #tpu.memory_space<vmem>> -> memref<1x1x64x64xbf16, #tpu.memory_space<vmem>>
    %dma_start3A_522 = tpu.memref_squeeze %dma_start3A_521 : memref<1x1x64x64xbf16, #tpu.memory_space<vmem>> -> memref<64x64xbf16, #tpu.memory_space<vmem>>
    %dma_start3A_523 = arith.constant 0 : i32
    %dma_start3A_524 = tpu.memref_slice %arg6[%dma_start3A_515, %dma_start3A_516, %min3A_513, %dma_start3A_523] : memref<2x3x64x64xi32, #tpu.memory_space<vmem>> -> memref<1x1x1x64xi32, #tpu.memory_space<vmem>>
    %dma_start3A_525 = tpu.memref_squeeze %dma_start3A_524 : memref<1x1x1x64xi32, #tpu.memory_space<vmem>> -> memref<64xi32, #tpu.memory_space<vmem>>
    %dma_start3A_526 = arith.constant 0 : i32
    %dma_start3A_527 = arith.constant 0 : i32
    %dma_start3A_528 = tpu.memref_slice %arg2[%dma_start3A_514, %dma_start3A_526, %dma_start3A_527] : memref<9x8192x64xbf16, #tpu.memory_space<hbm>> -> memref<1x8192x64xbf16, #tpu.memory_space<hbm>>
    %dma_start3A_529 = tpu.memref_squeeze %dma_start3A_528 : memref<1x8192x64xbf16, #tpu.memory_space<hbm>> -> memref<8192x64xbf16, #tpu.memory_space<hbm>>
    %dma_start3A_530 = arith.constant 0 : i32
    %dma_start3A_531 = arith.constant 0 : i32
    %dma_start3A_532 = tpu.memref_slice %dma_start3A_529[%dma_start3A_530, %dma_start3A_531] : memref<8192x64xbf16, #tpu.memory_space<hbm>> -> memref<8192x64xbf16, #tpu.memory_space<hbm>>
    tpu.enqueue_indirect_dma source(%dma_start3A_532 : memref<8192x64xbf16, #tpu.memory_space<hbm>>) target(%dma_start3A_522 : memref<64x64xbf16, #tpu.memory_space<vmem>>) offsets(%dma_start3A_525 : memref<64xi32, #tpu.memory_space<vmem>>) semaphore(%arg13 : memref<!tpu.dma_semaphore, #tpu.memory_space<semaphore_mem>>)
    %jit3A_533 = arith.constant 2 : i32
    %jit3A_534 = arith.constant 0 : i32
    %jit3A_535 = arith.constant 63 : i32
    %max3A_536 = arith.maxsi %jit3A_534, %jit3A_533 : i32
    %min3A_537 = arith.minsi %jit3A_535, %max3A_536 : i32
    %dma_start3A_538 = arith.constant 2 : i32
    %dma_start3A_539 = arith.constant 0 : i32
    %dma_start3A_540 = arith.constant 0 : i32
    %dma_start3A_541 = arith.constant 1 : i32
    %dma_start3A_542 = arith.constant 2 : i32
    %dma_start3A_543 = arith.constant 0 : i32
    %dma_start3A_544 = arith.constant 0 : i32
    %dma_start3A_545 = tpu.memref_slice %arg7[%dma_start3A_541, %dma_start3A_542, %dma_start3A_543, %dma_start3A_544] : memref<2x9x64x64xbf16, #tpu.memory_space<vmem>> -> memref<1x1x64x64xbf16, #tpu.memory_space<vmem>>
    %dma_start3A_546 = tpu.memref_squeeze %dma_start3A_545 : memref<1x1x64x64xbf16, #tpu.memory_space<vmem>> -> memref<64x64xbf16, #tpu.memory_space<vmem>>
    %dma_start3A_547 = arith.constant 0 : i32
    %dma_start3A_548 = tpu.memref_slice %arg6[%dma_start3A_539, %dma_start3A_540, %min3A_537, %dma_start3A_547] : memref<2x3x64x64xi32, #tpu.memory_space<vmem>> -> memref<1x1x1x64xi32, #tpu.memory_space<vmem>>
    %dma_start3A_549 = tpu.memref_squeeze %dma_start3A_548 : memref<1x1x1x64xi32, #tpu.memory_space<vmem>> -> memref<64xi32, #tpu.memory_space<vmem>>
    %dma_start3A_550 = arith.constant 0 : i32
    %dma_start3A_551 = arith.constant 0 : i32
    %dma_start3A_552 = tpu.memref_slice %arg2[%dma_start3A_538, %dma_start3A_550, %dma_start3A_551] : memref<9x8192x64xbf16, #tpu.memory_space<hbm>> -> memref<1x8192x64xbf16, #tpu.memory_space<hbm>>
    %dma_start3A_553 = tpu.memref_squeeze %dma_start3A_552 : memref<1x8192x64xbf16, #tpu.memory_space<hbm>> -> memref<8192x64xbf16, #tpu.memory_space<hbm>>
    %dma_start3A_554 = arith.constant 0 : i32
    %dma_start3A_555 = arith.constant 0 : i32
    %dma_start3A_556 = tpu.memref_slice %dma_start3A_553[%dma_start3A_554, %dma_start3A_555] : memref<8192x64xbf16, #tpu.memory_space<hbm>> -> memref<8192x64xbf16, #tpu.memory_space<hbm>>
    tpu.enqueue_indirect_dma source(%dma_start3A_556 : memref<8192x64xbf16, #tpu.memory_space<hbm>>) target(%dma_start3A_546 : memref<64x64xbf16, #tpu.memory_space<vmem>>) offsets(%dma_start3A_549 : memref<64xi32, #tpu.memory_space<vmem>>) semaphore(%arg13 : memref<!tpu.dma_semaphore, #tpu.memory_space<semaphore_mem>>)
    %jit3A_557 = arith.constant 0 : i32
    %jit3A_558 = arith.constant 0 : i32
    %jit3A_559 = arith.constant 63 : i32
    %max3A_560 = arith.maxsi %jit3A_558, %jit3A_557 : i32
    %min3A_561 = arith.minsi %jit3A_559, %max3A_560 : i32
    %dma_start3A_562 = arith.constant 3 : i32
    %dma_start3A_563 = arith.constant 0 : i32
    %dma_start3A_564 = arith.constant 1 : i32
    %dma_start3A_565 = arith.constant 1 : i32
    %dma_start3A_566 = arith.constant 3 : i32
    %dma_start3A_567 = arith.constant 0 : i32
    %dma_start3A_568 = arith.constant 0 : i32
    %dma_start3A_569 = tpu.memref_slice %arg7[%dma_start3A_565, %dma_start3A_566, %dma_start3A_567, %dma_start3A_568] : memref<2x9x64x64xbf16, #tpu.memory_space<vmem>> -> memref<1x1x64x64xbf16, #tpu.memory_space<vmem>>
    %dma_start3A_570 = tpu.memref_squeeze %dma_start3A_569 : memref<1x1x64x64xbf16, #tpu.memory_space<vmem>> -> memref<64x64xbf16, #tpu.memory_space<vmem>>
    %dma_start3A_571 = arith.constant 0 : i32
    %dma_start3A_572 = tpu.memref_slice %arg6[%dma_start3A_563, %dma_start3A_564, %min3A_561, %dma_start3A_571] : memref<2x3x64x64xi32, #tpu.memory_space<vmem>> -> memref<1x1x1x64xi32, #tpu.memory_space<vmem>>
    %dma_start3A_573 = tpu.memref_squeeze %dma_start3A_572 : memref<1x1x1x64xi32, #tpu.memory_space<vmem>> -> memref<64xi32, #tpu.memory_space<vmem>>
    %dma_start3A_574 = arith.constant 0 : i32
    %dma_start3A_575 = arith.constant 0 : i32
    %dma_start3A_576 = tpu.memref_slice %arg2[%dma_start3A_562, %dma_start3A_574, %dma_start3A_575] : memref<9x8192x64xbf16, #tpu.memory_space<hbm>> -> memref<1x8192x64xbf16, #tpu.memory_space<hbm>>
    %dma_start3A_577 = tpu.memref_squeeze %dma_start3A_576 : memref<1x8192x64xbf16, #tpu.memory_space<hbm>> -> memref<8192x64xbf16, #tpu.memory_space<hbm>>
    %dma_start3A_578 = arith.constant 0 : i32
    %dma_start3A_579 = arith.constant 0 : i32
    %dma_start3A_580 = tpu.memref_slice %dma_start3A_577[%dma_start3A_578, %dma_start3A_579] : memref<8192x64xbf16, #tpu.memory_space<hbm>> -> memref<8192x64xbf16, #tpu.memory_space<hbm>>
    tpu.enqueue_indirect_dma source(%dma_start3A_580 : memref<8192x64xbf16, #tpu.memory_space<hbm>>) target(%dma_start3A_570 : memref<64x64xbf16, #tpu.memory_space<vmem>>) offsets(%dma_start3A_573 : memref<64xi32, #tpu.memory_space<vmem>>) semaphore(%arg13 : memref<!tpu.dma_semaphore, #tpu.memory_space<semaphore_mem>>)
    %jit3A_581 = arith.constant 1 : i32
    %jit3A_582 = arith.constant 0 : i32
    %jit3A_583 = arith.constant 63 : i32
    %max3A_584 = arith.maxsi %jit3A_582, %jit3A_581 : i32
    %min3A_585 = arith.minsi %jit3A_583, %max3A_584 : i32
    %dma_start3A_586 = arith.constant 4 : i32
    %dma_start3A_587 = arith.constant 0 : i32
    %dma_start3A_588 = arith.constant 1 : i32
    %dma_start3A_589 = arith.constant 1 : i32
    %dma_start3A_590 = arith.constant 4 : i32
    %dma_start3A_591 = arith.constant 0 : i32
    %dma_start3A_592 = arith.constant 0 : i32
    %dma_start3A_593 = tpu.memref_slice %arg7[%dma_start3A_589, %dma_start3A_590, %dma_start3A_591, %dma_start3A_592] : memref<2x9x64x64xbf16, #tpu.memory_space<vmem>> -> memref<1x1x64x64xbf16, #tpu.memory_space<vmem>>
    %dma_start3A_594 = tpu.memref_squeeze %dma_start3A_593 : memref<1x1x64x64xbf16, #tpu.memory_space<vmem>> -> memref<64x64xbf16, #tpu.memory_space<vmem>>
    %dma_start3A_595 = arith.constant 0 : i32
    %dma_start3A_596 = tpu.memref_slice %arg6[%dma_start3A_587, %dma_start3A_588, %min3A_585, %dma_start3A_595] : memref<2x3x64x64xi32, #tpu.memory_space<vmem>> -> memref<1x1x1x64xi32, #tpu.memory_space<vmem>>
    %dma_start3A_597 = tpu.memref_squeeze %dma_start3A_596 : memref<1x1x1x64xi32, #tpu.memory_space<vmem>> -> memref<64xi32, #tpu.memory_space<vmem>>
    %dma_start3A_598 = arith.constant 0 : i32
    %dma_start3A_599 = arith.constant 0 : i32
    %dma_start3A_600 = tpu.memref_slice %arg2[%dma_start3A_586, %dma_start3A_598, %dma_start3A_599] : memref<9x8192x64xbf16, #tpu.memory_space<hbm>> -> memref<1x8192x64xbf16, #tpu.memory_space<hbm>>
    %dma_start3A_601 = tpu.memref_squeeze %dma_start3A_600 : memref<1x8192x64xbf16, #tpu.memory_space<hbm>> -> memref<8192x64xbf16, #tpu.memory_space<hbm>>
    %dma_start3A_602 = arith.constant 0 : i32
    %dma_start3A_603 = arith.constant 0 : i32
    %dma_start3A_604 = tpu.memref_slice %dma_start3A_601[%dma_start3A_602, %dma_start3A_603] : memref<8192x64xbf16, #tpu.memory_space<hbm>> -> memref<8192x64xbf16, #tpu.memory_space<hbm>>
    tpu.enqueue_indirect_dma source(%dma_start3A_604 : memref<8192x64xbf16, #tpu.memory_space<hbm>>) target(%dma_start3A_594 : memref<64x64xbf16, #tpu.memory_space<vmem>>) offsets(%dma_start3A_597 : memref<64xi32, #tpu.memory_space<vmem>>) semaphore(%arg13 : memref<!tpu.dma_semaphore, #tpu.memory_space<semaphore_mem>>)
    %jit3A_605 = arith.constant 2 : i32
    %jit3A_606 = arith.constant 0 : i32
    %jit3A_607 = arith.constant 63 : i32
    %max3A_608 = arith.maxsi %jit3A_606, %jit3A_605 : i32
    %min3A_609 = arith.minsi %jit3A_607, %max3A_608 : i32
    %dma_start3A_610 = arith.constant 5 : i32
    %dma_start3A_611 = arith.constant 0 : i32
    %dma_start3A_612 = arith.constant 1 : i32
    %dma_start3A_613 = arith.constant 1 : i32
    %dma_start3A_614 = arith.constant 5 : i32
    %dma_start3A_615 = arith.constant 0 : i32
    %dma_start3A_616 = arith.constant 0 : i32
    %dma_start3A_617 = tpu.memref_slice %arg7[%dma_start3A_613, %dma_start3A_614, %dma_start3A_615, %dma_start3A_616] : memref<2x9x64x64xbf16, #tpu.memory_space<vmem>> -> memref<1x1x64x64xbf16, #tpu.memory_space<vmem>>
    %dma_start3A_618 = tpu.memref_squeeze %dma_start3A_617 : memref<1x1x64x64xbf16, #tpu.memory_space<vmem>> -> memref<64x64xbf16, #tpu.memory_space<vmem>>
    %dma_start3A_619 = arith.constant 0 : i32
    %dma_start3A_620 = tpu.memref_slice %arg6[%dma_start3A_611, %dma_start3A_612, %min3A_609, %dma_start3A_619] : memref<2x3x64x64xi32, #tpu.memory_space<vmem>> -> memref<1x1x1x64xi32, #tpu.memory_space<vmem>>
    %dma_start3A_621 = tpu.memref_squeeze %dma_start3A_620 : memref<1x1x1x64xi32, #tpu.memory_space<vmem>> -> memref<64xi32, #tpu.memory_space<vmem>>
    %dma_start3A_622 = arith.constant 0 : i32
    %dma_start3A_623 = arith.constant 0 : i32
    %dma_start3A_624 = tpu.memref_slice %arg2[%dma_start3A_610, %dma_start3A_622, %dma_start3A_623] : memref<9x8192x64xbf16, #tpu.memory_space<hbm>> -> memref<1x8192x64xbf16, #tpu.memory_space<hbm>>
    %dma_start3A_625 = tpu.memref_squeeze %dma_start3A_624 : memref<1x8192x64xbf16, #tpu.memory_space<hbm>> -> memref<8192x64xbf16, #tpu.memory_space<hbm>>
    %dma_start3A_626 = arith.constant 0 : i32
    %dma_start3A_627 = arith.constant 0 : i32
    %dma_start3A_628 = tpu.memref_slice %dma_start3A_625[%dma_start3A_626, %dma_start3A_627] : memref<8192x64xbf16, #tpu.memory_space<hbm>> -> memref<8192x64xbf16, #tpu.memory_space<hbm>>
    tpu.enqueue_indirect_dma source(%dma_start3A_628 : memref<8192x64xbf16, #tpu.memory_space<hbm>>) target(%dma_start3A_618 : memref<64x64xbf16, #tpu.memory_space<vmem>>) offsets(%dma_start3A_621 : memref<64xi32, #tpu.memory_space<vmem>>) semaphore(%arg13 : memref<!tpu.dma_semaphore, #tpu.memory_space<semaphore_mem>>)
    %jit3A_629 = arith.constant 0 : i32
    %jit3A_630 = arith.constant 0 : i32
    %jit3A_631 = arith.constant 63 : i32
    %max3A_632 = arith.maxsi %jit3A_630, %jit3A_629 : i32
    %min3A_633 = arith.minsi %jit3A_631, %max3A_632 : i32
    %dma_start3A_634 = arith.constant 6 : i32
    %dma_start3A_635 = arith.constant 0 : i32
    %dma_start3A_636 = arith.constant 2 : i32
    %dma_start3A_637 = arith.constant 1 : i32
    %dma_start3A_638 = arith.constant 6 : i32
    %dma_start3A_639 = arith.constant 0 : i32
    %dma_start3A_640 = arith.constant 0 : i32
    %dma_start3A_641 = tpu.memref_slice %arg7[%dma_start3A_637, %dma_start3A_638, %dma_start3A_639, %dma_start3A_640] : memref<2x9x64x64xbf16, #tpu.memory_space<vmem>> -> memref<1x1x64x64xbf16, #tpu.memory_space<vmem>>
    %dma_start3A_642 = tpu.memref_squeeze %dma_start3A_641 : memref<1x1x64x64xbf16, #tpu.memory_space<vmem>> -> memref<64x64xbf16, #tpu.memory_space<vmem>>
    %dma_start3A_643 = arith.constant 0 : i32
    %dma_start3A_644 = tpu.memref_slice %arg6[%dma_start3A_635, %dma_start3A_636, %min3A_633, %dma_start3A_643] : memref<2x3x64x64xi32, #tpu.memory_space<vmem>> -> memref<1x1x1x64xi32, #tpu.memory_space<vmem>>
    %dma_start3A_645 = tpu.memref_squeeze %dma_start3A_644 : memref<1x1x1x64xi32, #tpu.memory_space<vmem>> -> memref<64xi32, #tpu.memory_space<vmem>>
    %dma_start3A_646 = arith.constant 0 : i32
    %dma_start3A_647 = arith.constant 0 : i32
    %dma_start3A_648 = tpu.memref_slice %arg2[%dma_start3A_634, %dma_start3A_646, %dma_start3A_647] : memref<9x8192x64xbf16, #tpu.memory_space<hbm>> -> memref<1x8192x64xbf16, #tpu.memory_space<hbm>>
    %dma_start3A_649 = tpu.memref_squeeze %dma_start3A_648 : memref<1x8192x64xbf16, #tpu.memory_space<hbm>> -> memref<8192x64xbf16, #tpu.memory_space<hbm>>
    %dma_start3A_650 = arith.constant 0 : i32
    %dma_start3A_651 = arith.constant 0 : i32
    %dma_start3A_652 = tpu.memref_slice %dma_start3A_649[%dma_start3A_650, %dma_start3A_651] : memref<8192x64xbf16, #tpu.memory_space<hbm>> -> memref<8192x64xbf16, #tpu.memory_space<hbm>>
    tpu.enqueue_indirect_dma source(%dma_start3A_652 : memref<8192x64xbf16, #tpu.memory_space<hbm>>) target(%dma_start3A_642 : memref<64x64xbf16, #tpu.memory_space<vmem>>) offsets(%dma_start3A_645 : memref<64xi32, #tpu.memory_space<vmem>>) semaphore(%arg13 : memref<!tpu.dma_semaphore, #tpu.memory_space<semaphore_mem>>)
    %jit3A_653 = arith.constant 1 : i32
    %jit3A_654 = arith.constant 0 : i32
    %jit3A_655 = arith.constant 63 : i32
    %max3A_656 = arith.maxsi %jit3A_654, %jit3A_653 : i32
    %min3A_657 = arith.minsi %jit3A_655, %max3A_656 : i32
    %dma_start3A_658 = arith.constant 7 : i32
    %dma_start3A_659 = arith.constant 0 : i32
    %dma_start3A_660 = arith.constant 2 : i32
    %dma_start3A_661 = arith.constant 1 : i32
    %dma_start3A_662 = arith.constant 7 : i32
    %dma_start3A_663 = arith.constant 0 : i32
    %dma_start3A_664 = arith.constant 0 : i32
    %dma_start3A_665 = tpu.memref_slice %arg7[%dma_start3A_661, %dma_start3A_662, %dma_start3A_663, %dma_start3A_664] : memref<2x9x64x64xbf16, #tpu.memory_space<vmem>> -> memref<1x1x64x64xbf16, #tpu.memory_space<vmem>>
    %dma_start3A_666 = tpu.memref_squeeze %dma_start3A_665 : memref<1x1x64x64xbf16, #tpu.memory_space<vmem>> -> memref<64x64xbf16, #tpu.memory_space<vmem>>
    %dma_start3A_667 = arith.constant 0 : i32
    %dma_start3A_668 = tpu.memref_slice %arg6[%dma_start3A_659, %dma_start3A_660, %min3A_657, %dma_start3A_667] : memref<2x3x64x64xi32, #tpu.memory_space<vmem>> -> memref<1x1x1x64xi32, #tpu.memory_space<vmem>>
    %dma_start3A_669 = tpu.memref_squeeze %dma_start3A_668 : memref<1x1x1x64xi32, #tpu.memory_space<vmem>> -> memref<64xi32, #tpu.memory_space<vmem>>
    %dma_start3A_670 = arith.constant 0 : i32
    %dma_start3A_671 = arith.constant 0 : i32
    %dma_start3A_672 = tpu.memref_slice %arg2[%dma_start3A_658, %dma_start3A_670, %dma_start3A_671] : memref<9x8192x64xbf16, #tpu.memory_space<hbm>> -> memref<1x8192x64xbf16, #tpu.memory_space<hbm>>
    %dma_start3A_673 = tpu.memref_squeeze %dma_start3A_672 : memref<1x8192x64xbf16, #tpu.memory_space<hbm>> -> memref<8192x64xbf16, #tpu.memory_space<hbm>>
    %dma_start3A_674 = arith.constant 0 : i32
    %dma_start3A_675 = arith.constant 0 : i32
    %dma_start3A_676 = tpu.memref_slice %dma_start3A_673[%dma_start3A_674, %dma_start3A_675] : memref<8192x64xbf16, #tpu.memory_space<hbm>> -> memref<8192x64xbf16, #tpu.memory_space<hbm>>
    tpu.enqueue_indirect_dma source(%dma_start3A_676 : memref<8192x64xbf16, #tpu.memory_space<hbm>>) target(%dma_start3A_666 : memref<64x64xbf16, #tpu.memory_space<vmem>>) offsets(%dma_start3A_669 : memref<64xi32, #tpu.memory_space<vmem>>) semaphore(%arg13 : memref<!tpu.dma_semaphore, #tpu.memory_space<semaphore_mem>>)
    %jit3A_677 = arith.constant 2 : i32
    %jit3A_678 = arith.constant 0 : i32
    %jit3A_679 = arith.constant 63 : i32
    %max3A_680 = arith.maxsi %jit3A_678, %jit3A_677 : i32
    %min3A_681 = arith.minsi %jit3A_679, %max3A_680 : i32
    %dma_start3A_682 = arith.constant 8 : i32
    %dma_start3A_683 = arith.constant 0 : i32
    %dma_start3A_684 = arith.constant 2 : i32
    %dma_start3A_685 = arith.constant 1 : i32
    %dma_start3A_686 = arith.constant 8 : i32
    %dma_start3A_687 = arith.constant 0 : i32
    %dma_start3A_688 = arith.constant 0 : i32
    %dma_start3A_689 = tpu.memref_slice %arg7[%dma_start3A_685, %dma_start3A_686, %dma_start3A_687, %dma_start3A_688] : memref<2x9x64x64xbf16, #tpu.memory_space<vmem>> -> memref<1x1x64x64xbf16, #tpu.memory_space<vmem>>
    %dma_start3A_690 = tpu.memref_squeeze %dma_start3A_689 : memref<1x1x64x64xbf16, #tpu.memory_space<vmem>> -> memref<64x64xbf16, #tpu.memory_space<vmem>>
    %dma_start3A_691 = arith.constant 0 : i32
    %dma_start3A_692 = tpu.memref_slice %arg6[%dma_start3A_683, %dma_start3A_684, %min3A_681, %dma_start3A_691] : memref<2x3x64x64xi32, #tpu.memory_space<vmem>> -> memref<1x1x1x64xi32, #tpu.memory_space<vmem>>
    %dma_start3A_693 = tpu.memref_squeeze %dma_start3A_692 : memref<1x1x1x64xi32, #tpu.memory_space<vmem>> -> memref<64xi32, #tpu.memory_space<vmem>>
    %dma_start3A_694 = arith.constant 0 : i32
    %dma_start3A_695 = arith.constant 0 : i32
    %dma_start3A_696 = tpu.memref_slice %arg2[%dma_start3A_682, %dma_start3A_694, %dma_start3A_695] : memref<9x8192x64xbf16, #tpu.memory_space<hbm>> -> memref<1x8192x64xbf16, #tpu.memory_space<hbm>>
    %dma_start3A_697 = tpu.memref_squeeze %dma_start3A_696 : memref<1x8192x64xbf16, #tpu.memory_space<hbm>> -> memref<8192x64xbf16, #tpu.memory_space<hbm>>
    %dma_start3A_698 = arith.constant 0 : i32
    %dma_start3A_699 = arith.constant 0 : i32
    %dma_start3A_700 = tpu.memref_slice %dma_start3A_697[%dma_start3A_698, %dma_start3A_699] : memref<8192x64xbf16, #tpu.memory_space<hbm>> -> memref<8192x64xbf16, #tpu.memory_space<hbm>>
    tpu.enqueue_indirect_dma source(%dma_start3A_700 : memref<8192x64xbf16, #tpu.memory_space<hbm>>) target(%dma_start3A_690 : memref<64x64xbf16, #tpu.memory_space<vmem>>) offsets(%dma_start3A_693 : memref<64xi32, #tpu.memory_space<vmem>>) semaphore(%arg13 : memref<!tpu.dma_semaphore, #tpu.memory_space<semaphore_mem>>)
    %scan3A = arith.constant 0 : i32
    %scan3A_701 = arith.constant 64 : i32
    %scan3A_702 = arith.addi %scan3A, %scan3A_701 : i32
    %scan3A_703 = arith.constant 1 : i32
    scf.for %scan3A_745 = %scan3A to %scan3A_702 step %scan3A_703  : i32 {
      %mul3A_746 = arith.constant 2 : i32
      %mul3A_747 = arith.muli %scan3A_745, %mul3A_746 : i32
      %add3A_748 = arith.constant 0 : i32
      %add3A_749 = arith.addi %add3A_748, %mul3A_747 : i32
      %add3A_750 = arith.constant 0 : i32
      %add3A_751 = arith.addi %add3A_749, %add3A_750 : i32
      %add3A_752 = arith.addi %mul3A_2, %add3A_751 : i32
      %and3A_753 = arith.constant 63 : i32
      %and3A_754 = arith.andi %add3A_751, %and3A_753 : i32
      %add3A_755 = arith.constant -1 : i32
      %add3A_756 = arith.addi %and3A_754, %add3A_755 : i32
      %jit3A_757 = arith.constant 0 : i32
      %jit3A_758 = arith.constant 63 : i32
      %max3A_759 = arith.maxsi %jit3A_757, %add3A_756 : i32
      %min3A_760 = arith.minsi %jit3A_758, %max3A_759 : i32
      %shift_right_arithmetic3A_761 = arith.constant 6 : i32
      %shift_right_arithmetic3A_762 = arith.shrsi %add3A_751, %shift_right_arithmetic3A_761 : i32
      %and3A_763 = arith.constant 1 : i32
      %and3A_764 = arith.andi %shift_right_arithmetic3A_762, %and3A_763 : i32
      %dma_wait3A_765 = arith.constant 0 : i32
      %dma_wait3A_766 = arith.constant 0 : i32
      %dma_wait3A_767 = arith.constant 0 : i32
      %dma_wait3A_768 = arith.constant 0 : i32
      %dma_wait3A_769 = arith.constant 0 : i32
      %dma_wait3A_770 = arith.constant 0 : i32
      %dma_wait3A_771 = tpu.memref_slice %arg7[%dma_wait3A_767, %dma_wait3A_768, %dma_wait3A_769, %dma_wait3A_770] : memref<2x9x64x64xbf16, #tpu.memory_space<vmem>> -> memref<1x1x64x64xbf16, #tpu.memory_space<vmem>>
      %dma_wait3A_772 = tpu.memref_squeeze %dma_wait3A_771 : memref<1x1x64x64xbf16, #tpu.memory_space<vmem>> -> memref<64x64xbf16, #tpu.memory_space<vmem>>
      %dma_wait3A_773 = arith.constant 0 : i32
      %dma_wait3A_774 = tpu.memref_slice %arg6[%and3A_764, %dma_wait3A_766, %min3A_760, %dma_wait3A_773] : memref<2x3x64x64xi32, #tpu.memory_space<vmem>> -> memref<1x1x1x64xi32, #tpu.memory_space<vmem>>
      %dma_wait3A_775 = tpu.memref_squeeze %dma_wait3A_774 : memref<1x1x1x64xi32, #tpu.memory_space<vmem>> -> memref<64xi32, #tpu.memory_space<vmem>>
      %dma_wait3A_776 = arith.constant 0 : i32
      %dma_wait3A_777 = arith.constant 0 : i32
      %dma_wait3A_778 = tpu.memref_slice %arg2[%dma_wait3A_765, %dma_wait3A_776, %dma_wait3A_777] : memref<9x8192x64xbf16, #tpu.memory_space<hbm>> -> memref<1x8192x64xbf16, #tpu.memory_space<hbm>>
      %dma_wait3A_779 = tpu.memref_squeeze %dma_wait3A_778 : memref<1x8192x64xbf16, #tpu.memory_space<hbm>> -> memref<8192x64xbf16, #tpu.memory_space<hbm>>
      %dma_wait3A_780 = arith.constant 0 : i32
      %dma_wait3A_781 = arith.constant 0 : i32
      %dma_wait3A_782 = tpu.memref_slice %dma_wait3A_779[%dma_wait3A_780, %dma_wait3A_781] : memref<8192x64xbf16, #tpu.memory_space<hbm>> -> memref<8192x64xbf16, #tpu.memory_space<hbm>>
      tpu.wait_indirect_dma semaphore(%arg12 : memref<!tpu.dma_semaphore, #tpu.memory_space<semaphore_mem>>) src(%dma_wait3A_782 : memref<8192x64xbf16, #tpu.memory_space<hbm>>) dst(%dma_wait3A_772 : memref<64x64xbf16, #tpu.memory_space<vmem>>)
      %and3A_783 = arith.constant 63 : i32
      %and3A_784 = arith.andi %add3A_751, %and3A_783 : i32
      %add3A_785 = arith.constant 0 : i32
      %add3A_786 = arith.addi %and3A_784, %add3A_785 : i32
      %jit3A_787 = arith.constant 0 : i32
      %jit3A_788 = arith.constant 63 : i32
      %max3A_789 = arith.maxsi %jit3A_787, %add3A_786 : i32
      %min3A_790 = arith.minsi %jit3A_788, %max3A_789 : i32
      %shift_right_arithmetic3A_791 = arith.constant 6 : i32
      %shift_right_arithmetic3A_792 = arith.shrsi %add3A_751, %shift_right_arithmetic3A_791 : i32
      %and3A_793 = arith.constant 1 : i32
      %and3A_794 = arith.andi %shift_right_arithmetic3A_792, %and3A_793 : i32
      %dma_wait3A_795 = arith.constant 1 : i32
      %dma_wait3A_796 = arith.constant 0 : i32
      %dma_wait3A_797 = arith.constant 0 : i32
      %dma_wait3A_798 = arith.constant 1 : i32
      %dma_wait3A_799 = arith.constant 0 : i32
      %dma_wait3A_800 = arith.constant 0 : i32
      %dma_wait3A_801 = tpu.memref_slice %arg7[%dma_wait3A_797, %dma_wait3A_798, %dma_wait3A_799, %dma_wait3A_800] : memref<2x9x64x64xbf16, #tpu.memory_space<vmem>> -> memref<1x1x64x64xbf16, #tpu.memory_space<vmem>>
      %dma_wait3A_802 = tpu.memref_squeeze %dma_wait3A_801 : memref<1x1x64x64xbf16, #tpu.memory_space<vmem>> -> memref<64x64xbf16, #tpu.memory_space<vmem>>
      %dma_wait3A_803 = arith.constant 0 : i32
      %dma_wait3A_804 = tpu.memref_slice %arg6[%and3A_794, %dma_wait3A_796, %min3A_790, %dma_wait3A_803] : memref<2x3x64x64xi32, #tpu.memory_space<vmem>> -> memref<1x1x1x64xi32, #tpu.memory_space<vmem>>
      %dma_wait3A_805 = tpu.memref_squeeze %dma_wait3A_804 : memref<1x1x1x64xi32, #tpu.memory_space<vmem>> -> memref<64xi32, #tpu.memory_space<vmem>>
      %dma_wait3A_806 = arith.constant 0 : i32
      %dma_wait3A_807 = arith.constant 0 : i32
      %dma_wait3A_808 = tpu.memref_slice %arg2[%dma_wait3A_795, %dma_wait3A_806, %dma_wait3A_807] : memref<9x8192x64xbf16, #tpu.memory_space<hbm>> -> memref<1x8192x64xbf16, #tpu.memory_space<hbm>>
      %dma_wait3A_809 = tpu.memref_squeeze %dma_wait3A_808 : memref<1x8192x64xbf16, #tpu.memory_space<hbm>> -> memref<8192x64xbf16, #tpu.memory_space<hbm>>
      %dma_wait3A_810 = arith.constant 0 : i32
      %dma_wait3A_811 = arith.constant 0 : i32
      %dma_wait3A_812 = tpu.memref_slice %dma_wait3A_809[%dma_wait3A_810, %dma_wait3A_811] : memref<8192x64xbf16, #tpu.memory_space<hbm>> -> memref<8192x64xbf16, #tpu.memory_space<hbm>>
      tpu.wait_indirect_dma semaphore(%arg12 : memref<!tpu.dma_semaphore, #tpu.memory_space<semaphore_mem>>) src(%dma_wait3A_812 : memref<8192x64xbf16, #tpu.memory_space<hbm>>) dst(%dma_wait3A_802 : memref<64x64xbf16, #tpu.memory_space<vmem>>)
      %and3A_813 = arith.constant 63 : i32
      %and3A_814 = arith.andi %add3A_751, %and3A_813 : i32
      %add3A_815 = arith.constant 1 : i32
      %add3A_816 = arith.addi %and3A_814, %add3A_815 : i32
      %jit3A_817 = arith.constant 0 : i32
      %jit3A_818 = arith.constant 63 : i32
      %max3A_819 = arith.maxsi %jit3A_817, %add3A_816 : i32
      %min3A_820 = arith.minsi %jit3A_818, %max3A_819 : i32
      %shift_right_arithmetic3A_821 = arith.constant 6 : i32
      %shift_right_arithmetic3A_822 = arith.shrsi %add3A_751, %shift_right_arithmetic3A_821 : i32
      %and3A_823 = arith.constant 1 : i32
      %and3A_824 = arith.andi %shift_right_arithmetic3A_822, %and3A_823 : i32
      %dma_wait3A_825 = arith.constant 2 : i32
      %dma_wait3A_826 = arith.constant 0 : i32
      %dma_wait3A_827 = arith.constant 0 : i32
      %dma_wait3A_828 = arith.constant 2 : i32
      %dma_wait3A_829 = arith.constant 0 : i32
      %dma_wait3A_830 = arith.constant 0 : i32
      %dma_wait3A_831 = tpu.memref_slice %arg7[%dma_wait3A_827, %dma_wait3A_828, %dma_wait3A_829, %dma_wait3A_830] : memref<2x9x64x64xbf16, #tpu.memory_space<vmem>> -> memref<1x1x64x64xbf16, #tpu.memory_space<vmem>>
      %dma_wait3A_832 = tpu.memref_squeeze %dma_wait3A_831 : memref<1x1x64x64xbf16, #tpu.memory_space<vmem>> -> memref<64x64xbf16, #tpu.memory_space<vmem>>
      %dma_wait3A_833 = arith.constant 0 : i32
      %dma_wait3A_834 = tpu.memref_slice %arg6[%and3A_824, %dma_wait3A_826, %min3A_820, %dma_wait3A_833] : memref<2x3x64x64xi32, #tpu.memory_space<vmem>> -> memref<1x1x1x64xi32, #tpu.memory_space<vmem>>
      %dma_wait3A_835 = tpu.memref_squeeze %dma_wait3A_834 : memref<1x1x1x64xi32, #tpu.memory_space<vmem>> -> memref<64xi32, #tpu.memory_space<vmem>>
      %dma_wait3A_836 = arith.constant 0 : i32
      %dma_wait3A_837 = arith.constant 0 : i32
      %dma_wait3A_838 = tpu.memref_slice %arg2[%dma_wait3A_825, %dma_wait3A_836, %dma_wait3A_837] : memref<9x8192x64xbf16, #tpu.memory_space<hbm>> -> memref<1x8192x64xbf16, #tpu.memory_space<hbm>>
      %dma_wait3A_839 = tpu.memref_squeeze %dma_wait3A_838 : memref<1x8192x64xbf16, #tpu.memory_space<hbm>> -> memref<8192x64xbf16, #tpu.memory_space<hbm>>
      %dma_wait3A_840 = arith.constant 0 : i32
      %dma_wait3A_841 = arith.constant 0 : i32
      %dma_wait3A_842 = tpu.memref_slice %dma_wait3A_839[%dma_wait3A_840, %dma_wait3A_841] : memref<8192x64xbf16, #tpu.memory_space<hbm>> -> memref<8192x64xbf16, #tpu.memory_space<hbm>>
      tpu.wait_indirect_dma semaphore(%arg12 : memref<!tpu.dma_semaphore, #tpu.memory_space<semaphore_mem>>) src(%dma_wait3A_842 : memref<8192x64xbf16, #tpu.memory_space<hbm>>) dst(%dma_wait3A_832 : memref<64x64xbf16, #tpu.memory_space<vmem>>)
      %and3A_843 = arith.constant 63 : i32
      %and3A_844 = arith.andi %add3A_751, %and3A_843 : i32
      %add3A_845 = arith.constant -1 : i32
      %add3A_846 = arith.addi %and3A_844, %add3A_845 : i32
      %jit3A_847 = arith.constant 0 : i32
      %jit3A_848 = arith.constant 63 : i32
      %max3A_849 = arith.maxsi %jit3A_847, %add3A_846 : i32
      %min3A_850 = arith.minsi %jit3A_848, %max3A_849 : i32
      %shift_right_arithmetic3A_851 = arith.constant 6 : i32
      %shift_right_arithmetic3A_852 = arith.shrsi %add3A_751, %shift_right_arithmetic3A_851 : i32
      %and3A_853 = arith.constant 1 : i32
      %and3A_854 = arith.andi %shift_right_arithmetic3A_852, %and3A_853 : i32
      %dma_wait3A_855 = arith.constant 3 : i32
      %dma_wait3A_856 = arith.constant 1 : i32
      %dma_wait3A_857 = arith.constant 0 : i32
      %dma_wait3A_858 = arith.constant 3 : i32
      %dma_wait3A_859 = arith.constant 0 : i32
      %dma_wait3A_860 = arith.constant 0 : i32
      %dma_wait3A_861 = tpu.memref_slice %arg7[%dma_wait3A_857, %dma_wait3A_858, %dma_wait3A_859, %dma_wait3A_860] : memref<2x9x64x64xbf16, #tpu.memory_space<vmem>> -> memref<1x1x64x64xbf16, #tpu.memory_space<vmem>>
      %dma_wait3A_862 = tpu.memref_squeeze %dma_wait3A_861 : memref<1x1x64x64xbf16, #tpu.memory_space<vmem>> -> memref<64x64xbf16, #tpu.memory_space<vmem>>
      %dma_wait3A_863 = arith.constant 0 : i32
      %dma_wait3A_864 = tpu.memref_slice %arg6[%and3A_854, %dma_wait3A_856, %min3A_850, %dma_wait3A_863] : memref<2x3x64x64xi32, #tpu.memory_space<vmem>> -> memref<1x1x1x64xi32, #tpu.memory_space<vmem>>
      %dma_wait3A_865 = tpu.memref_squeeze %dma_wait3A_864 : memref<1x1x1x64xi32, #tpu.memory_space<vmem>> -> memref<64xi32, #tpu.memory_space<vmem>>
      %dma_wait3A_866 = arith.constant 0 : i32
      %dma_wait3A_867 = arith.constant 0 : i32
      %dma_wait3A_868 = tpu.memref_slice %arg2[%dma_wait3A_855, %dma_wait3A_866, %dma_wait3A_867] : memref<9x8192x64xbf16, #tpu.memory_space<hbm>> -> memref<1x8192x64xbf16, #tpu.memory_space<hbm>>
      %dma_wait3A_869 = tpu.memref_squeeze %dma_wait3A_868 : memref<1x8192x64xbf16, #tpu.memory_space<hbm>> -> memref<8192x64xbf16, #tpu.memory_space<hbm>>
      %dma_wait3A_870 = arith.constant 0 : i32
      %dma_wait3A_871 = arith.constant 0 : i32
      %dma_wait3A_872 = tpu.memref_slice %dma_wait3A_869[%dma_wait3A_870, %dma_wait3A_871] : memref<8192x64xbf16, #tpu.memory_space<hbm>> -> memref<8192x64xbf16, #tpu.memory_space<hbm>>
      tpu.wait_indirect_dma semaphore(%arg12 : memref<!tpu.dma_semaphore, #tpu.memory_space<semaphore_mem>>) src(%dma_wait3A_872 : memref<8192x64xbf16, #tpu.memory_space<hbm>>) dst(%dma_wait3A_862 : memref<64x64xbf16, #tpu.memory_space<vmem>>)
      %and3A_873 = arith.constant 63 : i32
      %and3A_874 = arith.andi %add3A_751, %and3A_873 : i32
      %add3A_875 = arith.constant 0 : i32
      %add3A_876 = arith.addi %and3A_874, %add3A_875 : i32
      %jit3A_877 = arith.constant 0 : i32
      %jit3A_878 = arith.constant 63 : i32
      %max3A_879 = arith.maxsi %jit3A_877, %add3A_876 : i32
      %min3A_880 = arith.minsi %jit3A_878, %max3A_879 : i32
      %shift_right_arithmetic3A_881 = arith.constant 6 : i32
      %shift_right_arithmetic3A_882 = arith.shrsi %add3A_751, %shift_right_arithmetic3A_881 : i32
      %and3A_883 = arith.constant 1 : i32
      %and3A_884 = arith.andi %shift_right_arithmetic3A_882, %and3A_883 : i32
      %dma_wait3A_885 = arith.constant 4 : i32
      %dma_wait3A_886 = arith.constant 1 : i32
      %dma_wait3A_887 = arith.constant 0 : i32
      %dma_wait3A_888 = arith.constant 4 : i32
      %dma_wait3A_889 = arith.constant 0 : i32
      %dma_wait3A_890 = arith.constant 0 : i32
      %dma_wait3A_891 = tpu.memref_slice %arg7[%dma_wait3A_887, %dma_wait3A_888, %dma_wait3A_889, %dma_wait3A_890] : memref<2x9x64x64xbf16, #tpu.memory_space<vmem>> -> memref<1x1x64x64xbf16, #tpu.memory_space<vmem>>
      %dma_wait3A_892 = tpu.memref_squeeze %dma_wait3A_891 : memref<1x1x64x64xbf16, #tpu.memory_space<vmem>> -> memref<64x64xbf16, #tpu.memory_space<vmem>>
      %dma_wait3A_893 = arith.constant 0 : i32
      %dma_wait3A_894 = tpu.memref_slice %arg6[%and3A_884, %dma_wait3A_886, %min3A_880, %dma_wait3A_893] : memref<2x3x64x64xi32, #tpu.memory_space<vmem>> -> memref<1x1x1x64xi32, #tpu.memory_space<vmem>>
      %dma_wait3A_895 = tpu.memref_squeeze %dma_wait3A_894 : memref<1x1x1x64xi32, #tpu.memory_space<vmem>> -> memref<64xi32, #tpu.memory_space<vmem>>
      %dma_wait3A_896 = arith.constant 0 : i32
      %dma_wait3A_897 = arith.constant 0 : i32
      %dma_wait3A_898 = tpu.memref_slice %arg2[%dma_wait3A_885, %dma_wait3A_896, %dma_wait3A_897] : memref<9x8192x64xbf16, #tpu.memory_space<hbm>> -> memref<1x8192x64xbf16, #tpu.memory_space<hbm>>
      %dma_wait3A_899 = tpu.memref_squeeze %dma_wait3A_898 : memref<1x8192x64xbf16, #tpu.memory_space<hbm>> -> memref<8192x64xbf16, #tpu.memory_space<hbm>>
      %dma_wait3A_900 = arith.constant 0 : i32
      %dma_wait3A_901 = arith.constant 0 : i32
      %dma_wait3A_902 = tpu.memref_slice %dma_wait3A_899[%dma_wait3A_900, %dma_wait3A_901] : memref<8192x64xbf16, #tpu.memory_space<hbm>> -> memref<8192x64xbf16, #tpu.memory_space<hbm>>
      tpu.wait_indirect_dma semaphore(%arg12 : memref<!tpu.dma_semaphore, #tpu.memory_space<semaphore_mem>>) src(%dma_wait3A_902 : memref<8192x64xbf16, #tpu.memory_space<hbm>>) dst(%dma_wait3A_892 : memref<64x64xbf16, #tpu.memory_space<vmem>>)
      %and3A_903 = arith.constant 63 : i32
      %and3A_904 = arith.andi %add3A_751, %and3A_903 : i32
      %add3A_905 = arith.constant 1 : i32
      %add3A_906 = arith.addi %and3A_904, %add3A_905 : i32
      %jit3A_907 = arith.constant 0 : i32
      %jit3A_908 = arith.constant 63 : i32
      %max3A_909 = arith.maxsi %jit3A_907, %add3A_906 : i32
      %min3A_910 = arith.minsi %jit3A_908, %max3A_909 : i32
      %shift_right_arithmetic3A_911 = arith.constant 6 : i32
      %shift_right_arithmetic3A_912 = arith.shrsi %add3A_751, %shift_right_arithmetic3A_911 : i32
      %and3A_913 = arith.constant 1 : i32
      %and3A_914 = arith.andi %shift_right_arithmetic3A_912, %and3A_913 : i32
      %dma_wait3A_915 = arith.constant 5 : i32
      %dma_wait3A_916 = arith.constant 1 : i32
      %dma_wait3A_917 = arith.constant 0 : i32
      %dma_wait3A_918 = arith.constant 5 : i32
      %dma_wait3A_919 = arith.constant 0 : i32
      %dma_wait3A_920 = arith.constant 0 : i32
      %dma_wait3A_921 = tpu.memref_slice %arg7[%dma_wait3A_917, %dma_wait3A_918, %dma_wait3A_919, %dma_wait3A_920] : memref<2x9x64x64xbf16, #tpu.memory_space<vmem>> -> memref<1x1x64x64xbf16, #tpu.memory_space<vmem>>
      %dma_wait3A_922 = tpu.memref_squeeze %dma_wait3A_921 : memref<1x1x64x64xbf16, #tpu.memory_space<vmem>> -> memref<64x64xbf16, #tpu.memory_space<vmem>>
      %dma_wait3A_923 = arith.constant 0 : i32
      %dma_wait3A_924 = tpu.memref_slice %arg6[%and3A_914, %dma_wait3A_916, %min3A_910, %dma_wait3A_923] : memref<2x3x64x64xi32, #tpu.memory_space<vmem>> -> memref<1x1x1x64xi32, #tpu.memory_space<vmem>>
      %dma_wait3A_925 = tpu.memref_squeeze %dma_wait3A_924 : memref<1x1x1x64xi32, #tpu.memory_space<vmem>> -> memref<64xi32, #tpu.memory_space<vmem>>
      %dma_wait3A_926 = arith.constant 0 : i32
      %dma_wait3A_927 = arith.constant 0 : i32
      %dma_wait3A_928 = tpu.memref_slice %arg2[%dma_wait3A_915, %dma_wait3A_926, %dma_wait3A_927] : memref<9x8192x64xbf16, #tpu.memory_space<hbm>> -> memref<1x8192x64xbf16, #tpu.memory_space<hbm>>
      %dma_wait3A_929 = tpu.memref_squeeze %dma_wait3A_928 : memref<1x8192x64xbf16, #tpu.memory_space<hbm>> -> memref<8192x64xbf16, #tpu.memory_space<hbm>>
      %dma_wait3A_930 = arith.constant 0 : i32
      %dma_wait3A_931 = arith.constant 0 : i32
      %dma_wait3A_932 = tpu.memref_slice %dma_wait3A_929[%dma_wait3A_930, %dma_wait3A_931] : memref<8192x64xbf16, #tpu.memory_space<hbm>> -> memref<8192x64xbf16, #tpu.memory_space<hbm>>
      tpu.wait_indirect_dma semaphore(%arg12 : memref<!tpu.dma_semaphore, #tpu.memory_space<semaphore_mem>>) src(%dma_wait3A_932 : memref<8192x64xbf16, #tpu.memory_space<hbm>>) dst(%dma_wait3A_922 : memref<64x64xbf16, #tpu.memory_space<vmem>>)
      %and3A_933 = arith.constant 63 : i32
      %and3A_934 = arith.andi %add3A_751, %and3A_933 : i32
      %add3A_935 = arith.constant -1 : i32
      %add3A_936 = arith.addi %and3A_934, %add3A_935 : i32
      %jit3A_937 = arith.constant 0 : i32
      %jit3A_938 = arith.constant 63 : i32
      %max3A_939 = arith.maxsi %jit3A_937, %add3A_936 : i32
      %min3A_940 = arith.minsi %jit3A_938, %max3A_939 : i32
      %shift_right_arithmetic3A_941 = arith.constant 6 : i32
      %shift_right_arithmetic3A_942 = arith.shrsi %add3A_751, %shift_right_arithmetic3A_941 : i32
      %and3A_943 = arith.constant 1 : i32
      %and3A_944 = arith.andi %shift_right_arithmetic3A_942, %and3A_943 : i32
      %dma_wait3A_945 = arith.constant 6 : i32
      %dma_wait3A_946 = arith.constant 2 : i32
      %dma_wait3A_947 = arith.constant 0 : i32
      %dma_wait3A_948 = arith.constant 6 : i32
      %dma_wait3A_949 = arith.constant 0 : i32
      %dma_wait3A_950 = arith.constant 0 : i32
      %dma_wait3A_951 = tpu.memref_slice %arg7[%dma_wait3A_947, %dma_wait3A_948, %dma_wait3A_949, %dma_wait3A_950] : memref<2x9x64x64xbf16, #tpu.memory_space<vmem>> -> memref<1x1x64x64xbf16, #tpu.memory_space<vmem>>
      %dma_wait3A_952 = tpu.memref_squeeze %dma_wait3A_951 : memref<1x1x64x64xbf16, #tpu.memory_space<vmem>> -> memref<64x64xbf16, #tpu.memory_space<vmem>>
      %dma_wait3A_953 = arith.constant 0 : i32
      %dma_wait3A_954 = tpu.memref_slice %arg6[%and3A_944, %dma_wait3A_946, %min3A_940, %dma_wait3A_953] : memref<2x3x64x64xi32, #tpu.memory_space<vmem>> -> memref<1x1x1x64xi32, #tpu.memory_space<vmem>>
      %dma_wait3A_955 = tpu.memref_squeeze %dma_wait3A_954 : memref<1x1x1x64xi32, #tpu.memory_space<vmem>> -> memref<64xi32, #tpu.memory_space<vmem>>
      %dma_wait3A_956 = arith.constant 0 : i32
      %dma_wait3A_957 = arith.constant 0 : i32
      %dma_wait3A_958 = tpu.memref_slice %arg2[%dma_wait3A_945, %dma_wait3A_956, %dma_wait3A_957] : memref<9x8192x64xbf16, #tpu.memory_space<hbm>> -> memref<1x8192x64xbf16, #tpu.memory_space<hbm>>
      %dma_wait3A_959 = tpu.memref_squeeze %dma_wait3A_958 : memref<1x8192x64xbf16, #tpu.memory_space<hbm>> -> memref<8192x64xbf16, #tpu.memory_space<hbm>>
      %dma_wait3A_960 = arith.constant 0 : i32
      %dma_wait3A_961 = arith.constant 0 : i32
      %dma_wait3A_962 = tpu.memref_slice %dma_wait3A_959[%dma_wait3A_960, %dma_wait3A_961] : memref<8192x64xbf16, #tpu.memory_space<hbm>> -> memref<8192x64xbf16, #tpu.memory_space<hbm>>
      tpu.wait_indirect_dma semaphore(%arg12 : memref<!tpu.dma_semaphore, #tpu.memory_space<semaphore_mem>>) src(%dma_wait3A_962 : memref<8192x64xbf16, #tpu.memory_space<hbm>>) dst(%dma_wait3A_952 : memref<64x64xbf16, #tpu.memory_space<vmem>>)
      %and3A_963 = arith.constant 63 : i32
      %and3A_964 = arith.andi %add3A_751, %and3A_963 : i32
      %add3A_965 = arith.constant 0 : i32
      %add3A_966 = arith.addi %and3A_964, %add3A_965 : i32
      %jit3A_967 = arith.constant 0 : i32
      %jit3A_968 = arith.constant 63 : i32
      %max3A_969 = arith.maxsi %jit3A_967, %add3A_966 : i32
      %min3A_970 = arith.minsi %jit3A_968, %max3A_969 : i32
      %shift_right_arithmetic3A_971 = arith.constant 6 : i32
      %shift_right_arithmetic3A_972 = arith.shrsi %add3A_751, %shift_right_arithmetic3A_971 : i32
      %and3A_973 = arith.constant 1 : i32
      %and3A_974 = arith.andi %shift_right_arithmetic3A_972, %and3A_973 : i32
      %dma_wait3A_975 = arith.constant 7 : i32
      %dma_wait3A_976 = arith.constant 2 : i32
      %dma_wait3A_977 = arith.constant 0 : i32
      %dma_wait3A_978 = arith.constant 7 : i32
      %dma_wait3A_979 = arith.constant 0 : i32
      %dma_wait3A_980 = arith.constant 0 : i32
      %dma_wait3A_981 = tpu.memref_slice %arg7[%dma_wait3A_977, %dma_wait3A_978, %dma_wait3A_979, %dma_wait3A_980] : memref<2x9x64x64xbf16, #tpu.memory_space<vmem>> -> memref<1x1x64x64xbf16, #tpu.memory_space<vmem>>
      %dma_wait3A_982 = tpu.memref_squeeze %dma_wait3A_981 : memref<1x1x64x64xbf16, #tpu.memory_space<vmem>> -> memref<64x64xbf16, #tpu.memory_space<vmem>>
      %dma_wait3A_983 = arith.constant 0 : i32
      %dma_wait3A_984 = tpu.memref_slice %arg6[%and3A_974, %dma_wait3A_976, %min3A_970, %dma_wait3A_983] : memref<2x3x64x64xi32, #tpu.memory_space<vmem>> -> memref<1x1x1x64xi32, #tpu.memory_space<vmem>>
      %dma_wait3A_985 = tpu.memref_squeeze %dma_wait3A_984 : memref<1x1x1x64xi32, #tpu.memory_space<vmem>> -> memref<64xi32, #tpu.memory_space<vmem>>
      %dma_wait3A_986 = arith.constant 0 : i32
      %dma_wait3A_987 = arith.constant 0 : i32
      %dma_wait3A_988 = tpu.memref_slice %arg2[%dma_wait3A_975, %dma_wait3A_986, %dma_wait3A_987] : memref<9x8192x64xbf16, #tpu.memory_space<hbm>> -> memref<1x8192x64xbf16, #tpu.memory_space<hbm>>
      %dma_wait3A_989 = tpu.memref_squeeze %dma_wait3A_988 : memref<1x8192x64xbf16, #tpu.memory_space<hbm>> -> memref<8192x64xbf16, #tpu.memory_space<hbm>>
      %dma_wait3A_990 = arith.constant 0 : i32
      %dma_wait3A_991 = arith.constant 0 : i32
      %dma_wait3A_992 = tpu.memref_slice %dma_wait3A_989[%dma_wait3A_990, %dma_wait3A_991] : memref<8192x64xbf16, #tpu.memory_space<hbm>> -> memref<8192x64xbf16, #tpu.memory_space<hbm>>
      tpu.wait_indirect_dma semaphore(%arg12 : memref<!tpu.dma_semaphore, #tpu.memory_space<semaphore_mem>>) src(%dma_wait3A_992 : memref<8192x64xbf16, #tpu.memory_space<hbm>>) dst(%dma_wait3A_982 : memref<64x64xbf16, #tpu.memory_space<vmem>>)
      %and3A_993 = arith.constant 63 : i32
      %and3A_994 = arith.andi %add3A_751, %and3A_993 : i32
      %add3A_995 = arith.constant 1 : i32
      %add3A_996 = arith.addi %and3A_994, %add3A_995 : i32
      %jit3A_997 = arith.constant 0 : i32
      %jit3A_998 = arith.constant 63 : i32
      %max3A_999 = arith.maxsi %jit3A_997, %add3A_996 : i32
      %min3A_1000 = arith.minsi %jit3A_998, %max3A_999 : i32
      %shift_right_arithmetic3A_1001 = arith.constant 6 : i32
      %shift_right_arithmetic3A_1002 = arith.shrsi %add3A_751, %shift_right_arithmetic3A_1001 : i32
      %and3A_1003 = arith.constant 1 : i32
      %and3A_1004 = arith.andi %shift_right_arithmetic3A_1002, %and3A_1003 : i32
      %dma_wait3A_1005 = arith.constant 8 : i32
      %dma_wait3A_1006 = arith.constant 2 : i32
      %dma_wait3A_1007 = arith.constant 0 : i32
      %dma_wait3A_1008 = arith.constant 8 : i32
      %dma_wait3A_1009 = arith.constant 0 : i32
      %dma_wait3A_1010 = arith.constant 0 : i32
      %dma_wait3A_1011 = tpu.memref_slice %arg7[%dma_wait3A_1007, %dma_wait3A_1008, %dma_wait3A_1009, %dma_wait3A_1010] : memref<2x9x64x64xbf16, #tpu.memory_space<vmem>> -> memref<1x1x64x64xbf16, #tpu.memory_space<vmem>>
      %dma_wait3A_1012 = tpu.memref_squeeze %dma_wait3A_1011 : memref<1x1x64x64xbf16, #tpu.memory_space<vmem>> -> memref<64x64xbf16, #tpu.memory_space<vmem>>
      %dma_wait3A_1013 = arith.constant 0 : i32
      %dma_wait3A_1014 = tpu.memref_slice %arg6[%and3A_1004, %dma_wait3A_1006, %min3A_1000, %dma_wait3A_1013] : memref<2x3x64x64xi32, #tpu.memory_space<vmem>> -> memref<1x1x1x64xi32, #tpu.memory_space<vmem>>
      %dma_wait3A_1015 = tpu.memref_squeeze %dma_wait3A_1014 : memref<1x1x1x64xi32, #tpu.memory_space<vmem>> -> memref<64xi32, #tpu.memory_space<vmem>>
      %dma_wait3A_1016 = arith.constant 0 : i32
      %dma_wait3A_1017 = arith.constant 0 : i32
      %dma_wait3A_1018 = tpu.memref_slice %arg2[%dma_wait3A_1005, %dma_wait3A_1016, %dma_wait3A_1017] : memref<9x8192x64xbf16, #tpu.memory_space<hbm>> -> memref<1x8192x64xbf16, #tpu.memory_space<hbm>>
      %dma_wait3A_1019 = tpu.memref_squeeze %dma_wait3A_1018 : memref<1x8192x64xbf16, #tpu.memory_space<hbm>> -> memref<8192x64xbf16, #tpu.memory_space<hbm>>
      %dma_wait3A_1020 = arith.constant 0 : i32
      %dma_wait3A_1021 = arith.constant 0 : i32
      %dma_wait3A_1022 = tpu.memref_slice %dma_wait3A_1019[%dma_wait3A_1020, %dma_wait3A_1021] : memref<8192x64xbf16, #tpu.memory_space<hbm>> -> memref<8192x64xbf16, #tpu.memory_space<hbm>>
      tpu.wait_indirect_dma semaphore(%arg12 : memref<!tpu.dma_semaphore, #tpu.memory_space<semaphore_mem>>) src(%dma_wait3A_1022 : memref<8192x64xbf16, #tpu.memory_space<hbm>>) dst(%dma_wait3A_1012 : memref<64x64xbf16, #tpu.memory_space<vmem>>)
      %ge3A = arith.constant 2 : i32
      %ge3A_1023 = arith.cmpi sge, %add3A_751, %ge3A : i32
      %convert_element_type3A = arith.extui %ge3A_1023 : i1 to i32
      %cond3A = arith.constant 0 : i32
      %cond3A_1024 = arith.cmpi ne, %convert_element_type3A, %cond3A : i32
      scf.if %cond3A_1024 {
        %dma_wait3A_2756 = arith.constant 0 : i32
        %dma_wait3A_2757 = arith.constant 0 : i32
        %dma_wait3A_2758 = arith.constant 0 : i32
        %dma_wait3A_2759 = arith.constant 0 : i32
        %dma_wait3A_2760 = arith.constant 0 : i32
        %dma_wait3A_2761 = arith.constant 0 : i32
        %dma_wait3A_2762 = tpu.memref_slice %arg8[%dma_wait3A_2756, %dma_wait3A_2760, %dma_wait3A_2761] : memref<2x16x64xf32, #tpu.memory_space<vmem>> -> memref<1x16x64xf32, #tpu.memory_space<vmem>>
        %dma_wait3A_2763 = tpu.memref_squeeze %dma_wait3A_2762 : memref<1x16x64xf32, #tpu.memory_space<vmem>> -> memref<16x64xf32, #tpu.memory_space<vmem>>
        %dma_wait3A_2764 = arith.constant 0 : i32
        %dma_wait3A_2765 = arith.constant 0 : i32
        %dma_wait3A_2766 = tpu.memref_slice %arg5[%dma_wait3A_2757, %dma_wait3A_2764, %dma_wait3A_2758, %dma_wait3A_2759, %dma_wait3A_2765] : memref<4x16x16x64x64xf32, #tpu.memory_space<hbm>> -> memref<1x16x1x1x64xf32, #tpu.memory_space<hbm>>
        %dma_wait3A_2767 = tpu.memref_squeeze %dma_wait3A_2766 : memref<1x16x1x1x64xf32, #tpu.memory_space<hbm>> -> memref<16x64xf32, #tpu.memory_space<hbm>>
        %dma_wait3A_2768 = arith.constant 0 : i32
        %dma_wait3A_2769 = arith.constant 0 : i32
        %dma_wait3A_2770 = tpu.memref_slice %arg5[%dma_wait3A_2757, %dma_wait3A_2768, %dma_wait3A_2758, %dma_wait3A_2759, %dma_wait3A_2769] : memref<4x16x16x64x64xf32, #tpu.memory_space<hbm>> -> memref<1x16x1x1x64xf32, #tpu.memory_space<hbm>>
        %dma_wait3A_2771 = tpu.memref_squeeze %dma_wait3A_2770 : memref<1x16x1x1x64xf32, #tpu.memory_space<hbm>> -> memref<16x64xf32, #tpu.memory_space<hbm>>
        %dma_wait3A_2772 = arith.constant 0 : i32
        %dma_wait3A_2773 = arith.constant 0 : i32
        %dma_wait3A_2774 = tpu.memref_slice %arg8[%dma_wait3A_2756, %dma_wait3A_2772, %dma_wait3A_2773] : memref<2x16x64xf32, #tpu.memory_space<vmem>> -> memref<1x16x64xf32, #tpu.memory_space<vmem>>
        %dma_wait3A_2775 = tpu.memref_squeeze %dma_wait3A_2774 : memref<1x16x64xf32, #tpu.memory_space<vmem>> -> memref<16x64xf32, #tpu.memory_space<vmem>>
        tpu.wait_dma2 semaphore(%arg14 : memref<!tpu.dma_semaphore, #tpu.memory_space<semaphore_mem>>) src(%dma_wait3A_2775 : memref<16x64xf32, #tpu.memory_space<vmem>>) dst(%dma_wait3A_2771 : memref<16x64xf32, #tpu.memory_space<hbm>>)
      } else {
      }
      %get3A_1025 = arith.constant 0 : i32
      %get3A_1026 = arith.constant 0 : i32
      %get3A_1027 = arith.constant 0 : i32
      %get3A_1028 = arith.index_cast %get3A_1025 : i32 to index
      %get3A_1029 = arith.index_cast %get3A_1026 : i32 to index
      %get3A_1030 = arith.index_cast %get3A_1027 : i32 to index
      %get3A_1031 = arith.constant 0 : index
      %get3A_1032 = tpu.vector_load %arg7[%get3A_1028, %get3A_1029, %get3A_1030, %get3A_1031] {strides = array<i32>} : memref<2x9x64x64xbf16, #tpu.memory_space<vmem>>, vector<32xbf16>,
      %get3A_1033 = arith.constant 0 : i32
      %get3A_1034 = arith.constant 1 : i32
      %get3A_1035 = arith.constant 0 : i32
      %get3A_1036 = arith.index_cast %get3A_1033 : i32 to index
      %get3A_1037 = arith.index_cast %get3A_1034 : i32 to index
      %get3A_1038 = arith.index_cast %get3A_1035 : i32 to index
      %get3A_1039 = arith.constant 0 : index
      %get3A_1040 = tpu.vector_load %arg7[%get3A_1036, %get3A_1037, %get3A_1038, %get3A_1039] {strides = array<i32>} : memref<2x9x64x64xbf16, #tpu.memory_space<vmem>>, vector<32xbf16>,
      %get3A_1041 = arith.constant 0 : i32
      %get3A_1042 = arith.constant 2 : i32
      %get3A_1043 = arith.constant 0 : i32
      %get3A_1044 = arith.index_cast %get3A_1041 : i32 to index
      %get3A_1045 = arith.index_cast %get3A_1042 : i32 to index
      %get3A_1046 = arith.index_cast %get3A_1043 : i32 to index
      %get3A_1047 = arith.constant 0 : index
      %get3A_1048 = tpu.vector_load %arg7[%get3A_1044, %get3A_1045, %get3A_1046, %get3A_1047] {strides = array<i32>} : memref<2x9x64x64xbf16, #tpu.memory_space<vmem>>, vector<32xbf16>,
      %get3A_1049 = arith.constant 0 : i32
      %get3A_1050 = arith.constant 3 : i32
      %get3A_1051 = arith.constant 0 : i32
      %get3A_1052 = arith.index_cast %get3A_1049 : i32 to index
      %get3A_1053 = arith.index_cast %get3A_1050 : i32 to index
      %get3A_1054 = arith.index_cast %get3A_1051 : i32 to index
      %get3A_1055 = arith.constant 0 : index
      %get3A_1056 = tpu.vector_load %arg7[%get3A_1052, %get3A_1053, %get3A_1054, %get3A_1055] {strides = array<i32>} : memref<2x9x64x64xbf16, #tpu.memory_space<vmem>>, vector<32xbf16>,
      %get3A_1057 = arith.constant 0 : i32
      %get3A_1058 = arith.constant 4 : i32
      %get3A_1059 = arith.constant 0 : i32
      %get3A_1060 = arith.index_cast %get3A_1057 : i32 to index
      %get3A_1061 = arith.index_cast %get3A_1058 : i32 to index
      %get3A_1062 = arith.index_cast %get3A_1059 : i32 to index
      %get3A_1063 = arith.constant 0 : index
      %get3A_1064 = tpu.vector_load %arg7[%get3A_1060, %get3A_1061, %get3A_1062, %get3A_1063] {strides = array<i32>} : memref<2x9x64x64xbf16, #tpu.memory_space<vmem>>, vector<32xbf16>,
      %get3A_1065 = arith.constant 0 : i32
      %get3A_1066 = arith.constant 5 : i32
      %get3A_1067 = arith.constant 0 : i32
      %get3A_1068 = arith.index_cast %get3A_1065 : i32 to index
      %get3A_1069 = arith.index_cast %get3A_1066 : i32 to index
      %get3A_1070 = arith.index_cast %get3A_1067 : i32 to index
      %get3A_1071 = arith.constant 0 : index
      %get3A_1072 = tpu.vector_load %arg7[%get3A_1068, %get3A_1069, %get3A_1070, %get3A_1071] {strides = array<i32>} : memref<2x9x64x64xbf16, #tpu.memory_space<vmem>>, vector<32xbf16>,
      %get3A_1073 = arith.constant 0 : i32
      %get3A_1074 = arith.constant 6 : i32
      %get3A_1075 = arith.constant 0 : i32
      %get3A_1076 = arith.index_cast %get3A_1073 : i32 to index
      %get3A_1077 = arith.index_cast %get3A_1074 : i32 to index
      %get3A_1078 = arith.index_cast %get3A_1075 : i32 to index
      %get3A_1079 = arith.constant 0 : index
      %get3A_1080 = tpu.vector_load %arg7[%get3A_1076, %get3A_1077, %get3A_1078, %get3A_1079] {strides = array<i32>} : memref<2x9x64x64xbf16, #tpu.memory_space<vmem>>, vector<32xbf16>,
      %get3A_1081 = arith.constant 0 : i32
      %get3A_1082 = arith.constant 7 : i32
      %get3A_1083 = arith.constant 0 : i32
      %get3A_1084 = arith.index_cast %get3A_1081 : i32 to index
      %get3A_1085 = arith.index_cast %get3A_1082 : i32 to index
      %get3A_1086 = arith.index_cast %get3A_1083 : i32 to index
      %get3A_1087 = arith.constant 0 : index
      %get3A_1088 = tpu.vector_load %arg7[%get3A_1084, %get3A_1085, %get3A_1086, %get3A_1087] {strides = array<i32>} : memref<2x9x64x64xbf16, #tpu.memory_space<vmem>>, vector<32xbf16>,
      %get3A_1089 = arith.constant 0 : i32
      %get3A_1090 = arith.constant 8 : i32
      %get3A_1091 = arith.constant 0 : i32
      %get3A_1092 = arith.index_cast %get3A_1089 : i32 to index
      %get3A_1093 = arith.index_cast %get3A_1090 : i32 to index
      %get3A_1094 = arith.index_cast %get3A_1091 : i32 to index
      %get3A_1095 = arith.constant 0 : index
      %get3A_1096 = tpu.vector_load %arg7[%get3A_1092, %get3A_1093, %get3A_1094, %get3A_1095] {strides = array<i32>} : memref<2x9x64x64xbf16, #tpu.memory_space<vmem>>, vector<32xbf16>,
      %add3A_1097 = arith.addf %get3A_1032, %get3A_1040 : vector<32xbf16>
      %add3A_1098 = arith.addf %get3A_1048, %get3A_1056 : vector<32xbf16>
      %add3A_1099 = arith.addf %get3A_1064, %get3A_1072 : vector<32xbf16>
      %add3A_1100 = arith.addf %get3A_1080, %get3A_1088 : vector<32xbf16>
      %add3A_1101 = arith.addf %add3A_1097, %add3A_1098 : vector<32xbf16>
      %add3A_1102 = arith.addf %add3A_1099, %add3A_1100 : vector<32xbf16>
      %add3A_1103 = arith.addf %add3A_1101, %add3A_1102 : vector<32xbf16>
      %add3A_1104 = arith.addf %add3A_1103, %get3A_1096 : vector<32xbf16>
      %unpack3A = tpu.unpack_subelements %add3A_1104, 0 {pack_format = #tpu.pack_format<interleaved>} : vector<32xbf16> -> vector<16xf32>
      %unpack3A_1105 = tpu.unpack_subelements %add3A_1104, 1 {pack_format = #tpu.pack_format<interleaved>} : vector<32xbf16> -> vector<16xf32>
      %get3A_1106 = arith.constant 0 : i32
      %get3A_1107 = arith.constant 0 : i32
      %get3A_1108 = arith.constant 1 : i32
      %get3A_1109 = arith.index_cast %get3A_1106 : i32 to index
      %get3A_1110 = arith.index_cast %get3A_1107 : i32 to index
      %get3A_1111 = arith.index_cast %get3A_1108 : i32 to index
      %get3A_1112 = arith.constant 32 : index
      %get3A_1113 = tpu.vector_load %arg7[%get3A_1109, %get3A_1110, %get3A_1111, %get3A_1112] {strides = array<i32>} : memref<2x9x64x64xbf16, #tpu.memory_space<vmem>>, vector<32xbf16>,
      %get3A_1114 = arith.constant 0 : i32
      %get3A_1115 = arith.constant 1 : i32
      %get3A_1116 = arith.constant 1 : i32
      %get3A_1117 = arith.index_cast %get3A_1114 : i32 to index
      %get3A_1118 = arith.index_cast %get3A_1115 : i32 to index
      %get3A_1119 = arith.index_cast %get3A_1116 : i32 to index
      %get3A_1120 = arith.constant 32 : index
      %get3A_1121 = tpu.vector_load %arg7[%get3A_1117, %get3A_1118, %get3A_1119, %get3A_1120] {strides = array<i32>} : memref<2x9x64x64xbf16, #tpu.memory_space<vmem>>, vector<32xbf16>,
      %get3A_1122 = arith.constant 0 : i32
      %get3A_1123 = arith.constant 2 : i32
      %get3A_1124 = arith.constant 1 : i32
      %get3A_1125 = arith.index_cast %get3A_1122 : i32 to index
      %get3A_1126 = arith.index_cast %get3A_1123 : i32 to index
      %get3A_1127 = arith.index_cast %get3A_1124 : i32 to index
      %get3A_1128 = arith.constant 32 : index
      %get3A_1129 = tpu.vector_load %arg7[%get3A_1125, %get3A_1126, %get3A_1127, %get3A_1128] {strides = array<i32>} : memref<2x9x64x64xbf16, #tpu.memory_space<vmem>>, vector<32xbf16>,
      %get3A_1130 = arith.constant 0 : i32
      %get3A_1131 = arith.constant 3 : i32
      %get3A_1132 = arith.constant 1 : i32
      %get3A_1133 = arith.index_cast %get3A_1130 : i32 to index
      %get3A_1134 = arith.index_cast %get3A_1131 : i32 to index
      %get3A_1135 = arith.index_cast %get3A_1132 : i32 to index
      %get3A_1136 = arith.constant 32 : index
      %get3A_1137 = tpu.vector_load %arg7[%get3A_1133, %get3A_1134, %get3A_1135, %get3A_1136] {strides = array<i32>} : memref<2x9x64x64xbf16, #tpu.memory_space<vmem>>, vector<32xbf16>,
      %get3A_1138 = arith.constant 0 : i32
      %get3A_1139 = arith.constant 4 : i32
      %get3A_1140 = arith.constant 1 : i32
      %get3A_1141 = arith.index_cast %get3A_1138 : i32 to index
      %get3A_1142 = arith.index_cast %get3A_1139 : i32 to index
      %get3A_1143 = arith.index_cast %get3A_1140 : i32 to index
      %get3A_1144 = arith.constant 32 : index
      %get3A_1145 = tpu.vector_load %arg7[%get3A_1141, %get3A_1142, %get3A_1143, %get3A_1144] {strides = array<i32>} : memref<2x9x64x64xbf16, #tpu.memory_space<vmem>>, vector<32xbf16>,
      %get3A_1146 = arith.constant 0 : i32
      %get3A_1147 = arith.constant 5 : i32
      %get3A_1148 = arith.constant 1 : i32
      %get3A_1149 = arith.index_cast %get3A_1146 : i32 to index
      %get3A_1150 = arith.index_cast %get3A_1147 : i32 to index
      %get3A_1151 = arith.index_cast %get3A_1148 : i32 to index
      %get3A_1152 = arith.constant 32 : index
      %get3A_1153 = tpu.vector_load %arg7[%get3A_1149, %get3A_1150, %get3A_1151, %get3A_1152] {strides = array<i32>} : memref<2x9x64x64xbf16, #tpu.memory_space<vmem>>, vector<32xbf16>,
      %get3A_1154 = arith.constant 0 : i32
      %get3A_1155 = arith.constant 6 : i32
      %get3A_1156 = arith.constant 1 : i32
      %get3A_1157 = arith.index_cast %get3A_1154 : i32 to index
      %get3A_1158 = arith.index_cast %get3A_1155 : i32 to index
      %get3A_1159 = arith.index_cast %get3A_1156 : i32 to index
      %get3A_1160 = arith.constant 32 : index
      %get3A_1161 = tpu.vector_load %arg7[%get3A_1157, %get3A_1158, %get3A_1159, %get3A_1160] {strides = array<i32>} : memref<2x9x64x64xbf16, #tpu.memory_space<vmem>>, vector<32xbf16>,
      %get3A_1162 = arith.constant 0 : i32
      %get3A_1163 = arith.constant 7 : i32
      %get3A_1164 = arith.constant 1 : i32
      %get3A_1165 = arith.index_cast %get3A_1162 : i32 to index
      %get3A_1166 = arith.index_cast %get3A_1163 : i32 to index
      %get3A_1167 = arith.index_cast %get3A_1164 : i32 to index
      %get3A_1168 = arith.constant 32 : index
      %get3A_1169 = tpu.vector_load %arg7[%get3A_1165, %get3A_1166, %get3A_1167, %get3A_1168] {strides = array<i32>} : memref<2x9x64x64xbf16, #tpu.memory_space<vmem>>, vector<32xbf16>,
      %get3A_1170 = arith.constant 0 : i32
      %get3A_1171 = arith.constant 8 : i32
      %get3A_1172 = arith.constant 1 : i32
      %get3A_1173 = arith.index_cast %get3A_1170 : i32 to index
      %get3A_1174 = arith.index_cast %get3A_1171 : i32 to index
      %get3A_1175 = arith.index_cast %get3A_1172 : i32 to index
      %get3A_1176 = arith.constant 32 : index
      %get3A_1177 = tpu.vector_load %arg7[%get3A_1173, %get3A_1174, %get3A_1175, %get3A_1176] {strides = array<i32>} : memref<2x9x64x64xbf16, #tpu.memory_space<vmem>>, vector<32xbf16>,
      %add3A_1178 = arith.addf %get3A_1113, %get3A_1121 : vector<32xbf16>
      %add3A_1179 = arith.addf %get3A_1129, %get3A_1137 : vector<32xbf16>
      %add3A_1180 = arith.addf %get3A_1145, %get3A_1153 : vector<32xbf16>
      %add3A_1181 = arith.addf %get3A_1161, %get3A_1169 : vector<32xbf16>
      %add3A_1182 = arith.addf %add3A_1178, %add3A_1179 : vector<32xbf16>
      %add3A_1183 = arith.addf %add3A_1180, %add3A_1181 : vector<32xbf16>
      %add3A_1184 = arith.addf %add3A_1182, %add3A_1183 : vector<32xbf16>
      %add3A_1185 = arith.addf %add3A_1184, %get3A_1177 : vector<32xbf16>
      %unpack3A_1186 = tpu.unpack_subelements %add3A_1185, 0 {pack_format = #tpu.pack_format<interleaved>} : vector<32xbf16> -> vector<16xf32>
      %unpack3A_1187 = tpu.unpack_subelements %add3A_1185, 1 {pack_format = #tpu.pack_format<interleaved>} : vector<32xbf16> -> vector<16xf32>
      %add3A_1188 = arith.addf %unpack3A, %get3A_3 : vector<16xf32>
      %add3A_1189 = arith.addf %unpack3A_1105, %unpack3A_1186 : vector<16xf32>
      %add3A_1190 = arith.addf %add3A_1188, %add3A_1189 : vector<16xf32>
      %mul3A_1191 = arith.constant 0 : i32
      %mul3A_1192 = vector.broadcast %mul3A_1191 : i32 to vector<16xi32>
      %mul3A_1193 = arith.muli %iota3A, %mul3A_1192 : vector<16xi32>
      %add3A_1194 = arith.constant 0 : i32
      %add3A_1195 = vector.broadcast %add3A_1194 : i32 to vector<16xi32>
      %add3A_1196 = arith.addi %mul3A_1193, %add3A_1195 : vector<16xi32>
      %scatter3A = arith.constant 0 : i32
      %scatter3A_1197 = arith.constant 0 : i32
      %scatter3A_1198 = arith.constant 0 : i32
      %scatter3A_1199 = tpu.memref_slice %arg8[%scatter3A, %scatter3A_1197, %scatter3A_1198] : memref<2x16x64xf32, #tpu.memory_space<vmem>> -> memref<1x16x64xf32, #tpu.memory_space<vmem>>
      %scatter3A_1200 = tpu.memref_squeeze %scatter3A_1199 : memref<1x16x64xf32, #tpu.memory_space<vmem>> -> memref<16x64xf32, #tpu.memory_space<vmem>>
      tpu.vector_store_idx %scatter3A_1200[%iota3A, %add3A_1196], %add3A_1190 : memref<16x64xf32, #tpu.memory_space<vmem>>[vector<16xi32>, vector<16xi32>], vector<16xf32>,
      %scan3A_1201 = arith.constant 0 : i32
      %scan3A_1202 = arith.constant 60 : i32
      %scan3A_1203 = arith.addi %scan3A_1201, %scan3A_1202 : i32
      %scan3A_1204 = arith.constant 4 : i32
      %scan3A_1205 = scf.for %scan3A_2756 = %scan3A_1201 to %scan3A_1203 step %scan3A_1204 iter_args(%scan3A_2757 = %unpack3A) -> (vector<16xf32>)  : i32 {
        %mul3A_2758 = arith.constant 1 : i32
        %mul3A_2759 = arith.muli %scan3A_2756, %mul3A_2758 : i32
        %add3A_2760 = arith.constant 1 : i32
        %add3A_2761 = arith.addi %add3A_2760, %mul3A_2759 : i32
        %get3A_2762 = arith.constant 0 : i32
        %get3A_2763 = arith.constant 0 : i32
        %get3A_2764 = arith.index_cast %get3A_2762 : i32 to index
        %get3A_2765 = arith.index_cast %get3A_2763 : i32 to index
        %get3A_2766 = arith.index_cast %add3A_2761 : i32 to index
        %get3A_2767 = arith.constant 0 : index
        %get3A_2768 = tpu.vector_load %arg7[%get3A_2764, %get3A_2765, %get3A_2766, %get3A_2767] {strides = array<i32>} : memref<2x9x64x64xbf16, #tpu.memory_space<vmem>>, vector<32xbf16>,
        %get3A_2769 = arith.constant 0 : i32
        %get3A_2770 = arith.constant 1 : i32
        %get3A_2771 = arith.index_cast %get3A_2769 : i32 to index
        %get3A_2772 = arith.index_cast %get3A_2770 : i32 to index
        %get3A_2773 = arith.index_cast %add3A_2761 : i32 to index
        %get3A_2774 = arith.constant 0 : index
        %get3A_2775 = tpu.vector_load %arg7[%get3A_2771, %get3A_2772, %get3A_2773, %get3A_2774] {strides = array<i32>} : memref<2x9x64x64xbf16, #tpu.memory_space<vmem>>, vector<32xbf16>,
        %get3A_2776 = arith.constant 0 : i32
        %get3A_2777 = arith.constant 2 : i32
        %get3A_2778 = arith.index_cast %get3A_2776 : i32 to index
        %get3A_2779 = arith.index_cast %get3A_2777 : i32 to index
        %get3A_2780 = arith.index_cast %add3A_2761 : i32 to index
        %get3A_2781 = arith.constant 0 : index
        %get3A_2782 = tpu.vector_load %arg7[%get3A_2778, %get3A_2779, %get3A_2780, %get3A_2781] {strides = array<i32>} : memref<2x9x64x64xbf16, #tpu.memory_space<vmem>>, vector<32xbf16>,
        %get3A_2783 = arith.constant 0 : i32
        %get3A_2784 = arith.constant 3 : i32
        %get3A_2785 = arith.index_cast %get3A_2783 : i32 to index
        %get3A_2786 = arith.index_cast %get3A_2784 : i32 to index
        %get3A_2787 = arith.index_cast %add3A_2761 : i32 to index
        %get3A_2788 = arith.constant 0 : index
        %get3A_2789 = tpu.vector_load %arg7[%get3A_2785, %get3A_2786, %get3A_2787, %get3A_2788] {strides = array<i32>} : memref<2x9x64x64xbf16, #tpu.memory_space<vmem>>, vector<32xbf16>,
        %get3A_2790 = arith.constant 0 : i32
        %get3A_2791 = arith.constant 4 : i32
        %get3A_2792 = arith.index_cast %get3A_2790 : i32 to index
        %get3A_2793 = arith.index_cast %get3A_2791 : i32 to index
        %get3A_2794 = arith.index_cast %add3A_2761 : i32 to index
        %get3A_2795 = arith.constant 0 : index
        %get3A_2796 = tpu.vector_load %arg7[%get3A_2792, %get3A_2793, %get3A_2794, %get3A_2795] {strides = array<i32>} : memref<2x9x64x64xbf16, #tpu.memory_space<vmem>>, vector<32xbf16>,
        %get3A_2797 = arith.constant 0 : i32
        %get3A_2798 = arith.constant 5 : i32
        %get3A_2799 = arith.index_cast %get3A_2797 : i32 to index
        %get3A_2800 = arith.index_cast %get3A_2798 : i32 to index
        %get3A_2801 = arith.index_cast %add3A_2761 : i32 to index
        %get3A_2802 = arith.constant 0 : index
        %get3A_2803 = tpu.vector_load %arg7[%get3A_2799, %get3A_2800, %get3A_2801, %get3A_2802] {strides = array<i32>} : memref<2x9x64x64xbf16, #tpu.memory_space<vmem>>, vector<32xbf16>,
        %get3A_2804 = arith.constant 0 : i32
        %get3A_2805 = arith.constant 6 : i32
        %get3A_2806 = arith.index_cast %get3A_2804 : i32 to index
        %get3A_2807 = arith.index_cast %get3A_2805 : i32 to index
        %get3A_2808 = arith.index_cast %add3A_2761 : i32 to index
        %get3A_2809 = arith.constant 0 : index
        %get3A_2810 = tpu.vector_load %arg7[%get3A_2806, %get3A_2807, %get3A_2808, %get3A_2809] {strides = array<i32>} : memref<2x9x64x64xbf16, #tpu.memory_space<vmem>>, vector<32xbf16>,
        %get3A_2811 = arith.constant 0 : i32
        %get3A_2812 = arith.constant 7 : i32
        %get3A_2813 = arith.index_cast %get3A_2811 : i32 to index
        %get3A_2814 = arith.index_cast %get3A_2812 : i32 to index
        %get3A_2815 = arith.index_cast %add3A_2761 : i32 to index
        %get3A_2816 = arith.constant 0 : index
        %get3A_2817 = tpu.vector_load %arg7[%get3A_2813, %get3A_2814, %get3A_2815, %get3A_2816] {strides = array<i32>} : memref<2x9x64x64xbf16, #tpu.memory_space<vmem>>, vector<32xbf16>,
        %get3A_2818 = arith.constant 0 : i32
        %get3A_2819 = arith.constant 8 : i32
        %get3A_2820 = arith.index_cast %get3A_2818 : i32 to index
        %get3A_2821 = arith.index_cast %get3A_2819 : i32 to index
        %get3A_2822 = arith.index_cast %add3A_2761 : i32 to index
        %get3A_2823 = arith.constant 0 : index
        %get3A_2824 = tpu.vector_load %arg7[%get3A_2820, %get3A_2821, %get3A_2822, %get3A_2823] {strides = array<i32>} : memref<2x9x64x64xbf16, #tpu.memory_space<vmem>>, vector<32xbf16>,
        %add3A_2825 = arith.addf %get3A_2768, %get3A_2775 : vector<32xbf16>
        %add3A_2826 = arith.addf %get3A_2782, %get3A_2789 : vector<32xbf16>
        %add3A_2827 = arith.addf %get3A_2796, %get3A_2803 : vector<32xbf16>
        %add3A_2828 = arith.addf %get3A_2810, %get3A_2817 : vector<32xbf16>
        %add3A_2829 = arith.addf %add3A_2825, %add3A_2826 : vector<32xbf16>
        %add3A_2830 = arith.addf %add3A_2827, %add3A_2828 : vector<32xbf16>
        %add3A_2831 = arith.addf %add3A_2829, %add3A_2830 : vector<32xbf16>
        %add3A_2832 = arith.addf %add3A_2831, %get3A_2824 : vector<32xbf16>
        %unpack3A_2833 = tpu.unpack_subelements %add3A_2832, 0 {pack_format = #tpu.pack_format<interleaved>} : vector<32xbf16> -> vector<16xf32>
        %unpack3A_2834 = tpu.unpack_subelements %add3A_2832, 1 {pack_format = #tpu.pack_format<interleaved>} : vector<32xbf16> -> vector<16xf32>
        %add3A_2835 = arith.constant 1 : i32
        %add3A_2836 = arith.addi %add3A_2761, %add3A_2835 : i32
        %get3A_2837 = arith.constant 0 : i32
        %get3A_2838 = arith.constant 0 : i32
        %get3A_2839 = arith.index_cast %get3A_2837 : i32 to index
        %get3A_2840 = arith.index_cast %get3A_2838 : i32 to index
        %get3A_2841 = arith.index_cast %add3A_2836 : i32 to index
        %get3A_2842 = arith.constant 32 : index
        %get3A_2843 = tpu.vector_load %arg7[%get3A_2839, %get3A_2840, %get3A_2841, %get3A_2842] {strides = array<i32>} : memref<2x9x64x64xbf16, #tpu.memory_space<vmem>>, vector<32xbf16>,
        %get3A_2844 = arith.constant 0 : i32
        %get3A_2845 = arith.constant 1 : i32
        %get3A_2846 = arith.index_cast %get3A_2844 : i32 to index
        %get3A_2847 = arith.index_cast %get3A_2845 : i32 to index
        %get3A_2848 = arith.index_cast %add3A_2836 : i32 to index
        %get3A_2849 = arith.constant 32 : index
        %get3A_2850 = tpu.vector_load %arg7[%get3A_2846, %get3A_2847, %get3A_2848, %get3A_2849] {strides = array<i32>} : memref<2x9x64x64xbf16, #tpu.memory_space<vmem>>, vector<32xbf16>,
        %get3A_2851 = arith.constant 0 : i32
        %get3A_2852 = arith.constant 2 : i32
        %get3A_2853 = arith.index_cast %get3A_2851 : i32 to index
        %get3A_2854 = arith.index_cast %get3A_2852 : i32 to index
        %get3A_2855 = arith.index_cast %add3A_2836 : i32 to index
        %get3A_2856 = arith.constant 32 : index
        %get3A_2857 = tpu.vector_load %arg7[%get3A_2853, %get3A_2854, %get3A_2855, %get3A_2856] {strides = array<i32>} : memref<2x9x64x64xbf16, #tpu.memory_space<vmem>>, vector<32xbf16>,
        %get3A_2858 = arith.constant 0 : i32
        %get3A_2859 = arith.constant 3 : i32
        %get3A_2860 = arith.index_cast %get3A_2858 : i32 to index
        %get3A_2861 = arith.index_cast %get3A_2859 : i32 to index
        %get3A_2862 = arith.index_cast %add3A_2836 : i32 to index
        %get3A_2863 = arith.constant 32 : index
        %get3A_2864 = tpu.vector_load %arg7[%get3A_2860, %get3A_2861, %get3A_2862, %get3A_2863] {strides = array<i32>} : memref<2x9x64x64xbf16, #tpu.memory_space<vmem>>, vector<32xbf16>,
        %get3A_2865 = arith.constant 0 : i32
        %get3A_2866 = arith.constant 4 : i32
        %get3A_2867 = arith.index_cast %get3A_2865 : i32 to index
        %get3A_2868 = arith.index_cast %get3A_2866 : i32 to index
        %get3A_2869 = arith.index_cast %add3A_2836 : i32 to index
        %get3A_2870 = arith.constant 32 : index
        %get3A_2871 = tpu.vector_load %arg7[%get3A_2867, %get3A_2868, %get3A_2869, %get3A_2870] {strides = array<i32>} : memref<2x9x64x64xbf16, #tpu.memory_space<vmem>>, vector<32xbf16>,
        %get3A_2872 = arith.constant 0 : i32
        %get3A_2873 = arith.constant 5 : i32
        %get3A_2874 = arith.index_cast %get3A_2872 : i32 to index
        %get3A_2875 = arith.index_cast %get3A_2873 : i32 to index
        %get3A_2876 = arith.index_cast %add3A_2836 : i32 to index
        %get3A_2877 = arith.constant 32 : index
        %get3A_2878 = tpu.vector_load %arg7[%get3A_2874, %get3A_2875, %get3A_2876, %get3A_2877] {strides = array<i32>} : memref<2x9x64x64xbf16, #tpu.memory_space<vmem>>, vector<32xbf16>,
        %get3A_2879 = arith.constant 0 : i32
        %get3A_2880 = arith.constant 6 : i32
        %get3A_2881 = arith.index_cast %get3A_2879 : i32 to index
        %get3A_2882 = arith.index_cast %get3A_2880 : i32 to index
        %get3A_2883 = arith.index_cast %add3A_2836 : i32 to index
        %get3A_2884 = arith.constant 32 : index
        %get3A_2885 = tpu.vector_load %arg7[%get3A_2881, %get3A_2882, %get3A_2883, %get3A_2884] {strides = array<i32>} : memref<2x9x64x64xbf16, #tpu.memory_space<vmem>>, vector<32xbf16>,
        %get3A_2886 = arith.constant 0 : i32
        %get3A_2887 = arith.constant 7 : i32
        %get3A_2888 = arith.index_cast %get3A_2886 : i32 to index
        %get3A_2889 = arith.index_cast %get3A_2887 : i32 to index
        %get3A_2890 = arith.index_cast %add3A_2836 : i32 to index
        %get3A_2891 = arith.constant 32 : index
        %get3A_2892 = tpu.vector_load %arg7[%get3A_2888, %get3A_2889, %get3A_2890, %get3A_2891] {strides = array<i32>} : memref<2x9x64x64xbf16, #tpu.memory_space<vmem>>, vector<32xbf16>,
        %get3A_2893 = arith.constant 0 : i32
        %get3A_2894 = arith.constant 8 : i32
        %get3A_2895 = arith.index_cast %get3A_2893 : i32 to index
        %get3A_2896 = arith.index_cast %get3A_2894 : i32 to index
        %get3A_2897 = arith.index_cast %add3A_2836 : i32 to index
        %get3A_2898 = arith.constant 32 : index
        %get3A_2899 = tpu.vector_load %arg7[%get3A_2895, %get3A_2896, %get3A_2897, %get3A_2898] {strides = array<i32>} : memref<2x9x64x64xbf16, #tpu.memory_space<vmem>>, vector<32xbf16>,
        %add3A_2900 = arith.addf %get3A_2843, %get3A_2850 : vector<32xbf16>
        %add3A_2901 = arith.addf %get3A_2857, %get3A_2864 : vector<32xbf16>
        %add3A_2902 = arith.addf %get3A_2871, %get3A_2878 : vector<32xbf16>
        %add3A_2903 = arith.addf %get3A_2885, %get3A_2892 : vector<32xbf16>
        %add3A_2904 = arith.addf %add3A_2900, %add3A_2901 : vector<32xbf16>
        %add3A_2905 = arith.addf %add3A_2902, %add3A_2903 : vector<32xbf16>
        %add3A_2906 = arith.addf %add3A_2904, %add3A_2905 : vector<32xbf16>
        %add3A_2907 = arith.addf %add3A_2906, %get3A_2899 : vector<32xbf16>
        %unpack3A_2908 = tpu.unpack_subelements %add3A_2907, 0 {pack_format = #tpu.pack_format<interleaved>} : vector<32xbf16> -> vector<16xf32>
        %unpack3A_2909 = tpu.unpack_subelements %add3A_2907, 1 {pack_format = #tpu.pack_format<interleaved>} : vector<32xbf16> -> vector<16xf32>
        %add3A_2910 = arith.addf %scan3A_2757, %get3A_3 : vector<16xf32>
        %add3A_2911 = arith.addf %unpack3A_2834, %unpack3A_2908 : vector<16xf32>
        %add3A_2912 = arith.addf %add3A_2910, %add3A_2911 : vector<16xf32>
        %mul3A_2913 = arith.constant 0 : i32
        %mul3A_2914 = vector.broadcast %mul3A_2913 : i32 to vector<16xi32>
        %mul3A_2915 = arith.muli %iota3A, %mul3A_2914 : vector<16xi32>
        %add3A_2916 = vector.broadcast %add3A_2761 : i32 to vector<16xi32>
        %add3A_2917 = arith.addi %mul3A_2915, %add3A_2916 : vector<16xi32>
        %scatter3A_2918 = arith.constant 0 : i32
        %scatter3A_2919 = arith.constant 0 : i32
        %scatter3A_2920 = arith.constant 0 : i32
        %scatter3A_2921 = tpu.memref_slice %arg8[%scatter3A_2918, %scatter3A_2919, %scatter3A_2920] : memref<2x16x64xf32, #tpu.memory_space<vmem>> -> memref<1x16x64xf32, #tpu.memory_space<vmem>>
        %scatter3A_2922 = tpu.memref_squeeze %scatter3A_2921 : memref<1x16x64xf32, #tpu.memory_space<vmem>> -> memref<16x64xf32, #tpu.memory_space<vmem>>
        tpu.vector_store_idx %scatter3A_2922[%iota3A, %add3A_2917], %add3A_2912 : memref<16x64xf32, #tpu.memory_space<vmem>>[vector<16xi32>, vector<16xi32>], vector<16xf32>,
        %scan3A_2923 = arith.constant 1 : i32
        %scan3A_2924 = arith.addi %scan3A_2756, %scan3A_2923 : i32
        %mul3A_2925 = arith.constant 1 : i32
        %mul3A_2926 = arith.muli %scan3A_2924, %mul3A_2925 : i32
        %add3A_2927 = arith.constant 1 : i32
        %add3A_2928 = arith.addi %add3A_2927, %mul3A_2926 : i32
        %get3A_2929 = arith.constant 0 : i32
        %get3A_2930 = arith.constant 0 : i32
        %get3A_2931 = arith.index_cast %get3A_2929 : i32 to index
        %get3A_2932 = arith.index_cast %get3A_2930 : i32 to index
        %get3A_2933 = arith.index_cast %add3A_2928 : i32 to index
        %get3A_2934 = arith.constant 0 : index
        %get3A_2935 = tpu.vector_load %arg7[%get3A_2931, %get3A_2932, %get3A_2933, %get3A_2934] {strides = array<i32>} : memref<2x9x64x64xbf16, #tpu.memory_space<vmem>>, vector<32xbf16>,
        %get3A_2936 = arith.constant 0 : i32
        %get3A_2937 = arith.constant 1 : i32
        %get3A_2938 = arith.index_cast %get3A_2936 : i32 to index
        %get3A_2939 = arith.index_cast %get3A_2937 : i32 to index
        %get3A_2940 = arith.index_cast %add3A_2928 : i32 to index
        %get3A_2941 = arith.constant 0 : index
        %get3A_2942 = tpu.vector_load %arg7[%get3A_2938, %get3A_2939, %get3A_2940, %get3A_2941] {strides = array<i32>} : memref<2x9x64x64xbf16, #tpu.memory_space<vmem>>, vector<32xbf16>,
        %get3A_2943 = arith.constant 0 : i32
        %get3A_2944 = arith.constant 2 : i32
        %get3A_2945 = arith.index_cast %get3A_2943 : i32 to index
        %get3A_2946 = arith.index_cast %get3A_2944 : i32 to index
        %get3A_2947 = arith.index_cast %add3A_2928 : i32 to index
        %get3A_2948 = arith.constant 0 : index
        %get3A_2949 = tpu.vector_load %arg7[%get3A_2945, %get3A_2946, %get3A_2947, %get3A_2948] {strides = array<i32>} : memref<2x9x64x64xbf16, #tpu.memory_space<vmem>>, vector<32xbf16>,
        %get3A_2950 = arith.constant 0 : i32
        %get3A_2951 = arith.constant 3 : i32
        %get3A_2952 = arith.index_cast %get3A_2950 : i32 to index
        %get3A_2953 = arith.index_cast %get3A_2951 : i32 to index
        %get3A_2954 = arith.index_cast %add3A_2928 : i32 to index
        %get3A_2955 = arith.constant 0 : index
        %get3A_2956 = tpu.vector_load %arg7[%get3A_2952, %get3A_2953, %get3A_2954, %get3A_2955] {strides = array<i32>} : memref<2x9x64x64xbf16, #tpu.memory_space<vmem>>, vector<32xbf16>,
        %get3A_2957 = arith.constant 0 : i32
        %get3A_2958 = arith.constant 4 : i32
        %get3A_2959 = arith.index_cast %get3A_2957 : i32 to index
        %get3A_2960 = arith.index_cast %get3A_2958 : i32 to index
        %get3A_2961 = arith.index_cast %add3A_2928 : i32 to index
        %get3A_2962 = arith.constant 0 : index
        %get3A_2963 = tpu.vector_load %arg7[%get3A_2959, %get3A_2960, %get3A_2961, %get3A_2962] {strides = array<i32>} : memref<2x9x64x64xbf16, #tpu.memory_space<vmem>>, vector<32xbf16>,
        %get3A_2964 = arith.constant 0 : i32
        %get3A_2965 = arith.constant 5 : i32
        %get3A_2966 = arith.index_cast %get3A_2964 : i32 to index
        %get3A_2967 = arith.index_cast %get3A_2965 : i32 to index
        %get3A_2968 = arith.index_cast %add3A_2928 : i32 to index
        %get3A_2969 = arith.constant 0 : index
        %get3A_2970 = tpu.vector_load %arg7[%get3A_2966, %get3A_2967, %get3A_2968, %get3A_2969] {strides = array<i32>} : memref<2x9x64x64xbf16, #tpu.memory_space<vmem>>, vector<32xbf16>,
        %get3A_2971 = arith.constant 0 : i32
        %get3A_2972 = arith.constant 6 : i32
        %get3A_2973 = arith.index_cast %get3A_2971 : i32 to index
        %get3A_2974 = arith.index_cast %get3A_2972 : i32 to index
        %get3A_2975 = arith.index_cast %add3A_2928 : i32 to index
        %get3A_2976 = arith.constant 0 : index
        %get3A_2977 = tpu.vector_load %arg7[%get3A_2973, %get3A_2974, %get3A_2975, %get3A_2976] {strides = array<i32>} : memref<2x9x64x64xbf16, #tpu.memory_space<vmem>>, vector<32xbf16>,
        %get3A_2978 = arith.constant 0 : i32
        %get3A_2979 = arith.constant 7 : i32
        %get3A_2980 = arith.index_cast %get3A_2978 : i32 to index
        %get3A_2981 = arith.index_cast %get3A_2979 : i32 to index
        %get3A_2982 = arith.index_cast %add3A_2928 : i32 to index
        %get3A_2983 = arith.constant 0 : index
        %get3A_2984 = tpu.vector_load %arg7[%get3A_2980, %get3A_2981, %get3A_2982, %get3A_2983] {strides = array<i32>} : memref<2x9x64x64xbf16, #tpu.memory_space<vmem>>, vector<32xbf16>,
        %get3A_2985 = arith.constant 0 : i32
        %get3A_2986 = arith.constant 8 : i32
        %get3A_2987 = arith.index_cast %get3A_2985 : i32 to index
        %get3A_2988 = arith.index_cast %get3A_2986 : i32 to index
        %get3A_2989 = arith.index_cast %add3A_2928 : i32 to index
        %get3A_2990 = arith.constant 0 : index
        %get3A_2991 = tpu.vector_load %arg7[%get3A_2987, %get3A_2988, %get3A_2989, %get3A_2990] {strides = array<i32>} : memref<2x9x64x64xbf16, #tpu.memory_space<vmem>>, vector<32xbf16>,
        %add3A_2992 = arith.addf %get3A_2935, %get3A_2942 : vector<32xbf16>
        %add3A_2993 = arith.addf %get3A_2949, %get3A_2956 : vector<32xbf16>
        %add3A_2994 = arith.addf %get3A_2963, %get3A_2970 : vector<32xbf16>
        %add3A_2995 = arith.addf %get3A_2977, %get3A_2984 : vector<32xbf16>
        %add3A_2996 = arith.addf %add3A_2992, %add3A_2993 : vector<32xbf16>
        %add3A_2997 = arith.addf %add3A_2994, %add3A_2995 : vector<32xbf16>
        %add3A_2998 = arith.addf %add3A_2996, %add3A_2997 : vector<32xbf16>
        %add3A_2999 = arith.addf %add3A_2998, %get3A_2991 : vector<32xbf16>
        %unpack3A_3000 = tpu.unpack_subelements %add3A_2999, 0 {pack_format = #tpu.pack_format<interleaved>} : vector<32xbf16> -> vector<16xf32>
        %unpack3A_3001 = tpu.unpack_subelements %add3A_2999, 1 {pack_format = #tpu.pack_format<interleaved>} : vector<32xbf16> -> vector<16xf32>
        %add3A_3002 = arith.constant 1 : i32
        %add3A_3003 = arith.addi %add3A_2928, %add3A_3002 : i32
        %get3A_3004 = arith.constant 0 : i32
        %get3A_3005 = arith.constant 0 : i32
        %get3A_3006 = arith.index_cast %get3A_3004 : i32 to index
        %get3A_3007 = arith.index_cast %get3A_3005 : i32 to index
        %get3A_3008 = arith.index_cast %add3A_3003 : i32 to index
        %get3A_3009 = arith.constant 32 : index
        %get3A_3010 = tpu.vector_load %arg7[%get3A_3006, %get3A_3007, %get3A_3008, %get3A_3009] {strides = array<i32>} : memref<2x9x64x64xbf16, #tpu.memory_space<vmem>>, vector<32xbf16>,
        %get3A_3011 = arith.constant 0 : i32
        %get3A_3012 = arith.constant 1 : i32
        %get3A_3013 = arith.index_cast %get3A_3011 : i32 to index
        %get3A_3014 = arith.index_cast %get3A_3012 : i32 to index
        %get3A_3015 = arith.index_cast %add3A_3003 : i32 to index
        %get3A_3016 = arith.constant 32 : index
        %get3A_3017 = tpu.vector_load %arg7[%get3A_3013, %get3A_3014, %get3A_3015, %get3A_3016] {strides = array<i32>} : memref<2x9x64x64xbf16, #tpu.memory_space<vmem>>, vector<32xbf16>,
        %get3A_3018 = arith.constant 0 : i32
        %get3A_3019 = arith.constant 2 : i32
        %get3A_3020 = arith.index_cast %get3A_3018 : i32 to index
        %get3A_3021 = arith.index_cast %get3A_3019 : i32 to index
        %get3A_3022 = arith.index_cast %add3A_3003 : i32 to index
        %get3A_3023 = arith.constant 32 : index
        %get3A_3024 = tpu.vector_load %arg7[%get3A_3020, %get3A_3021, %get3A_3022, %get3A_3023] {strides = array<i32>} : memref<2x9x64x64xbf16, #tpu.memory_space<vmem>>, vector<32xbf16>,
        %get3A_3025 = arith.constant 0 : i32
        %get3A_3026 = arith.constant 3 : i32
        %get3A_3027 = arith.index_cast %get3A_3025 : i32 to index
        %get3A_3028 = arith.index_cast %get3A_3026 : i32 to index
        %get3A_3029 = arith.index_cast %add3A_3003 : i32 to index
        %get3A_3030 = arith.constant 32 : index
        %get3A_3031 = tpu.vector_load %arg7[%get3A_3027, %get3A_3028, %get3A_3029, %get3A_3030] {strides = array<i32>} : memref<2x9x64x64xbf16, #tpu.memory_space<vmem>>, vector<32xbf16>,
        %get3A_3032 = arith.constant 0 : i32
        %get3A_3033 = arith.constant 4 : i32
        %get3A_3034 = arith.index_cast %get3A_3032 : i32 to index
        %get3A_3035 = arith.index_cast %get3A_3033 : i32 to index
        %get3A_3036 = arith.index_cast %add3A_3003 : i32 to index
        %get3A_3037 = arith.constant 32 : index
        %get3A_3038 = tpu.vector_load %arg7[%get3A_3034, %get3A_3035, %get3A_3036, %get3A_3037] {strides = array<i32>} : memref<2x9x64x64xbf16, #tpu.memory_space<vmem>>, vector<32xbf16>,
        %get3A_3039 = arith.constant 0 : i32
        %get3A_3040 = arith.constant 5 : i32
        %get3A_3041 = arith.index_cast %get3A_3039 : i32 to index
        %get3A_3042 = arith.index_cast %get3A_3040 : i32 to index
        %get3A_3043 = arith.index_cast %add3A_3003 : i32 to index
        %get3A_3044 = arith.constant 32 : index
        %get3A_3045 = tpu.vector_load %arg7[%get3A_3041, %get3A_3042, %get3A_3043, %get3A_3044] {strides = array<i32>} : memref<2x9x64x64xbf16, #tpu.memory_space<vmem>>, vector<32xbf16>,
        %get3A_3046 = arith.constant 0 : i32
        %get3A_3047 = arith.constant 6 : i32
        %get3A_3048 = arith.index_cast %get3A_3046 : i32 to index
        %get3A_3049 = arith.index_cast %get3A_3047 : i32 to index
        %get3A_3050 = arith.index_cast %add3A_3003 : i32 to index
        %get3A_3051 = arith.constant 32 : index
        %get3A_3052 = tpu.vector_load %arg7[%get3A_3048, %get3A_3049, %get3A_3050, %get3A_3051] {strides = array<i32>} : memref<2x9x64x64xbf16, #tpu.memory_space<vmem>>, vector<32xbf16>,
        %get3A_3053 = arith.constant 0 : i32
        %get3A_3054 = arith.constant 7 : i32
        %get3A_3055 = arith.index_cast %get3A_3053 : i32 to index
        %get3A_3056 = arith.index_cast %get3A_3054 : i32 to index
        %get3A_3057 = arith.index_cast %add3A_3003 : i32 to index
        %get3A_3058 = arith.constant 32 : index
        %get3A_3059 = tpu.vector_load %arg7[%get3A_3055, %get3A_3056, %get3A_3057, %get3A_3058] {strides = array<i32>} : memref<2x9x64x64xbf16, #tpu.memory_space<vmem>>, vector<32xbf16>,
        %get3A_3060 = arith.constant 0 : i32
        %get3A_3061 = arith.constant 8 : i32
        %get3A_3062 = arith.index_cast %get3A_3060 : i32 to index
        %get3A_3063 = arith.index_cast %get3A_3061 : i32 to index
        %get3A_3064 = arith.index_cast %add3A_3003 : i32 to index
        %get3A_3065 = arith.constant 32 : index
        %get3A_3066 = tpu.vector_load %arg7[%get3A_3062, %get3A_3063, %get3A_3064, %get3A_3065] {strides = array<i32>} : memref<2x9x64x64xbf16, #tpu.memory_space<vmem>>, vector<32xbf16>,
        %add3A_3067 = arith.addf %get3A_3010, %get3A_3017 : vector<32xbf16>
        %add3A_3068 = arith.addf %get3A_3024, %get3A_3031 : vector<32xbf16>
        %add3A_3069 = arith.addf %get3A_3038, %get3A_3045 : vector<32xbf16>
        %add3A_3070 = arith.addf %get3A_3052, %get3A_3059 : vector<32xbf16>
        %add3A_3071 = arith.addf %add3A_3067, %add3A_3068 : vector<32xbf16>
        %add3A_3072 = arith.addf %add3A_3069, %add3A_3070 : vector<32xbf16>
        %add3A_3073 = arith.addf %add3A_3071, %add3A_3072 : vector<32xbf16>
        %add3A_3074 = arith.addf %add3A_3073, %get3A_3066 : vector<32xbf16>
        %unpack3A_3075 = tpu.unpack_subelements %add3A_3074, 0 {pack_format = #tpu.pack_format<interleaved>} : vector<32xbf16> -> vector<16xf32>
        %unpack3A_3076 = tpu.unpack_subelements %add3A_3074, 1 {pack_format = #tpu.pack_format<interleaved>} : vector<32xbf16> -> vector<16xf32>
        %add3A_3077 = arith.addf %unpack3A_2833, %get3A_3 : vector<16xf32>
        %add3A_3078 = arith.addf %unpack3A_3001, %unpack3A_3075 : vector<16xf32>
        %add3A_3079 = arith.addf %add3A_3077, %add3A_3078 : vector<16xf32>
        %mul3A_3080 = arith.constant 0 : i32
        %mul3A_3081 = vector.broadcast %mul3A_3080 : i32 to vector<16xi32>
        %mul3A_3082 = arith.muli %iota3A, %mul3A_3081 : vector<16xi32>
        %add3A_3083 = vector.broadcast %add3A_2928 : i32 to vector<16xi32>
        %add3A_3084 = arith.addi %mul3A_3082, %add3A_3083 : vector<16xi32>
        %scatter3A_3085 = arith.constant 0 : i32
        %scatter3A_3086 = arith.constant 0 : i32
        %scatter3A_3087 = arith.constant 0 : i32
        %scatter3A_3088 = tpu.memref_slice %arg8[%scatter3A_3085, %scatter3A_3086, %scatter3A_3087] : memref<2x16x64xf32, #tpu.memory_space<vmem>> -> memref<1x16x64xf32, #tpu.memory_space<vmem>>
        %scatter3A_3089 = tpu.memref_squeeze %scatter3A_3088 : memref<1x16x64xf32, #tpu.memory_space<vmem>> -> memref<16x64xf32, #tpu.memory_space<vmem>>
        tpu.vector_store_idx %scatter3A_3089[%iota3A, %add3A_3084], %add3A_3079 : memref<16x64xf32, #tpu.memory_space<vmem>>[vector<16xi32>, vector<16xi32>], vector<16xf32>,
        %scan3A_3090 = arith.constant 2 : i32
        %scan3A_3091 = arith.addi %scan3A_2756, %scan3A_3090 : i32
        %mul3A_3092 = arith.constant 1 : i32
        %mul3A_3093 = arith.muli %scan3A_3091, %mul3A_3092 : i32
        %add3A_3094 = arith.constant 1 : i32
        %add3A_3095 = arith.addi %add3A_3094, %mul3A_3093 : i32
        %get3A_3096 = arith.constant 0 : i32
        %get3A_3097 = arith.constant 0 : i32
        %get3A_3098 = arith.index_cast %get3A_3096 : i32 to index
        %get3A_3099 = arith.index_cast %get3A_3097 : i32 to index
        %get3A_3100 = arith.index_cast %add3A_3095 : i32 to index
        %get3A_3101 = arith.constant 0 : index
        %get3A_3102 = tpu.vector_load %arg7[%get3A_3098, %get3A_3099, %get3A_3100, %get3A_3101] {strides = array<i32>} : memref<2x9x64x64xbf16, #tpu.memory_space<vmem>>, vector<32xbf16>,
        %get3A_3103 = arith.constant 0 : i32
        %get3A_3104 = arith.constant 1 : i32
        %get3A_3105 = arith.index_cast %get3A_3103 : i32 to index
        %get3A_3106 = arith.index_cast %get3A_3104 : i32 to index
        %get3A_3107 = arith.index_cast %add3A_3095 : i32 to index
        %get3A_3108 = arith.constant 0 : index
        %get3A_3109 = tpu.vector_load %arg7[%get3A_3105, %get3A_3106, %get3A_3107, %get3A_3108] {strides = array<i32>} : memref<2x9x64x64xbf16, #tpu.memory_space<vmem>>, vector<32xbf16>,
        %get3A_3110 = arith.constant 0 : i32
        %get3A_3111 = arith.constant 2 : i32
        %get3A_3112 = arith.index_cast %get3A_3110 : i32 to index
        %get3A_3113 = arith.index_cast %get3A_3111 : i32 to index
        %get3A_3114 = arith.index_cast %add3A_3095 : i32 to index
        %get3A_3115 = arith.constant 0 : index
        %get3A_3116 = tpu.vector_load %arg7[%get3A_3112, %get3A_3113, %get3A_3114, %get3A_3115] {strides = array<i32>} : memref<2x9x64x64xbf16, #tpu.memory_space<vmem>>, vector<32xbf16>,
        %get3A_3117 = arith.constant 0 : i32
        %get3A_3118 = arith.constant 3 : i32
        %get3A_3119 = arith.index_cast %get3A_3117 : i32 to index
        %get3A_3120 = arith.index_cast %get3A_3118 : i32 to index
        %get3A_3121 = arith.index_cast %add3A_3095 : i32 to index
        %get3A_3122 = arith.constant 0 : index
        %get3A_3123 = tpu.vector_load %arg7[%get3A_3119, %get3A_3120, %get3A_3121, %get3A_3122] {strides = array<i32>} : memref<2x9x64x64xbf16, #tpu.memory_space<vmem>>, vector<32xbf16>,
        %get3A_3124 = arith.constant 0 : i32
        %get3A_3125 = arith.constant 4 : i32
        %get3A_3126 = arith.index_cast %get3A_3124 : i32 to index
        %get3A_3127 = arith.index_cast %get3A_3125 : i32 to index
        %get3A_3128 = arith.index_cast %add3A_3095 : i32 to index
        %get3A_3129 = arith.constant 0 : index
        %get3A_3130 = tpu.vector_load %arg7[%get3A_3126, %get3A_3127, %get3A_3128, %get3A_3129] {strides = array<i32>} : memref<2x9x64x64xbf16, #tpu.memory_space<vmem>>, vector<32xbf16>,
        %get3A_3131 = arith.constant 0 : i32
        %get3A_3132 = arith.constant 5 : i32
        %get3A_3133 = arith.index_cast %get3A_3131 : i32 to index
        %get3A_3134 = arith.index_cast %get3A_3132 : i32 to index
        %get3A_3135 = arith.index_cast %add3A_3095 : i32 to index
        %get3A_3136 = arith.constant 0 : index
        %get3A_3137 = tpu.vector_load %arg7[%get3A_3133, %get3A_3134, %get3A_3135, %get3A_3136] {strides = array<i32>} : memref<2x9x64x64xbf16, #tpu.memory_space<vmem>>, vector<32xbf16>,
        %get3A_3138 = arith.constant 0 : i32
        %get3A_3139 = arith.constant 6 : i32
        %get3A_3140 = arith.index_cast %get3A_3138 : i32 to index
        %get3A_3141 = arith.index_cast %get3A_3139 : i32 to index
        %get3A_3142 = arith.index_cast %add3A_3095 : i32 to index
        %get3A_3143 = arith.constant 0 : index
        %get3A_3144 = tpu.vector_load %arg7[%get3A_3140, %get3A_3141, %get3A_3142, %get3A_3143] {strides = array<i32>} : memref<2x9x64x64xbf16, #tpu.memory_space<vmem>>, vector<32xbf16>,
        %get3A_3145 = arith.constant 0 : i32
        %get3A_3146 = arith.constant 7 : i32
        %get3A_3147 = arith.index_cast %get3A_3145 : i32 to index
        %get3A_3148 = arith.index_cast %get3A_3146 : i32 to index
        %get3A_3149 = arith.index_cast %add3A_3095 : i32 to index
        %get3A_3150 = arith.constant 0 : index
        %get3A_3151 = tpu.vector_load %arg7[%get3A_3147, %get3A_3148, %get3A_3149, %get3A_3150] {strides = array<i32>} : memref<2x9x64x64xbf16, #tpu.memory_space<vmem>>, vector<32xbf16>,
        %get3A_3152 = arith.constant 0 : i32
        %get3A_3153 = arith.constant 8 : i32
        %get3A_3154 = arith.index_cast %get3A_3152 : i32 to index
        %get3A_3155 = arith.index_cast %get3A_3153 : i32 to index
        %get3A_3156 = arith.index_cast %add3A_3095 : i32 to index
        %get3A_3157 = arith.constant 0 : index
        %get3A_3158 = tpu.vector_load %arg7[%get3A_3154, %get3A_3155, %get3A_3156, %get3A_3157] {strides = array<i32>} : memref<2x9x64x64xbf16, #tpu.memory_space<vmem>>, vector<32xbf16>,
        %add3A_3159 = arith.addf %get3A_3102, %get3A_3109 : vector<32xbf16>
        %add3A_3160 = arith.addf %get3A_3116, %get3A_3123 : vector<32xbf16>
        %add3A_3161 = arith.addf %get3A_3130, %get3A_3137 : vector<32xbf16>
        %add3A_3162 = arith.addf %get3A_3144, %get3A_3151 : vector<32xbf16>
        %add3A_3163 = arith.addf %add3A_3159, %add3A_3160 : vector<32xbf16>
        %add3A_3164 = arith.addf %add3A_3161, %add3A_3162 : vector<32xbf16>
        %add3A_3165 = arith.addf %add3A_3163, %add3A_3164 : vector<32xbf16>
        %add3A_3166 = arith.addf %add3A_3165, %get3A_3158 : vector<32xbf16>
        %unpack3A_3167 = tpu.unpack_subelements %add3A_3166, 0 {pack_format = #tpu.pack_format<interleaved>} : vector<32xbf16> -> vector<16xf32>
        %unpack3A_3168 = tpu.unpack_subelements %add3A_3166, 1 {pack_format = #tpu.pack_format<interleaved>} : vector<32xbf16> -> vector<16xf32>
        %add3A_3169 = arith.constant 1 : i32
        %add3A_3170 = arith.addi %add3A_3095, %add3A_3169 : i32
        %get3A_3171 = arith.constant 0 : i32
        %get3A_3172 = arith.constant 0 : i32
        %get3A_3173 = arith.index_cast %get3A_3171 : i32 to index
        %get3A_3174 = arith.index_cast %get3A_3172 : i32 to index
        %get3A_3175 = arith.index_cast %add3A_3170 : i32 to index
        %get3A_3176 = arith.constant 32 : index
        %get3A_3177 = tpu.vector_load %arg7[%get3A_3173, %get3A_3174, %get3A_3175, %get3A_3176] {strides = array<i32>} : memref<2x9x64x64xbf16, #tpu.memory_space<vmem>>, vector<32xbf16>,
        %get3A_3178 = arith.constant 0 : i32
        %get3A_3179 = arith.constant 1 : i32
        %get3A_3180 = arith.index_cast %get3A_3178 : i32 to index
        %get3A_3181 = arith.index_cast %get3A_3179 : i32 to index
        %get3A_3182 = arith.index_cast %add3A_3170 : i32 to index
        %get3A_3183 = arith.constant 32 : index
        %get3A_3184 = tpu.vector_load %arg7[%get3A_3180, %get3A_3181, %get3A_3182, %get3A_3183] {strides = array<i32>} : memref<2x9x64x64xbf16, #tpu.memory_space<vmem>>, vector<32xbf16>,
        %get3A_3185 = arith.constant 0 : i32
        %get3A_3186 = arith.constant 2 : i32
        %get3A_3187 = arith.index_cast %get3A_3185 : i32 to index
        %get3A_3188 = arith.index_cast %get3A_3186 : i32 to index
        %get3A_3189 = arith.index_cast %add3A_3170 : i32 to index
        %get3A_3190 = arith.constant 32 : index
        %get3A_3191 = tpu.vector_load %arg7[%get3A_3187, %get3A_3188, %get3A_3189, %get3A_3190] {strides = array<i32>} : memref<2x9x64x64xbf16, #tpu.memory_space<vmem>>, vector<32xbf16>,
        %get3A_3192 = arith.constant 0 : i32
        %get3A_3193 = arith.constant 3 : i32
        %get3A_3194 = arith.index_cast %get3A_3192 : i32 to index
        %get3A_3195 = arith.index_cast %get3A_3193 : i32 to index
        %get3A_3196 = arith.index_cast %add3A_3170 : i32 to index
        %get3A_3197 = arith.constant 32 : index
        %get3A_3198 = tpu.vector_load %arg7[%get3A_3194, %get3A_3195, %get3A_3196, %get3A_3197] {strides = array<i32>} : memref<2x9x64x64xbf16, #tpu.memory_space<vmem>>, vector<32xbf16>,
        %get3A_3199 = arith.constant 0 : i32
        %get3A_3200 = arith.constant 4 : i32
        %get3A_3201 = arith.index_cast %get3A_3199 : i32 to index
        %get3A_3202 = arith.index_cast %get3A_3200 : i32 to index
        %get3A_3203 = arith.index_cast %add3A_3170 : i32 to index
        %get3A_3204 = arith.constant 32 : index
        %get3A_3205 = tpu.vector_load %arg7[%get3A_3201, %get3A_3202, %get3A_3203, %get3A_3204] {strides = array<i32>} : memref<2x9x64x64xbf16, #tpu.memory_space<vmem>>, vector<32xbf16>,
        %get3A_3206 = arith.constant 0 : i32
        %get3A_3207 = arith.constant 5 : i32
        %get3A_3208 = arith.index_cast %get3A_3206 : i32 to index
        %get3A_3209 = arith.index_cast %get3A_3207 : i32 to index
        %get3A_3210 = arith.index_cast %add3A_3170 : i32 to index
        %get3A_3211 = arith.constant 32 : index
        %get3A_3212 = tpu.vector_load %arg7[%get3A_3208, %get3A_3209, %get3A_3210, %get3A_3211] {strides = array<i32>} : memref<2x9x64x64xbf16, #tpu.memory_space<vmem>>, vector<32xbf16>,
        %get3A_3213 = arith.constant 0 : i32
        %get3A_3214 = arith.constant 6 : i32
        %get3A_3215 = arith.index_cast %get3A_3213 : i32 to index
        %get3A_3216 = arith.index_cast %get3A_3214 : i32 to index
        %get3A_3217 = arith.index_cast %add3A_3170 : i32 to index
        %get3A_3218 = arith.constant 32 : index
        %get3A_3219 = tpu.vector_load %arg7[%get3A_3215, %get3A_3216, %get3A_3217, %get3A_3218] {strides = array<i32>} : memref<2x9x64x64xbf16, #tpu.memory_space<vmem>>, vector<32xbf16>,
        %get3A_3220 = arith.constant 0 : i32
        %get3A_3221 = arith.constant 7 : i32
        %get3A_3222 = arith.index_cast %get3A_3220 : i32 to index
        %get3A_3223 = arith.index_cast %get3A_3221 : i32 to index
        %get3A_3224 = arith.index_cast %add3A_3170 : i32 to index
        %get3A_3225 = arith.constant 32 : index
        %get3A_3226 = tpu.vector_load %arg7[%get3A_3222, %get3A_3223, %get3A_3224, %get3A_3225] {strides = array<i32>} : memref<2x9x64x64xbf16, #tpu.memory_space<vmem>>, vector<32xbf16>,
        %get3A_3227 = arith.constant 0 : i32
        %get3A_3228 = arith.constant 8 : i32
        %get3A_3229 = arith.index_cast %get3A_3227 : i32 to index
        %get3A_3230 = arith.index_cast %get3A_3228 : i32 to index
        %get3A_3231 = arith.index_cast %add3A_3170 : i32 to index
        %get3A_3232 = arith.constant 32 : index
        %get3A_3233 = tpu.vector_load %arg7[%get3A_3229, %get3A_3230, %get3A_3231, %get3A_3232] {strides = array<i32>} : memref<2x9x64x64xbf16, #tpu.memory_space<vmem>>, vector<32xbf16>,
        %add3A_3234 = arith.addf %get3A_3177, %get3A_3184 : vector<32xbf16>
        %add3A_3235 = arith.addf %get3A_3191, %get3A_3198 : vector<32xbf16>
        %add3A_3236 = arith.addf %get3A_3205, %get3A_3212 : vector<32xbf16>
        %add3A_3237 = arith.addf %get3A_3219, %get3A_3226 : vector<32xbf16>
        %add3A_3238 = arith.addf %add3A_3234, %add3A_3235 : vector<32xbf16>
        %add3A_3239 = arith.addf %add3A_3236, %add3A_3237 : vector<32xbf16>
        %add3A_3240 = arith.addf %add3A_3238, %add3A_3239 : vector<32xbf16>
        %add3A_3241 = arith.addf %add3A_3240, %get3A_3233 : vector<32xbf16>
        %unpack3A_3242 = tpu.unpack_subelements %add3A_3241, 0 {pack_format = #tpu.pack_format<interleaved>} : vector<32xbf16> -> vector<16xf32>
        %unpack3A_3243 = tpu.unpack_subelements %add3A_3241, 1 {pack_format = #tpu.pack_format<interleaved>} : vector<32xbf16> -> vector<16xf32>
        %add3A_3244 = arith.addf %unpack3A_3000, %get3A_3 : vector<16xf32>
        %add3A_3245 = arith.addf %unpack3A_3168, %unpack3A_3242 : vector<16xf32>
        %add3A_3246 = arith.addf %add3A_3244, %add3A_3245 : vector<16xf32>
        %mul3A_3247 = arith.constant 0 : i32
        %mul3A_3248 = vector.broadcast %mul3A_3247 : i32 to vector<16xi32>
        %mul3A_3249 = arith.muli %iota3A, %mul3A_3248 : vector<16xi32>
        %add3A_3250 = vector.broadcast %add3A_3095 : i32 to vector<16xi32>
        %add3A_3251 = arith.addi %mul3A_3249, %add3A_3250 : vector<16xi32>
        %scatter3A_3252 = arith.constant 0 : i32
        %scatter3A_3253 = arith.constant 0 : i32
        %scatter3A_3254 = arith.constant 0 : i32
        %scatter3A_3255 = tpu.memref_slice %arg8[%scatter3A_3252, %scatter3A_3253, %scatter3A_3254] : memref<2x16x64xf32, #tpu.memory_space<vmem>> -> memref<1x16x64xf32, #tpu.memory_space<vmem>>
        %scatter3A_3256 = tpu.memref_squeeze %scatter3A_3255 : memref<1x16x64xf32, #tpu.memory_space<vmem>> -> memref<16x64xf32, #tpu.memory_space<vmem>>
        tpu.vector_store_idx %scatter3A_3256[%iota3A, %add3A_3251], %add3A_3246 : memref<16x64xf32, #tpu.memory_space<vmem>>[vector<16xi32>, vector<16xi32>], vector<16xf32>,
        %scan3A_3257 = arith.constant 3 : i32
        %scan3A_3258 = arith.addi %scan3A_2756, %scan3A_3257 : i32
        %mul3A_3259 = arith.constant 1 : i32
        %mul3A_3260 = arith.muli %scan3A_3258, %mul3A_3259 : i32
        %add3A_3261 = arith.constant 1 : i32
        %add3A_3262 = arith.addi %add3A_3261, %mul3A_3260 : i32
        %get3A_3263 = arith.constant 0 : i32
        %get3A_3264 = arith.constant 0 : i32
        %get3A_3265 = arith.index_cast %get3A_3263 : i32 to index
        %get3A_3266 = arith.index_cast %get3A_3264 : i32 to index
        %get3A_3267 = arith.index_cast %add3A_3262 : i32 to index
        %get3A_3268 = arith.constant 0 : index
        %get3A_3269 = tpu.vector_load %arg7[%get3A_3265, %get3A_3266, %get3A_3267, %get3A_3268] {strides = array<i32>} : memref<2x9x64x64xbf16, #tpu.memory_space<vmem>>, vector<32xbf16>,
        %get3A_3270 = arith.constant 0 : i32
        %get3A_3271 = arith.constant 1 : i32
        %get3A_3272 = arith.index_cast %get3A_3270 : i32 to index
        %get3A_3273 = arith.index_cast %get3A_3271 : i32 to index
        %get3A_3274 = arith.index_cast %add3A_3262 : i32 to index
        %get3A_3275 = arith.constant 0 : index
        %get3A_3276 = tpu.vector_load %arg7[%get3A_3272, %get3A_3273, %get3A_3274, %get3A_3275] {strides = array<i32>} : memref<2x9x64x64xbf16, #tpu.memory_space<vmem>>, vector<32xbf16>,
        %get3A_3277 = arith.constant 0 : i32
        %get3A_3278 = arith.constant 2 : i32
        %get3A_3279 = arith.index_cast %get3A_3277 : i32 to index
        %get3A_3280 = arith.index_cast %get3A_3278 : i32 to index
        %get3A_3281 = arith.index_cast %add3A_3262 : i32 to index
        %get3A_3282 = arith.constant 0 : index
        %get3A_3283 = tpu.vector_load %arg7[%get3A_3279, %get3A_3280, %get3A_3281, %get3A_3282] {strides = array<i32>} : memref<2x9x64x64xbf16, #tpu.memory_space<vmem>>, vector<32xbf16>,
        %get3A_3284 = arith.constant 0 : i32
        %get3A_3285 = arith.constant 3 : i32
        %get3A_3286 = arith.index_cast %get3A_3284 : i32 to index
        %get3A_3287 = arith.index_cast %get3A_3285 : i32 to index
        %get3A_3288 = arith.index_cast %add3A_3262 : i32 to index
        %get3A_3289 = arith.constant 0 : index
        %get3A_3290 = tpu.vector_load %arg7[%get3A_3286, %get3A_3287, %get3A_3288, %get3A_3289] {strides = array<i32>} : memref<2x9x64x64xbf16, #tpu.memory_space<vmem>>, vector<32xbf16>,
        %get3A_3291 = arith.constant 0 : i32
        %get3A_3292 = arith.constant 4 : i32
        %get3A_3293 = arith.index_cast %get3A_3291 : i32 to index
        %get3A_3294 = arith.index_cast %get3A_3292 : i32 to index
        %get3A_3295 = arith.index_cast %add3A_3262 : i32 to index
        %get3A_3296 = arith.constant 0 : index
        %get3A_3297 = tpu.vector_load %arg7[%get3A_3293, %get3A_3294, %get3A_3295, %get3A_3296] {strides = array<i32>} : memref<2x9x64x64xbf16, #tpu.memory_space<vmem>>, vector<32xbf16>,
        %get3A_3298 = arith.constant 0 : i32
        %get3A_3299 = arith.constant 5 : i32
        %get3A_3300 = arith.index_cast %get3A_3298 : i32 to index
        %get3A_3301 = arith.index_cast %get3A_3299 : i32 to index
        %get3A_3302 = arith.index_cast %add3A_3262 : i32 to index
        %get3A_3303 = arith.constant 0 : index
        %get3A_3304 = tpu.vector_load %arg7[%get3A_3300, %get3A_3301, %get3A_3302, %get3A_3303] {strides = array<i32>} : memref<2x9x64x64xbf16, #tpu.memory_space<vmem>>, vector<32xbf16>,
        %get3A_3305 = arith.constant 0 : i32
        %get3A_3306 = arith.constant 6 : i32
        %get3A_3307 = arith.index_cast %get3A_3305 : i32 to index
        %get3A_3308 = arith.index_cast %get3A_3306 : i32 to index
        %get3A_3309 = arith.index_cast %add3A_3262 : i32 to index
        %get3A_3310 = arith.constant 0 : index
        %get3A_3311 = tpu.vector_load %arg7[%get3A_3307, %get3A_3308, %get3A_3309, %get3A_3310] {strides = array<i32>} : memref<2x9x64x64xbf16, #tpu.memory_space<vmem>>, vector<32xbf16>,
        %get3A_3312 = arith.constant 0 : i32
        %get3A_3313 = arith.constant 7 : i32
        %get3A_3314 = arith.index_cast %get3A_3312 : i32 to index
        %get3A_3315 = arith.index_cast %get3A_3313 : i32 to index
        %get3A_3316 = arith.index_cast %add3A_3262 : i32 to index
        %get3A_3317 = arith.constant 0 : index
        %get3A_3318 = tpu.vector_load %arg7[%get3A_3314, %get3A_3315, %get3A_3316, %get3A_3317] {strides = array<i32>} : memref<2x9x64x64xbf16, #tpu.memory_space<vmem>>, vector<32xbf16>,
        %get3A_3319 = arith.constant 0 : i32
        %get3A_3320 = arith.constant 8 : i32
        %get3A_3321 = arith.index_cast %get3A_3319 : i32 to index
        %get3A_3322 = arith.index_cast %get3A_3320 : i32 to index
        %get3A_3323 = arith.index_cast %add3A_3262 : i32 to index
        %get3A_3324 = arith.constant 0 : index
        %get3A_3325 = tpu.vector_load %arg7[%get3A_3321, %get3A_3322, %get3A_3323, %get3A_3324] {strides = array<i32>} : memref<2x9x64x64xbf16, #tpu.memory_space<vmem>>, vector<32xbf16>,
        %add3A_3326 = arith.addf %get3A_3269, %get3A_3276 : vector<32xbf16>
        %add3A_3327 = arith.addf %get3A_3283, %get3A_3290 : vector<32xbf16>
        %add3A_3328 = arith.addf %get3A_3297, %get3A_3304 : vector<32xbf16>
        %add3A_3329 = arith.addf %get3A_3311, %get3A_3318 : vector<32xbf16>
        %add3A_3330 = arith.addf %add3A_3326, %add3A_3327 : vector<32xbf16>
        %add3A_3331 = arith.addf %add3A_3328, %add3A_3329 : vector<32xbf16>
        %add3A_3332 = arith.addf %add3A_3330, %add3A_3331 : vector<32xbf16>
        %add3A_3333 = arith.addf %add3A_3332, %get3A_3325 : vector<32xbf16>
        %unpack3A_3334 = tpu.unpack_subelements %add3A_3333, 0 {pack_format = #tpu.pack_format<interleaved>} : vector<32xbf16> -> vector<16xf32>
        %unpack3A_3335 = tpu.unpack_subelements %add3A_3333, 1 {pack_format = #tpu.pack_format<interleaved>} : vector<32xbf16> -> vector<16xf32>
        %add3A_3336 = arith.constant 1 : i32
        %add3A_3337 = arith.addi %add3A_3262, %add3A_3336 : i32
        %get3A_3338 = arith.constant 0 : i32
        %get3A_3339 = arith.constant 0 : i32
        %get3A_3340 = arith.index_cast %get3A_3338 : i32 to index
        %get3A_3341 = arith.index_cast %get3A_3339 : i32 to index
        %get3A_3342 = arith.index_cast %add3A_3337 : i32 to index
        %get3A_3343 = arith.constant 32 : index
        %get3A_3344 = tpu.vector_load %arg7[%get3A_3340, %get3A_3341, %get3A_3342, %get3A_3343] {strides = array<i32>} : memref<2x9x64x64xbf16, #tpu.memory_space<vmem>>, vector<32xbf16>,
        %get3A_3345 = arith.constant 0 : i32
        %get3A_3346 = arith.constant 1 : i32
        %get3A_3347 = arith.index_cast %get3A_3345 : i32 to index
        %get3A_3348 = arith.index_cast %get3A_3346 : i32 to index
        %get3A_3349 = arith.index_cast %add3A_3337 : i32 to index
        %get3A_3350 = arith.constant 32 : index
        %get3A_3351 = tpu.vector_load %arg7[%get3A_3347, %get3A_3348, %get3A_3349, %get3A_3350] {strides = array<i32>} : memref<2x9x64x64xbf16, #tpu.memory_space<vmem>>, vector<32xbf16>,
        %get3A_3352 = arith.constant 0 : i32
        %get3A_3353 = arith.constant 2 : i32
        %get3A_3354 = arith.index_cast %get3A_3352 : i32 to index
        %get3A_3355 = arith.index_cast %get3A_3353 : i32 to index
        %get3A_3356 = arith.index_cast %add3A_3337 : i32 to index
        %get3A_3357 = arith.constant 32 : index
        %get3A_3358 = tpu.vector_load %arg7[%get3A_3354, %get3A_3355, %get3A_3356, %get3A_3357] {strides = array<i32>} : memref<2x9x64x64xbf16, #tpu.memory_space<vmem>>, vector<32xbf16>,
        %get3A_3359 = arith.constant 0 : i32
        %get3A_3360 = arith.constant 3 : i32
        %get3A_3361 = arith.index_cast %get3A_3359 : i32 to index
        %get3A_3362 = arith.index_cast %get3A_3360 : i32 to index
        %get3A_3363 = arith.index_cast %add3A_3337 : i32 to index
        %get3A_3364 = arith.constant 32 : index
        %get3A_3365 = tpu.vector_load %arg7[%get3A_3361, %get3A_3362, %get3A_3363, %get3A_3364] {strides = array<i32>} : memref<2x9x64x64xbf16, #tpu.memory_space<vmem>>, vector<32xbf16>,
        %get3A_3366 = arith.constant 0 : i32
        %get3A_3367 = arith.constant 4 : i32
        %get3A_3368 = arith.index_cast %get3A_3366 : i32 to index
        %get3A_3369 = arith.index_cast %get3A_3367 : i32 to index
        %get3A_3370 = arith.index_cast %add3A_3337 : i32 to index
        %get3A_3371 = arith.constant 32 : index
        %get3A_3372 = tpu.vector_load %arg7[%get3A_3368, %get3A_3369, %get3A_3370, %get3A_3371] {strides = array<i32>} : memref<2x9x64x64xbf16, #tpu.memory_space<vmem>>, vector<32xbf16>,
        %get3A_3373 = arith.constant 0 : i32
        %get3A_3374 = arith.constant 5 : i32
        %get3A_3375 = arith.index_cast %get3A_3373 : i32 to index
        %get3A_3376 = arith.index_cast %get3A_3374 : i32 to index
        %get3A_3377 = arith.index_cast %add3A_3337 : i32 to index
        %get3A_3378 = arith.constant 32 : index
        %get3A_3379 = tpu.vector_load %arg7[%get3A_3375, %get3A_3376, %get3A_3377, %get3A_3378] {strides = array<i32>} : memref<2x9x64x64xbf16, #tpu.memory_space<vmem>>, vector<32xbf16>,
        %get3A_3380 = arith.constant 0 : i32
        %get3A_3381 = arith.constant 6 : i32
        %get3A_3382 = arith.index_cast %get3A_3380 : i32 to index
        %get3A_3383 = arith.index_cast %get3A_3381 : i32 to index
        %get3A_3384 = arith.index_cast %add3A_3337 : i32 to index
        %get3A_3385 = arith.constant 32 : index
        %get3A_3386 = tpu.vector_load %arg7[%get3A_3382, %get3A_3383, %get3A_3384, %get3A_3385] {strides = array<i32>} : memref<2x9x64x64xbf16, #tpu.memory_space<vmem>>, vector<32xbf16>,
        %get3A_3387 = arith.constant 0 : i32
        %get3A_3388 = arith.constant 7 : i32
        %get3A_3389 = arith.index_cast %get3A_3387 : i32 to index
        %get3A_3390 = arith.index_cast %get3A_3388 : i32 to index
        %get3A_3391 = arith.index_cast %add3A_3337 : i32 to index
        %get3A_3392 = arith.constant 32 : index
        %get3A_3393 = tpu.vector_load %arg7[%get3A_3389, %get3A_3390, %get3A_3391, %get3A_3392] {strides = array<i32>} : memref<2x9x64x64xbf16, #tpu.memory_space<vmem>>, vector<32xbf16>,
        %get3A_3394 = arith.constant 0 : i32
        %get3A_3395 = arith.constant 8 : i32
        %get3A_3396 = arith.index_cast %get3A_3394 : i32 to index
        %get3A_3397 = arith.index_cast %get3A_3395 : i32 to index
        %get3A_3398 = arith.index_cast %add3A_3337 : i32 to index
        %get3A_3399 = arith.constant 32 : index
        %get3A_3400 = tpu.vector_load %arg7[%get3A_3396, %get3A_3397, %get3A_3398, %get3A_3399] {strides = array<i32>} : memref<2x9x64x64xbf16, #tpu.memory_space<vmem>>, vector<32xbf16>,
        %add3A_3401 = arith.addf %get3A_3344, %get3A_3351 : vector<32xbf16>
        %add3A_3402 = arith.addf %get3A_3358, %get3A_3365 : vector<32xbf16>
        %add3A_3403 = arith.addf %get3A_3372, %get3A_3379 : vector<32xbf16>
        %add3A_3404 = arith.addf %get3A_3386, %get3A_3393 : vector<32xbf16>
        %add3A_3405 = arith.addf %add3A_3401, %add3A_3402 : vector<32xbf16>
        %add3A_3406 = arith.addf %add3A_3403, %add3A_3404 : vector<32xbf16>
        %add3A_3407 = arith.addf %add3A_3405, %add3A_3406 : vector<32xbf16>
        %add3A_3408 = arith.addf %add3A_3407, %get3A_3400 : vector<32xbf16>
        %unpack3A_3409 = tpu.unpack_subelements %add3A_3408, 0 {pack_format = #tpu.pack_format<interleaved>} : vector<32xbf16> -> vector<16xf32>
        %unpack3A_3410 = tpu.unpack_subelements %add3A_3408, 1 {pack_format = #tpu.pack_format<interleaved>} : vector<32xbf16> -> vector<16xf32>
        %add3A_3411 = arith.addf %unpack3A_3167, %get3A_3 : vector<16xf32>
        %add3A_3412 = arith.addf %unpack3A_3335, %unpack3A_3409 : vector<16xf32>
        %add3A_3413 = arith.addf %add3A_3411, %add3A_3412 : vector<16xf32>
        %mul3A_3414 = arith.constant 0 : i32
        %mul3A_3415 = vector.broadcast %mul3A_3414 : i32 to vector<16xi32>
        %mul3A_3416 = arith.muli %iota3A, %mul3A_3415 : vector<16xi32>
        %add3A_3417 = vector.broadcast %add3A_3262 : i32 to vector<16xi32>
        %add3A_3418 = arith.addi %mul3A_3416, %add3A_3417 : vector<16xi32>
        %scatter3A_3419 = arith.constant 0 : i32
        %scatter3A_3420 = arith.constant 0 : i32
        %scatter3A_3421 = arith.constant 0 : i32
        %scatter3A_3422 = tpu.memref_slice %arg8[%scatter3A_3419, %scatter3A_3420, %scatter3A_3421] : memref<2x16x64xf32, #tpu.memory_space<vmem>> -> memref<1x16x64xf32, #tpu.memory_space<vmem>>
        %scatter3A_3423 = tpu.memref_squeeze %scatter3A_3422 : memref<1x16x64xf32, #tpu.memory_space<vmem>> -> memref<16x64xf32, #tpu.memory_space<vmem>>
        tpu.vector_store_idx %scatter3A_3423[%iota3A, %add3A_3418], %add3A_3413 : memref<16x64xf32, #tpu.memory_space<vmem>>[vector<16xi32>, vector<16xi32>], vector<16xf32>,
        scf.yield %unpack3A_3334 : vector<16xf32>
      }
      %scan3A_1206 = arith.constant 60 : i32
      %scan3A_1207 = arith.addi %scan3A_1201, %scan3A_1206 : i32
      %mul3A_1208 = arith.constant 1 : i32
      %mul3A_1209 = arith.muli %scan3A_1207, %mul3A_1208 : i32
      %add3A_1210 = arith.constant 1 : i32
      %add3A_1211 = arith.addi %add3A_1210, %mul3A_1209 : i32
      %get3A_1212 = arith.constant 0 : i32
      %get3A_1213 = arith.constant 0 : i32
      %get3A_1214 = arith.index_cast %get3A_1212 : i32 to index
      %get3A_1215 = arith.index_cast %get3A_1213 : i32 to index
      %get3A_1216 = arith.index_cast %add3A_1211 : i32 to index
      %get3A_1217 = arith.constant 0 : index
      %get3A_1218 = tpu.vector_load %arg7[%get3A_1214, %get3A_1215, %get3A_1216, %get3A_1217] {strides = array<i32>} : memref<2x9x64x64xbf16, #tpu.memory_space<vmem>>, vector<32xbf16>,
      %get3A_1219 = arith.constant 0 : i32
      %get3A_1220 = arith.constant 1 : i32
      %get3A_1221 = arith.index_cast %get3A_1219 : i32 to index
      %get3A_1222 = arith.index_cast %get3A_1220 : i32 to index
      %get3A_1223 = arith.index_cast %add3A_1211 : i32 to index
      %get3A_1224 = arith.constant 0 : index
      %get3A_1225 = tpu.vector_load %arg7[%get3A_1221, %get3A_1222, %get3A_1223, %get3A_1224] {strides = array<i32>} : memref<2x9x64x64xbf16, #tpu.memory_space<vmem>>, vector<32xbf16>,
      %get3A_1226 = arith.constant 0 : i32
      %get3A_1227 = arith.constant 2 : i32
      %get3A_1228 = arith.index_cast %get3A_1226 : i32 to index
      %get3A_1229 = arith.index_cast %get3A_1227 : i32 to index
      %get3A_1230 = arith.index_cast %add3A_1211 : i32 to index
      %get3A_1231 = arith.constant 0 : index
      %get3A_1232 = tpu.vector_load %arg7[%get3A_1228, %get3A_1229, %get3A_1230, %get3A_1231] {strides = array<i32>} : memref<2x9x64x64xbf16, #tpu.memory_space<vmem>>, vector<32xbf16>,
      %get3A_1233 = arith.constant 0 : i32
      %get3A_1234 = arith.constant 3 : i32
      %get3A_1235 = arith.index_cast %get3A_1233 : i32 to index
      %get3A_1236 = arith.index_cast %get3A_1234 : i32 to index
      %get3A_1237 = arith.index_cast %add3A_1211 : i32 to index
      %get3A_1238 = arith.constant 0 : index
      %get3A_1239 = tpu.vector_load %arg7[%get3A_1235, %get3A_1236, %get3A_1237, %get3A_1238] {strides = array<i32>} : memref<2x9x64x64xbf16, #tpu.memory_space<vmem>>, vector<32xbf16>,
      %get3A_1240 = arith.constant 0 : i32
      %get3A_1241 = arith.constant 4 : i32
      %get3A_1242 = arith.index_cast %get3A_1240 : i32 to index
      %get3A_1243 = arith.index_cast %get3A_1241 : i32 to index
      %get3A_1244 = arith.index_cast %add3A_1211 : i32 to index
      %get3A_1245 = arith.constant 0 : index
      %get3A_1246 = tpu.vector_load %arg7[%get3A_1242, %get3A_1243, %get3A_1244, %get3A_1245] {strides = array<i32>} : memref<2x9x64x64xbf16, #tpu.memory_space<vmem>>, vector<32xbf16>,
      %get3A_1247 = arith.constant 0 : i32
      %get3A_1248 = arith.constant 5 : i32
      %get3A_1249 = arith.index_cast %get3A_1247 : i32 to index
      %get3A_1250 = arith.index_cast %get3A_1248 : i32 to index
      %get3A_1251 = arith.index_cast %add3A_1211 : i32 to index
      %get3A_1252 = arith.constant 0 : index
      %get3A_1253 = tpu.vector_load %arg7[%get3A_1249, %get3A_1250, %get3A_1251, %get3A_1252] {strides = array<i32>} : memref<2x9x64x64xbf16, #tpu.memory_space<vmem>>, vector<32xbf16>,
      %get3A_1254 = arith.constant 0 : i32
      %get3A_1255 = arith.constant 6 : i32
      %get3A_1256 = arith.index_cast %get3A_1254 : i32 to index
      %get3A_1257 = arith.index_cast %get3A_1255 : i32 to index
      %get3A_1258 = arith.index_cast %add3A_1211 : i32 to index
      %get3A_1259 = arith.constant 0 : index
      %get3A_1260 = tpu.vector_load %arg7[%get3A_1256, %get3A_1257, %get3A_1258, %get3A_1259] {strides = array<i32>} : memref<2x9x64x64xbf16, #tpu.memory_space<vmem>>, vector<32xbf16>,
      %get3A_1261 = arith.constant 0 : i32
      %get3A_1262 = arith.constant 7 : i32
      %get3A_1263 = arith.index_cast %get3A_1261 : i32 to index
      %get3A_1264 = arith.index_cast %get3A_1262 : i32 to index
      %get3A_1265 = arith.index_cast %add3A_1211 : i32 to index
      %get3A_1266 = arith.constant 0 : index
      %get3A_1267 = tpu.vector_load %arg7[%get3A_1263, %get3A_1264, %get3A_1265, %get3A_1266] {strides = array<i32>} : memref<2x9x64x64xbf16, #tpu.memory_space<vmem>>, vector<32xbf16>,
      %get3A_1268 = arith.constant 0 : i32
      %get3A_1269 = arith.constant 8 : i32
      %get3A_1270 = arith.index_cast %get3A_1268 : i32 to index
      %get3A_1271 = arith.index_cast %get3A_1269 : i32 to index
      %get3A_1272 = arith.index_cast %add3A_1211 : i32 to index
      %get3A_1273 = arith.constant 0 : index
      %get3A_1274 = tpu.vector_load %arg7[%get3A_1270, %get3A_1271, %get3A_1272, %get3A_1273] {strides = array<i32>} : memref<2x9x64x64xbf16, #tpu.memory_space<vmem>>, vector<32xbf16>,
      %add3A_1275 = arith.addf %get3A_1218, %get3A_1225 : vector<32xbf16>
      %add3A_1276 = arith.addf %get3A_1232, %get3A_1239 : vector<32xbf16>
      %add3A_1277 = arith.addf %get3A_1246, %get3A_1253 : vector<32xbf16>
      %add3A_1278 = arith.addf %get3A_1260, %get3A_1267 : vector<32xbf16>
      %add3A_1279 = arith.addf %add3A_1275, %add3A_1276 : vector<32xbf16>
      %add3A_1280 = arith.addf %add3A_1277, %add3A_1278 : vector<32xbf16>
      %add3A_1281 = arith.addf %add3A_1279, %add3A_1280 : vector<32xbf16>
      %add3A_1282 = arith.addf %add3A_1281, %get3A_1274 : vector<32xbf16>
      %unpack3A_1283 = tpu.unpack_subelements %add3A_1282, 0 {pack_format = #tpu.pack_format<interleaved>} : vector<32xbf16> -> vector<16xf32>
      %unpack3A_1284 = tpu.unpack_subelements %add3A_1282, 1 {pack_format = #tpu.pack_format<interleaved>} : vector<32xbf16> -> vector<16xf32>
      %add3A_1285 = arith.constant 1 : i32
      %add3A_1286 = arith.addi %add3A_1211, %add3A_1285 : i32
      %get3A_1287 = arith.constant 0 : i32
      %get3A_1288 = arith.constant 0 : i32
      %get3A_1289 = arith.index_cast %get3A_1287 : i32 to index
      %get3A_1290 = arith.index_cast %get3A_1288 : i32 to index
      %get3A_1291 = arith.index_cast %add3A_1286 : i32 to index
      %get3A_1292 = arith.constant 32 : index
      %get3A_1293 = tpu.vector_load %arg7[%get3A_1289, %get3A_1290, %get3A_1291, %get3A_1292] {strides = array<i32>} : memref<2x9x64x64xbf16, #tpu.memory_space<vmem>>, vector<32xbf16>,
      %get3A_1294 = arith.constant 0 : i32
      %get3A_1295 = arith.constant 1 : i32
      %get3A_1296 = arith.index_cast %get3A_1294 : i32 to index
      %get3A_1297 = arith.index_cast %get3A_1295 : i32 to index
      %get3A_1298 = arith.index_cast %add3A_1286 : i32 to index
      %get3A_1299 = arith.constant 32 : index
      %get3A_1300 = tpu.vector_load %arg7[%get3A_1296, %get3A_1297, %get3A_1298, %get3A_1299] {strides = array<i32>} : memref<2x9x64x64xbf16, #tpu.memory_space<vmem>>, vector<32xbf16>,
      %get3A_1301 = arith.constant 0 : i32
      %get3A_1302 = arith.constant 2 : i32
      %get3A_1303 = arith.index_cast %get3A_1301 : i32 to index
      %get3A_1304 = arith.index_cast %get3A_1302 : i32 to index
      %get3A_1305 = arith.index_cast %add3A_1286 : i32 to index
      %get3A_1306 = arith.constant 32 : index
      %get3A_1307 = tpu.vector_load %arg7[%get3A_1303, %get3A_1304, %get3A_1305, %get3A_1306] {strides = array<i32>} : memref<2x9x64x64xbf16, #tpu.memory_space<vmem>>, vector<32xbf16>,
      %get3A_1308 = arith.constant 0 : i32
      %get3A_1309 = arith.constant 3 : i32
      %get3A_1310 = arith.index_cast %get3A_1308 : i32 to index
      %get3A_1311 = arith.index_cast %get3A_1309 : i32 to index
      %get3A_1312 = arith.index_cast %add3A_1286 : i32 to index
      %get3A_1313 = arith.constant 32 : index
      %get3A_1314 = tpu.vector_load %arg7[%get3A_1310, %get3A_1311, %get3A_1312, %get3A_1313] {strides = array<i32>} : memref<2x9x64x64xbf16, #tpu.memory_space<vmem>>, vector<32xbf16>,
      %get3A_1315 = arith.constant 0 : i32
      %get3A_1316 = arith.constant 4 : i32
      %get3A_1317 = arith.index_cast %get3A_1315 : i32 to index
      %get3A_1318 = arith.index_cast %get3A_1316 : i32 to index
      %get3A_1319 = arith.index_cast %add3A_1286 : i32 to index
      %get3A_1320 = arith.constant 32 : index
      %get3A_1321 = tpu.vector_load %arg7[%get3A_1317, %get3A_1318, %get3A_1319, %get3A_1320] {strides = array<i32>} : memref<2x9x64x64xbf16, #tpu.memory_space<vmem>>, vector<32xbf16>,
      %get3A_1322 = arith.constant 0 : i32
      %get3A_1323 = arith.constant 5 : i32
      %get3A_1324 = arith.index_cast %get3A_1322 : i32 to index
      %get3A_1325 = arith.index_cast %get3A_1323 : i32 to index
      %get3A_1326 = arith.index_cast %add3A_1286 : i32 to index
      %get3A_1327 = arith.constant 32 : index
      %get3A_1328 = tpu.vector_load %arg7[%get3A_1324, %get3A_1325, %get3A_1326, %get3A_1327] {strides = array<i32>} : memref<2x9x64x64xbf16, #tpu.memory_space<vmem>>, vector<32xbf16>,
      %get3A_1329 = arith.constant 0 : i32
      %get3A_1330 = arith.constant 6 : i32
      %get3A_1331 = arith.index_cast %get3A_1329 : i32 to index
      %get3A_1332 = arith.index_cast %get3A_1330 : i32 to index
      %get3A_1333 = arith.index_cast %add3A_1286 : i32 to index
      %get3A_1334 = arith.constant 32 : index
      %get3A_1335 = tpu.vector_load %arg7[%get3A_1331, %get3A_1332, %get3A_1333, %get3A_1334] {strides = array<i32>} : memref<2x9x64x64xbf16, #tpu.memory_space<vmem>>, vector<32xbf16>,
      %get3A_1336 = arith.constant 0 : i32
      %get3A_1337 = arith.constant 7 : i32
      %get3A_1338 = arith.index_cast %get3A_1336 : i32 to index
      %get3A_1339 = arith.index_cast %get3A_1337 : i32 to index
      %get3A_1340 = arith.index_cast %add3A_1286 : i32 to index
      %get3A_1341 = arith.constant 32 : index
      %get3A_1342 = tpu.vector_load %arg7[%get3A_1338, %get3A_1339, %get3A_1340, %get3A_1341] {strides = array<i32>} : memref<2x9x64x64xbf16, #tpu.memory_space<vmem>>, vector<32xbf16>,
      %get3A_1343 = arith.constant 0 : i32
      %get3A_1344 = arith.constant 8 : i32
      %get3A_1345 = arith.index_cast %get3A_1343 : i32 to index
      %get3A_1346 = arith.index_cast %get3A_1344 : i32 to index
      %get3A_1347 = arith.index_cast %add3A_1286 : i32 to index
      %get3A_1348 = arith.constant 32 : index
      %get3A_1349 = tpu.vector_load %arg7[%get3A_1345, %get3A_1346, %get3A_1347, %get3A_1348] {strides = array<i32>} : memref<2x9x64x64xbf16, #tpu.memory_space<vmem>>, vector<32xbf16>,
      %add3A_1350 = arith.addf %get3A_1293, %get3A_1300 : vector<32xbf16>
      %add3A_1351 = arith.addf %get3A_1307, %get3A_1314 : vector<32xbf16>
      %add3A_1352 = arith.addf %get3A_1321, %get3A_1328 : vector<32xbf16>
      %add3A_1353 = arith.addf %get3A_1335, %get3A_1342 : vector<32xbf16>
      %add3A_1354 = arith.addf %add3A_1350, %add3A_1351 : vector<32xbf16>
      %add3A_1355 = arith.addf %add3A_1352, %add3A_1353 : vector<32xbf16>
      %add3A_1356 = arith.addf %add3A_1354, %add3A_1355 : vector<32xbf16>
      %add3A_1357 = arith.addf %add3A_1356, %get3A_1349 : vector<32xbf16>
      %unpack3A_1358 = tpu.unpack_subelements %add3A_1357, 0 {pack_format = #tpu.pack_format<interleaved>} : vector<32xbf16> -> vector<16xf32>
      %unpack3A_1359 = tpu.unpack_subelements %add3A_1357, 1 {pack_format = #tpu.pack_format<interleaved>} : vector<32xbf16> -> vector<16xf32>
      %add3A_1360 = arith.addf %scan3A_1205, %get3A_3 : vector<16xf32>
      %add3A_1361 = arith.addf %unpack3A_1284, %unpack3A_1358 : vector<16xf32>
      %add3A_1362 = arith.addf %add3A_1360, %add3A_1361 : vector<16xf32>
      %mul3A_1363 = arith.constant 0 : i32
      %mul3A_1364 = vector.broadcast %mul3A_1363 : i32 to vector<16xi32>
      %mul3A_1365 = arith.muli %iota3A, %mul3A_1364 : vector<16xi32>
      %add3A_1366 = vector.broadcast %add3A_1211 : i32 to vector<16xi32>
      %add3A_1367 = arith.addi %mul3A_1365, %add3A_1366 : vector<16xi32>
      %scatter3A_1368 = arith.constant 0 : i32
      %scatter3A_1369 = arith.constant 0 : i32
      %scatter3A_1370 = arith.constant 0 : i32
      %scatter3A_1371 = tpu.memref_slice %arg8[%scatter3A_1368, %scatter3A_1369, %scatter3A_1370] : memref<2x16x64xf32, #tpu.memory_space<vmem>> -> memref<1x16x64xf32, #tpu.memory_space<vmem>>
      %scatter3A_1372 = tpu.memref_squeeze %scatter3A_1371 : memref<1x16x64xf32, #tpu.memory_space<vmem>> -> memref<16x64xf32, #tpu.memory_space<vmem>>
      tpu.vector_store_idx %scatter3A_1372[%iota3A, %add3A_1367], %add3A_1362 : memref<16x64xf32, #tpu.memory_space<vmem>>[vector<16xi32>, vector<16xi32>], vector<16xf32>,
      %scan3A_1373 = arith.constant 61 : i32
      %scan3A_1374 = arith.addi %scan3A_1201, %scan3A_1373 : i32
      %mul3A_1375 = arith.constant 1 : i32
      %mul3A_1376 = arith.muli %scan3A_1374, %mul3A_1375 : i32
      %add3A_1377 = arith.constant 1 : i32
      %add3A_1378 = arith.addi %add3A_1377, %mul3A_1376 : i32
      %get3A_1379 = arith.constant 0 : i32
      %get3A_1380 = arith.constant 0 : i32
      %get3A_1381 = arith.index_cast %get3A_1379 : i32 to index
      %get3A_1382 = arith.index_cast %get3A_1380 : i32 to index
      %get3A_1383 = arith.index_cast %add3A_1378 : i32 to index
      %get3A_1384 = arith.constant 0 : index
      %get3A_1385 = tpu.vector_load %arg7[%get3A_1381, %get3A_1382, %get3A_1383, %get3A_1384] {strides = array<i32>} : memref<2x9x64x64xbf16, #tpu.memory_space<vmem>>, vector<32xbf16>,
      %get3A_1386 = arith.constant 0 : i32
      %get3A_1387 = arith.constant 1 : i32
      %get3A_1388 = arith.index_cast %get3A_1386 : i32 to index
      %get3A_1389 = arith.index_cast %get3A_1387 : i32 to index
      %get3A_1390 = arith.index_cast %add3A_1378 : i32 to index
      %get3A_1391 = arith.constant 0 : index
      %get3A_1392 = tpu.vector_load %arg7[%get3A_1388, %get3A_1389, %get3A_1390, %get3A_1391] {strides = array<i32>} : memref<2x9x64x64xbf16, #tpu.memory_space<vmem>>, vector<32xbf16>,
      %get3A_1393 = arith.constant 0 : i32
      %get3A_1394 = arith.constant 2 : i32
      %get3A_1395 = arith.index_cast %get3A_1393 : i32 to index
      %get3A_1396 = arith.index_cast %get3A_1394 : i32 to index
      %get3A_1397 = arith.index_cast %add3A_1378 : i32 to index
      %get3A_1398 = arith.constant 0 : index
      %get3A_1399 = tpu.vector_load %arg7[%get3A_1395, %get3A_1396, %get3A_1397, %get3A_1398] {strides = array<i32>} : memref<2x9x64x64xbf16, #tpu.memory_space<vmem>>, vector<32xbf16>,
      %get3A_1400 = arith.constant 0 : i32
      %get3A_1401 = arith.constant 3 : i32
      %get3A_1402 = arith.index_cast %get3A_1400 : i32 to index
      %get3A_1403 = arith.index_cast %get3A_1401 : i32 to index
      %get3A_1404 = arith.index_cast %add3A_1378 : i32 to index
      %get3A_1405 = arith.constant 0 : index
      %get3A_1406 = tpu.vector_load %arg7[%get3A_1402, %get3A_1403, %get3A_1404, %get3A_1405] {strides = array<i32>} : memref<2x9x64x64xbf16, #tpu.memory_space<vmem>>, vector<32xbf16>,
      %get3A_1407 = arith.constant 0 : i32
      %get3A_1408 = arith.constant 4 : i32
      %get3A_1409 = arith.index_cast %get3A_1407 : i32 to index
      %get3A_1410 = arith.index_cast %get3A_1408 : i32 to index
      %get3A_1411 = arith.index_cast %add3A_1378 : i32 to index
      %get3A_1412 = arith.constant 0 : index
      %get3A_1413 = tpu.vector_load %arg7[%get3A_1409, %get3A_1410, %get3A_1411, %get3A_1412] {strides = array<i32>} : memref<2x9x64x64xbf16, #tpu.memory_space<vmem>>, vector<32xbf16>,
      %get3A_1414 = arith.constant 0 : i32
      %get3A_1415 = arith.constant 5 : i32
      %get3A_1416 = arith.index_cast %get3A_1414 : i32 to index
      %get3A_1417 = arith.index_cast %get3A_1415 : i32 to index
      %get3A_1418 = arith.index_cast %add3A_1378 : i32 to index
      %get3A_1419 = arith.constant 0 : index
      %get3A_1420 = tpu.vector_load %arg7[%get3A_1416, %get3A_1417, %get3A_1418, %get3A_1419] {strides = array<i32>} : memref<2x9x64x64xbf16, #tpu.memory_space<vmem>>, vector<32xbf16>,
      %get3A_1421 = arith.constant 0 : i32
      %get3A_1422 = arith.constant 6 : i32
      %get3A_1423 = arith.index_cast %get3A_1421 : i32 to index
      %get3A_1424 = arith.index_cast %get3A_1422 : i32 to index
      %get3A_1425 = arith.index_cast %add3A_1378 : i32 to index
      %get3A_1426 = arith.constant 0 : index
      %get3A_1427 = tpu.vector_load %arg7[%get3A_1423, %get3A_1424, %get3A_1425, %get3A_1426] {strides = array<i32>} : memref<2x9x64x64xbf16, #tpu.memory_space<vmem>>, vector<32xbf16>,
      %get3A_1428 = arith.constant 0 : i32
      %get3A_1429 = arith.constant 7 : i32
      %get3A_1430 = arith.index_cast %get3A_1428 : i32 to index
      %get3A_1431 = arith.index_cast %get3A_1429 : i32 to index
      %get3A_1432 = arith.index_cast %add3A_1378 : i32 to index
      %get3A_1433 = arith.constant 0 : index
      %get3A_1434 = tpu.vector_load %arg7[%get3A_1430, %get3A_1431, %get3A_1432, %get3A_1433] {strides = array<i32>} : memref<2x9x64x64xbf16, #tpu.memory_space<vmem>>, vector<32xbf16>,
      %get3A_1435 = arith.constant 0 : i32
      %get3A_1436 = arith.constant 8 : i32
      %get3A_1437 = arith.index_cast %get3A_1435 : i32 to index
      %get3A_1438 = arith.index_cast %get3A_1436 : i32 to index
      %get3A_1439 = arith.index_cast %add3A_1378 : i32 to index
      %get3A_1440 = arith.constant 0 : index
      %get3A_1441 = tpu.vector_load %arg7[%get3A_1437, %get3A_1438, %get3A_1439, %get3A_1440] {strides = array<i32>} : memref<2x9x64x64xbf16, #tpu.memory_space<vmem>>, vector<32xbf16>,
      %add3A_1442 = arith.addf %get3A_1385, %get3A_1392 : vector<32xbf16>
      %add3A_1443 = arith.addf %get3A_1399, %get3A_1406 : vector<32xbf16>
      %add3A_1444 = arith.addf %get3A_1413, %get3A_1420 : vector<32xbf16>
      %add3A_1445 = arith.addf %get3A_1427, %get3A_1434 : vector<32xbf16>
      %add3A_1446 = arith.addf %add3A_1442, %add3A_1443 : vector<32xbf16>
      %add3A_1447 = arith.addf %add3A_1444, %add3A_1445 : vector<32xbf16>
      %add3A_1448 = arith.addf %add3A_1446, %add3A_1447 : vector<32xbf16>
      %add3A_1449 = arith.addf %add3A_1448, %get3A_1441 : vector<32xbf16>
      %unpack3A_1450 = tpu.unpack_subelements %add3A_1449, 0 {pack_format = #tpu.pack_format<interleaved>} : vector<32xbf16> -> vector<16xf32>
      %unpack3A_1451 = tpu.unpack_subelements %add3A_1449, 1 {pack_format = #tpu.pack_format<interleaved>} : vector<32xbf16> -> vector<16xf32>
      %add3A_1452 = arith.constant 1 : i32
      %add3A_1453 = arith.addi %add3A_1378, %add3A_1452 : i32
      %get3A_1454 = arith.constant 0 : i32
      %get3A_1455 = arith.constant 0 : i32
      %get3A_1456 = arith.index_cast %get3A_1454 : i32 to index
      %get3A_1457 = arith.index_cast %get3A_1455 : i32 to index
      %get3A_1458 = arith.index_cast %add3A_1453 : i32 to index
      %get3A_1459 = arith.constant 32 : index
      %get3A_1460 = tpu.vector_load %arg7[%get3A_1456, %get3A_1457, %get3A_1458, %get3A_1459] {strides = array<i32>} : memref<2x9x64x64xbf16, #tpu.memory_space<vmem>>, vector<32xbf16>,
      %get3A_1461 = arith.constant 0 : i32
      %get3A_1462 = arith.constant 1 : i32
      %get3A_1463 = arith.index_cast %get3A_1461 : i32 to index
      %get3A_1464 = arith.index_cast %get3A_1462 : i32 to index
      %get3A_1465 = arith.index_cast %add3A_1453 : i32 to index
      %get3A_1466 = arith.constant 32 : index
      %get3A_1467 = tpu.vector_load %arg7[%get3A_1463, %get3A_1464, %get3A_1465, %get3A_1466] {strides = array<i32>} : memref<2x9x64x64xbf16, #tpu.memory_space<vmem>>, vector<32xbf16>,
      %get3A_1468 = arith.constant 0 : i32
      %get3A_1469 = arith.constant 2 : i32
      %get3A_1470 = arith.index_cast %get3A_1468 : i32 to index
      %get3A_1471 = arith.index_cast %get3A_1469 : i32 to index
      %get3A_1472 = arith.index_cast %add3A_1453 : i32 to index
      %get3A_1473 = arith.constant 32 : index
      %get3A_1474 = tpu.vector_load %arg7[%get3A_1470, %get3A_1471, %get3A_1472, %get3A_1473] {strides = array<i32>} : memref<2x9x64x64xbf16, #tpu.memory_space<vmem>>, vector<32xbf16>,
      %get3A_1475 = arith.constant 0 : i32
      %get3A_1476 = arith.constant 3 : i32
      %get3A_1477 = arith.index_cast %get3A_1475 : i32 to index
      %get3A_1478 = arith.index_cast %get3A_1476 : i32 to index
      %get3A_1479 = arith.index_cast %add3A_1453 : i32 to index
      %get3A_1480 = arith.constant 32 : index
      %get3A_1481 = tpu.vector_load %arg7[%get3A_1477, %get3A_1478, %get3A_1479, %get3A_1480] {strides = array<i32>} : memref<2x9x64x64xbf16, #tpu.memory_space<vmem>>, vector<32xbf16>,
      %get3A_1482 = arith.constant 0 : i32
      %get3A_1483 = arith.constant 4 : i32
      %get3A_1484 = arith.index_cast %get3A_1482 : i32 to index
      %get3A_1485 = arith.index_cast %get3A_1483 : i32 to index
      %get3A_1486 = arith.index_cast %add3A_1453 : i32 to index
      %get3A_1487 = arith.constant 32 : index
      %get3A_1488 = tpu.vector_load %arg7[%get3A_1484, %get3A_1485, %get3A_1486, %get3A_1487] {strides = array<i32>} : memref<2x9x64x64xbf16, #tpu.memory_space<vmem>>, vector<32xbf16>,
      %get3A_1489 = arith.constant 0 : i32
      %get3A_1490 = arith.constant 5 : i32
      %get3A_1491 = arith.index_cast %get3A_1489 : i32 to index
      %get3A_1492 = arith.index_cast %get3A_1490 : i32 to index
      %get3A_1493 = arith.index_cast %add3A_1453 : i32 to index
      %get3A_1494 = arith.constant 32 : index
      %get3A_1495 = tpu.vector_load %arg7[%get3A_1491, %get3A_1492, %get3A_1493, %get3A_1494] {strides = array<i32>} : memref<2x9x64x64xbf16, #tpu.memory_space<vmem>>, vector<32xbf16>,
      %get3A_1496 = arith.constant 0 : i32
      %get3A_1497 = arith.constant 6 : i32
      %get3A_1498 = arith.index_cast %get3A_1496 : i32 to index
      %get3A_1499 = arith.index_cast %get3A_1497 : i32 to index
      %get3A_1500 = arith.index_cast %add3A_1453 : i32 to index
      %get3A_1501 = arith.constant 32 : index
      %get3A_1502 = tpu.vector_load %arg7[%get3A_1498, %get3A_1499, %get3A_1500, %get3A_1501] {strides = array<i32>} : memref<2x9x64x64xbf16, #tpu.memory_space<vmem>>, vector<32xbf16>,
      %get3A_1503 = arith.constant 0 : i32
      %get3A_1504 = arith.constant 7 : i32
      %get3A_1505 = arith.index_cast %get3A_1503 : i32 to index
      %get3A_1506 = arith.index_cast %get3A_1504 : i32 to index
      %get3A_1507 = arith.index_cast %add3A_1453 : i32 to index
      %get3A_1508 = arith.constant 32 : index
      %get3A_1509 = tpu.vector_load %arg7[%get3A_1505, %get3A_1506, %get3A_1507, %get3A_1508] {strides = array<i32>} : memref<2x9x64x64xbf16, #tpu.memory_space<vmem>>, vector<32xbf16>,
      %get3A_1510 = arith.constant 0 : i32
      %get3A_1511 = arith.constant 8 : i32
      %get3A_1512 = arith.index_cast %get3A_1510 : i32 to index
      %get3A_1513 = arith.index_cast %get3A_1511 : i32 to index
      %get3A_1514 = arith.index_cast %add3A_1453 : i32 to index
      %get3A_1515 = arith.constant 32 : index
      %get3A_1516 = tpu.vector_load %arg7[%get3A_1512, %get3A_1513, %get3A_1514, %get3A_1515] {strides = array<i32>} : memref<2x9x64x64xbf16, #tpu.memory_space<vmem>>, vector<32xbf16>,
      %add3A_1517 = arith.addf %get3A_1460, %get3A_1467 : vector<32xbf16>
      %add3A_1518 = arith.addf %get3A_1474, %get3A_1481 : vector<32xbf16>
      %add3A_1519 = arith.addf %get3A_1488, %get3A_1495 : vector<32xbf16>
      %add3A_1520 = arith.addf %get3A_1502, %get3A_1509 : vector<32xbf16>
      %add3A_1521 = arith.addf %add3A_1517, %add3A_1518 : vector<32xbf16>
      %add3A_1522 = arith.addf %add3A_1519, %add3A_1520 : vector<32xbf16>
      %add3A_1523 = arith.addf %add3A_1521, %add3A_1522 : vector<32xbf16>
      %add3A_1524 = arith.addf %add3A_1523, %get3A_1516 : vector<32xbf16>
      %unpack3A_1525 = tpu.unpack_subelements %add3A_1524, 0 {pack_format = #tpu.pack_format<interleaved>} : vector<32xbf16> -> vector<16xf32>
      %unpack3A_1526 = tpu.unpack_subelements %add3A_1524, 1 {pack_format = #tpu.pack_format<interleaved>} : vector<32xbf16> -> vector<16xf32>
      %add3A_1527 = arith.addf %unpack3A_1283, %get3A_3 : vector<16xf32>
      %add3A_1528 = arith.addf %unpack3A_1451, %unpack3A_1525 : vector<16xf32>
      %add3A_1529 = arith.addf %add3A_1527, %add3A_1528 : vector<16xf32>
      %mul3A_1530 = arith.constant 0 : i32
      %mul3A_1531 = vector.broadcast %mul3A_1530 : i32 to vector<16xi32>
      %mul3A_1532 = arith.muli %iota3A, %mul3A_1531 : vector<16xi32>
      %add3A_1533 = vector.broadcast %add3A_1378 : i32 to vector<16xi32>
      %add3A_1534 = arith.addi %mul3A_1532, %add3A_1533 : vector<16xi32>
      %scatter3A_1535 = arith.constant 0 : i32
      %scatter3A_1536 = arith.constant 0 : i32
      %scatter3A_1537 = arith.constant 0 : i32
      %scatter3A_1538 = tpu.memref_slice %arg8[%scatter3A_1535, %scatter3A_1536, %scatter3A_1537] : memref<2x16x64xf32, #tpu.memory_space<vmem>> -> memref<1x16x64xf32, #tpu.memory_space<vmem>>
      %scatter3A_1539 = tpu.memref_squeeze %scatter3A_1538 : memref<1x16x64xf32, #tpu.memory_space<vmem>> -> memref<16x64xf32, #tpu.memory_space<vmem>>
      tpu.vector_store_idx %scatter3A_1539[%iota3A, %add3A_1534], %add3A_1529 : memref<16x64xf32, #tpu.memory_space<vmem>>[vector<16xi32>, vector<16xi32>], vector<16xf32>,
      %scan3A_1540 = arith.constant 62 : i32
      %get3A_1541 = arith.constant 0 : i32
      %get3A_1542 = arith.constant 0 : i32
      %get3A_1543 = arith.constant 63 : i32
      %get3A_1544 = arith.index_cast %get3A_1541 : i32 to index
      %get3A_1545 = arith.index_cast %get3A_1542 : i32 to index
      %get3A_1546 = arith.index_cast %get3A_1543 : i32 to index
      %get3A_1547 = arith.constant 0 : index
      %get3A_1548 = tpu.vector_load %arg7[%get3A_1544, %get3A_1545, %get3A_1546, %get3A_1547] {strides = array<i32>} : memref<2x9x64x64xbf16, #tpu.memory_space<vmem>>, vector<32xbf16>,
      %get3A_1549 = arith.constant 0 : i32
      %get3A_1550 = arith.constant 1 : i32
      %get3A_1551 = arith.constant 63 : i32
      %get3A_1552 = arith.index_cast %get3A_1549 : i32 to index
      %get3A_1553 = arith.index_cast %get3A_1550 : i32 to index
      %get3A_1554 = arith.index_cast %get3A_1551 : i32 to index
      %get3A_1555 = arith.constant 0 : index
      %get3A_1556 = tpu.vector_load %arg7[%get3A_1552, %get3A_1553, %get3A_1554, %get3A_1555] {strides = array<i32>} : memref<2x9x64x64xbf16, #tpu.memory_space<vmem>>, vector<32xbf16>,
      %get3A_1557 = arith.constant 0 : i32
      %get3A_1558 = arith.constant 2 : i32
      %get3A_1559 = arith.constant 63 : i32
      %get3A_1560 = arith.index_cast %get3A_1557 : i32 to index
      %get3A_1561 = arith.index_cast %get3A_1558 : i32 to index
      %get3A_1562 = arith.index_cast %get3A_1559 : i32 to index
      %get3A_1563 = arith.constant 0 : index
      %get3A_1564 = tpu.vector_load %arg7[%get3A_1560, %get3A_1561, %get3A_1562, %get3A_1563] {strides = array<i32>} : memref<2x9x64x64xbf16, #tpu.memory_space<vmem>>, vector<32xbf16>,
      %get3A_1565 = arith.constant 0 : i32
      %get3A_1566 = arith.constant 3 : i32
      %get3A_1567 = arith.constant 63 : i32
      %get3A_1568 = arith.index_cast %get3A_1565 : i32 to index
      %get3A_1569 = arith.index_cast %get3A_1566 : i32 to index
      %get3A_1570 = arith.index_cast %get3A_1567 : i32 to index
      %get3A_1571 = arith.constant 0 : index
      %get3A_1572 = tpu.vector_load %arg7[%get3A_1568, %get3A_1569, %get3A_1570, %get3A_1571] {strides = array<i32>} : memref<2x9x64x64xbf16, #tpu.memory_space<vmem>>, vector<32xbf16>,
      %get3A_1573 = arith.constant 0 : i32
      %get3A_1574 = arith.constant 4 : i32
      %get3A_1575 = arith.constant 63 : i32
      %get3A_1576 = arith.index_cast %get3A_1573 : i32 to index
      %get3A_1577 = arith.index_cast %get3A_1574 : i32 to index
      %get3A_1578 = arith.index_cast %get3A_1575 : i32 to index
      %get3A_1579 = arith.constant 0 : index
      %get3A_1580 = tpu.vector_load %arg7[%get3A_1576, %get3A_1577, %get3A_1578, %get3A_1579] {strides = array<i32>} : memref<2x9x64x64xbf16, #tpu.memory_space<vmem>>, vector<32xbf16>,
      %get3A_1581 = arith.constant 0 : i32
      %get3A_1582 = arith.constant 5 : i32
      %get3A_1583 = arith.constant 63 : i32
      %get3A_1584 = arith.index_cast %get3A_1581 : i32 to index
      %get3A_1585 = arith.index_cast %get3A_1582 : i32 to index
      %get3A_1586 = arith.index_cast %get3A_1583 : i32 to index
      %get3A_1587 = arith.constant 0 : index
      %get3A_1588 = tpu.vector_load %arg7[%get3A_1584, %get3A_1585, %get3A_1586, %get3A_1587] {strides = array<i32>} : memref<2x9x64x64xbf16, #tpu.memory_space<vmem>>, vector<32xbf16>,
      %get3A_1589 = arith.constant 0 : i32
      %get3A_1590 = arith.constant 6 : i32
      %get3A_1591 = arith.constant 63 : i32
      %get3A_1592 = arith.index_cast %get3A_1589 : i32 to index
      %get3A_1593 = arith.index_cast %get3A_1590 : i32 to index
      %get3A_1594 = arith.index_cast %get3A_1591 : i32 to index
      %get3A_1595 = arith.constant 0 : index
      %get3A_1596 = tpu.vector_load %arg7[%get3A_1592, %get3A_1593, %get3A_1594, %get3A_1595] {strides = array<i32>} : memref<2x9x64x64xbf16, #tpu.memory_space<vmem>>, vector<32xbf16>,
      %get3A_1597 = arith.constant 0 : i32
      %get3A_1598 = arith.constant 7 : i32
      %get3A_1599 = arith.constant 63 : i32
      %get3A_1600 = arith.index_cast %get3A_1597 : i32 to index
      %get3A_1601 = arith.index_cast %get3A_1598 : i32 to index
      %get3A_1602 = arith.index_cast %get3A_1599 : i32 to index
      %get3A_1603 = arith.constant 0 : index
      %get3A_1604 = tpu.vector_load %arg7[%get3A_1600, %get3A_1601, %get3A_1602, %get3A_1603] {strides = array<i32>} : memref<2x9x64x64xbf16, #tpu.memory_space<vmem>>, vector<32xbf16>,
      %get3A_1605 = arith.constant 0 : i32
      %get3A_1606 = arith.constant 8 : i32
      %get3A_1607 = arith.constant 63 : i32
      %get3A_1608 = arith.index_cast %get3A_1605 : i32 to index
      %get3A_1609 = arith.index_cast %get3A_1606 : i32 to index
      %get3A_1610 = arith.index_cast %get3A_1607 : i32 to index
      %get3A_1611 = arith.constant 0 : index
      %get3A_1612 = tpu.vector_load %arg7[%get3A_1608, %get3A_1609, %get3A_1610, %get3A_1611] {strides = array<i32>} : memref<2x9x64x64xbf16, #tpu.memory_space<vmem>>, vector<32xbf16>,
      %add3A_1613 = arith.addf %get3A_1548, %get3A_1556 : vector<32xbf16>
      %add3A_1614 = arith.addf %get3A_1564, %get3A_1572 : vector<32xbf16>
      %add3A_1615 = arith.addf %get3A_1580, %get3A_1588 : vector<32xbf16>
      %add3A_1616 = arith.addf %get3A_1596, %get3A_1604 : vector<32xbf16>
      %add3A_1617 = arith.addf %add3A_1613, %add3A_1614 : vector<32xbf16>
      %add3A_1618 = arith.addf %add3A_1615, %add3A_1616 : vector<32xbf16>
      %add3A_1619 = arith.addf %add3A_1617, %add3A_1618 : vector<32xbf16>
      %add3A_1620 = arith.addf %add3A_1619, %get3A_1612 : vector<32xbf16>
      %unpack3A_1621 = tpu.unpack_subelements %add3A_1620, 0 {pack_format = #tpu.pack_format<interleaved>} : vector<32xbf16> -> vector<16xf32>
      %unpack3A_1622 = tpu.unpack_subelements %add3A_1620, 1 {pack_format = #tpu.pack_format<interleaved>} : vector<32xbf16> -> vector<16xf32>
      %get3A_1623 = arith.constant 0 : i32
      %get3A_1624 = arith.constant 0 : i32
      %get3A_1625 = arith.constant 63 : i32
      %get3A_1626 = arith.index_cast %get3A_1623 : i32 to index
      %get3A_1627 = arith.index_cast %get3A_1624 : i32 to index
      %get3A_1628 = arith.index_cast %get3A_1625 : i32 to index
      %get3A_1629 = arith.constant 32 : index
      %get3A_1630 = tpu.vector_load %arg7[%get3A_1626, %get3A_1627, %get3A_1628, %get3A_1629] {strides = array<i32>} : memref<2x9x64x64xbf16, #tpu.memory_space<vmem>>, vector<32xbf16>,
      %get3A_1631 = arith.constant 0 : i32
      %get3A_1632 = arith.constant 1 : i32
      %get3A_1633 = arith.constant 63 : i32
      %get3A_1634 = arith.index_cast %get3A_1631 : i32 to index
      %get3A_1635 = arith.index_cast %get3A_1632 : i32 to index
      %get3A_1636 = arith.index_cast %get3A_1633 : i32 to index
      %get3A_1637 = arith.constant 32 : index
      %get3A_1638 = tpu.vector_load %arg7[%get3A_1634, %get3A_1635, %get3A_1636, %get3A_1637] {strides = array<i32>} : memref<2x9x64x64xbf16, #tpu.memory_space<vmem>>, vector<32xbf16>,
      %get3A_1639 = arith.constant 0 : i32
      %get3A_1640 = arith.constant 2 : i32
      %get3A_1641 = arith.constant 63 : i32
      %get3A_1642 = arith.index_cast %get3A_1639 : i32 to index
      %get3A_1643 = arith.index_cast %get3A_1640 : i32 to index
      %get3A_1644 = arith.index_cast %get3A_1641 : i32 to index
      %get3A_1645 = arith.constant 32 : index
      %get3A_1646 = tpu.vector_load %arg7[%get3A_1642, %get3A_1643, %get3A_1644, %get3A_1645] {strides = array<i32>} : memref<2x9x64x64xbf16, #tpu.memory_space<vmem>>, vector<32xbf16>,
      %get3A_1647 = arith.constant 0 : i32
      %get3A_1648 = arith.constant 3 : i32
      %get3A_1649 = arith.constant 63 : i32
      %get3A_1650 = arith.index_cast %get3A_1647 : i32 to index
      %get3A_1651 = arith.index_cast %get3A_1648 : i32 to index
      %get3A_1652 = arith.index_cast %get3A_1649 : i32 to index
      %get3A_1653 = arith.constant 32 : index
      %get3A_1654 = tpu.vector_load %arg7[%get3A_1650, %get3A_1651, %get3A_1652, %get3A_1653] {strides = array<i32>} : memref<2x9x64x64xbf16, #tpu.memory_space<vmem>>, vector<32xbf16>,
      %get3A_1655 = arith.constant 0 : i32
      %get3A_1656 = arith.constant 4 : i32
      %get3A_1657 = arith.constant 63 : i32
      %get3A_1658 = arith.index_cast %get3A_1655 : i32 to index
      %get3A_1659 = arith.index_cast %get3A_1656 : i32 to index
      %get3A_1660 = arith.index_cast %get3A_1657 : i32 to index
      %get3A_1661 = arith.constant 32 : index
      %get3A_1662 = tpu.vector_load %arg7[%get3A_1658, %get3A_1659, %get3A_1660, %get3A_1661] {strides = array<i32>} : memref<2x9x64x64xbf16, #tpu.memory_space<vmem>>, vector<32xbf16>,
      %get3A_1663 = arith.constant 0 : i32
      %get3A_1664 = arith.constant 5 : i32
      %get3A_1665 = arith.constant 63 : i32
      %get3A_1666 = arith.index_cast %get3A_1663 : i32 to index
      %get3A_1667 = arith.index_cast %get3A_1664 : i32 to index
      %get3A_1668 = arith.index_cast %get3A_1665 : i32 to index
      %get3A_1669 = arith.constant 32 : index
      %get3A_1670 = tpu.vector_load %arg7[%get3A_1666, %get3A_1667, %get3A_1668, %get3A_1669] {strides = array<i32>} : memref<2x9x64x64xbf16, #tpu.memory_space<vmem>>, vector<32xbf16>,
      %get3A_1671 = arith.constant 0 : i32
      %get3A_1672 = arith.constant 6 : i32
      %get3A_1673 = arith.constant 63 : i32
      %get3A_1674 = arith.index_cast %get3A_1671 : i32 to index
      %get3A_1675 = arith.index_cast %get3A_1672 : i32 to index
      %get3A_1676 = arith.index_cast %get3A_1673 : i32 to index
      %get3A_1677 = arith.constant 32 : index
      %get3A_1678 = tpu.vector_load %arg7[%get3A_1674, %get3A_1675, %get3A_1676, %get3A_1677] {strides = array<i32>} : memref<2x9x64x64xbf16, #tpu.memory_space<vmem>>, vector<32xbf16>,
      %get3A_1679 = arith.constant 0 : i32
      %get3A_1680 = arith.constant 7 : i32
      %get3A_1681 = arith.constant 63 : i32
      %get3A_1682 = arith.index_cast %get3A_1679 : i32 to index
      %get3A_1683 = arith.index_cast %get3A_1680 : i32 to index
      %get3A_1684 = arith.index_cast %get3A_1681 : i32 to index
      %get3A_1685 = arith.constant 32 : index
      %get3A_1686 = tpu.vector_load %arg7[%get3A_1682, %get3A_1683, %get3A_1684, %get3A_1685] {strides = array<i32>} : memref<2x9x64x64xbf16, #tpu.memory_space<vmem>>, vector<32xbf16>,
      %get3A_1687 = arith.constant 0 : i32
      %get3A_1688 = arith.constant 8 : i32
      %get3A_1689 = arith.constant 63 : i32
      %get3A_1690 = arith.index_cast %get3A_1687 : i32 to index
      %get3A_1691 = arith.index_cast %get3A_1688 : i32 to index
      %get3A_1692 = arith.index_cast %get3A_1689 : i32 to index
      %get3A_1693 = arith.constant 32 : index
      %get3A_1694 = tpu.vector_load %arg7[%get3A_1690, %get3A_1691, %get3A_1692, %get3A_1693] {strides = array<i32>} : memref<2x9x64x64xbf16, #tpu.memory_space<vmem>>, vector<32xbf16>,
      %add3A_1695 = arith.addf %get3A_1630, %get3A_1638 : vector<32xbf16>
      %add3A_1696 = arith.addf %get3A_1646, %get3A_1654 : vector<32xbf16>
      %add3A_1697 = arith.addf %get3A_1662, %get3A_1670 : vector<32xbf16>
      %add3A_1698 = arith.addf %get3A_1678, %get3A_1686 : vector<32xbf16>
      %add3A_1699 = arith.addf %add3A_1695, %add3A_1696 : vector<32xbf16>
      %add3A_1700 = arith.addf %add3A_1697, %add3A_1698 : vector<32xbf16>
      %add3A_1701 = arith.addf %add3A_1699, %add3A_1700 : vector<32xbf16>
      %add3A_1702 = arith.addf %add3A_1701, %get3A_1694 : vector<32xbf16>
      %unpack3A_1703 = tpu.unpack_subelements %add3A_1702, 0 {pack_format = #tpu.pack_format<interleaved>} : vector<32xbf16> -> vector<16xf32>
      %unpack3A_1704 = tpu.unpack_subelements %add3A_1702, 1 {pack_format = #tpu.pack_format<interleaved>} : vector<32xbf16> -> vector<16xf32>
      %add3A_1705 = arith.addf %unpack3A_1450, %get3A_3 : vector<16xf32>
      %add3A_1706 = arith.addf %unpack3A_1622, %unpack3A_1703 : vector<16xf32>
      %add3A_1707 = arith.addf %add3A_1705, %add3A_1706 : vector<16xf32>
      %mul3A_1708 = arith.constant 0 : i32
      %mul3A_1709 = vector.broadcast %mul3A_1708 : i32 to vector<16xi32>
      %mul3A_1710 = arith.muli %iota3A, %mul3A_1709 : vector<16xi32>
      %add3A_1711 = arith.constant 63 : i32
      %add3A_1712 = vector.broadcast %add3A_1711 : i32 to vector<16xi32>
      %add3A_1713 = arith.addi %mul3A_1710, %add3A_1712 : vector<16xi32>
      %scatter3A_1714 = arith.constant 0 : i32
      %scatter3A_1715 = arith.constant 0 : i32
      %scatter3A_1716 = arith.constant 0 : i32
      %scatter3A_1717 = tpu.memref_slice %arg8[%scatter3A_1714, %scatter3A_1715, %scatter3A_1716] : memref<2x16x64xf32, #tpu.memory_space<vmem>> -> memref<1x16x64xf32, #tpu.memory_space<vmem>>
      %scatter3A_1718 = tpu.memref_squeeze %scatter3A_1717 : memref<1x16x64xf32, #tpu.memory_space<vmem>> -> memref<16x64xf32, #tpu.memory_space<vmem>>
      tpu.vector_store_idx %scatter3A_1718[%iota3A, %add3A_1713], %add3A_1707 : memref<16x64xf32, #tpu.memory_space<vmem>>[vector<16xi32>, vector<16xi32>], vector<16xf32>,
      %shift_right_arithmetic3A_1719 = arith.constant 10 : i32
      %shift_right_arithmetic3A_1720 = arith.shrsi %add3A_752, %shift_right_arithmetic3A_1719 : i32
      %shift_right_arithmetic3A_1721 = arith.constant 6 : i32
      %shift_right_arithmetic3A_1722 = arith.shrsi %add3A_752, %shift_right_arithmetic3A_1721 : i32
      %and3A_1723 = arith.constant 15 : i32
      %and3A_1724 = arith.andi %shift_right_arithmetic3A_1722, %and3A_1723 : i32
      %and3A_1725 = arith.constant 63 : i32
      %and3A_1726 = arith.andi %add3A_752, %and3A_1725 : i32
      %dma_start3A_1727 = arith.constant 0 : i32
      %dma_start3A_1728 = arith.constant 0 : i32
      %dma_start3A_1729 = arith.constant 0 : i32
      %dma_start3A_1730 = tpu.memref_slice %arg8[%dma_start3A_1727, %dma_start3A_1728, %dma_start3A_1729] : memref<2x16x64xf32, #tpu.memory_space<vmem>> -> memref<1x16x64xf32, #tpu.memory_space<vmem>>
      %dma_start3A_1731 = tpu.memref_squeeze %dma_start3A_1730 : memref<1x16x64xf32, #tpu.memory_space<vmem>> -> memref<16x64xf32, #tpu.memory_space<vmem>>
      %dma_start3A_1732 = arith.constant 0 : i32
      %dma_start3A_1733 = arith.constant 0 : i32
      %dma_start3A_1734 = tpu.memref_slice %arg5[%shift_right_arithmetic3A_1720, %dma_start3A_1732, %and3A_1724, %and3A_1726, %dma_start3A_1733] : memref<4x16x16x64x64xf32, #tpu.memory_space<hbm>> -> memref<1x16x1x1x64xf32, #tpu.memory_space<hbm>>
      %dma_start3A_1735 = tpu.memref_squeeze %dma_start3A_1734 : memref<1x16x1x1x64xf32, #tpu.memory_space<hbm>> -> memref<16x64xf32, #tpu.memory_space<hbm>>
      %dma_start3A_1736 = arith.constant 0 : i32
      %dma_start3A_1737 = arith.constant 0 : i32
      %dma_start3A_1738 = tpu.memref_slice %arg5[%shift_right_arithmetic3A_1720, %dma_start3A_1736, %and3A_1724, %and3A_1726, %dma_start3A_1737] : memref<4x16x16x64x64xf32, #tpu.memory_space<hbm>> -> memref<1x16x1x1x64xf32, #tpu.memory_space<hbm>>
      %dma_start3A_1739 = tpu.memref_squeeze %dma_start3A_1738 : memref<1x16x1x1x64xf32, #tpu.memory_space<hbm>> -> memref<16x64xf32, #tpu.memory_space<hbm>>
      %dma_start3A_1740 = arith.constant 0 : i32
      %dma_start3A_1741 = arith.constant 0 : i32
      %dma_start3A_1742 = tpu.memref_slice %arg8[%dma_start3A_1727, %dma_start3A_1740, %dma_start3A_1741] : memref<2x16x64xf32, #tpu.memory_space<vmem>> -> memref<1x16x64xf32, #tpu.memory_space<vmem>>
      %dma_start3A_1743 = tpu.memref_squeeze %dma_start3A_1742 : memref<1x16x64xf32, #tpu.memory_space<vmem>> -> memref<16x64xf32, #tpu.memory_space<vmem>>
      tpu.enqueue_dma source(%dma_start3A_1743 : memref<16x64xf32, #tpu.memory_space<vmem>>) target(%dma_start3A_1739 : memref<16x64xf32, #tpu.memory_space<hbm>>) target_semaphore(%arg14 : memref<!tpu.dma_semaphore, #tpu.memory_space<semaphore_mem>>)
      %add3A_1744 = arith.constant 2 : i32
      %add3A_1745 = arith.addi %add3A_751, %add3A_1744 : i32
      %lt3A = arith.constant 128 : i32
      %lt3A_1746 = arith.cmpi slt, %add3A_1745, %lt3A : i32
      %convert_element_type3A_1747 = arith.extui %lt3A_1746 : i1 to i32
      %cond3A_1748 = arith.constant 0 : i32
      %cond3A_1749 = arith.cmpi ne, %convert_element_type3A_1747, %cond3A_1748 : i32
      scf.if %cond3A_1749 {
        %add3A_2756 = arith.constant 2 : i32
        %add3A_2757 = arith.addi %add3A_751, %add3A_2756 : i32
        %and3A_2758 = arith.constant 63 : i32
        %and3A_2759 = arith.andi %add3A_2757, %and3A_2758 : i32
        %add3A_2760 = arith.constant -1 : i32
        %add3A_2761 = arith.addi %and3A_2759, %add3A_2760 : i32
        %jit3A_2762 = arith.constant 0 : i32
        %jit3A_2763 = arith.constant 63 : i32
        %max3A_2764 = arith.maxsi %jit3A_2762, %add3A_2761 : i32
        %min3A_2765 = arith.minsi %jit3A_2763, %max3A_2764 : i32
        %shift_right_arithmetic3A_2766 = arith.constant 6 : i32
        %shift_right_arithmetic3A_2767 = arith.shrsi %add3A_2757, %shift_right_arithmetic3A_2766 : i32
        %and3A_2768 = arith.constant 1 : i32
        %and3A_2769 = arith.andi %shift_right_arithmetic3A_2767, %and3A_2768 : i32
        %dma_start3A_2770 = arith.constant 0 : i32
        %dma_start3A_2771 = arith.constant 0 : i32
        %dma_start3A_2772 = arith.constant 0 : i32
        %dma_start3A_2773 = arith.constant 0 : i32
        %dma_start3A_2774 = arith.constant 0 : i32
        %dma_start3A_2775 = arith.constant 0 : i32
        %dma_start3A_2776 = tpu.memref_slice %arg7[%dma_start3A_2772, %dma_start3A_2773, %dma_start3A_2774, %dma_start3A_2775] : memref<2x9x64x64xbf16, #tpu.memory_space<vmem>> -> memref<1x1x64x64xbf16, #tpu.memory_space<vmem>>
        %dma_start3A_2777 = tpu.memref_squeeze %dma_start3A_2776 : memref<1x1x64x64xbf16, #tpu.memory_space<vmem>> -> memref<64x64xbf16, #tpu.memory_space<vmem>>
        %dma_start3A_2778 = arith.constant 0 : i32
        %dma_start3A_2779 = tpu.memref_slice %arg6[%and3A_2769, %dma_start3A_2771, %min3A_2765, %dma_start3A_2778] : memref<2x3x64x64xi32, #tpu.memory_space<vmem>> -> memref<1x1x1x64xi32, #tpu.memory_space<vmem>>
        %dma_start3A_2780 = tpu.memref_squeeze %dma_start3A_2779 : memref<1x1x1x64xi32, #tpu.memory_space<vmem>> -> memref<64xi32, #tpu.memory_space<vmem>>
        %dma_start3A_2781 = arith.constant 0 : i32
        %dma_start3A_2782 = arith.constant 0 : i32
        %dma_start3A_2783 = tpu.memref_slice %arg2[%dma_start3A_2770, %dma_start3A_2781, %dma_start3A_2782] : memref<9x8192x64xbf16, #tpu.memory_space<hbm>> -> memref<1x8192x64xbf16, #tpu.memory_space<hbm>>
        %dma_start3A_2784 = tpu.memref_squeeze %dma_start3A_2783 : memref<1x8192x64xbf16, #tpu.memory_space<hbm>> -> memref<8192x64xbf16, #tpu.memory_space<hbm>>
        %dma_start3A_2785 = arith.constant 0 : i32
        %dma_start3A_2786 = arith.constant 0 : i32
        %dma_start3A_2787 = tpu.memref_slice %dma_start3A_2784[%dma_start3A_2785, %dma_start3A_2786] : memref<8192x64xbf16, #tpu.memory_space<hbm>> -> memref<8192x64xbf16, #tpu.memory_space<hbm>>
        tpu.enqueue_indirect_dma source(%dma_start3A_2787 : memref<8192x64xbf16, #tpu.memory_space<hbm>>) target(%dma_start3A_2777 : memref<64x64xbf16, #tpu.memory_space<vmem>>) offsets(%dma_start3A_2780 : memref<64xi32, #tpu.memory_space<vmem>>) semaphore(%arg12 : memref<!tpu.dma_semaphore, #tpu.memory_space<semaphore_mem>>)
        %and3A_2788 = arith.constant 63 : i32
        %and3A_2789 = arith.andi %add3A_2757, %and3A_2788 : i32
        %add3A_2790 = arith.constant 0 : i32
        %add3A_2791 = arith.addi %and3A_2789, %add3A_2790 : i32
        %jit3A_2792 = arith.constant 0 : i32
        %jit3A_2793 = arith.constant 63 : i32
        %max3A_2794 = arith.maxsi %jit3A_2792, %add3A_2791 : i32
        %min3A_2795 = arith.minsi %jit3A_2793, %max3A_2794 : i32
        %shift_right_arithmetic3A_2796 = arith.constant 6 : i32
        %shift_right_arithmetic3A_2797 = arith.shrsi %add3A_2757, %shift_right_arithmetic3A_2796 : i32
        %and3A_2798 = arith.constant 1 : i32
        %and3A_2799 = arith.andi %shift_right_arithmetic3A_2797, %and3A_2798 : i32
        %dma_start3A_2800 = arith.constant 1 : i32
        %dma_start3A_2801 = arith.constant 0 : i32
        %dma_start3A_2802 = arith.constant 0 : i32
        %dma_start3A_2803 = arith.constant 1 : i32
        %dma_start3A_2804 = arith.constant 0 : i32
        %dma_start3A_2805 = arith.constant 0 : i32
        %dma_start3A_2806 = tpu.memref_slice %arg7[%dma_start3A_2802, %dma_start3A_2803, %dma_start3A_2804, %dma_start3A_2805] : memref<2x9x64x64xbf16, #tpu.memory_space<vmem>> -> memref<1x1x64x64xbf16, #tpu.memory_space<vmem>>
        %dma_start3A_2807 = tpu.memref_squeeze %dma_start3A_2806 : memref<1x1x64x64xbf16, #tpu.memory_space<vmem>> -> memref<64x64xbf16, #tpu.memory_space<vmem>>
        %dma_start3A_2808 = arith.constant 0 : i32
        %dma_start3A_2809 = tpu.memref_slice %arg6[%and3A_2799, %dma_start3A_2801, %min3A_2795, %dma_start3A_2808] : memref<2x3x64x64xi32, #tpu.memory_space<vmem>> -> memref<1x1x1x64xi32, #tpu.memory_space<vmem>>
        %dma_start3A_2810 = tpu.memref_squeeze %dma_start3A_2809 : memref<1x1x1x64xi32, #tpu.memory_space<vmem>> -> memref<64xi32, #tpu.memory_space<vmem>>
        %dma_start3A_2811 = arith.constant 0 : i32
        %dma_start3A_2812 = arith.constant 0 : i32
        %dma_start3A_2813 = tpu.memref_slice %arg2[%dma_start3A_2800, %dma_start3A_2811, %dma_start3A_2812] : memref<9x8192x64xbf16, #tpu.memory_space<hbm>> -> memref<1x8192x64xbf16, #tpu.memory_space<hbm>>
        %dma_start3A_2814 = tpu.memref_squeeze %dma_start3A_2813 : memref<1x8192x64xbf16, #tpu.memory_space<hbm>> -> memref<8192x64xbf16, #tpu.memory_space<hbm>>
        %dma_start3A_2815 = arith.constant 0 : i32
        %dma_start3A_2816 = arith.constant 0 : i32
        %dma_start3A_2817 = tpu.memref_slice %dma_start3A_2814[%dma_start3A_2815, %dma_start3A_2816] : memref<8192x64xbf16, #tpu.memory_space<hbm>> -> memref<8192x64xbf16, #tpu.memory_space<hbm>>
        tpu.enqueue_indirect_dma source(%dma_start3A_2817 : memref<8192x64xbf16, #tpu.memory_space<hbm>>) target(%dma_start3A_2807 : memref<64x64xbf16, #tpu.memory_space<vmem>>) offsets(%dma_start3A_2810 : memref<64xi32, #tpu.memory_space<vmem>>) semaphore(%arg12 : memref<!tpu.dma_semaphore, #tpu.memory_space<semaphore_mem>>)
        %and3A_2818 = arith.constant 63 : i32
        %and3A_2819 = arith.andi %add3A_2757, %and3A_2818 : i32
        %add3A_2820 = arith.constant 1 : i32
        %add3A_2821 = arith.addi %and3A_2819, %add3A_2820 : i32
        %jit3A_2822 = arith.constant 0 : i32
        %jit3A_2823 = arith.constant 63 : i32
        %max3A_2824 = arith.maxsi %jit3A_2822, %add3A_2821 : i32
        %min3A_2825 = arith.minsi %jit3A_2823, %max3A_2824 : i32
        %shift_right_arithmetic3A_2826 = arith.constant 6 : i32
        %shift_right_arithmetic3A_2827 = arith.shrsi %add3A_2757, %shift_right_arithmetic3A_2826 : i32
        %and3A_2828 = arith.constant 1 : i32
        %and3A_2829 = arith.andi %shift_right_arithmetic3A_2827, %and3A_2828 : i32
        %dma_start3A_2830 = arith.constant 2 : i32
        %dma_start3A_2831 = arith.constant 0 : i32
        %dma_start3A_2832 = arith.constant 0 : i32
        %dma_start3A_2833 = arith.constant 2 : i32
        %dma_start3A_2834 = arith.constant 0 : i32
        %dma_start3A_2835 = arith.constant 0 : i32
        %dma_start3A_2836 = tpu.memref_slice %arg7[%dma_start3A_2832, %dma_start3A_2833, %dma_start3A_2834, %dma_start3A_2835] : memref<2x9x64x64xbf16, #tpu.memory_space<vmem>> -> memref<1x1x64x64xbf16, #tpu.memory_space<vmem>>
        %dma_start3A_2837 = tpu.memref_squeeze %dma_start3A_2836 : memref<1x1x64x64xbf16, #tpu.memory_space<vmem>> -> memref<64x64xbf16, #tpu.memory_space<vmem>>
        %dma_start3A_2838 = arith.constant 0 : i32
        %dma_start3A_2839 = tpu.memref_slice %arg6[%and3A_2829, %dma_start3A_2831, %min3A_2825, %dma_start3A_2838] : memref<2x3x64x64xi32, #tpu.memory_space<vmem>> -> memref<1x1x1x64xi32, #tpu.memory_space<vmem>>
        %dma_start3A_2840 = tpu.memref_squeeze %dma_start3A_2839 : memref<1x1x1x64xi32, #tpu.memory_space<vmem>> -> memref<64xi32, #tpu.memory_space<vmem>>
        %dma_start3A_2841 = arith.constant 0 : i32
        %dma_start3A_2842 = arith.constant 0 : i32
        %dma_start3A_2843 = tpu.memref_slice %arg2[%dma_start3A_2830, %dma_start3A_2841, %dma_start3A_2842] : memref<9x8192x64xbf16, #tpu.memory_space<hbm>> -> memref<1x8192x64xbf16, #tpu.memory_space<hbm>>
        %dma_start3A_2844 = tpu.memref_squeeze %dma_start3A_2843 : memref<1x8192x64xbf16, #tpu.memory_space<hbm>> -> memref<8192x64xbf16, #tpu.memory_space<hbm>>
        %dma_start3A_2845 = arith.constant 0 : i32
        %dma_start3A_2846 = arith.constant 0 : i32
        %dma_start3A_2847 = tpu.memref_slice %dma_start3A_2844[%dma_start3A_2845, %dma_start3A_2846] : memref<8192x64xbf16, #tpu.memory_space<hbm>> -> memref<8192x64xbf16, #tpu.memory_space<hbm>>
        tpu.enqueue_indirect_dma source(%dma_start3A_2847 : memref<8192x64xbf16, #tpu.memory_space<hbm>>) target(%dma_start3A_2837 : memref<64x64xbf16, #tpu.memory_space<vmem>>) offsets(%dma_start3A_2840 : memref<64xi32, #tpu.memory_space<vmem>>) semaphore(%arg12 : memref<!tpu.dma_semaphore, #tpu.memory_space<semaphore_mem>>)
        %and3A_2848 = arith.constant 63 : i32
        %and3A_2849 = arith.andi %add3A_2757, %and3A_2848 : i32
        %add3A_2850 = arith.constant -1 : i32
        %add3A_2851 = arith.addi %and3A_2849, %add3A_2850 : i32
        %jit3A_2852 = arith.constant 0 : i32
        %jit3A_2853 = arith.constant 63 : i32
        %max3A_2854 = arith.maxsi %jit3A_2852, %add3A_2851 : i32
        %min3A_2855 = arith.minsi %jit3A_2853, %max3A_2854 : i32
        %shift_right_arithmetic3A_2856 = arith.constant 6 : i32
        %shift_right_arithmetic3A_2857 = arith.shrsi %add3A_2757, %shift_right_arithmetic3A_2856 : i32
        %and3A_2858 = arith.constant 1 : i32
        %and3A_2859 = arith.andi %shift_right_arithmetic3A_2857, %and3A_2858 : i32
        %dma_start3A_2860 = arith.constant 3 : i32
        %dma_start3A_2861 = arith.constant 1 : i32
        %dma_start3A_2862 = arith.constant 0 : i32
        %dma_start3A_2863 = arith.constant 3 : i32
        %dma_start3A_2864 = arith.constant 0 : i32
        %dma_start3A_2865 = arith.constant 0 : i32
        %dma_start3A_2866 = tpu.memref_slice %arg7[%dma_start3A_2862, %dma_start3A_2863, %dma_start3A_2864, %dma_start3A_2865] : memref<2x9x64x64xbf16, #tpu.memory_space<vmem>> -> memref<1x1x64x64xbf16, #tpu.memory_space<vmem>>
        %dma_start3A_2867 = tpu.memref_squeeze %dma_start3A_2866 : memref<1x1x64x64xbf16, #tpu.memory_space<vmem>> -> memref<64x64xbf16, #tpu.memory_space<vmem>>
        %dma_start3A_2868 = arith.constant 0 : i32
        %dma_start3A_2869 = tpu.memref_slice %arg6[%and3A_2859, %dma_start3A_2861, %min3A_2855, %dma_start3A_2868] : memref<2x3x64x64xi32, #tpu.memory_space<vmem>> -> memref<1x1x1x64xi32, #tpu.memory_space<vmem>>
        %dma_start3A_2870 = tpu.memref_squeeze %dma_start3A_2869 : memref<1x1x1x64xi32, #tpu.memory_space<vmem>> -> memref<64xi32, #tpu.memory_space<vmem>>
        %dma_start3A_2871 = arith.constant 0 : i32
        %dma_start3A_2872 = arith.constant 0 : i32
        %dma_start3A_2873 = tpu.memref_slice %arg2[%dma_start3A_2860, %dma_start3A_2871, %dma_start3A_2872] : memref<9x8192x64xbf16, #tpu.memory_space<hbm>> -> memref<1x8192x64xbf16, #tpu.memory_space<hbm>>
        %dma_start3A_2874 = tpu.memref_squeeze %dma_start3A_2873 : memref<1x8192x64xbf16, #tpu.memory_space<hbm>> -> memref<8192x64xbf16, #tpu.memory_space<hbm>>
        %dma_start3A_2875 = arith.constant 0 : i32
        %dma_start3A_2876 = arith.constant 0 : i32
        %dma_start3A_2877 = tpu.memref_slice %dma_start3A_2874[%dma_start3A_2875, %dma_start3A_2876] : memref<8192x64xbf16, #tpu.memory_space<hbm>> -> memref<8192x64xbf16, #tpu.memory_space<hbm>>
        tpu.enqueue_indirect_dma source(%dma_start3A_2877 : memref<8192x64xbf16, #tpu.memory_space<hbm>>) target(%dma_start3A_2867 : memref<64x64xbf16, #tpu.memory_space<vmem>>) offsets(%dma_start3A_2870 : memref<64xi32, #tpu.memory_space<vmem>>) semaphore(%arg12 : memref<!tpu.dma_semaphore, #tpu.memory_space<semaphore_mem>>)
        %and3A_2878 = arith.constant 63 : i32
        %and3A_2879 = arith.andi %add3A_2757, %and3A_2878 : i32
        %add3A_2880 = arith.constant 0 : i32
        %add3A_2881 = arith.addi %and3A_2879, %add3A_2880 : i32
        %jit3A_2882 = arith.constant 0 : i32
        %jit3A_2883 = arith.constant 63 : i32
        %max3A_2884 = arith.maxsi %jit3A_2882, %add3A_2881 : i32
        %min3A_2885 = arith.minsi %jit3A_2883, %max3A_2884 : i32
        %shift_right_arithmetic3A_2886 = arith.constant 6 : i32
        %shift_right_arithmetic3A_2887 = arith.shrsi %add3A_2757, %shift_right_arithmetic3A_2886 : i32
        %and3A_2888 = arith.constant 1 : i32
        %and3A_2889 = arith.andi %shift_right_arithmetic3A_2887, %and3A_2888 : i32
        %dma_start3A_2890 = arith.constant 4 : i32
        %dma_start3A_2891 = arith.constant 1 : i32
        %dma_start3A_2892 = arith.constant 0 : i32
        %dma_start3A_2893 = arith.constant 4 : i32
        %dma_start3A_2894 = arith.constant 0 : i32
        %dma_start3A_2895 = arith.constant 0 : i32
        %dma_start3A_2896 = tpu.memref_slice %arg7[%dma_start3A_2892, %dma_start3A_2893, %dma_start3A_2894, %dma_start3A_2895] : memref<2x9x64x64xbf16, #tpu.memory_space<vmem>> -> memref<1x1x64x64xbf16, #tpu.memory_space<vmem>>
        %dma_start3A_2897 = tpu.memref_squeeze %dma_start3A_2896 : memref<1x1x64x64xbf16, #tpu.memory_space<vmem>> -> memref<64x64xbf16, #tpu.memory_space<vmem>>
        %dma_start3A_2898 = arith.constant 0 : i32
        %dma_start3A_2899 = tpu.memref_slice %arg6[%and3A_2889, %dma_start3A_2891, %min3A_2885, %dma_start3A_2898] : memref<2x3x64x64xi32, #tpu.memory_space<vmem>> -> memref<1x1x1x64xi32, #tpu.memory_space<vmem>>
        %dma_start3A_2900 = tpu.memref_squeeze %dma_start3A_2899 : memref<1x1x1x64xi32, #tpu.memory_space<vmem>> -> memref<64xi32, #tpu.memory_space<vmem>>
        %dma_start3A_2901 = arith.constant 0 : i32
        %dma_start3A_2902 = arith.constant 0 : i32
        %dma_start3A_2903 = tpu.memref_slice %arg2[%dma_start3A_2890, %dma_start3A_2901, %dma_start3A_2902] : memref<9x8192x64xbf16, #tpu.memory_space<hbm>> -> memref<1x8192x64xbf16, #tpu.memory_space<hbm>>
        %dma_start3A_2904 = tpu.memref_squeeze %dma_start3A_2903 : memref<1x8192x64xbf16, #tpu.memory_space<hbm>> -> memref<8192x64xbf16, #tpu.memory_space<hbm>>
        %dma_start3A_2905 = arith.constant 0 : i32
        %dma_start3A_2906 = arith.constant 0 : i32
        %dma_start3A_2907 = tpu.memref_slice %dma_start3A_2904[%dma_start3A_2905, %dma_start3A_2906] : memref<8192x64xbf16, #tpu.memory_space<hbm>> -> memref<8192x64xbf16, #tpu.memory_space<hbm>>
        tpu.enqueue_indirect_dma source(%dma_start3A_2907 : memref<8192x64xbf16, #tpu.memory_space<hbm>>) target(%dma_start3A_2897 : memref<64x64xbf16, #tpu.memory_space<vmem>>) offsets(%dma_start3A_2900 : memref<64xi32, #tpu.memory_space<vmem>>) semaphore(%arg12 : memref<!tpu.dma_semaphore, #tpu.memory_space<semaphore_mem>>)
        %and3A_2908 = arith.constant 63 : i32
        %and3A_2909 = arith.andi %add3A_2757, %and3A_2908 : i32
        %add3A_2910 = arith.constant 1 : i32
        %add3A_2911 = arith.addi %and3A_2909, %add3A_2910 : i32
        %jit3A_2912 = arith.constant 0 : i32
        %jit3A_2913 = arith.constant 63 : i32
        %max3A_2914 = arith.maxsi %jit3A_2912, %add3A_2911 : i32
        %min3A_2915 = arith.minsi %jit3A_2913, %max3A_2914 : i32
        %shift_right_arithmetic3A_2916 = arith.constant 6 : i32
        %shift_right_arithmetic3A_2917 = arith.shrsi %add3A_2757, %shift_right_arithmetic3A_2916 : i32
        %and3A_2918 = arith.constant 1 : i32
        %and3A_2919 = arith.andi %shift_right_arithmetic3A_2917, %and3A_2918 : i32
        %dma_start3A_2920 = arith.constant 5 : i32
        %dma_start3A_2921 = arith.constant 1 : i32
        %dma_start3A_2922 = arith.constant 0 : i32
        %dma_start3A_2923 = arith.constant 5 : i32
        %dma_start3A_2924 = arith.constant 0 : i32
        %dma_start3A_2925 = arith.constant 0 : i32
        %dma_start3A_2926 = tpu.memref_slice %arg7[%dma_start3A_2922, %dma_start3A_2923, %dma_start3A_2924, %dma_start3A_2925] : memref<2x9x64x64xbf16, #tpu.memory_space<vmem>> -> memref<1x1x64x64xbf16, #tpu.memory_space<vmem>>
        %dma_start3A_2927 = tpu.memref_squeeze %dma_start3A_2926 : memref<1x1x64x64xbf16, #tpu.memory_space<vmem>> -> memref<64x64xbf16, #tpu.memory_space<vmem>>
        %dma_start3A_2928 = arith.constant 0 : i32
        %dma_start3A_2929 = tpu.memref_slice %arg6[%and3A_2919, %dma_start3A_2921, %min3A_2915, %dma_start3A_2928] : memref<2x3x64x64xi32, #tpu.memory_space<vmem>> -> memref<1x1x1x64xi32, #tpu.memory_space<vmem>>
        %dma_start3A_2930 = tpu.memref_squeeze %dma_start3A_2929 : memref<1x1x1x64xi32, #tpu.memory_space<vmem>> -> memref<64xi32, #tpu.memory_space<vmem>>
        %dma_start3A_2931 = arith.constant 0 : i32
        %dma_start3A_2932 = arith.constant 0 : i32
        %dma_start3A_2933 = tpu.memref_slice %arg2[%dma_start3A_2920, %dma_start3A_2931, %dma_start3A_2932] : memref<9x8192x64xbf16, #tpu.memory_space<hbm>> -> memref<1x8192x64xbf16, #tpu.memory_space<hbm>>
        %dma_start3A_2934 = tpu.memref_squeeze %dma_start3A_2933 : memref<1x8192x64xbf16, #tpu.memory_space<hbm>> -> memref<8192x64xbf16, #tpu.memory_space<hbm>>
        %dma_start3A_2935 = arith.constant 0 : i32
        %dma_start3A_2936 = arith.constant 0 : i32
        %dma_start3A_2937 = tpu.memref_slice %dma_start3A_2934[%dma_start3A_2935, %dma_start3A_2936] : memref<8192x64xbf16, #tpu.memory_space<hbm>> -> memref<8192x64xbf16, #tpu.memory_space<hbm>>
        tpu.enqueue_indirect_dma source(%dma_start3A_2937 : memref<8192x64xbf16, #tpu.memory_space<hbm>>) target(%dma_start3A_2927 : memref<64x64xbf16, #tpu.memory_space<vmem>>) offsets(%dma_start3A_2930 : memref<64xi32, #tpu.memory_space<vmem>>) semaphore(%arg12 : memref<!tpu.dma_semaphore, #tpu.memory_space<semaphore_mem>>)
        %and3A_2938 = arith.constant 63 : i32
        %and3A_2939 = arith.andi %add3A_2757, %and3A_2938 : i32
        %add3A_2940 = arith.constant -1 : i32
        %add3A_2941 = arith.addi %and3A_2939, %add3A_2940 : i32
        %jit3A_2942 = arith.constant 0 : i32
        %jit3A_2943 = arith.constant 63 : i32
        %max3A_2944 = arith.maxsi %jit3A_2942, %add3A_2941 : i32
        %min3A_2945 = arith.minsi %jit3A_2943, %max3A_2944 : i32
        %shift_right_arithmetic3A_2946 = arith.constant 6 : i32
        %shift_right_arithmetic3A_2947 = arith.shrsi %add3A_2757, %shift_right_arithmetic3A_2946 : i32
        %and3A_2948 = arith.constant 1 : i32
        %and3A_2949 = arith.andi %shift_right_arithmetic3A_2947, %and3A_2948 : i32
        %dma_start3A_2950 = arith.constant 6 : i32
        %dma_start3A_2951 = arith.constant 2 : i32
        %dma_start3A_2952 = arith.constant 0 : i32
        %dma_start3A_2953 = arith.constant 6 : i32
        %dma_start3A_2954 = arith.constant 0 : i32
        %dma_start3A_2955 = arith.constant 0 : i32
        %dma_start3A_2956 = tpu.memref_slice %arg7[%dma_start3A_2952, %dma_start3A_2953, %dma_start3A_2954, %dma_start3A_2955] : memref<2x9x64x64xbf16, #tpu.memory_space<vmem>> -> memref<1x1x64x64xbf16, #tpu.memory_space<vmem>>
        %dma_start3A_2957 = tpu.memref_squeeze %dma_start3A_2956 : memref<1x1x64x64xbf16, #tpu.memory_space<vmem>> -> memref<64x64xbf16, #tpu.memory_space<vmem>>
        %dma_start3A_2958 = arith.constant 0 : i32
        %dma_start3A_2959 = tpu.memref_slice %arg6[%and3A_2949, %dma_start3A_2951, %min3A_2945, %dma_start3A_2958] : memref<2x3x64x64xi32, #tpu.memory_space<vmem>> -> memref<1x1x1x64xi32, #tpu.memory_space<vmem>>
        %dma_start3A_2960 = tpu.memref_squeeze %dma_start3A_2959 : memref<1x1x1x64xi32, #tpu.memory_space<vmem>> -> memref<64xi32, #tpu.memory_space<vmem>>
        %dma_start3A_2961 = arith.constant 0 : i32
        %dma_start3A_2962 = arith.constant 0 : i32
        %dma_start3A_2963 = tpu.memref_slice %arg2[%dma_start3A_2950, %dma_start3A_2961, %dma_start3A_2962] : memref<9x8192x64xbf16, #tpu.memory_space<hbm>> -> memref<1x8192x64xbf16, #tpu.memory_space<hbm>>
        %dma_start3A_2964 = tpu.memref_squeeze %dma_start3A_2963 : memref<1x8192x64xbf16, #tpu.memory_space<hbm>> -> memref<8192x64xbf16, #tpu.memory_space<hbm>>
        %dma_start3A_2965 = arith.constant 0 : i32
        %dma_start3A_2966 = arith.constant 0 : i32
        %dma_start3A_2967 = tpu.memref_slice %dma_start3A_2964[%dma_start3A_2965, %dma_start3A_2966] : memref<8192x64xbf16, #tpu.memory_space<hbm>> -> memref<8192x64xbf16, #tpu.memory_space<hbm>>
        tpu.enqueue_indirect_dma source(%dma_start3A_2967 : memref<8192x64xbf16, #tpu.memory_space<hbm>>) target(%dma_start3A_2957 : memref<64x64xbf16, #tpu.memory_space<vmem>>) offsets(%dma_start3A_2960 : memref<64xi32, #tpu.memory_space<vmem>>) semaphore(%arg12 : memref<!tpu.dma_semaphore, #tpu.memory_space<semaphore_mem>>)
        %and3A_2968 = arith.constant 63 : i32
        %and3A_2969 = arith.andi %add3A_2757, %and3A_2968 : i32
        %add3A_2970 = arith.constant 0 : i32
        %add3A_2971 = arith.addi %and3A_2969, %add3A_2970 : i32
        %jit3A_2972 = arith.constant 0 : i32
        %jit3A_2973 = arith.constant 63 : i32
        %max3A_2974 = arith.maxsi %jit3A_2972, %add3A_2971 : i32
        %min3A_2975 = arith.minsi %jit3A_2973, %max3A_2974 : i32
        %shift_right_arithmetic3A_2976 = arith.constant 6 : i32
        %shift_right_arithmetic3A_2977 = arith.shrsi %add3A_2757, %shift_right_arithmetic3A_2976 : i32
        %and3A_2978 = arith.constant 1 : i32
        %and3A_2979 = arith.andi %shift_right_arithmetic3A_2977, %and3A_2978 : i32
        %dma_start3A_2980 = arith.constant 7 : i32
        %dma_start3A_2981 = arith.constant 2 : i32
        %dma_start3A_2982 = arith.constant 0 : i32
        %dma_start3A_2983 = arith.constant 7 : i32
        %dma_start3A_2984 = arith.constant 0 : i32
        %dma_start3A_2985 = arith.constant 0 : i32
        %dma_start3A_2986 = tpu.memref_slice %arg7[%dma_start3A_2982, %dma_start3A_2983, %dma_start3A_2984, %dma_start3A_2985] : memref<2x9x64x64xbf16, #tpu.memory_space<vmem>> -> memref<1x1x64x64xbf16, #tpu.memory_space<vmem>>
        %dma_start3A_2987 = tpu.memref_squeeze %dma_start3A_2986 : memref<1x1x64x64xbf16, #tpu.memory_space<vmem>> -> memref<64x64xbf16, #tpu.memory_space<vmem>>
        %dma_start3A_2988 = arith.constant 0 : i32
        %dma_start3A_2989 = tpu.memref_slice %arg6[%and3A_2979, %dma_start3A_2981, %min3A_2975, %dma_start3A_2988] : memref<2x3x64x64xi32, #tpu.memory_space<vmem>> -> memref<1x1x1x64xi32, #tpu.memory_space<vmem>>
        %dma_start3A_2990 = tpu.memref_squeeze %dma_start3A_2989 : memref<1x1x1x64xi32, #tpu.memory_space<vmem>> -> memref<64xi32, #tpu.memory_space<vmem>>
        %dma_start3A_2991 = arith.constant 0 : i32
        %dma_start3A_2992 = arith.constant 0 : i32
        %dma_start3A_2993 = tpu.memref_slice %arg2[%dma_start3A_2980, %dma_start3A_2991, %dma_start3A_2992] : memref<9x8192x64xbf16, #tpu.memory_space<hbm>> -> memref<1x8192x64xbf16, #tpu.memory_space<hbm>>
        %dma_start3A_2994 = tpu.memref_squeeze %dma_start3A_2993 : memref<1x8192x64xbf16, #tpu.memory_space<hbm>> -> memref<8192x64xbf16, #tpu.memory_space<hbm>>
        %dma_start3A_2995 = arith.constant 0 : i32
        %dma_start3A_2996 = arith.constant 0 : i32
        %dma_start3A_2997 = tpu.memref_slice %dma_start3A_2994[%dma_start3A_2995, %dma_start3A_2996] : memref<8192x64xbf16, #tpu.memory_space<hbm>> -> memref<8192x64xbf16, #tpu.memory_space<hbm>>
        tpu.enqueue_indirect_dma source(%dma_start3A_2997 : memref<8192x64xbf16, #tpu.memory_space<hbm>>) target(%dma_start3A_2987 : memref<64x64xbf16, #tpu.memory_space<vmem>>) offsets(%dma_start3A_2990 : memref<64xi32, #tpu.memory_space<vmem>>) semaphore(%arg12 : memref<!tpu.dma_semaphore, #tpu.memory_space<semaphore_mem>>)
        %and3A_2998 = arith.constant 63 : i32
        %and3A_2999 = arith.andi %add3A_2757, %and3A_2998 : i32
        %add3A_3000 = arith.constant 1 : i32
        %add3A_3001 = arith.addi %and3A_2999, %add3A_3000 : i32
        %jit3A_3002 = arith.constant 0 : i32
        %jit3A_3003 = arith.constant 63 : i32
        %max3A_3004 = arith.maxsi %jit3A_3002, %add3A_3001 : i32
        %min3A_3005 = arith.minsi %jit3A_3003, %max3A_3004 : i32
        %shift_right_arithmetic3A_3006 = arith.constant 6 : i32
        %shift_right_arithmetic3A_3007 = arith.shrsi %add3A_2757, %shift_right_arithmetic3A_3006 : i32
        %and3A_3008 = arith.constant 1 : i32
        %and3A_3009 = arith.andi %shift_right_arithmetic3A_3007, %and3A_3008 : i32
        %dma_start3A_3010 = arith.constant 8 : i32
        %dma_start3A_3011 = arith.constant 2 : i32
        %dma_start3A_3012 = arith.constant 0 : i32
        %dma_start3A_3013 = arith.constant 8 : i32
        %dma_start3A_3014 = arith.constant 0 : i32
        %dma_start3A_3015 = arith.constant 0 : i32
        %dma_start3A_3016 = tpu.memref_slice %arg7[%dma_start3A_3012, %dma_start3A_3013, %dma_start3A_3014, %dma_start3A_3015] : memref<2x9x64x64xbf16, #tpu.memory_space<vmem>> -> memref<1x1x64x64xbf16, #tpu.memory_space<vmem>>
        %dma_start3A_3017 = tpu.memref_squeeze %dma_start3A_3016 : memref<1x1x64x64xbf16, #tpu.memory_space<vmem>> -> memref<64x64xbf16, #tpu.memory_space<vmem>>
        %dma_start3A_3018 = arith.constant 0 : i32
        %dma_start3A_3019 = tpu.memref_slice %arg6[%and3A_3009, %dma_start3A_3011, %min3A_3005, %dma_start3A_3018] : memref<2x3x64x64xi32, #tpu.memory_space<vmem>> -> memref<1x1x1x64xi32, #tpu.memory_space<vmem>>
        %dma_start3A_3020 = tpu.memref_squeeze %dma_start3A_3019 : memref<1x1x1x64xi32, #tpu.memory_space<vmem>> -> memref<64xi32, #tpu.memory_space<vmem>>
        %dma_start3A_3021 = arith.constant 0 : i32
        %dma_start3A_3022 = arith.constant 0 : i32
        %dma_start3A_3023 = tpu.memref_slice %arg2[%dma_start3A_3010, %dma_start3A_3021, %dma_start3A_3022] : memref<9x8192x64xbf16, #tpu.memory_space<hbm>> -> memref<1x8192x64xbf16, #tpu.memory_space<hbm>>
        %dma_start3A_3024 = tpu.memref_squeeze %dma_start3A_3023 : memref<1x8192x64xbf16, #tpu.memory_space<hbm>> -> memref<8192x64xbf16, #tpu.memory_space<hbm>>
        %dma_start3A_3025 = arith.constant 0 : i32
        %dma_start3A_3026 = arith.constant 0 : i32
        %dma_start3A_3027 = tpu.memref_slice %dma_start3A_3024[%dma_start3A_3025, %dma_start3A_3026] : memref<8192x64xbf16, #tpu.memory_space<hbm>> -> memref<8192x64xbf16, #tpu.memory_space<hbm>>
        tpu.enqueue_indirect_dma source(%dma_start3A_3027 : memref<8192x64xbf16, #tpu.memory_space<hbm>>) target(%dma_start3A_3017 : memref<64x64xbf16, #tpu.memory_space<vmem>>) offsets(%dma_start3A_3020 : memref<64xi32, #tpu.memory_space<vmem>>) semaphore(%arg12 : memref<!tpu.dma_semaphore, #tpu.memory_space<semaphore_mem>>)
      } else {
      }
      %add3A_1750 = arith.constant 1 : i32
      %add3A_1751 = arith.addi %add3A_749, %add3A_1750 : i32
      %add3A_1752 = arith.addi %mul3A_2, %add3A_1751 : i32
      %and3A_1753 = arith.constant 63 : i32
      %and3A_1754 = arith.andi %add3A_1751, %and3A_1753 : i32
      %add3A_1755 = arith.constant -1 : i32
      %add3A_1756 = arith.addi %and3A_1754, %add3A_1755 : i32
      %jit3A_1757 = arith.constant 0 : i32
      %jit3A_1758 = arith.constant 63 : i32
      %max3A_1759 = arith.maxsi %jit3A_1757, %add3A_1756 : i32
      %min3A_1760 = arith.minsi %jit3A_1758, %max3A_1759 : i32
      %shift_right_arithmetic3A_1761 = arith.constant 6 : i32
      %shift_right_arithmetic3A_1762 = arith.shrsi %add3A_1751, %shift_right_arithmetic3A_1761 : i32
      %and3A_1763 = arith.constant 1 : i32
      %and3A_1764 = arith.andi %shift_right_arithmetic3A_1762, %and3A_1763 : i32
      %dma_wait3A_1765 = arith.constant 0 : i32
      %dma_wait3A_1766 = arith.constant 0 : i32
      %dma_wait3A_1767 = arith.constant 1 : i32
      %dma_wait3A_1768 = arith.constant 0 : i32
      %dma_wait3A_1769 = arith.constant 0 : i32
      %dma_wait3A_1770 = arith.constant 0 : i32
      %dma_wait3A_1771 = tpu.memref_slice %arg7[%dma_wait3A_1767, %dma_wait3A_1768, %dma_wait3A_1769, %dma_wait3A_1770] : memref<2x9x64x64xbf16, #tpu.memory_space<vmem>> -> memref<1x1x64x64xbf16, #tpu.memory_space<vmem>>
      %dma_wait3A_1772 = tpu.memref_squeeze %dma_wait3A_1771 : memref<1x1x64x64xbf16, #tpu.memory_space<vmem>> -> memref<64x64xbf16, #tpu.memory_space<vmem>>
      %dma_wait3A_1773 = arith.constant 0 : i32
      %dma_wait3A_1774 = tpu.memref_slice %arg6[%and3A_1764, %dma_wait3A_1766, %min3A_1760, %dma_wait3A_1773] : memref<2x3x64x64xi32, #tpu.memory_space<vmem>> -> memref<1x1x1x64xi32, #tpu.memory_space<vmem>>
      %dma_wait3A_1775 = tpu.memref_squeeze %dma_wait3A_1774 : memref<1x1x1x64xi32, #tpu.memory_space<vmem>> -> memref<64xi32, #tpu.memory_space<vmem>>
      %dma_wait3A_1776 = arith.constant 0 : i32
      %dma_wait3A_1777 = arith.constant 0 : i32
      %dma_wait3A_1778 = tpu.memref_slice %arg2[%dma_wait3A_1765, %dma_wait3A_1776, %dma_wait3A_1777] : memref<9x8192x64xbf16, #tpu.memory_space<hbm>> -> memref<1x8192x64xbf16, #tpu.memory_space<hbm>>
      %dma_wait3A_1779 = tpu.memref_squeeze %dma_wait3A_1778 : memref<1x8192x64xbf16, #tpu.memory_space<hbm>> -> memref<8192x64xbf16, #tpu.memory_space<hbm>>
      %dma_wait3A_1780 = arith.constant 0 : i32
      %dma_wait3A_1781 = arith.constant 0 : i32
      %dma_wait3A_1782 = tpu.memref_slice %dma_wait3A_1779[%dma_wait3A_1780, %dma_wait3A_1781] : memref<8192x64xbf16, #tpu.memory_space<hbm>> -> memref<8192x64xbf16, #tpu.memory_space<hbm>>
      tpu.wait_indirect_dma semaphore(%arg13 : memref<!tpu.dma_semaphore, #tpu.memory_space<semaphore_mem>>) src(%dma_wait3A_1782 : memref<8192x64xbf16, #tpu.memory_space<hbm>>) dst(%dma_wait3A_1772 : memref<64x64xbf16, #tpu.memory_space<vmem>>)
      %and3A_1783 = arith.constant 63 : i32
      %and3A_1784 = arith.andi %add3A_1751, %and3A_1783 : i32
      %add3A_1785 = arith.constant 0 : i32
      %add3A_1786 = arith.addi %and3A_1784, %add3A_1785 : i32
      %jit3A_1787 = arith.constant 0 : i32
      %jit3A_1788 = arith.constant 63 : i32
      %max3A_1789 = arith.maxsi %jit3A_1787, %add3A_1786 : i32
      %min3A_1790 = arith.minsi %jit3A_1788, %max3A_1789 : i32
      %shift_right_arithmetic3A_1791 = arith.constant 6 : i32
      %shift_right_arithmetic3A_1792 = arith.shrsi %add3A_1751, %shift_right_arithmetic3A_1791 : i32
      %and3A_1793 = arith.constant 1 : i32
      %and3A_1794 = arith.andi %shift_right_arithmetic3A_1792, %and3A_1793 : i32
      %dma_wait3A_1795 = arith.constant 1 : i32
      %dma_wait3A_1796 = arith.constant 0 : i32
      %dma_wait3A_1797 = arith.constant 1 : i32
      %dma_wait3A_1798 = arith.constant 1 : i32
      %dma_wait3A_1799 = arith.constant 0 : i32
      %dma_wait3A_1800 = arith.constant 0 : i32
      %dma_wait3A_1801 = tpu.memref_slice %arg7[%dma_wait3A_1797, %dma_wait3A_1798, %dma_wait3A_1799, %dma_wait3A_1800] : memref<2x9x64x64xbf16, #tpu.memory_space<vmem>> -> memref<1x1x64x64xbf16, #tpu.memory_space<vmem>>
      %dma_wait3A_1802 = tpu.memref_squeeze %dma_wait3A_1801 : memref<1x1x64x64xbf16, #tpu.memory_space<vmem>> -> memref<64x64xbf16, #tpu.memory_space<vmem>>
      %dma_wait3A_1803 = arith.constant 0 : i32
      %dma_wait3A_1804 = tpu.memref_slice %arg6[%and3A_1794, %dma_wait3A_1796, %min3A_1790, %dma_wait3A_1803] : memref<2x3x64x64xi32, #tpu.memory_space<vmem>> -> memref<1x1x1x64xi32, #tpu.memory_space<vmem>>
      %dma_wait3A_1805 = tpu.memref_squeeze %dma_wait3A_1804 : memref<1x1x1x64xi32, #tpu.memory_space<vmem>> -> memref<64xi32, #tpu.memory_space<vmem>>
      %dma_wait3A_1806 = arith.constant 0 : i32
      %dma_wait3A_1807 = arith.constant 0 : i32
      %dma_wait3A_1808 = tpu.memref_slice %arg2[%dma_wait3A_1795, %dma_wait3A_1806, %dma_wait3A_1807] : memref<9x8192x64xbf16, #tpu.memory_space<hbm>> -> memref<1x8192x64xbf16, #tpu.memory_space<hbm>>
      %dma_wait3A_1809 = tpu.memref_squeeze %dma_wait3A_1808 : memref<1x8192x64xbf16, #tpu.memory_space<hbm>> -> memref<8192x64xbf16, #tpu.memory_space<hbm>>
      %dma_wait3A_1810 = arith.constant 0 : i32
      %dma_wait3A_1811 = arith.constant 0 : i32
      %dma_wait3A_1812 = tpu.memref_slice %dma_wait3A_1809[%dma_wait3A_1810, %dma_wait3A_1811] : memref<8192x64xbf16, #tpu.memory_space<hbm>> -> memref<8192x64xbf16, #tpu.memory_space<hbm>>
      tpu.wait_indirect_dma semaphore(%arg13 : memref<!tpu.dma_semaphore, #tpu.memory_space<semaphore_mem>>) src(%dma_wait3A_1812 : memref<8192x64xbf16, #tpu.memory_space<hbm>>) dst(%dma_wait3A_1802 : memref<64x64xbf16, #tpu.memory_space<vmem>>)
      %and3A_1813 = arith.constant 63 : i32
      %and3A_1814 = arith.andi %add3A_1751, %and3A_1813 : i32
      %add3A_1815 = arith.constant 1 : i32
      %add3A_1816 = arith.addi %and3A_1814, %add3A_1815 : i32
      %jit3A_1817 = arith.constant 0 : i32
      %jit3A_1818 = arith.constant 63 : i32
      %max3A_1819 = arith.maxsi %jit3A_1817, %add3A_1816 : i32
      %min3A_1820 = arith.minsi %jit3A_1818, %max3A_1819 : i32
      %shift_right_arithmetic3A_1821 = arith.constant 6 : i32
      %shift_right_arithmetic3A_1822 = arith.shrsi %add3A_1751, %shift_right_arithmetic3A_1821 : i32
      %and3A_1823 = arith.constant 1 : i32
      %and3A_1824 = arith.andi %shift_right_arithmetic3A_1822, %and3A_1823 : i32
      %dma_wait3A_1825 = arith.constant 2 : i32
      %dma_wait3A_1826 = arith.constant 0 : i32
      %dma_wait3A_1827 = arith.constant 1 : i32
      %dma_wait3A_1828 = arith.constant 2 : i32
      %dma_wait3A_1829 = arith.constant 0 : i32
      %dma_wait3A_1830 = arith.constant 0 : i32
      %dma_wait3A_1831 = tpu.memref_slice %arg7[%dma_wait3A_1827, %dma_wait3A_1828, %dma_wait3A_1829, %dma_wait3A_1830] : memref<2x9x64x64xbf16, #tpu.memory_space<vmem>> -> memref<1x1x64x64xbf16, #tpu.memory_space<vmem>>
      %dma_wait3A_1832 = tpu.memref_squeeze %dma_wait3A_1831 : memref<1x1x64x64xbf16, #tpu.memory_space<vmem>> -> memref<64x64xbf16, #tpu.memory_space<vmem>>
      %dma_wait3A_1833 = arith.constant 0 : i32
      %dma_wait3A_1834 = tpu.memref_slice %arg6[%and3A_1824, %dma_wait3A_1826, %min3A_1820, %dma_wait3A_1833] : memref<2x3x64x64xi32, #tpu.memory_space<vmem>> -> memref<1x1x1x64xi32, #tpu.memory_space<vmem>>
      %dma_wait3A_1835 = tpu.memref_squeeze %dma_wait3A_1834 : memref<1x1x1x64xi32, #tpu.memory_space<vmem>> -> memref<64xi32, #tpu.memory_space<vmem>>
      %dma_wait3A_1836 = arith.constant 0 : i32
      %dma_wait3A_1837 = arith.constant 0 : i32
      %dma_wait3A_1838 = tpu.memref_slice %arg2[%dma_wait3A_1825, %dma_wait3A_1836, %dma_wait3A_1837] : memref<9x8192x64xbf16, #tpu.memory_space<hbm>> -> memref<1x8192x64xbf16, #tpu.memory_space<hbm>>
      %dma_wait3A_1839 = tpu.memref_squeeze %dma_wait3A_1838 : memref<1x8192x64xbf16, #tpu.memory_space<hbm>> -> memref<8192x64xbf16, #tpu.memory_space<hbm>>
      %dma_wait3A_1840 = arith.constant 0 : i32
      %dma_wait3A_1841 = arith.constant 0 : i32
      %dma_wait3A_1842 = tpu.memref_slice %dma_wait3A_1839[%dma_wait3A_1840, %dma_wait3A_1841] : memref<8192x64xbf16, #tpu.memory_space<hbm>> -> memref<8192x64xbf16, #tpu.memory_space<hbm>>
      tpu.wait_indirect_dma semaphore(%arg13 : memref<!tpu.dma_semaphore, #tpu.memory_space<semaphore_mem>>) src(%dma_wait3A_1842 : memref<8192x64xbf16, #tpu.memory_space<hbm>>) dst(%dma_wait3A_1832 : memref<64x64xbf16, #tpu.memory_space<vmem>>)
      %and3A_1843 = arith.constant 63 : i32
      %and3A_1844 = arith.andi %add3A_1751, %and3A_1843 : i32
      %add3A_1845 = arith.constant -1 : i32
      %add3A_1846 = arith.addi %and3A_1844, %add3A_1845 : i32
      %jit3A_1847 = arith.constant 0 : i32
      %jit3A_1848 = arith.constant 63 : i32
      %max3A_1849 = arith.maxsi %jit3A_1847, %add3A_1846 : i32
      %min3A_1850 = arith.minsi %jit3A_1848, %max3A_1849 : i32
      %shift_right_arithmetic3A_1851 = arith.constant 6 : i32
      %shift_right_arithmetic3A_1852 = arith.shrsi %add3A_1751, %shift_right_arithmetic3A_1851 : i32
      %and3A_1853 = arith.constant 1 : i32
      %and3A_1854 = arith.andi %shift_right_arithmetic3A_1852, %and3A_1853 : i32
      %dma_wait3A_1855 = arith.constant 3 : i32
      %dma_wait3A_1856 = arith.constant 1 : i32
      %dma_wait3A_1857 = arith.constant 1 : i32
      %dma_wait3A_1858 = arith.constant 3 : i32
      %dma_wait3A_1859 = arith.constant 0 : i32
      %dma_wait3A_1860 = arith.constant 0 : i32
      %dma_wait3A_1861 = tpu.memref_slice %arg7[%dma_wait3A_1857, %dma_wait3A_1858, %dma_wait3A_1859, %dma_wait3A_1860] : memref<2x9x64x64xbf16, #tpu.memory_space<vmem>> -> memref<1x1x64x64xbf16, #tpu.memory_space<vmem>>
      %dma_wait3A_1862 = tpu.memref_squeeze %dma_wait3A_1861 : memref<1x1x64x64xbf16, #tpu.memory_space<vmem>> -> memref<64x64xbf16, #tpu.memory_space<vmem>>
      %dma_wait3A_1863 = arith.constant 0 : i32
      %dma_wait3A_1864 = tpu.memref_slice %arg6[%and3A_1854, %dma_wait3A_1856, %min3A_1850, %dma_wait3A_1863] : memref<2x3x64x64xi32, #tpu.memory_space<vmem>> -> memref<1x1x1x64xi32, #tpu.memory_space<vmem>>
      %dma_wait3A_1865 = tpu.memref_squeeze %dma_wait3A_1864 : memref<1x1x1x64xi32, #tpu.memory_space<vmem>> -> memref<64xi32, #tpu.memory_space<vmem>>
      %dma_wait3A_1866 = arith.constant 0 : i32
      %dma_wait3A_1867 = arith.constant 0 : i32
      %dma_wait3A_1868 = tpu.memref_slice %arg2[%dma_wait3A_1855, %dma_wait3A_1866, %dma_wait3A_1867] : memref<9x8192x64xbf16, #tpu.memory_space<hbm>> -> memref<1x8192x64xbf16, #tpu.memory_space<hbm>>
      %dma_wait3A_1869 = tpu.memref_squeeze %dma_wait3A_1868 : memref<1x8192x64xbf16, #tpu.memory_space<hbm>> -> memref<8192x64xbf16, #tpu.memory_space<hbm>>
      %dma_wait3A_1870 = arith.constant 0 : i32
      %dma_wait3A_1871 = arith.constant 0 : i32
      %dma_wait3A_1872 = tpu.memref_slice %dma_wait3A_1869[%dma_wait3A_1870, %dma_wait3A_1871] : memref<8192x64xbf16, #tpu.memory_space<hbm>> -> memref<8192x64xbf16, #tpu.memory_space<hbm>>
      tpu.wait_indirect_dma semaphore(%arg13 : memref<!tpu.dma_semaphore, #tpu.memory_space<semaphore_mem>>) src(%dma_wait3A_1872 : memref<8192x64xbf16, #tpu.memory_space<hbm>>) dst(%dma_wait3A_1862 : memref<64x64xbf16, #tpu.memory_space<vmem>>)
      %and3A_1873 = arith.constant 63 : i32
      %and3A_1874 = arith.andi %add3A_1751, %and3A_1873 : i32
      %add3A_1875 = arith.constant 0 : i32
      %add3A_1876 = arith.addi %and3A_1874, %add3A_1875 : i32
      %jit3A_1877 = arith.constant 0 : i32
      %jit3A_1878 = arith.constant 63 : i32
      %max3A_1879 = arith.maxsi %jit3A_1877, %add3A_1876 : i32
      %min3A_1880 = arith.minsi %jit3A_1878, %max3A_1879 : i32
      %shift_right_arithmetic3A_1881 = arith.constant 6 : i32
      %shift_right_arithmetic3A_1882 = arith.shrsi %add3A_1751, %shift_right_arithmetic3A_1881 : i32
      %and3A_1883 = arith.constant 1 : i32
      %and3A_1884 = arith.andi %shift_right_arithmetic3A_1882, %and3A_1883 : i32
      %dma_wait3A_1885 = arith.constant 4 : i32
      %dma_wait3A_1886 = arith.constant 1 : i32
      %dma_wait3A_1887 = arith.constant 1 : i32
      %dma_wait3A_1888 = arith.constant 4 : i32
      %dma_wait3A_1889 = arith.constant 0 : i32
      %dma_wait3A_1890 = arith.constant 0 : i32
      %dma_wait3A_1891 = tpu.memref_slice %arg7[%dma_wait3A_1887, %dma_wait3A_1888, %dma_wait3A_1889, %dma_wait3A_1890] : memref<2x9x64x64xbf16, #tpu.memory_space<vmem>> -> memref<1x1x64x64xbf16, #tpu.memory_space<vmem>>
      %dma_wait3A_1892 = tpu.memref_squeeze %dma_wait3A_1891 : memref<1x1x64x64xbf16, #tpu.memory_space<vmem>> -> memref<64x64xbf16, #tpu.memory_space<vmem>>
      %dma_wait3A_1893 = arith.constant 0 : i32
      %dma_wait3A_1894 = tpu.memref_slice %arg6[%and3A_1884, %dma_wait3A_1886, %min3A_1880, %dma_wait3A_1893] : memref<2x3x64x64xi32, #tpu.memory_space<vmem>> -> memref<1x1x1x64xi32, #tpu.memory_space<vmem>>
      %dma_wait3A_1895 = tpu.memref_squeeze %dma_wait3A_1894 : memref<1x1x1x64xi32, #tpu.memory_space<vmem>> -> memref<64xi32, #tpu.memory_space<vmem>>
      %dma_wait3A_1896 = arith.constant 0 : i32
      %dma_wait3A_1897 = arith.constant 0 : i32
      %dma_wait3A_1898 = tpu.memref_slice %arg2[%dma_wait3A_1885, %dma_wait3A_1896, %dma_wait3A_1897] : memref<9x8192x64xbf16, #tpu.memory_space<hbm>> -> memref<1x8192x64xbf16, #tpu.memory_space<hbm>>
      %dma_wait3A_1899 = tpu.memref_squeeze %dma_wait3A_1898 : memref<1x8192x64xbf16, #tpu.memory_space<hbm>> -> memref<8192x64xbf16, #tpu.memory_space<hbm>>
      %dma_wait3A_1900 = arith.constant 0 : i32
      %dma_wait3A_1901 = arith.constant 0 : i32
      %dma_wait3A_1902 = tpu.memref_slice %dma_wait3A_1899[%dma_wait3A_1900, %dma_wait3A_1901] : memref<8192x64xbf16, #tpu.memory_space<hbm>> -> memref<8192x64xbf16, #tpu.memory_space<hbm>>
      tpu.wait_indirect_dma semaphore(%arg13 : memref<!tpu.dma_semaphore, #tpu.memory_space<semaphore_mem>>) src(%dma_wait3A_1902 : memref<8192x64xbf16, #tpu.memory_space<hbm>>) dst(%dma_wait3A_1892 : memref<64x64xbf16, #tpu.memory_space<vmem>>)
      %and3A_1903 = arith.constant 63 : i32
      %and3A_1904 = arith.andi %add3A_1751, %and3A_1903 : i32
      %add3A_1905 = arith.constant 1 : i32
      %add3A_1906 = arith.addi %and3A_1904, %add3A_1905 : i32
      %jit3A_1907 = arith.constant 0 : i32
      %jit3A_1908 = arith.constant 63 : i32
      %max3A_1909 = arith.maxsi %jit3A_1907, %add3A_1906 : i32
      %min3A_1910 = arith.minsi %jit3A_1908, %max3A_1909 : i32
      %shift_right_arithmetic3A_1911 = arith.constant 6 : i32
      %shift_right_arithmetic3A_1912 = arith.shrsi %add3A_1751, %shift_right_arithmetic3A_1911 : i32
      %and3A_1913 = arith.constant 1 : i32
      %and3A_1914 = arith.andi %shift_right_arithmetic3A_1912, %and3A_1913 : i32
      %dma_wait3A_1915 = arith.constant 5 : i32
      %dma_wait3A_1916 = arith.constant 1 : i32
      %dma_wait3A_1917 = arith.constant 1 : i32
      %dma_wait3A_1918 = arith.constant 5 : i32
      %dma_wait3A_1919 = arith.constant 0 : i32
      %dma_wait3A_1920 = arith.constant 0 : i32
      %dma_wait3A_1921 = tpu.memref_slice %arg7[%dma_wait3A_1917, %dma_wait3A_1918, %dma_wait3A_1919, %dma_wait3A_1920] : memref<2x9x64x64xbf16, #tpu.memory_space<vmem>> -> memref<1x1x64x64xbf16, #tpu.memory_space<vmem>>
      %dma_wait3A_1922 = tpu.memref_squeeze %dma_wait3A_1921 : memref<1x1x64x64xbf16, #tpu.memory_space<vmem>> -> memref<64x64xbf16, #tpu.memory_space<vmem>>
      %dma_wait3A_1923 = arith.constant 0 : i32
      %dma_wait3A_1924 = tpu.memref_slice %arg6[%and3A_1914, %dma_wait3A_1916, %min3A_1910, %dma_wait3A_1923] : memref<2x3x64x64xi32, #tpu.memory_space<vmem>> -> memref<1x1x1x64xi32, #tpu.memory_space<vmem>>
      %dma_wait3A_1925 = tpu.memref_squeeze %dma_wait3A_1924 : memref<1x1x1x64xi32, #tpu.memory_space<vmem>> -> memref<64xi32, #tpu.memory_space<vmem>>
      %dma_wait3A_1926 = arith.constant 0 : i32
      %dma_wait3A_1927 = arith.constant 0 : i32
      %dma_wait3A_1928 = tpu.memref_slice %arg2[%dma_wait3A_1915, %dma_wait3A_1926, %dma_wait3A_1927] : memref<9x8192x64xbf16, #tpu.memory_space<hbm>> -> memref<1x8192x64xbf16, #tpu.memory_space<hbm>>
      %dma_wait3A_1929 = tpu.memref_squeeze %dma_wait3A_1928 : memref<1x8192x64xbf16, #tpu.memory_space<hbm>> -> memref<8192x64xbf16, #tpu.memory_space<hbm>>
      %dma_wait3A_1930 = arith.constant 0 : i32
      %dma_wait3A_1931 = arith.constant 0 : i32
      %dma_wait3A_1932 = tpu.memref_slice %dma_wait3A_1929[%dma_wait3A_1930, %dma_wait3A_1931] : memref<8192x64xbf16, #tpu.memory_space<hbm>> -> memref<8192x64xbf16, #tpu.memory_space<hbm>>
      tpu.wait_indirect_dma semaphore(%arg13 : memref<!tpu.dma_semaphore, #tpu.memory_space<semaphore_mem>>) src(%dma_wait3A_1932 : memref<8192x64xbf16, #tpu.memory_space<hbm>>) dst(%dma_wait3A_1922 : memref<64x64xbf16, #tpu.memory_space<vmem>>)
      %and3A_1933 = arith.constant 63 : i32
      %and3A_1934 = arith.andi %add3A_1751, %and3A_1933 : i32
      %add3A_1935 = arith.constant -1 : i32
      %add3A_1936 = arith.addi %and3A_1934, %add3A_1935 : i32
      %jit3A_1937 = arith.constant 0 : i32
      %jit3A_1938 = arith.constant 63 : i32
      %max3A_1939 = arith.maxsi %jit3A_1937, %add3A_1936 : i32
      %min3A_1940 = arith.minsi %jit3A_1938, %max3A_1939 : i32
      %shift_right_arithmetic3A_1941 = arith.constant 6 : i32
      %shift_right_arithmetic3A_1942 = arith.shrsi %add3A_1751, %shift_right_arithmetic3A_1941 : i32
      %and3A_1943 = arith.constant 1 : i32
      %and3A_1944 = arith.andi %shift_right_arithmetic3A_1942, %and3A_1943 : i32
      %dma_wait3A_1945 = arith.constant 6 : i32
      %dma_wait3A_1946 = arith.constant 2 : i32
      %dma_wait3A_1947 = arith.constant 1 : i32
      %dma_wait3A_1948 = arith.constant 6 : i32
      %dma_wait3A_1949 = arith.constant 0 : i32
      %dma_wait3A_1950 = arith.constant 0 : i32
      %dma_wait3A_1951 = tpu.memref_slice %arg7[%dma_wait3A_1947, %dma_wait3A_1948, %dma_wait3A_1949, %dma_wait3A_1950] : memref<2x9x64x64xbf16, #tpu.memory_space<vmem>> -> memref<1x1x64x64xbf16, #tpu.memory_space<vmem>>
      %dma_wait3A_1952 = tpu.memref_squeeze %dma_wait3A_1951 : memref<1x1x64x64xbf16, #tpu.memory_space<vmem>> -> memref<64x64xbf16, #tpu.memory_space<vmem>>
      %dma_wait3A_1953 = arith.constant 0 : i32
      %dma_wait3A_1954 = tpu.memref_slice %arg6[%and3A_1944, %dma_wait3A_1946, %min3A_1940, %dma_wait3A_1953] : memref<2x3x64x64xi32, #tpu.memory_space<vmem>> -> memref<1x1x1x64xi32, #tpu.memory_space<vmem>>
      %dma_wait3A_1955 = tpu.memref_squeeze %dma_wait3A_1954 : memref<1x1x1x64xi32, #tpu.memory_space<vmem>> -> memref<64xi32, #tpu.memory_space<vmem>>
      %dma_wait3A_1956 = arith.constant 0 : i32
      %dma_wait3A_1957 = arith.constant 0 : i32
      %dma_wait3A_1958 = tpu.memref_slice %arg2[%dma_wait3A_1945, %dma_wait3A_1956, %dma_wait3A_1957] : memref<9x8192x64xbf16, #tpu.memory_space<hbm>> -> memref<1x8192x64xbf16, #tpu.memory_space<hbm>>
      %dma_wait3A_1959 = tpu.memref_squeeze %dma_wait3A_1958 : memref<1x8192x64xbf16, #tpu.memory_space<hbm>> -> memref<8192x64xbf16, #tpu.memory_space<hbm>>
      %dma_wait3A_1960 = arith.constant 0 : i32
      %dma_wait3A_1961 = arith.constant 0 : i32
      %dma_wait3A_1962 = tpu.memref_slice %dma_wait3A_1959[%dma_wait3A_1960, %dma_wait3A_1961] : memref<8192x64xbf16, #tpu.memory_space<hbm>> -> memref<8192x64xbf16, #tpu.memory_space<hbm>>
      tpu.wait_indirect_dma semaphore(%arg13 : memref<!tpu.dma_semaphore, #tpu.memory_space<semaphore_mem>>) src(%dma_wait3A_1962 : memref<8192x64xbf16, #tpu.memory_space<hbm>>) dst(%dma_wait3A_1952 : memref<64x64xbf16, #tpu.memory_space<vmem>>)
      %and3A_1963 = arith.constant 63 : i32
      %and3A_1964 = arith.andi %add3A_1751, %and3A_1963 : i32
      %add3A_1965 = arith.constant 0 : i32
      %add3A_1966 = arith.addi %and3A_1964, %add3A_1965 : i32
      %jit3A_1967 = arith.constant 0 : i32
      %jit3A_1968 = arith.constant 63 : i32
      %max3A_1969 = arith.maxsi %jit3A_1967, %add3A_1966 : i32
      %min3A_1970 = arith.minsi %jit3A_1968, %max3A_1969 : i32
      %shift_right_arithmetic3A_1971 = arith.constant 6 : i32
      %shift_right_arithmetic3A_1972 = arith.shrsi %add3A_1751, %shift_right_arithmetic3A_1971 : i32
      %and3A_1973 = arith.constant 1 : i32
      %and3A_1974 = arith.andi %shift_right_arithmetic3A_1972, %and3A_1973 : i32
      %dma_wait3A_1975 = arith.constant 7 : i32
      %dma_wait3A_1976 = arith.constant 2 : i32
      %dma_wait3A_1977 = arith.constant 1 : i32
      %dma_wait3A_1978 = arith.constant 7 : i32
      %dma_wait3A_1979 = arith.constant 0 : i32
      %dma_wait3A_1980 = arith.constant 0 : i32
      %dma_wait3A_1981 = tpu.memref_slice %arg7[%dma_wait3A_1977, %dma_wait3A_1978, %dma_wait3A_1979, %dma_wait3A_1980] : memref<2x9x64x64xbf16, #tpu.memory_space<vmem>> -> memref<1x1x64x64xbf16, #tpu.memory_space<vmem>>
      %dma_wait3A_1982 = tpu.memref_squeeze %dma_wait3A_1981 : memref<1x1x64x64xbf16, #tpu.memory_space<vmem>> -> memref<64x64xbf16, #tpu.memory_space<vmem>>
      %dma_wait3A_1983 = arith.constant 0 : i32
      %dma_wait3A_1984 = tpu.memref_slice %arg6[%and3A_1974, %dma_wait3A_1976, %min3A_1970, %dma_wait3A_1983] : memref<2x3x64x64xi32, #tpu.memory_space<vmem>> -> memref<1x1x1x64xi32, #tpu.memory_space<vmem>>
      %dma_wait3A_1985 = tpu.memref_squeeze %dma_wait3A_1984 : memref<1x1x1x64xi32, #tpu.memory_space<vmem>> -> memref<64xi32, #tpu.memory_space<vmem>>
      %dma_wait3A_1986 = arith.constant 0 : i32
      %dma_wait3A_1987 = arith.constant 0 : i32
      %dma_wait3A_1988 = tpu.memref_slice %arg2[%dma_wait3A_1975, %dma_wait3A_1986, %dma_wait3A_1987] : memref<9x8192x64xbf16, #tpu.memory_space<hbm>> -> memref<1x8192x64xbf16, #tpu.memory_space<hbm>>
      %dma_wait3A_1989 = tpu.memref_squeeze %dma_wait3A_1988 : memref<1x8192x64xbf16, #tpu.memory_space<hbm>> -> memref<8192x64xbf16, #tpu.memory_space<hbm>>
      %dma_wait3A_1990 = arith.constant 0 : i32
      %dma_wait3A_1991 = arith.constant 0 : i32
      %dma_wait3A_1992 = tpu.memref_slice %dma_wait3A_1989[%dma_wait3A_1990, %dma_wait3A_1991] : memref<8192x64xbf16, #tpu.memory_space<hbm>> -> memref<8192x64xbf16, #tpu.memory_space<hbm>>
      tpu.wait_indirect_dma semaphore(%arg13 : memref<!tpu.dma_semaphore, #tpu.memory_space<semaphore_mem>>) src(%dma_wait3A_1992 : memref<8192x64xbf16, #tpu.memory_space<hbm>>) dst(%dma_wait3A_1982 : memref<64x64xbf16, #tpu.memory_space<vmem>>)
      %and3A_1993 = arith.constant 63 : i32
      %and3A_1994 = arith.andi %add3A_1751, %and3A_1993 : i32
      %add3A_1995 = arith.constant 1 : i32
      %add3A_1996 = arith.addi %and3A_1994, %add3A_1995 : i32
      %jit3A_1997 = arith.constant 0 : i32
      %jit3A_1998 = arith.constant 63 : i32
      %max3A_1999 = arith.maxsi %jit3A_1997, %add3A_1996 : i32
      %min3A_2000 = arith.minsi %jit3A_1998, %max3A_1999 : i32
      %shift_right_arithmetic3A_2001 = arith.constant 6 : i32
      %shift_right_arithmetic3A_2002 = arith.shrsi %add3A_1751, %shift_right_arithmetic3A_2001 : i32
      %and3A_2003 = arith.constant 1 : i32
      %and3A_2004 = arith.andi %shift_right_arithmetic3A_2002, %and3A_2003 : i32
      %dma_wait3A_2005 = arith.constant 8 : i32
      %dma_wait3A_2006 = arith.constant 2 : i32
      %dma_wait3A_2007 = arith.constant 1 : i32
      %dma_wait3A_2008 = arith.constant 8 : i32
      %dma_wait3A_2009 = arith.constant 0 : i32
      %dma_wait3A_2010 = arith.constant 0 : i32
      %dma_wait3A_2011 = tpu.memref_slice %arg7[%dma_wait3A_2007, %dma_wait3A_2008, %dma_wait3A_2009, %dma_wait3A_2010] : memref<2x9x64x64xbf16, #tpu.memory_space<vmem>> -> memref<1x1x64x64xbf16, #tpu.memory_space<vmem>>
      %dma_wait3A_2012 = tpu.memref_squeeze %dma_wait3A_2011 : memref<1x1x64x64xbf16, #tpu.memory_space<vmem>> -> memref<64x64xbf16, #tpu.memory_space<vmem>>
      %dma_wait3A_2013 = arith.constant 0 : i32
      %dma_wait3A_2014 = tpu.memref_slice %arg6[%and3A_2004, %dma_wait3A_2006, %min3A_2000, %dma_wait3A_2013] : memref<2x3x64x64xi32, #tpu.memory_space<vmem>> -> memref<1x1x1x64xi32, #tpu.memory_space<vmem>>
      %dma_wait3A_2015 = tpu.memref_squeeze %dma_wait3A_2014 : memref<1x1x1x64xi32, #tpu.memory_space<vmem>> -> memref<64xi32, #tpu.memory_space<vmem>>
      %dma_wait3A_2016 = arith.constant 0 : i32
      %dma_wait3A_2017 = arith.constant 0 : i32
      %dma_wait3A_2018 = tpu.memref_slice %arg2[%dma_wait3A_2005, %dma_wait3A_2016, %dma_wait3A_2017] : memref<9x8192x64xbf16, #tpu.memory_space<hbm>> -> memref<1x8192x64xbf16, #tpu.memory_space<hbm>>
      %dma_wait3A_2019 = tpu.memref_squeeze %dma_wait3A_2018 : memref<1x8192x64xbf16, #tpu.memory_space<hbm>> -> memref<8192x64xbf16, #tpu.memory_space<hbm>>
      %dma_wait3A_2020 = arith.constant 0 : i32
      %dma_wait3A_2021 = arith.constant 0 : i32
      %dma_wait3A_2022 = tpu.memref_slice %dma_wait3A_2019[%dma_wait3A_2020, %dma_wait3A_2021] : memref<8192x64xbf16, #tpu.memory_space<hbm>> -> memref<8192x64xbf16, #tpu.memory_space<hbm>>
      tpu.wait_indirect_dma semaphore(%arg13 : memref<!tpu.dma_semaphore, #tpu.memory_space<semaphore_mem>>) src(%dma_wait3A_2022 : memref<8192x64xbf16, #tpu.memory_space<hbm>>) dst(%dma_wait3A_2012 : memref<64x64xbf16, #tpu.memory_space<vmem>>)
      %ge3A_2023 = arith.constant 2 : i32
      %ge3A_2024 = arith.cmpi sge, %add3A_1751, %ge3A_2023 : i32
      %convert_element_type3A_2025 = arith.extui %ge3A_2024 : i1 to i32
      %cond3A_2026 = arith.constant 0 : i32
      %cond3A_2027 = arith.cmpi ne, %convert_element_type3A_2025, %cond3A_2026 : i32
      scf.if %cond3A_2027 {
        %dma_wait3A_2756 = arith.constant 1 : i32
        %dma_wait3A_2757 = arith.constant 0 : i32
        %dma_wait3A_2758 = arith.constant 0 : i32
        %dma_wait3A_2759 = arith.constant 0 : i32
        %dma_wait3A_2760 = arith.constant 0 : i32
        %dma_wait3A_2761 = arith.constant 0 : i32
        %dma_wait3A_2762 = tpu.memref_slice %arg8[%dma_wait3A_2756, %dma_wait3A_2760, %dma_wait3A_2761] : memref<2x16x64xf32, #tpu.memory_space<vmem>> -> memref<1x16x64xf32, #tpu.memory_space<vmem>>
        %dma_wait3A_2763 = tpu.memref_squeeze %dma_wait3A_2762 : memref<1x16x64xf32, #tpu.memory_space<vmem>> -> memref<16x64xf32, #tpu.memory_space<vmem>>
        %dma_wait3A_2764 = arith.constant 0 : i32
        %dma_wait3A_2765 = arith.constant 0 : i32
        %dma_wait3A_2766 = tpu.memref_slice %arg5[%dma_wait3A_2757, %dma_wait3A_2764, %dma_wait3A_2758, %dma_wait3A_2759, %dma_wait3A_2765] : memref<4x16x16x64x64xf32, #tpu.memory_space<hbm>> -> memref<1x16x1x1x64xf32, #tpu.memory_space<hbm>>
        %dma_wait3A_2767 = tpu.memref_squeeze %dma_wait3A_2766 : memref<1x16x1x1x64xf32, #tpu.memory_space<hbm>> -> memref<16x64xf32, #tpu.memory_space<hbm>>
        %dma_wait3A_2768 = arith.constant 0 : i32
        %dma_wait3A_2769 = arith.constant 0 : i32
        %dma_wait3A_2770 = tpu.memref_slice %arg5[%dma_wait3A_2757, %dma_wait3A_2768, %dma_wait3A_2758, %dma_wait3A_2759, %dma_wait3A_2769] : memref<4x16x16x64x64xf32, #tpu.memory_space<hbm>> -> memref<1x16x1x1x64xf32, #tpu.memory_space<hbm>>
        %dma_wait3A_2771 = tpu.memref_squeeze %dma_wait3A_2770 : memref<1x16x1x1x64xf32, #tpu.memory_space<hbm>> -> memref<16x64xf32, #tpu.memory_space<hbm>>
        %dma_wait3A_2772 = arith.constant 0 : i32
        %dma_wait3A_2773 = arith.constant 0 : i32
        %dma_wait3A_2774 = tpu.memref_slice %arg8[%dma_wait3A_2756, %dma_wait3A_2772, %dma_wait3A_2773] : memref<2x16x64xf32, #tpu.memory_space<vmem>> -> memref<1x16x64xf32, #tpu.memory_space<vmem>>
        %dma_wait3A_2775 = tpu.memref_squeeze %dma_wait3A_2774 : memref<1x16x64xf32, #tpu.memory_space<vmem>> -> memref<16x64xf32, #tpu.memory_space<vmem>>
        tpu.wait_dma2 semaphore(%arg15 : memref<!tpu.dma_semaphore, #tpu.memory_space<semaphore_mem>>) src(%dma_wait3A_2775 : memref<16x64xf32, #tpu.memory_space<vmem>>) dst(%dma_wait3A_2771 : memref<16x64xf32, #tpu.memory_space<hbm>>)
      } else {
      }
      %get3A_2028 = arith.constant 1 : i32
      %get3A_2029 = arith.constant 0 : i32
      %get3A_2030 = arith.constant 0 : i32
      %get3A_2031 = arith.index_cast %get3A_2028 : i32 to index
      %get3A_2032 = arith.index_cast %get3A_2029 : i32 to index
      %get3A_2033 = arith.index_cast %get3A_2030 : i32 to index
      %get3A_2034 = arith.constant 0 : index
      %get3A_2035 = tpu.vector_load %arg7[%get3A_2031, %get3A_2032, %get3A_2033, %get3A_2034] {strides = array<i32>} : memref<2x9x64x64xbf16, #tpu.memory_space<vmem>>, vector<32xbf16>,
      %get3A_2036 = arith.constant 1 : i32
      %get3A_2037 = arith.constant 1 : i32
      %get3A_2038 = arith.constant 0 : i32
      %get3A_2039 = arith.index_cast %get3A_2036 : i32 to index
      %get3A_2040 = arith.index_cast %get3A_2037 : i32 to index
      %get3A_2041 = arith.index_cast %get3A_2038 : i32 to index
      %get3A_2042 = arith.constant 0 : index
      %get3A_2043 = tpu.vector_load %arg7[%get3A_2039, %get3A_2040, %get3A_2041, %get3A_2042] {strides = array<i32>} : memref<2x9x64x64xbf16, #tpu.memory_space<vmem>>, vector<32xbf16>,
      %get3A_2044 = arith.constant 1 : i32
      %get3A_2045 = arith.constant 2 : i32
      %get3A_2046 = arith.constant 0 : i32
      %get3A_2047 = arith.index_cast %get3A_2044 : i32 to index
      %get3A_2048 = arith.index_cast %get3A_2045 : i32 to index
      %get3A_2049 = arith.index_cast %get3A_2046 : i32 to index
      %get3A_2050 = arith.constant 0 : index
      %get3A_2051 = tpu.vector_load %arg7[%get3A_2047, %get3A_2048, %get3A_2049, %get3A_2050] {strides = array<i32>} : memref<2x9x64x64xbf16, #tpu.memory_space<vmem>>, vector<32xbf16>,
      %get3A_2052 = arith.constant 1 : i32
      %get3A_2053 = arith.constant 3 : i32
      %get3A_2054 = arith.constant 0 : i32
      %get3A_2055 = arith.index_cast %get3A_2052 : i32 to index
      %get3A_2056 = arith.index_cast %get3A_2053 : i32 to index
      %get3A_2057 = arith.index_cast %get3A_2054 : i32 to index
      %get3A_2058 = arith.constant 0 : index
      %get3A_2059 = tpu.vector_load %arg7[%get3A_2055, %get3A_2056, %get3A_2057, %get3A_2058] {strides = array<i32>} : memref<2x9x64x64xbf16, #tpu.memory_space<vmem>>, vector<32xbf16>,
      %get3A_2060 = arith.constant 1 : i32
      %get3A_2061 = arith.constant 4 : i32
      %get3A_2062 = arith.constant 0 : i32
      %get3A_2063 = arith.index_cast %get3A_2060 : i32 to index
      %get3A_2064 = arith.index_cast %get3A_2061 : i32 to index
      %get3A_2065 = arith.index_cast %get3A_2062 : i32 to index
      %get3A_2066 = arith.constant 0 : index
      %get3A_2067 = tpu.vector_load %arg7[%get3A_2063, %get3A_2064, %get3A_2065, %get3A_2066] {strides = array<i32>} : memref<2x9x64x64xbf16, #tpu.memory_space<vmem>>, vector<32xbf16>,
      %get3A_2068 = arith.constant 1 : i32
      %get3A_2069 = arith.constant 5 : i32
      %get3A_2070 = arith.constant 0 : i32
      %get3A_2071 = arith.index_cast %get3A_2068 : i32 to index
      %get3A_2072 = arith.index_cast %get3A_2069 : i32 to index
      %get3A_2073 = arith.index_cast %get3A_2070 : i32 to index
      %get3A_2074 = arith.constant 0 : index
      %get3A_2075 = tpu.vector_load %arg7[%get3A_2071, %get3A_2072, %get3A_2073, %get3A_2074] {strides = array<i32>} : memref<2x9x64x64xbf16, #tpu.memory_space<vmem>>, vector<32xbf16>,
      %get3A_2076 = arith.constant 1 : i32
      %get3A_2077 = arith.constant 6 : i32
      %get3A_2078 = arith.constant 0 : i32
      %get3A_2079 = arith.index_cast %get3A_2076 : i32 to index
      %get3A_2080 = arith.index_cast %get3A_2077 : i32 to index
      %get3A_2081 = arith.index_cast %get3A_2078 : i32 to index
      %get3A_2082 = arith.constant 0 : index
      %get3A_2083 = tpu.vector_load %arg7[%get3A_2079, %get3A_2080, %get3A_2081, %get3A_2082] {strides = array<i32>} : memref<2x9x64x64xbf16, #tpu.memory_space<vmem>>, vector<32xbf16>,
      %get3A_2084 = arith.constant 1 : i32
      %get3A_2085 = arith.constant 7 : i32
      %get3A_2086 = arith.constant 0 : i32
      %get3A_2087 = arith.index_cast %get3A_2084 : i32 to index
      %get3A_2088 = arith.index_cast %get3A_2085 : i32 to index
      %get3A_2089 = arith.index_cast %get3A_2086 : i32 to index
      %get3A_2090 = arith.constant 0 : index
      %get3A_2091 = tpu.vector_load %arg7[%get3A_2087, %get3A_2088, %get3A_2089, %get3A_2090] {strides = array<i32>} : memref<2x9x64x64xbf16, #tpu.memory_space<vmem>>, vector<32xbf16>,
      %get3A_2092 = arith.constant 1 : i32
      %get3A_2093 = arith.constant 8 : i32
      %get3A_2094 = arith.constant 0 : i32
      %get3A_2095 = arith.index_cast %get3A_2092 : i32 to index
      %get3A_2096 = arith.index_cast %get3A_2093 : i32 to index
      %get3A_2097 = arith.index_cast %get3A_2094 : i32 to index
      %get3A_2098 = arith.constant 0 : index
      %get3A_2099 = tpu.vector_load %arg7[%get3A_2095, %get3A_2096, %get3A_2097, %get3A_2098] {strides = array<i32>} : memref<2x9x64x64xbf16, #tpu.memory_space<vmem>>, vector<32xbf16>,
      %add3A_2100 = arith.addf %get3A_2035, %get3A_2043 : vector<32xbf16>
      %add3A_2101 = arith.addf %get3A_2051, %get3A_2059 : vector<32xbf16>
      %add3A_2102 = arith.addf %get3A_2067, %get3A_2075 : vector<32xbf16>
      %add3A_2103 = arith.addf %get3A_2083, %get3A_2091 : vector<32xbf16>
      %add3A_2104 = arith.addf %add3A_2100, %add3A_2101 : vector<32xbf16>
      %add3A_2105 = arith.addf %add3A_2102, %add3A_2103 : vector<32xbf16>
      %add3A_2106 = arith.addf %add3A_2104, %add3A_2105 : vector<32xbf16>
      %add3A_2107 = arith.addf %add3A_2106, %get3A_2099 : vector<32xbf16>
      %unpack3A_2108 = tpu.unpack_subelements %add3A_2107, 0 {pack_format = #tpu.pack_format<interleaved>} : vector<32xbf16> -> vector<16xf32>
      %unpack3A_2109 = tpu.unpack_subelements %add3A_2107, 1 {pack_format = #tpu.pack_format<interleaved>} : vector<32xbf16> -> vector<16xf32>
      %get3A_2110 = arith.constant 1 : i32
      %get3A_2111 = arith.constant 0 : i32
      %get3A_2112 = arith.constant 1 : i32
      %get3A_2113 = arith.index_cast %get3A_2110 : i32 to index
      %get3A_2114 = arith.index_cast %get3A_2111 : i32 to index
      %get3A_2115 = arith.index_cast %get3A_2112 : i32 to index
      %get3A_2116 = arith.constant 32 : index
      %get3A_2117 = tpu.vector_load %arg7[%get3A_2113, %get3A_2114, %get3A_2115, %get3A_2116] {strides = array<i32>} : memref<2x9x64x64xbf16, #tpu.memory_space<vmem>>, vector<32xbf16>,
      %get3A_2118 = arith.constant 1 : i32
      %get3A_2119 = arith.constant 1 : i32
      %get3A_2120 = arith.constant 1 : i32
      %get3A_2121 = arith.index_cast %get3A_2118 : i32 to index
      %get3A_2122 = arith.index_cast %get3A_2119 : i32 to index
      %get3A_2123 = arith.index_cast %get3A_2120 : i32 to index
      %get3A_2124 = arith.constant 32 : index
      %get3A_2125 = tpu.vector_load %arg7[%get3A_2121, %get3A_2122, %get3A_2123, %get3A_2124] {strides = array<i32>} : memref<2x9x64x64xbf16, #tpu.memory_space<vmem>>, vector<32xbf16>,
      %get3A_2126 = arith.constant 1 : i32
      %get3A_2127 = arith.constant 2 : i32
      %get3A_2128 = arith.constant 1 : i32
      %get3A_2129 = arith.index_cast %get3A_2126 : i32 to index
      %get3A_2130 = arith.index_cast %get3A_2127 : i32 to index
      %get3A_2131 = arith.index_cast %get3A_2128 : i32 to index
      %get3A_2132 = arith.constant 32 : index
      %get3A_2133 = tpu.vector_load %arg7[%get3A_2129, %get3A_2130, %get3A_2131, %get3A_2132] {strides = array<i32>} : memref<2x9x64x64xbf16, #tpu.memory_space<vmem>>, vector<32xbf16>,
      %get3A_2134 = arith.constant 1 : i32
      %get3A_2135 = arith.constant 3 : i32
      %get3A_2136 = arith.constant 1 : i32
      %get3A_2137 = arith.index_cast %get3A_2134 : i32 to index
      %get3A_2138 = arith.index_cast %get3A_2135 : i32 to index
      %get3A_2139 = arith.index_cast %get3A_2136 : i32 to index
      %get3A_2140 = arith.constant 32 : index
      %get3A_2141 = tpu.vector_load %arg7[%get3A_2137, %get3A_2138, %get3A_2139, %get3A_2140] {strides = array<i32>} : memref<2x9x64x64xbf16, #tpu.memory_space<vmem>>, vector<32xbf16>,
      %get3A_2142 = arith.constant 1 : i32
      %get3A_2143 = arith.constant 4 : i32
      %get3A_2144 = arith.constant 1 : i32
      %get3A_2145 = arith.index_cast %get3A_2142 : i32 to index
      %get3A_2146 = arith.index_cast %get3A_2143 : i32 to index
      %get3A_2147 = arith.index_cast %get3A_2144 : i32 to index
      %get3A_2148 = arith.constant 32 : index
      %get3A_2149 = tpu.vector_load %arg7[%get3A_2145, %get3A_2146, %get3A_2147, %get3A_2148] {strides = array<i32>} : memref<2x9x64x64xbf16, #tpu.memory_space<vmem>>, vector<32xbf16>,
      %get3A_2150 = arith.constant 1 : i32
      %get3A_2151 = arith.constant 5 : i32
      %get3A_2152 = arith.constant 1 : i32
      %get3A_2153 = arith.index_cast %get3A_2150 : i32 to index
      %get3A_2154 = arith.index_cast %get3A_2151 : i32 to index
      %get3A_2155 = arith.index_cast %get3A_2152 : i32 to index
      %get3A_2156 = arith.constant 32 : index
      %get3A_2157 = tpu.vector_load %arg7[%get3A_2153, %get3A_2154, %get3A_2155, %get3A_2156] {strides = array<i32>} : memref<2x9x64x64xbf16, #tpu.memory_space<vmem>>, vector<32xbf16>,
      %get3A_2158 = arith.constant 1 : i32
      %get3A_2159 = arith.constant 6 : i32
      %get3A_2160 = arith.constant 1 : i32
      %get3A_2161 = arith.index_cast %get3A_2158 : i32 to index
      %get3A_2162 = arith.index_cast %get3A_2159 : i32 to index
      %get3A_2163 = arith.index_cast %get3A_2160 : i32 to index
      %get3A_2164 = arith.constant 32 : index
      %get3A_2165 = tpu.vector_load %arg7[%get3A_2161, %get3A_2162, %get3A_2163, %get3A_2164] {strides = array<i32>} : memref<2x9x64x64xbf16, #tpu.memory_space<vmem>>, vector<32xbf16>,
      %get3A_2166 = arith.constant 1 : i32
      %get3A_2167 = arith.constant 7 : i32
      %get3A_2168 = arith.constant 1 : i32
      %get3A_2169 = arith.index_cast %get3A_2166 : i32 to index
      %get3A_2170 = arith.index_cast %get3A_2167 : i32 to index
      %get3A_2171 = arith.index_cast %get3A_2168 : i32 to index
      %get3A_2172 = arith.constant 32 : index
      %get3A_2173 = tpu.vector_load %arg7[%get3A_2169, %get3A_2170, %get3A_2171, %get3A_2172] {strides = array<i32>} : memref<2x9x64x64xbf16, #tpu.memory_space<vmem>>, vector<32xbf16>,
      %get3A_2174 = arith.constant 1 : i32
      %get3A_2175 = arith.constant 8 : i32
      %get3A_2176 = arith.constant 1 : i32
      %get3A_2177 = arith.index_cast %get3A_2174 : i32 to index
      %get3A_2178 = arith.index_cast %get3A_2175 : i32 to index
      %get3A_2179 = arith.index_cast %get3A_2176 : i32 to index
      %get3A_2180 = arith.constant 32 : index
      %get3A_2181 = tpu.vector_load %arg7[%get3A_2177, %get3A_2178, %get3A_2179, %get3A_2180] {strides = array<i32>} : memref<2x9x64x64xbf16, #tpu.memory_space<vmem>>, vector<32xbf16>,
      %add3A_2182 = arith.addf %get3A_2117, %get3A_2125 : vector<32xbf16>
      %add3A_2183 = arith.addf %get3A_2133, %get3A_2141 : vector<32xbf16>
      %add3A_2184 = arith.addf %get3A_2149, %get3A_2157 : vector<32xbf16>
      %add3A_2185 = arith.addf %get3A_2165, %get3A_2173 : vector<32xbf16>
      %add3A_2186 = arith.addf %add3A_2182, %add3A_2183 : vector<32xbf16>
      %add3A_2187 = arith.addf %add3A_2184, %add3A_2185 : vector<32xbf16>
      %add3A_2188 = arith.addf %add3A_2186, %add3A_2187 : vector<32xbf16>
      %add3A_2189 = arith.addf %add3A_2188, %get3A_2181 : vector<32xbf16>
      %unpack3A_2190 = tpu.unpack_subelements %add3A_2189, 0 {pack_format = #tpu.pack_format<interleaved>} : vector<32xbf16> -> vector<16xf32>
      %unpack3A_2191 = tpu.unpack_subelements %add3A_2189, 1 {pack_format = #tpu.pack_format<interleaved>} : vector<32xbf16> -> vector<16xf32>
      %add3A_2192 = arith.addf %unpack3A_2108, %get3A_3 : vector<16xf32>
      %add3A_2193 = arith.addf %unpack3A_2109, %unpack3A_2190 : vector<16xf32>
      %add3A_2194 = arith.addf %add3A_2192, %add3A_2193 : vector<16xf32>
      %mul3A_2195 = arith.constant 0 : i32
      %mul3A_2196 = vector.broadcast %mul3A_2195 : i32 to vector<16xi32>
      %mul3A_2197 = arith.muli %iota3A, %mul3A_2196 : vector<16xi32>
      %add3A_2198 = arith.constant 0 : i32
      %add3A_2199 = vector.broadcast %add3A_2198 : i32 to vector<16xi32>
      %add3A_2200 = arith.addi %mul3A_2197, %add3A_2199 : vector<16xi32>
      %scatter3A_2201 = arith.constant 1 : i32
      %scatter3A_2202 = arith.constant 0 : i32
      %scatter3A_2203 = arith.constant 0 : i32
      %scatter3A_2204 = tpu.memref_slice %arg8[%scatter3A_2201, %scatter3A_2202, %scatter3A_2203] : memref<2x16x64xf32, #tpu.memory_space<vmem>> -> memref<1x16x64xf32, #tpu.memory_space<vmem>>
      %scatter3A_2205 = tpu.memref_squeeze %scatter3A_2204 : memref<1x16x64xf32, #tpu.memory_space<vmem>> -> memref<16x64xf32, #tpu.memory_space<vmem>>
      tpu.vector_store_idx %scatter3A_2205[%iota3A, %add3A_2200], %add3A_2194 : memref<16x64xf32, #tpu.memory_space<vmem>>[vector<16xi32>, vector<16xi32>], vector<16xf32>,
      %scan3A_2206 = arith.constant 0 : i32
      %scan3A_2207 = arith.constant 60 : i32
      %scan3A_2208 = arith.addi %scan3A_2206, %scan3A_2207 : i32
      %scan3A_2209 = arith.constant 4 : i32
      %scan3A_2210 = scf.for %scan3A_2756 = %scan3A_2206 to %scan3A_2208 step %scan3A_2209 iter_args(%scan3A_2757 = %unpack3A_2108) -> (vector<16xf32>)  : i32 {
        %mul3A_2758 = arith.constant 1 : i32
        %mul3A_2759 = arith.muli %scan3A_2756, %mul3A_2758 : i32
        %add3A_2760 = arith.constant 1 : i32
        %add3A_2761 = arith.addi %add3A_2760, %mul3A_2759 : i32
        %get3A_2762 = arith.constant 1 : i32
        %get3A_2763 = arith.constant 0 : i32
        %get3A_2764 = arith.index_cast %get3A_2762 : i32 to index
        %get3A_2765 = arith.index_cast %get3A_2763 : i32 to index
        %get3A_2766 = arith.index_cast %add3A_2761 : i32 to index
        %get3A_2767 = arith.constant 0 : index
        %get3A_2768 = tpu.vector_load %arg7[%get3A_2764, %get3A_2765, %get3A_2766, %get3A_2767] {strides = array<i32>} : memref<2x9x64x64xbf16, #tpu.memory_space<vmem>>, vector<32xbf16>,
        %get3A_2769 = arith.constant 1 : i32
        %get3A_2770 = arith.constant 1 : i32
        %get3A_2771 = arith.index_cast %get3A_2769 : i32 to index
        %get3A_2772 = arith.index_cast %get3A_2770 : i32 to index
        %get3A_2773 = arith.index_cast %add3A_2761 : i32 to index
        %get3A_2774 = arith.constant 0 : index
        %get3A_2775 = tpu.vector_load %arg7[%get3A_2771, %get3A_2772, %get3A_2773, %get3A_2774] {strides = array<i32>} : memref<2x9x64x64xbf16, #tpu.memory_space<vmem>>, vector<32xbf16>,
        %get3A_2776 = arith.constant 1 : i32
        %get3A_2777 = arith.constant 2 : i32
        %get3A_2778 = arith.index_cast %get3A_2776 : i32 to index
        %get3A_2779 = arith.index_cast %get3A_2777 : i32 to index
        %get3A_2780 = arith.index_cast %add3A_2761 : i32 to index
        %get3A_2781 = arith.constant 0 : index
        %get3A_2782 = tpu.vector_load %arg7[%get3A_2778, %get3A_2779, %get3A_2780, %get3A_2781] {strides = array<i32>} : memref<2x9x64x64xbf16, #tpu.memory_space<vmem>>, vector<32xbf16>,
        %get3A_2783 = arith.constant 1 : i32
        %get3A_2784 = arith.constant 3 : i32
        %get3A_2785 = arith.index_cast %get3A_2783 : i32 to index
        %get3A_2786 = arith.index_cast %get3A_2784 : i32 to index
        %get3A_2787 = arith.index_cast %add3A_2761 : i32 to index
        %get3A_2788 = arith.constant 0 : index
        %get3A_2789 = tpu.vector_load %arg7[%get3A_2785, %get3A_2786, %get3A_2787, %get3A_2788] {strides = array<i32>} : memref<2x9x64x64xbf16, #tpu.memory_space<vmem>>, vector<32xbf16>,
        %get3A_2790 = arith.constant 1 : i32
        %get3A_2791 = arith.constant 4 : i32
        %get3A_2792 = arith.index_cast %get3A_2790 : i32 to index
        %get3A_2793 = arith.index_cast %get3A_2791 : i32 to index
        %get3A_2794 = arith.index_cast %add3A_2761 : i32 to index
        %get3A_2795 = arith.constant 0 : index
        %get3A_2796 = tpu.vector_load %arg7[%get3A_2792, %get3A_2793, %get3A_2794, %get3A_2795] {strides = array<i32>} : memref<2x9x64x64xbf16, #tpu.memory_space<vmem>>, vector<32xbf16>,
        %get3A_2797 = arith.constant 1 : i32
        %get3A_2798 = arith.constant 5 : i32
        %get3A_2799 = arith.index_cast %get3A_2797 : i32 to index
        %get3A_2800 = arith.index_cast %get3A_2798 : i32 to index
        %get3A_2801 = arith.index_cast %add3A_2761 : i32 to index
        %get3A_2802 = arith.constant 0 : index
        %get3A_2803 = tpu.vector_load %arg7[%get3A_2799, %get3A_2800, %get3A_2801, %get3A_2802] {strides = array<i32>} : memref<2x9x64x64xbf16, #tpu.memory_space<vmem>>, vector<32xbf16>,
        %get3A_2804 = arith.constant 1 : i32
        %get3A_2805 = arith.constant 6 : i32
        %get3A_2806 = arith.index_cast %get3A_2804 : i32 to index
        %get3A_2807 = arith.index_cast %get3A_2805 : i32 to index
        %get3A_2808 = arith.index_cast %add3A_2761 : i32 to index
        %get3A_2809 = arith.constant 0 : index
        %get3A_2810 = tpu.vector_load %arg7[%get3A_2806, %get3A_2807, %get3A_2808, %get3A_2809] {strides = array<i32>} : memref<2x9x64x64xbf16, #tpu.memory_space<vmem>>, vector<32xbf16>,
        %get3A_2811 = arith.constant 1 : i32
        %get3A_2812 = arith.constant 7 : i32
        %get3A_2813 = arith.index_cast %get3A_2811 : i32 to index
        %get3A_2814 = arith.index_cast %get3A_2812 : i32 to index
        %get3A_2815 = arith.index_cast %add3A_2761 : i32 to index
        %get3A_2816 = arith.constant 0 : index
        %get3A_2817 = tpu.vector_load %arg7[%get3A_2813, %get3A_2814, %get3A_2815, %get3A_2816] {strides = array<i32>} : memref<2x9x64x64xbf16, #tpu.memory_space<vmem>>, vector<32xbf16>,
        %get3A_2818 = arith.constant 1 : i32
        %get3A_2819 = arith.constant 8 : i32
        %get3A_2820 = arith.index_cast %get3A_2818 : i32 to index
        %get3A_2821 = arith.index_cast %get3A_2819 : i32 to index
        %get3A_2822 = arith.index_cast %add3A_2761 : i32 to index
        %get3A_2823 = arith.constant 0 : index
        %get3A_2824 = tpu.vector_load %arg7[%get3A_2820, %get3A_2821, %get3A_2822, %get3A_2823] {strides = array<i32>} : memref<2x9x64x64xbf16, #tpu.memory_space<vmem>>, vector<32xbf16>,
        %add3A_2825 = arith.addf %get3A_2768, %get3A_2775 : vector<32xbf16>
        %add3A_2826 = arith.addf %get3A_2782, %get3A_2789 : vector<32xbf16>
        %add3A_2827 = arith.addf %get3A_2796, %get3A_2803 : vector<32xbf16>
        %add3A_2828 = arith.addf %get3A_2810, %get3A_2817 : vector<32xbf16>
        %add3A_2829 = arith.addf %add3A_2825, %add3A_2826 : vector<32xbf16>
        %add3A_2830 = arith.addf %add3A_2827, %add3A_2828 : vector<32xbf16>
        %add3A_2831 = arith.addf %add3A_2829, %add3A_2830 : vector<32xbf16>
        %add3A_2832 = arith.addf %add3A_2831, %get3A_2824 : vector<32xbf16>
        %unpack3A_2833 = tpu.unpack_subelements %add3A_2832, 0 {pack_format = #tpu.pack_format<interleaved>} : vector<32xbf16> -> vector<16xf32>
        %unpack3A_2834 = tpu.unpack_subelements %add3A_2832, 1 {pack_format = #tpu.pack_format<interleaved>} : vector<32xbf16> -> vector<16xf32>
        %add3A_2835 = arith.constant 1 : i32
        %add3A_2836 = arith.addi %add3A_2761, %add3A_2835 : i32
        %get3A_2837 = arith.constant 1 : i32
        %get3A_2838 = arith.constant 0 : i32
        %get3A_2839 = arith.index_cast %get3A_2837 : i32 to index
        %get3A_2840 = arith.index_cast %get3A_2838 : i32 to index
        %get3A_2841 = arith.index_cast %add3A_2836 : i32 to index
        %get3A_2842 = arith.constant 32 : index
        %get3A_2843 = tpu.vector_load %arg7[%get3A_2839, %get3A_2840, %get3A_2841, %get3A_2842] {strides = array<i32>} : memref<2x9x64x64xbf16, #tpu.memory_space<vmem>>, vector<32xbf16>,
        %get3A_2844 = arith.constant 1 : i32
        %get3A_2845 = arith.constant 1 : i32
        %get3A_2846 = arith.index_cast %get3A_2844 : i32 to index
        %get3A_2847 = arith.index_cast %get3A_2845 : i32 to index
        %get3A_2848 = arith.index_cast %add3A_2836 : i32 to index
        %get3A_2849 = arith.constant 32 : index
        %get3A_2850 = tpu.vector_load %arg7[%get3A_2846, %get3A_2847, %get3A_2848, %get3A_2849] {strides = array<i32>} : memref<2x9x64x64xbf16, #tpu.memory_space<vmem>>, vector<32xbf16>,
        %get3A_2851 = arith.constant 1 : i32
        %get3A_2852 = arith.constant 2 : i32
        %get3A_2853 = arith.index_cast %get3A_2851 : i32 to index
        %get3A_2854 = arith.index_cast %get3A_2852 : i32 to index
        %get3A_2855 = arith.index_cast %add3A_2836 : i32 to index
        %get3A_2856 = arith.constant 32 : index
        %get3A_2857 = tpu.vector_load %arg7[%get3A_2853, %get3A_2854, %get3A_2855, %get3A_2856] {strides = array<i32>} : memref<2x9x64x64xbf16, #tpu.memory_space<vmem>>, vector<32xbf16>,
        %get3A_2858 = arith.constant 1 : i32
        %get3A_2859 = arith.constant 3 : i32
        %get3A_2860 = arith.index_cast %get3A_2858 : i32 to index
        %get3A_2861 = arith.index_cast %get3A_2859 : i32 to index
        %get3A_2862 = arith.index_cast %add3A_2836 : i32 to index
        %get3A_2863 = arith.constant 32 : index
        %get3A_2864 = tpu.vector_load %arg7[%get3A_2860, %get3A_2861, %get3A_2862, %get3A_2863] {strides = array<i32>} : memref<2x9x64x64xbf16, #tpu.memory_space<vmem>>, vector<32xbf16>,
        %get3A_2865 = arith.constant 1 : i32
        %get3A_2866 = arith.constant 4 : i32
        %get3A_2867 = arith.index_cast %get3A_2865 : i32 to index
        %get3A_2868 = arith.index_cast %get3A_2866 : i32 to index
        %get3A_2869 = arith.index_cast %add3A_2836 : i32 to index
        %get3A_2870 = arith.constant 32 : index
        %get3A_2871 = tpu.vector_load %arg7[%get3A_2867, %get3A_2868, %get3A_2869, %get3A_2870] {strides = array<i32>} : memref<2x9x64x64xbf16, #tpu.memory_space<vmem>>, vector<32xbf16>,
        %get3A_2872 = arith.constant 1 : i32
        %get3A_2873 = arith.constant 5 : i32
        %get3A_2874 = arith.index_cast %get3A_2872 : i32 to index
        %get3A_2875 = arith.index_cast %get3A_2873 : i32 to index
        %get3A_2876 = arith.index_cast %add3A_2836 : i32 to index
        %get3A_2877 = arith.constant 32 : index
        %get3A_2878 = tpu.vector_load %arg7[%get3A_2874, %get3A_2875, %get3A_2876, %get3A_2877] {strides = array<i32>} : memref<2x9x64x64xbf16, #tpu.memory_space<vmem>>, vector<32xbf16>,
        %get3A_2879 = arith.constant 1 : i32
        %get3A_2880 = arith.constant 6 : i32
        %get3A_2881 = arith.index_cast %get3A_2879 : i32 to index
        %get3A_2882 = arith.index_cast %get3A_2880 : i32 to index
        %get3A_2883 = arith.index_cast %add3A_2836 : i32 to index
        %get3A_2884 = arith.constant 32 : index
        %get3A_2885 = tpu.vector_load %arg7[%get3A_2881, %get3A_2882, %get3A_2883, %get3A_2884] {strides = array<i32>} : memref<2x9x64x64xbf16, #tpu.memory_space<vmem>>, vector<32xbf16>,
        %get3A_2886 = arith.constant 1 : i32
        %get3A_2887 = arith.constant 7 : i32
        %get3A_2888 = arith.index_cast %get3A_2886 : i32 to index
        %get3A_2889 = arith.index_cast %get3A_2887 : i32 to index
        %get3A_2890 = arith.index_cast %add3A_2836 : i32 to index
        %get3A_2891 = arith.constant 32 : index
        %get3A_2892 = tpu.vector_load %arg7[%get3A_2888, %get3A_2889, %get3A_2890, %get3A_2891] {strides = array<i32>} : memref<2x9x64x64xbf16, #tpu.memory_space<vmem>>, vector<32xbf16>,
        %get3A_2893 = arith.constant 1 : i32
        %get3A_2894 = arith.constant 8 : i32
        %get3A_2895 = arith.index_cast %get3A_2893 : i32 to index
        %get3A_2896 = arith.index_cast %get3A_2894 : i32 to index
        %get3A_2897 = arith.index_cast %add3A_2836 : i32 to index
        %get3A_2898 = arith.constant 32 : index
        %get3A_2899 = tpu.vector_load %arg7[%get3A_2895, %get3A_2896, %get3A_2897, %get3A_2898] {strides = array<i32>} : memref<2x9x64x64xbf16, #tpu.memory_space<vmem>>, vector<32xbf16>,
        %add3A_2900 = arith.addf %get3A_2843, %get3A_2850 : vector<32xbf16>
        %add3A_2901 = arith.addf %get3A_2857, %get3A_2864 : vector<32xbf16>
        %add3A_2902 = arith.addf %get3A_2871, %get3A_2878 : vector<32xbf16>
        %add3A_2903 = arith.addf %get3A_2885, %get3A_2892 : vector<32xbf16>
        %add3A_2904 = arith.addf %add3A_2900, %add3A_2901 : vector<32xbf16>
        %add3A_2905 = arith.addf %add3A_2902, %add3A_2903 : vector<32xbf16>
        %add3A_2906 = arith.addf %add3A_2904, %add3A_2905 : vector<32xbf16>
        %add3A_2907 = arith.addf %add3A_2906, %get3A_2899 : vector<32xbf16>
        %unpack3A_2908 = tpu.unpack_subelements %add3A_2907, 0 {pack_format = #tpu.pack_format<interleaved>} : vector<32xbf16> -> vector<16xf32>
        %unpack3A_2909 = tpu.unpack_subelements %add3A_2907, 1 {pack_format = #tpu.pack_format<interleaved>} : vector<32xbf16> -> vector<16xf32>
        %add3A_2910 = arith.addf %scan3A_2757, %get3A_3 : vector<16xf32>
        %add3A_2911 = arith.addf %unpack3A_2834, %unpack3A_2908 : vector<16xf32>
        %add3A_2912 = arith.addf %add3A_2910, %add3A_2911 : vector<16xf32>
        %mul3A_2913 = arith.constant 0 : i32
        %mul3A_2914 = vector.broadcast %mul3A_2913 : i32 to vector<16xi32>
        %mul3A_2915 = arith.muli %iota3A, %mul3A_2914 : vector<16xi32>
        %add3A_2916 = vector.broadcast %add3A_2761 : i32 to vector<16xi32>
        %add3A_2917 = arith.addi %mul3A_2915, %add3A_2916 : vector<16xi32>
        %scatter3A_2918 = arith.constant 1 : i32
        %scatter3A_2919 = arith.constant 0 : i32
        %scatter3A_2920 = arith.constant 0 : i32
        %scatter3A_2921 = tpu.memref_slice %arg8[%scatter3A_2918, %scatter3A_2919, %scatter3A_2920] : memref<2x16x64xf32, #tpu.memory_space<vmem>> -> memref<1x16x64xf32, #tpu.memory_space<vmem>>
        %scatter3A_2922 = tpu.memref_squeeze %scatter3A_2921 : memref<1x16x64xf32, #tpu.memory_space<vmem>> -> memref<16x64xf32, #tpu.memory_space<vmem>>
        tpu.vector_store_idx %scatter3A_2922[%iota3A, %add3A_2917], %add3A_2912 : memref<16x64xf32, #tpu.memory_space<vmem>>[vector<16xi32>, vector<16xi32>], vector<16xf32>,
        %scan3A_2923 = arith.constant 1 : i32
        %scan3A_2924 = arith.addi %scan3A_2756, %scan3A_2923 : i32
        %mul3A_2925 = arith.constant 1 : i32
        %mul3A_2926 = arith.muli %scan3A_2924, %mul3A_2925 : i32
        %add3A_2927 = arith.constant 1 : i32
        %add3A_2928 = arith.addi %add3A_2927, %mul3A_2926 : i32
        %get3A_2929 = arith.constant 1 : i32
        %get3A_2930 = arith.constant 0 : i32
        %get3A_2931 = arith.index_cast %get3A_2929 : i32 to index
        %get3A_2932 = arith.index_cast %get3A_2930 : i32 to index
        %get3A_2933 = arith.index_cast %add3A_2928 : i32 to index
        %get3A_2934 = arith.constant 0 : index
        %get3A_2935 = tpu.vector_load %arg7[%get3A_2931, %get3A_2932, %get3A_2933, %get3A_2934] {strides = array<i32>} : memref<2x9x64x64xbf16, #tpu.memory_space<vmem>>, vector<32xbf16>,
        %get3A_2936 = arith.constant 1 : i32
        %get3A_2937 = arith.constant 1 : i32
        %get3A_2938 = arith.index_cast %get3A_2936 : i32 to index
        %get3A_2939 = arith.index_cast %get3A_2937 : i32 to index
        %get3A_2940 = arith.index_cast %add3A_2928 : i32 to index
        %get3A_2941 = arith.constant 0 : index
        %get3A_2942 = tpu.vector_load %arg7[%get3A_2938, %get3A_2939, %get3A_2940, %get3A_2941] {strides = array<i32>} : memref<2x9x64x64xbf16, #tpu.memory_space<vmem>>, vector<32xbf16>,
        %get3A_2943 = arith.constant 1 : i32
        %get3A_2944 = arith.constant 2 : i32
        %get3A_2945 = arith.index_cast %get3A_2943 : i32 to index
        %get3A_2946 = arith.index_cast %get3A_2944 : i32 to index
        %get3A_2947 = arith.index_cast %add3A_2928 : i32 to index
        %get3A_2948 = arith.constant 0 : index
        %get3A_2949 = tpu.vector_load %arg7[%get3A_2945, %get3A_2946, %get3A_2947, %get3A_2948] {strides = array<i32>} : memref<2x9x64x64xbf16, #tpu.memory_space<vmem>>, vector<32xbf16>,
        %get3A_2950 = arith.constant 1 : i32
        %get3A_2951 = arith.constant 3 : i32
        %get3A_2952 = arith.index_cast %get3A_2950 : i32 to index
        %get3A_2953 = arith.index_cast %get3A_2951 : i32 to index
        %get3A_2954 = arith.index_cast %add3A_2928 : i32 to index
        %get3A_2955 = arith.constant 0 : index
        %get3A_2956 = tpu.vector_load %arg7[%get3A_2952, %get3A_2953, %get3A_2954, %get3A_2955] {strides = array<i32>} : memref<2x9x64x64xbf16, #tpu.memory_space<vmem>>, vector<32xbf16>,
        %get3A_2957 = arith.constant 1 : i32
        %get3A_2958 = arith.constant 4 : i32
        %get3A_2959 = arith.index_cast %get3A_2957 : i32 to index
        %get3A_2960 = arith.index_cast %get3A_2958 : i32 to index
        %get3A_2961 = arith.index_cast %add3A_2928 : i32 to index
        %get3A_2962 = arith.constant 0 : index
        %get3A_2963 = tpu.vector_load %arg7[%get3A_2959, %get3A_2960, %get3A_2961, %get3A_2962] {strides = array<i32>} : memref<2x9x64x64xbf16, #tpu.memory_space<vmem>>, vector<32xbf16>,
        %get3A_2964 = arith.constant 1 : i32
        %get3A_2965 = arith.constant 5 : i32
        %get3A_2966 = arith.index_cast %get3A_2964 : i32 to index
        %get3A_2967 = arith.index_cast %get3A_2965 : i32 to index
        %get3A_2968 = arith.index_cast %add3A_2928 : i32 to index
        %get3A_2969 = arith.constant 0 : index
        %get3A_2970 = tpu.vector_load %arg7[%get3A_2966, %get3A_2967, %get3A_2968, %get3A_2969] {strides = array<i32>} : memref<2x9x64x64xbf16, #tpu.memory_space<vmem>>, vector<32xbf16>,
        %get3A_2971 = arith.constant 1 : i32
        %get3A_2972 = arith.constant 6 : i32
        %get3A_2973 = arith.index_cast %get3A_2971 : i32 to index
        %get3A_2974 = arith.index_cast %get3A_2972 : i32 to index
        %get3A_2975 = arith.index_cast %add3A_2928 : i32 to index
        %get3A_2976 = arith.constant 0 : index
        %get3A_2977 = tpu.vector_load %arg7[%get3A_2973, %get3A_2974, %get3A_2975, %get3A_2976] {strides = array<i32>} : memref<2x9x64x64xbf16, #tpu.memory_space<vmem>>, vector<32xbf16>,
        %get3A_2978 = arith.constant 1 : i32
        %get3A_2979 = arith.constant 7 : i32
        %get3A_2980 = arith.index_cast %get3A_2978 : i32 to index
        %get3A_2981 = arith.index_cast %get3A_2979 : i32 to index
        %get3A_2982 = arith.index_cast %add3A_2928 : i32 to index
        %get3A_2983 = arith.constant 0 : index
        %get3A_2984 = tpu.vector_load %arg7[%get3A_2980, %get3A_2981, %get3A_2982, %get3A_2983] {strides = array<i32>} : memref<2x9x64x64xbf16, #tpu.memory_space<vmem>>, vector<32xbf16>,
        %get3A_2985 = arith.constant 1 : i32
        %get3A_2986 = arith.constant 8 : i32
        %get3A_2987 = arith.index_cast %get3A_2985 : i32 to index
        %get3A_2988 = arith.index_cast %get3A_2986 : i32 to index
        %get3A_2989 = arith.index_cast %add3A_2928 : i32 to index
        %get3A_2990 = arith.constant 0 : index
        %get3A_2991 = tpu.vector_load %arg7[%get3A_2987, %get3A_2988, %get3A_2989, %get3A_2990] {strides = array<i32>} : memref<2x9x64x64xbf16, #tpu.memory_space<vmem>>, vector<32xbf16>,
        %add3A_2992 = arith.addf %get3A_2935, %get3A_2942 : vector<32xbf16>
        %add3A_2993 = arith.addf %get3A_2949, %get3A_2956 : vector<32xbf16>
        %add3A_2994 = arith.addf %get3A_2963, %get3A_2970 : vector<32xbf16>
        %add3A_2995 = arith.addf %get3A_2977, %get3A_2984 : vector<32xbf16>
        %add3A_2996 = arith.addf %add3A_2992, %add3A_2993 : vector<32xbf16>
        %add3A_2997 = arith.addf %add3A_2994, %add3A_2995 : vector<32xbf16>
        %add3A_2998 = arith.addf %add3A_2996, %add3A_2997 : vector<32xbf16>
        %add3A_2999 = arith.addf %add3A_2998, %get3A_2991 : vector<32xbf16>
        %unpack3A_3000 = tpu.unpack_subelements %add3A_2999, 0 {pack_format = #tpu.pack_format<interleaved>} : vector<32xbf16> -> vector<16xf32>
        %unpack3A_3001 = tpu.unpack_subelements %add3A_2999, 1 {pack_format = #tpu.pack_format<interleaved>} : vector<32xbf16> -> vector<16xf32>
        %add3A_3002 = arith.constant 1 : i32
        %add3A_3003 = arith.addi %add3A_2928, %add3A_3002 : i32
        %get3A_3004 = arith.constant 1 : i32
        %get3A_3005 = arith.constant 0 : i32
        %get3A_3006 = arith.index_cast %get3A_3004 : i32 to index
        %get3A_3007 = arith.index_cast %get3A_3005 : i32 to index
        %get3A_3008 = arith.index_cast %add3A_3003 : i32 to index
        %get3A_3009 = arith.constant 32 : index
        %get3A_3010 = tpu.vector_load %arg7[%get3A_3006, %get3A_3007, %get3A_3008, %get3A_3009] {strides = array<i32>} : memref<2x9x64x64xbf16, #tpu.memory_space<vmem>>, vector<32xbf16>,
        %get3A_3011 = arith.constant 1 : i32
        %get3A_3012 = arith.constant 1 : i32
        %get3A_3013 = arith.index_cast %get3A_3011 : i32 to index
        %get3A_3014 = arith.index_cast %get3A_3012 : i32 to index
        %get3A_3015 = arith.index_cast %add3A_3003 : i32 to index
        %get3A_3016 = arith.constant 32 : index
        %get3A_3017 = tpu.vector_load %arg7[%get3A_3013, %get3A_3014, %get3A_3015, %get3A_3016] {strides = array<i32>} : memref<2x9x64x64xbf16, #tpu.memory_space<vmem>>, vector<32xbf16>,
        %get3A_3018 = arith.constant 1 : i32
        %get3A_3019 = arith.constant 2 : i32
        %get3A_3020 = arith.index_cast %get3A_3018 : i32 to index
        %get3A_3021 = arith.index_cast %get3A_3019 : i32 to index
        %get3A_3022 = arith.index_cast %add3A_3003 : i32 to index
        %get3A_3023 = arith.constant 32 : index
        %get3A_3024 = tpu.vector_load %arg7[%get3A_3020, %get3A_3021, %get3A_3022, %get3A_3023] {strides = array<i32>} : memref<2x9x64x64xbf16, #tpu.memory_space<vmem>>, vector<32xbf16>,
        %get3A_3025 = arith.constant 1 : i32
        %get3A_3026 = arith.constant 3 : i32
        %get3A_3027 = arith.index_cast %get3A_3025 : i32 to index
        %get3A_3028 = arith.index_cast %get3A_3026 : i32 to index
        %get3A_3029 = arith.index_cast %add3A_3003 : i32 to index
        %get3A_3030 = arith.constant 32 : index
        %get3A_3031 = tpu.vector_load %arg7[%get3A_3027, %get3A_3028, %get3A_3029, %get3A_3030] {strides = array<i32>} : memref<2x9x64x64xbf16, #tpu.memory_space<vmem>>, vector<32xbf16>,
        %get3A_3032 = arith.constant 1 : i32
        %get3A_3033 = arith.constant 4 : i32
        %get3A_3034 = arith.index_cast %get3A_3032 : i32 to index
        %get3A_3035 = arith.index_cast %get3A_3033 : i32 to index
        %get3A_3036 = arith.index_cast %add3A_3003 : i32 to index
        %get3A_3037 = arith.constant 32 : index
        %get3A_3038 = tpu.vector_load %arg7[%get3A_3034, %get3A_3035, %get3A_3036, %get3A_3037] {strides = array<i32>} : memref<2x9x64x64xbf16, #tpu.memory_space<vmem>>, vector<32xbf16>,
        %get3A_3039 = arith.constant 1 : i32
        %get3A_3040 = arith.constant 5 : i32
        %get3A_3041 = arith.index_cast %get3A_3039 : i32 to index
        %get3A_3042 = arith.index_cast %get3A_3040 : i32 to index
        %get3A_3043 = arith.index_cast %add3A_3003 : i32 to index
        %get3A_3044 = arith.constant 32 : index
        %get3A_3045 = tpu.vector_load %arg7[%get3A_3041, %get3A_3042, %get3A_3043, %get3A_3044] {strides = array<i32>} : memref<2x9x64x64xbf16, #tpu.memory_space<vmem>>, vector<32xbf16>,
        %get3A_3046 = arith.constant 1 : i32
        %get3A_3047 = arith.constant 6 : i32
        %get3A_3048 = arith.index_cast %get3A_3046 : i32 to index
        %get3A_3049 = arith.index_cast %get3A_3047 : i32 to index
        %get3A_3050 = arith.index_cast %add3A_3003 : i32 to index
        %get3A_3051 = arith.constant 32 : index
        %get3A_3052 = tpu.vector_load %arg7[%get3A_3048, %get3A_3049, %get3A_3050, %get3A_3051] {strides = array<i32>} : memref<2x9x64x64xbf16, #tpu.memory_space<vmem>>, vector<32xbf16>,
        %get3A_3053 = arith.constant 1 : i32
        %get3A_3054 = arith.constant 7 : i32
        %get3A_3055 = arith.index_cast %get3A_3053 : i32 to index
        %get3A_3056 = arith.index_cast %get3A_3054 : i32 to index
        %get3A_3057 = arith.index_cast %add3A_3003 : i32 to index
        %get3A_3058 = arith.constant 32 : index
        %get3A_3059 = tpu.vector_load %arg7[%get3A_3055, %get3A_3056, %get3A_3057, %get3A_3058] {strides = array<i32>} : memref<2x9x64x64xbf16, #tpu.memory_space<vmem>>, vector<32xbf16>,
        %get3A_3060 = arith.constant 1 : i32
        %get3A_3061 = arith.constant 8 : i32
        %get3A_3062 = arith.index_cast %get3A_3060 : i32 to index
        %get3A_3063 = arith.index_cast %get3A_3061 : i32 to index
        %get3A_3064 = arith.index_cast %add3A_3003 : i32 to index
        %get3A_3065 = arith.constant 32 : index
        %get3A_3066 = tpu.vector_load %arg7[%get3A_3062, %get3A_3063, %get3A_3064, %get3A_3065] {strides = array<i32>} : memref<2x9x64x64xbf16, #tpu.memory_space<vmem>>, vector<32xbf16>,
        %add3A_3067 = arith.addf %get3A_3010, %get3A_3017 : vector<32xbf16>
        %add3A_3068 = arith.addf %get3A_3024, %get3A_3031 : vector<32xbf16>
        %add3A_3069 = arith.addf %get3A_3038, %get3A_3045 : vector<32xbf16>
        %add3A_3070 = arith.addf %get3A_3052, %get3A_3059 : vector<32xbf16>
        %add3A_3071 = arith.addf %add3A_3067, %add3A_3068 : vector<32xbf16>
        %add3A_3072 = arith.addf %add3A_3069, %add3A_3070 : vector<32xbf16>
        %add3A_3073 = arith.addf %add3A_3071, %add3A_3072 : vector<32xbf16>
        %add3A_3074 = arith.addf %add3A_3073, %get3A_3066 : vector<32xbf16>
        %unpack3A_3075 = tpu.unpack_subelements %add3A_3074, 0 {pack_format = #tpu.pack_format<interleaved>} : vector<32xbf16> -> vector<16xf32>
        %unpack3A_3076 = tpu.unpack_subelements %add3A_3074, 1 {pack_format = #tpu.pack_format<interleaved>} : vector<32xbf16> -> vector<16xf32>
        %add3A_3077 = arith.addf %unpack3A_2833, %get3A_3 : vector<16xf32>
        %add3A_3078 = arith.addf %unpack3A_3001, %unpack3A_3075 : vector<16xf32>
        %add3A_3079 = arith.addf %add3A_3077, %add3A_3078 : vector<16xf32>
        %mul3A_3080 = arith.constant 0 : i32
        %mul3A_3081 = vector.broadcast %mul3A_3080 : i32 to vector<16xi32>
        %mul3A_3082 = arith.muli %iota3A, %mul3A_3081 : vector<16xi32>
        %add3A_3083 = vector.broadcast %add3A_2928 : i32 to vector<16xi32>
        %add3A_3084 = arith.addi %mul3A_3082, %add3A_3083 : vector<16xi32>
        %scatter3A_3085 = arith.constant 1 : i32
        %scatter3A_3086 = arith.constant 0 : i32
        %scatter3A_3087 = arith.constant 0 : i32
        %scatter3A_3088 = tpu.memref_slice %arg8[%scatter3A_3085, %scatter3A_3086, %scatter3A_3087] : memref<2x16x64xf32, #tpu.memory_space<vmem>> -> memref<1x16x64xf32, #tpu.memory_space<vmem>>
        %scatter3A_3089 = tpu.memref_squeeze %scatter3A_3088 : memref<1x16x64xf32, #tpu.memory_space<vmem>> -> memref<16x64xf32, #tpu.memory_space<vmem>>
        tpu.vector_store_idx %scatter3A_3089[%iota3A, %add3A_3084], %add3A_3079 : memref<16x64xf32, #tpu.memory_space<vmem>>[vector<16xi32>, vector<16xi32>], vector<16xf32>,
        %scan3A_3090 = arith.constant 2 : i32
        %scan3A_3091 = arith.addi %scan3A_2756, %scan3A_3090 : i32
        %mul3A_3092 = arith.constant 1 : i32
        %mul3A_3093 = arith.muli %scan3A_3091, %mul3A_3092 : i32
        %add3A_3094 = arith.constant 1 : i32
        %add3A_3095 = arith.addi %add3A_3094, %mul3A_3093 : i32
        %get3A_3096 = arith.constant 1 : i32
        %get3A_3097 = arith.constant 0 : i32
        %get3A_3098 = arith.index_cast %get3A_3096 : i32 to index
        %get3A_3099 = arith.index_cast %get3A_3097 : i32 to index
        %get3A_3100 = arith.index_cast %add3A_3095 : i32 to index
        %get3A_3101 = arith.constant 0 : index
        %get3A_3102 = tpu.vector_load %arg7[%get3A_3098, %get3A_3099, %get3A_3100, %get3A_3101] {strides = array<i32>} : memref<2x9x64x64xbf16, #tpu.memory_space<vmem>>, vector<32xbf16>,
        %get3A_3103 = arith.constant 1 : i32
        %get3A_3104 = arith.constant 1 : i32
        %get3A_3105 = arith.index_cast %get3A_3103 : i32 to index
        %get3A_3106 = arith.index_cast %get3A_3104 : i32 to index
        %get3A_3107 = arith.index_cast %add3A_3095 : i32 to index
        %get3A_3108 = arith.constant 0 : index
        %get3A_3109 = tpu.vector_load %arg7[%get3A_3105, %get3A_3106, %get3A_3107, %get3A_3108] {strides = array<i32>} : memref<2x9x64x64xbf16, #tpu.memory_space<vmem>>, vector<32xbf16>,
        %get3A_3110 = arith.constant 1 : i32
        %get3A_3111 = arith.constant 2 : i32
        %get3A_3112 = arith.index_cast %get3A_3110 : i32 to index
        %get3A_3113 = arith.index_cast %get3A_3111 : i32 to index
        %get3A_3114 = arith.index_cast %add3A_3095 : i32 to index
        %get3A_3115 = arith.constant 0 : index
        %get3A_3116 = tpu.vector_load %arg7[%get3A_3112, %get3A_3113, %get3A_3114, %get3A_3115] {strides = array<i32>} : memref<2x9x64x64xbf16, #tpu.memory_space<vmem>>, vector<32xbf16>,
        %get3A_3117 = arith.constant 1 : i32
        %get3A_3118 = arith.constant 3 : i32
        %get3A_3119 = arith.index_cast %get3A_3117 : i32 to index
        %get3A_3120 = arith.index_cast %get3A_3118 : i32 to index
        %get3A_3121 = arith.index_cast %add3A_3095 : i32 to index
        %get3A_3122 = arith.constant 0 : index
        %get3A_3123 = tpu.vector_load %arg7[%get3A_3119, %get3A_3120, %get3A_3121, %get3A_3122] {strides = array<i32>} : memref<2x9x64x64xbf16, #tpu.memory_space<vmem>>, vector<32xbf16>,
        %get3A_3124 = arith.constant 1 : i32
        %get3A_3125 = arith.constant 4 : i32
        %get3A_3126 = arith.index_cast %get3A_3124 : i32 to index
        %get3A_3127 = arith.index_cast %get3A_3125 : i32 to index
        %get3A_3128 = arith.index_cast %add3A_3095 : i32 to index
        %get3A_3129 = arith.constant 0 : index
        %get3A_3130 = tpu.vector_load %arg7[%get3A_3126, %get3A_3127, %get3A_3128, %get3A_3129] {strides = array<i32>} : memref<2x9x64x64xbf16, #tpu.memory_space<vmem>>, vector<32xbf16>,
        %get3A_3131 = arith.constant 1 : i32
        %get3A_3132 = arith.constant 5 : i32
        %get3A_3133 = arith.index_cast %get3A_3131 : i32 to index
        %get3A_3134 = arith.index_cast %get3A_3132 : i32 to index
        %get3A_3135 = arith.index_cast %add3A_3095 : i32 to index
        %get3A_3136 = arith.constant 0 : index
        %get3A_3137 = tpu.vector_load %arg7[%get3A_3133, %get3A_3134, %get3A_3135, %get3A_3136] {strides = array<i32>} : memref<2x9x64x64xbf16, #tpu.memory_space<vmem>>, vector<32xbf16>,
        %get3A_3138 = arith.constant 1 : i32
        %get3A_3139 = arith.constant 6 : i32
        %get3A_3140 = arith.index_cast %get3A_3138 : i32 to index
        %get3A_3141 = arith.index_cast %get3A_3139 : i32 to index
        %get3A_3142 = arith.index_cast %add3A_3095 : i32 to index
        %get3A_3143 = arith.constant 0 : index
        %get3A_3144 = tpu.vector_load %arg7[%get3A_3140, %get3A_3141, %get3A_3142, %get3A_3143] {strides = array<i32>} : memref<2x9x64x64xbf16, #tpu.memory_space<vmem>>, vector<32xbf16>,
        %get3A_3145 = arith.constant 1 : i32
        %get3A_3146 = arith.constant 7 : i32
        %get3A_3147 = arith.index_cast %get3A_3145 : i32 to index
        %get3A_3148 = arith.index_cast %get3A_3146 : i32 to index
        %get3A_3149 = arith.index_cast %add3A_3095 : i32 to index
        %get3A_3150 = arith.constant 0 : index
        %get3A_3151 = tpu.vector_load %arg7[%get3A_3147, %get3A_3148, %get3A_3149, %get3A_3150] {strides = array<i32>} : memref<2x9x64x64xbf16, #tpu.memory_space<vmem>>, vector<32xbf16>,
        %get3A_3152 = arith.constant 1 : i32
        %get3A_3153 = arith.constant 8 : i32
        %get3A_3154 = arith.index_cast %get3A_3152 : i32 to index
        %get3A_3155 = arith.index_cast %get3A_3153 : i32 to index
        %get3A_3156 = arith.index_cast %add3A_3095 : i32 to index
        %get3A_3157 = arith.constant 0 : index
        %get3A_3158 = tpu.vector_load %arg7[%get3A_3154, %get3A_3155, %get3A_3156, %get3A_3157] {strides = array<i32>} : memref<2x9x64x64xbf16, #tpu.memory_space<vmem>>, vector<32xbf16>,
        %add3A_3159 = arith.addf %get3A_3102, %get3A_3109 : vector<32xbf16>
        %add3A_3160 = arith.addf %get3A_3116, %get3A_3123 : vector<32xbf16>
        %add3A_3161 = arith.addf %get3A_3130, %get3A_3137 : vector<32xbf16>
        %add3A_3162 = arith.addf %get3A_3144, %get3A_3151 : vector<32xbf16>
        %add3A_3163 = arith.addf %add3A_3159, %add3A_3160 : vector<32xbf16>
        %add3A_3164 = arith.addf %add3A_3161, %add3A_3162 : vector<32xbf16>
        %add3A_3165 = arith.addf %add3A_3163, %add3A_3164 : vector<32xbf16>
        %add3A_3166 = arith.addf %add3A_3165, %get3A_3158 : vector<32xbf16>
        %unpack3A_3167 = tpu.unpack_subelements %add3A_3166, 0 {pack_format = #tpu.pack_format<interleaved>} : vector<32xbf16> -> vector<16xf32>
        %unpack3A_3168 = tpu.unpack_subelements %add3A_3166, 1 {pack_format = #tpu.pack_format<interleaved>} : vector<32xbf16> -> vector<16xf32>
        %add3A_3169 = arith.constant 1 : i32
        %add3A_3170 = arith.addi %add3A_3095, %add3A_3169 : i32
        %get3A_3171 = arith.constant 1 : i32
        %get3A_3172 = arith.constant 0 : i32
        %get3A_3173 = arith.index_cast %get3A_3171 : i32 to index
        %get3A_3174 = arith.index_cast %get3A_3172 : i32 to index
        %get3A_3175 = arith.index_cast %add3A_3170 : i32 to index
        %get3A_3176 = arith.constant 32 : index
        %get3A_3177 = tpu.vector_load %arg7[%get3A_3173, %get3A_3174, %get3A_3175, %get3A_3176] {strides = array<i32>} : memref<2x9x64x64xbf16, #tpu.memory_space<vmem>>, vector<32xbf16>,
        %get3A_3178 = arith.constant 1 : i32
        %get3A_3179 = arith.constant 1 : i32
        %get3A_3180 = arith.index_cast %get3A_3178 : i32 to index
        %get3A_3181 = arith.index_cast %get3A_3179 : i32 to index
        %get3A_3182 = arith.index_cast %add3A_3170 : i32 to index
        %get3A_3183 = arith.constant 32 : index
        %get3A_3184 = tpu.vector_load %arg7[%get3A_3180, %get3A_3181, %get3A_3182, %get3A_3183] {strides = array<i32>} : memref<2x9x64x64xbf16, #tpu.memory_space<vmem>>, vector<32xbf16>,
        %get3A_3185 = arith.constant 1 : i32
        %get3A_3186 = arith.constant 2 : i32
        %get3A_3187 = arith.index_cast %get3A_3185 : i32 to index
        %get3A_3188 = arith.index_cast %get3A_3186 : i32 to index
        %get3A_3189 = arith.index_cast %add3A_3170 : i32 to index
        %get3A_3190 = arith.constant 32 : index
        %get3A_3191 = tpu.vector_load %arg7[%get3A_3187, %get3A_3188, %get3A_3189, %get3A_3190] {strides = array<i32>} : memref<2x9x64x64xbf16, #tpu.memory_space<vmem>>, vector<32xbf16>,
        %get3A_3192 = arith.constant 1 : i32
        %get3A_3193 = arith.constant 3 : i32
        %get3A_3194 = arith.index_cast %get3A_3192 : i32 to index
        %get3A_3195 = arith.index_cast %get3A_3193 : i32 to index
        %get3A_3196 = arith.index_cast %add3A_3170 : i32 to index
        %get3A_3197 = arith.constant 32 : index
        %get3A_3198 = tpu.vector_load %arg7[%get3A_3194, %get3A_3195, %get3A_3196, %get3A_3197] {strides = array<i32>} : memref<2x9x64x64xbf16, #tpu.memory_space<vmem>>, vector<32xbf16>,
        %get3A_3199 = arith.constant 1 : i32
        %get3A_3200 = arith.constant 4 : i32
        %get3A_3201 = arith.index_cast %get3A_3199 : i32 to index
        %get3A_3202 = arith.index_cast %get3A_3200 : i32 to index
        %get3A_3203 = arith.index_cast %add3A_3170 : i32 to index
        %get3A_3204 = arith.constant 32 : index
        %get3A_3205 = tpu.vector_load %arg7[%get3A_3201, %get3A_3202, %get3A_3203, %get3A_3204] {strides = array<i32>} : memref<2x9x64x64xbf16, #tpu.memory_space<vmem>>, vector<32xbf16>,
        %get3A_3206 = arith.constant 1 : i32
        %get3A_3207 = arith.constant 5 : i32
        %get3A_3208 = arith.index_cast %get3A_3206 : i32 to index
        %get3A_3209 = arith.index_cast %get3A_3207 : i32 to index
        %get3A_3210 = arith.index_cast %add3A_3170 : i32 to index
        %get3A_3211 = arith.constant 32 : index
        %get3A_3212 = tpu.vector_load %arg7[%get3A_3208, %get3A_3209, %get3A_3210, %get3A_3211] {strides = array<i32>} : memref<2x9x64x64xbf16, #tpu.memory_space<vmem>>, vector<32xbf16>,
        %get3A_3213 = arith.constant 1 : i32
        %get3A_3214 = arith.constant 6 : i32
        %get3A_3215 = arith.index_cast %get3A_3213 : i32 to index
        %get3A_3216 = arith.index_cast %get3A_3214 : i32 to index
        %get3A_3217 = arith.index_cast %add3A_3170 : i32 to index
        %get3A_3218 = arith.constant 32 : index
        %get3A_3219 = tpu.vector_load %arg7[%get3A_3215, %get3A_3216, %get3A_3217, %get3A_3218] {strides = array<i32>} : memref<2x9x64x64xbf16, #tpu.memory_space<vmem>>, vector<32xbf16>,
        %get3A_3220 = arith.constant 1 : i32
        %get3A_3221 = arith.constant 7 : i32
        %get3A_3222 = arith.index_cast %get3A_3220 : i32 to index
        %get3A_3223 = arith.index_cast %get3A_3221 : i32 to index
        %get3A_3224 = arith.index_cast %add3A_3170 : i32 to index
        %get3A_3225 = arith.constant 32 : index
        %get3A_3226 = tpu.vector_load %arg7[%get3A_3222, %get3A_3223, %get3A_3224, %get3A_3225] {strides = array<i32>} : memref<2x9x64x64xbf16, #tpu.memory_space<vmem>>, vector<32xbf16>,
        %get3A_3227 = arith.constant 1 : i32
        %get3A_3228 = arith.constant 8 : i32
        %get3A_3229 = arith.index_cast %get3A_3227 : i32 to index
        %get3A_3230 = arith.index_cast %get3A_3228 : i32 to index
        %get3A_3231 = arith.index_cast %add3A_3170 : i32 to index
        %get3A_3232 = arith.constant 32 : index
        %get3A_3233 = tpu.vector_load %arg7[%get3A_3229, %get3A_3230, %get3A_3231, %get3A_3232] {strides = array<i32>} : memref<2x9x64x64xbf16, #tpu.memory_space<vmem>>, vector<32xbf16>,
        %add3A_3234 = arith.addf %get3A_3177, %get3A_3184 : vector<32xbf16>
        %add3A_3235 = arith.addf %get3A_3191, %get3A_3198 : vector<32xbf16>
        %add3A_3236 = arith.addf %get3A_3205, %get3A_3212 : vector<32xbf16>
        %add3A_3237 = arith.addf %get3A_3219, %get3A_3226 : vector<32xbf16>
        %add3A_3238 = arith.addf %add3A_3234, %add3A_3235 : vector<32xbf16>
        %add3A_3239 = arith.addf %add3A_3236, %add3A_3237 : vector<32xbf16>
        %add3A_3240 = arith.addf %add3A_3238, %add3A_3239 : vector<32xbf16>
        %add3A_3241 = arith.addf %add3A_3240, %get3A_3233 : vector<32xbf16>
        %unpack3A_3242 = tpu.unpack_subelements %add3A_3241, 0 {pack_format = #tpu.pack_format<interleaved>} : vector<32xbf16> -> vector<16xf32>
        %unpack3A_3243 = tpu.unpack_subelements %add3A_3241, 1 {pack_format = #tpu.pack_format<interleaved>} : vector<32xbf16> -> vector<16xf32>
        %add3A_3244 = arith.addf %unpack3A_3000, %get3A_3 : vector<16xf32>
        %add3A_3245 = arith.addf %unpack3A_3168, %unpack3A_3242 : vector<16xf32>
        %add3A_3246 = arith.addf %add3A_3244, %add3A_3245 : vector<16xf32>
        %mul3A_3247 = arith.constant 0 : i32
        %mul3A_3248 = vector.broadcast %mul3A_3247 : i32 to vector<16xi32>
        %mul3A_3249 = arith.muli %iota3A, %mul3A_3248 : vector<16xi32>
        %add3A_3250 = vector.broadcast %add3A_3095 : i32 to vector<16xi32>
        %add3A_3251 = arith.addi %mul3A_3249, %add3A_3250 : vector<16xi32>
        %scatter3A_3252 = arith.constant 1 : i32
        %scatter3A_3253 = arith.constant 0 : i32
        %scatter3A_3254 = arith.constant 0 : i32
        %scatter3A_3255 = tpu.memref_slice %arg8[%scatter3A_3252, %scatter3A_3253, %scatter3A_3254] : memref<2x16x64xf32, #tpu.memory_space<vmem>> -> memref<1x16x64xf32, #tpu.memory_space<vmem>>
        %scatter3A_3256 = tpu.memref_squeeze %scatter3A_3255 : memref<1x16x64xf32, #tpu.memory_space<vmem>> -> memref<16x64xf32, #tpu.memory_space<vmem>>
        tpu.vector_store_idx %scatter3A_3256[%iota3A, %add3A_3251], %add3A_3246 : memref<16x64xf32, #tpu.memory_space<vmem>>[vector<16xi32>, vector<16xi32>], vector<16xf32>,
        %scan3A_3257 = arith.constant 3 : i32
        %scan3A_3258 = arith.addi %scan3A_2756, %scan3A_3257 : i32
        %mul3A_3259 = arith.constant 1 : i32
        %mul3A_3260 = arith.muli %scan3A_3258, %mul3A_3259 : i32
        %add3A_3261 = arith.constant 1 : i32
        %add3A_3262 = arith.addi %add3A_3261, %mul3A_3260 : i32
        %get3A_3263 = arith.constant 1 : i32
        %get3A_3264 = arith.constant 0 : i32
        %get3A_3265 = arith.index_cast %get3A_3263 : i32 to index
        %get3A_3266 = arith.index_cast %get3A_3264 : i32 to index
        %get3A_3267 = arith.index_cast %add3A_3262 : i32 to index
        %get3A_3268 = arith.constant 0 : index
        %get3A_3269 = tpu.vector_load %arg7[%get3A_3265, %get3A_3266, %get3A_3267, %get3A_3268] {strides = array<i32>} : memref<2x9x64x64xbf16, #tpu.memory_space<vmem>>, vector<32xbf16>,
        %get3A_3270 = arith.constant 1 : i32
        %get3A_3271 = arith.constant 1 : i32
        %get3A_3272 = arith.index_cast %get3A_3270 : i32 to index
        %get3A_3273 = arith.index_cast %get3A_3271 : i32 to index
        %get3A_3274 = arith.index_cast %add3A_3262 : i32 to index
        %get3A_3275 = arith.constant 0 : index
        %get3A_3276 = tpu.vector_load %arg7[%get3A_3272, %get3A_3273, %get3A_3274, %get3A_3275] {strides = array<i32>} : memref<2x9x64x64xbf16, #tpu.memory_space<vmem>>, vector<32xbf16>,
        %get3A_3277 = arith.constant 1 : i32
        %get3A_3278 = arith.constant 2 : i32
        %get3A_3279 = arith.index_cast %get3A_3277 : i32 to index
        %get3A_3280 = arith.index_cast %get3A_3278 : i32 to index
        %get3A_3281 = arith.index_cast %add3A_3262 : i32 to index
        %get3A_3282 = arith.constant 0 : index
        %get3A_3283 = tpu.vector_load %arg7[%get3A_3279, %get3A_3280, %get3A_3281, %get3A_3282] {strides = array<i32>} : memref<2x9x64x64xbf16, #tpu.memory_space<vmem>>, vector<32xbf16>,
        %get3A_3284 = arith.constant 1 : i32
        %get3A_3285 = arith.constant 3 : i32
        %get3A_3286 = arith.index_cast %get3A_3284 : i32 to index
        %get3A_3287 = arith.index_cast %get3A_3285 : i32 to index
        %get3A_3288 = arith.index_cast %add3A_3262 : i32 to index
        %get3A_3289 = arith.constant 0 : index
        %get3A_3290 = tpu.vector_load %arg7[%get3A_3286, %get3A_3287, %get3A_3288, %get3A_3289] {strides = array<i32>} : memref<2x9x64x64xbf16, #tpu.memory_space<vmem>>, vector<32xbf16>,
        %get3A_3291 = arith.constant 1 : i32
        %get3A_3292 = arith.constant 4 : i32
        %get3A_3293 = arith.index_cast %get3A_3291 : i32 to index
        %get3A_3294 = arith.index_cast %get3A_3292 : i32 to index
        %get3A_3295 = arith.index_cast %add3A_3262 : i32 to index
        %get3A_3296 = arith.constant 0 : index
        %get3A_3297 = tpu.vector_load %arg7[%get3A_3293, %get3A_3294, %get3A_3295, %get3A_3296] {strides = array<i32>} : memref<2x9x64x64xbf16, #tpu.memory_space<vmem>>, vector<32xbf16>,
        %get3A_3298 = arith.constant 1 : i32
        %get3A_3299 = arith.constant 5 : i32
        %get3A_3300 = arith.index_cast %get3A_3298 : i32 to index
        %get3A_3301 = arith.index_cast %get3A_3299 : i32 to index
        %get3A_3302 = arith.index_cast %add3A_3262 : i32 to index
        %get3A_3303 = arith.constant 0 : index
        %get3A_3304 = tpu.vector_load %arg7[%get3A_3300, %get3A_3301, %get3A_3302, %get3A_3303] {strides = array<i32>} : memref<2x9x64x64xbf16, #tpu.memory_space<vmem>>, vector<32xbf16>,
        %get3A_3305 = arith.constant 1 : i32
        %get3A_3306 = arith.constant 6 : i32
        %get3A_3307 = arith.index_cast %get3A_3305 : i32 to index
        %get3A_3308 = arith.index_cast %get3A_3306 : i32 to index
        %get3A_3309 = arith.index_cast %add3A_3262 : i32 to index
        %get3A_3310 = arith.constant 0 : index
        %get3A_3311 = tpu.vector_load %arg7[%get3A_3307, %get3A_3308, %get3A_3309, %get3A_3310] {strides = array<i32>} : memref<2x9x64x64xbf16, #tpu.memory_space<vmem>>, vector<32xbf16>,
        %get3A_3312 = arith.constant 1 : i32
        %get3A_3313 = arith.constant 7 : i32
        %get3A_3314 = arith.index_cast %get3A_3312 : i32 to index
        %get3A_3315 = arith.index_cast %get3A_3313 : i32 to index
        %get3A_3316 = arith.index_cast %add3A_3262 : i32 to index
        %get3A_3317 = arith.constant 0 : index
        %get3A_3318 = tpu.vector_load %arg7[%get3A_3314, %get3A_3315, %get3A_3316, %get3A_3317] {strides = array<i32>} : memref<2x9x64x64xbf16, #tpu.memory_space<vmem>>, vector<32xbf16>,
        %get3A_3319 = arith.constant 1 : i32
        %get3A_3320 = arith.constant 8 : i32
        %get3A_3321 = arith.index_cast %get3A_3319 : i32 to index
        %get3A_3322 = arith.index_cast %get3A_3320 : i32 to index
        %get3A_3323 = arith.index_cast %add3A_3262 : i32 to index
        %get3A_3324 = arith.constant 0 : index
        %get3A_3325 = tpu.vector_load %arg7[%get3A_3321, %get3A_3322, %get3A_3323, %get3A_3324] {strides = array<i32>} : memref<2x9x64x64xbf16, #tpu.memory_space<vmem>>, vector<32xbf16>,
        %add3A_3326 = arith.addf %get3A_3269, %get3A_3276 : vector<32xbf16>
        %add3A_3327 = arith.addf %get3A_3283, %get3A_3290 : vector<32xbf16>
        %add3A_3328 = arith.addf %get3A_3297, %get3A_3304 : vector<32xbf16>
        %add3A_3329 = arith.addf %get3A_3311, %get3A_3318 : vector<32xbf16>
        %add3A_3330 = arith.addf %add3A_3326, %add3A_3327 : vector<32xbf16>
        %add3A_3331 = arith.addf %add3A_3328, %add3A_3329 : vector<32xbf16>
        %add3A_3332 = arith.addf %add3A_3330, %add3A_3331 : vector<32xbf16>
        %add3A_3333 = arith.addf %add3A_3332, %get3A_3325 : vector<32xbf16>
        %unpack3A_3334 = tpu.unpack_subelements %add3A_3333, 0 {pack_format = #tpu.pack_format<interleaved>} : vector<32xbf16> -> vector<16xf32>
        %unpack3A_3335 = tpu.unpack_subelements %add3A_3333, 1 {pack_format = #tpu.pack_format<interleaved>} : vector<32xbf16> -> vector<16xf32>
        %add3A_3336 = arith.constant 1 : i32
        %add3A_3337 = arith.addi %add3A_3262, %add3A_3336 : i32
        %get3A_3338 = arith.constant 1 : i32
        %get3A_3339 = arith.constant 0 : i32
        %get3A_3340 = arith.index_cast %get3A_3338 : i32 to index
        %get3A_3341 = arith.index_cast %get3A_3339 : i32 to index
        %get3A_3342 = arith.index_cast %add3A_3337 : i32 to index
        %get3A_3343 = arith.constant 32 : index
        %get3A_3344 = tpu.vector_load %arg7[%get3A_3340, %get3A_3341, %get3A_3342, %get3A_3343] {strides = array<i32>} : memref<2x9x64x64xbf16, #tpu.memory_space<vmem>>, vector<32xbf16>,
        %get3A_3345 = arith.constant 1 : i32
        %get3A_3346 = arith.constant 1 : i32
        %get3A_3347 = arith.index_cast %get3A_3345 : i32 to index
        %get3A_3348 = arith.index_cast %get3A_3346 : i32 to index
        %get3A_3349 = arith.index_cast %add3A_3337 : i32 to index
        %get3A_3350 = arith.constant 32 : index
        %get3A_3351 = tpu.vector_load %arg7[%get3A_3347, %get3A_3348, %get3A_3349, %get3A_3350] {strides = array<i32>} : memref<2x9x64x64xbf16, #tpu.memory_space<vmem>>, vector<32xbf16>,
        %get3A_3352 = arith.constant 1 : i32
        %get3A_3353 = arith.constant 2 : i32
        %get3A_3354 = arith.index_cast %get3A_3352 : i32 to index
        %get3A_3355 = arith.index_cast %get3A_3353 : i32 to index
        %get3A_3356 = arith.index_cast %add3A_3337 : i32 to index
        %get3A_3357 = arith.constant 32 : index
        %get3A_3358 = tpu.vector_load %arg7[%get3A_3354, %get3A_3355, %get3A_3356, %get3A_3357] {strides = array<i32>} : memref<2x9x64x64xbf16, #tpu.memory_space<vmem>>, vector<32xbf16>,
        %get3A_3359 = arith.constant 1 : i32
        %get3A_3360 = arith.constant 3 : i32
        %get3A_3361 = arith.index_cast %get3A_3359 : i32 to index
        %get3A_3362 = arith.index_cast %get3A_3360 : i32 to index
        %get3A_3363 = arith.index_cast %add3A_3337 : i32 to index
        %get3A_3364 = arith.constant 32 : index
        %get3A_3365 = tpu.vector_load %arg7[%get3A_3361, %get3A_3362, %get3A_3363, %get3A_3364] {strides = array<i32>} : memref<2x9x64x64xbf16, #tpu.memory_space<vmem>>, vector<32xbf16>,
        %get3A_3366 = arith.constant 1 : i32
        %get3A_3367 = arith.constant 4 : i32
        %get3A_3368 = arith.index_cast %get3A_3366 : i32 to index
        %get3A_3369 = arith.index_cast %get3A_3367 : i32 to index
        %get3A_3370 = arith.index_cast %add3A_3337 : i32 to index
        %get3A_3371 = arith.constant 32 : index
        %get3A_3372 = tpu.vector_load %arg7[%get3A_3368, %get3A_3369, %get3A_3370, %get3A_3371] {strides = array<i32>} : memref<2x9x64x64xbf16, #tpu.memory_space<vmem>>, vector<32xbf16>,
        %get3A_3373 = arith.constant 1 : i32
        %get3A_3374 = arith.constant 5 : i32
        %get3A_3375 = arith.index_cast %get3A_3373 : i32 to index
        %get3A_3376 = arith.index_cast %get3A_3374 : i32 to index
        %get3A_3377 = arith.index_cast %add3A_3337 : i32 to index
        %get3A_3378 = arith.constant 32 : index
        %get3A_3379 = tpu.vector_load %arg7[%get3A_3375, %get3A_3376, %get3A_3377, %get3A_3378] {strides = array<i32>} : memref<2x9x64x64xbf16, #tpu.memory_space<vmem>>, vector<32xbf16>,
        %get3A_3380 = arith.constant 1 : i32
        %get3A_3381 = arith.constant 6 : i32
        %get3A_3382 = arith.index_cast %get3A_3380 : i32 to index
        %get3A_3383 = arith.index_cast %get3A_3381 : i32 to index
        %get3A_3384 = arith.index_cast %add3A_3337 : i32 to index
        %get3A_3385 = arith.constant 32 : index
        %get3A_3386 = tpu.vector_load %arg7[%get3A_3382, %get3A_3383, %get3A_3384, %get3A_3385] {strides = array<i32>} : memref<2x9x64x64xbf16, #tpu.memory_space<vmem>>, vector<32xbf16>,
        %get3A_3387 = arith.constant 1 : i32
        %get3A_3388 = arith.constant 7 : i32
        %get3A_3389 = arith.index_cast %get3A_3387 : i32 to index
        %get3A_3390 = arith.index_cast %get3A_3388 : i32 to index
        %get3A_3391 = arith.index_cast %add3A_3337 : i32 to index
        %get3A_3392 = arith.constant 32 : index
        %get3A_3393 = tpu.vector_load %arg7[%get3A_3389, %get3A_3390, %get3A_3391, %get3A_3392] {strides = array<i32>} : memref<2x9x64x64xbf16, #tpu.memory_space<vmem>>, vector<32xbf16>,
        %get3A_3394 = arith.constant 1 : i32
        %get3A_3395 = arith.constant 8 : i32
        %get3A_3396 = arith.index_cast %get3A_3394 : i32 to index
        %get3A_3397 = arith.index_cast %get3A_3395 : i32 to index
        %get3A_3398 = arith.index_cast %add3A_3337 : i32 to index
        %get3A_3399 = arith.constant 32 : index
        %get3A_3400 = tpu.vector_load %arg7[%get3A_3396, %get3A_3397, %get3A_3398, %get3A_3399] {strides = array<i32>} : memref<2x9x64x64xbf16, #tpu.memory_space<vmem>>, vector<32xbf16>,
        %add3A_3401 = arith.addf %get3A_3344, %get3A_3351 : vector<32xbf16>
        %add3A_3402 = arith.addf %get3A_3358, %get3A_3365 : vector<32xbf16>
        %add3A_3403 = arith.addf %get3A_3372, %get3A_3379 : vector<32xbf16>
        %add3A_3404 = arith.addf %get3A_3386, %get3A_3393 : vector<32xbf16>
        %add3A_3405 = arith.addf %add3A_3401, %add3A_3402 : vector<32xbf16>
        %add3A_3406 = arith.addf %add3A_3403, %add3A_3404 : vector<32xbf16>
        %add3A_3407 = arith.addf %add3A_3405, %add3A_3406 : vector<32xbf16>
        %add3A_3408 = arith.addf %add3A_3407, %get3A_3400 : vector<32xbf16>
        %unpack3A_3409 = tpu.unpack_subelements %add3A_3408, 0 {pack_format = #tpu.pack_format<interleaved>} : vector<32xbf16> -> vector<16xf32>
        %unpack3A_3410 = tpu.unpack_subelements %add3A_3408, 1 {pack_format = #tpu.pack_format<interleaved>} : vector<32xbf16> -> vector<16xf32>
        %add3A_3411 = arith.addf %unpack3A_3167, %get3A_3 : vector<16xf32>
        %add3A_3412 = arith.addf %unpack3A_3335, %unpack3A_3409 : vector<16xf32>
        %add3A_3413 = arith.addf %add3A_3411, %add3A_3412 : vector<16xf32>
        %mul3A_3414 = arith.constant 0 : i32
        %mul3A_3415 = vector.broadcast %mul3A_3414 : i32 to vector<16xi32>
        %mul3A_3416 = arith.muli %iota3A, %mul3A_3415 : vector<16xi32>
        %add3A_3417 = vector.broadcast %add3A_3262 : i32 to vector<16xi32>
        %add3A_3418 = arith.addi %mul3A_3416, %add3A_3417 : vector<16xi32>
        %scatter3A_3419 = arith.constant 1 : i32
        %scatter3A_3420 = arith.constant 0 : i32
        %scatter3A_3421 = arith.constant 0 : i32
        %scatter3A_3422 = tpu.memref_slice %arg8[%scatter3A_3419, %scatter3A_3420, %scatter3A_3421] : memref<2x16x64xf32, #tpu.memory_space<vmem>> -> memref<1x16x64xf32, #tpu.memory_space<vmem>>
        %scatter3A_3423 = tpu.memref_squeeze %scatter3A_3422 : memref<1x16x64xf32, #tpu.memory_space<vmem>> -> memref<16x64xf32, #tpu.memory_space<vmem>>
        tpu.vector_store_idx %scatter3A_3423[%iota3A, %add3A_3418], %add3A_3413 : memref<16x64xf32, #tpu.memory_space<vmem>>[vector<16xi32>, vector<16xi32>], vector<16xf32>,
        scf.yield %unpack3A_3334 : vector<16xf32>
      }
      %scan3A_2211 = arith.constant 60 : i32
      %scan3A_2212 = arith.addi %scan3A_2206, %scan3A_2211 : i32
      %mul3A_2213 = arith.constant 1 : i32
      %mul3A_2214 = arith.muli %scan3A_2212, %mul3A_2213 : i32
      %add3A_2215 = arith.constant 1 : i32
      %add3A_2216 = arith.addi %add3A_2215, %mul3A_2214 : i32
      %get3A_2217 = arith.constant 1 : i32
      %get3A_2218 = arith.constant 0 : i32
      %get3A_2219 = arith.index_cast %get3A_2217 : i32 to index
      %get3A_2220 = arith.index_cast %get3A_2218 : i32 to index
      %get3A_2221 = arith.index_cast %add3A_2216 : i32 to index
      %get3A_2222 = arith.constant 0 : index
      %get3A_2223 = tpu.vector_load %arg7[%get3A_2219, %get3A_2220, %get3A_2221, %get3A_2222] {strides = array<i32>} : memref<2x9x64x64xbf16, #tpu.memory_space<vmem>>, vector<32xbf16>,
      %get3A_2224 = arith.constant 1 : i32
      %get3A_2225 = arith.constant 1 : i32
      %get3A_2226 = arith.index_cast %get3A_2224 : i32 to index
      %get3A_2227 = arith.index_cast %get3A_2225 : i32 to index
      %get3A_2228 = arith.index_cast %add3A_2216 : i32 to index
      %get3A_2229 = arith.constant 0 : index
      %get3A_2230 = tpu.vector_load %arg7[%get3A_2226, %get3A_2227, %get3A_2228, %get3A_2229] {strides = array<i32>} : memref<2x9x64x64xbf16, #tpu.memory_space<vmem>>, vector<32xbf16>,
      %get3A_2231 = arith.constant 1 : i32
      %get3A_2232 = arith.constant 2 : i32
      %get3A_2233 = arith.index_cast %get3A_2231 : i32 to index
      %get3A_2234 = arith.index_cast %get3A_2232 : i32 to index
      %get3A_2235 = arith.index_cast %add3A_2216 : i32 to index
      %get3A_2236 = arith.constant 0 : index
      %get3A_2237 = tpu.vector_load %arg7[%get3A_2233, %get3A_2234, %get3A_2235, %get3A_2236] {strides = array<i32>} : memref<2x9x64x64xbf16, #tpu.memory_space<vmem>>, vector<32xbf16>,
      %get3A_2238 = arith.constant 1 : i32
      %get3A_2239 = arith.constant 3 : i32
      %get3A_2240 = arith.index_cast %get3A_2238 : i32 to index
      %get3A_2241 = arith.index_cast %get3A_2239 : i32 to index
      %get3A_2242 = arith.index_cast %add3A_2216 : i32 to index
      %get3A_2243 = arith.constant 0 : index
      %get3A_2244 = tpu.vector_load %arg7[%get3A_2240, %get3A_2241, %get3A_2242, %get3A_2243] {strides = array<i32>} : memref<2x9x64x64xbf16, #tpu.memory_space<vmem>>, vector<32xbf16>,
      %get3A_2245 = arith.constant 1 : i32
      %get3A_2246 = arith.constant 4 : i32
      %get3A_2247 = arith.index_cast %get3A_2245 : i32 to index
      %get3A_2248 = arith.index_cast %get3A_2246 : i32 to index
      %get3A_2249 = arith.index_cast %add3A_2216 : i32 to index
      %get3A_2250 = arith.constant 0 : index
      %get3A_2251 = tpu.vector_load %arg7[%get3A_2247, %get3A_2248, %get3A_2249, %get3A_2250] {strides = array<i32>} : memref<2x9x64x64xbf16, #tpu.memory_space<vmem>>, vector<32xbf16>,
      %get3A_2252 = arith.constant 1 : i32
      %get3A_2253 = arith.constant 5 : i32
      %get3A_2254 = arith.index_cast %get3A_2252 : i32 to index
      %get3A_2255 = arith.index_cast %get3A_2253 : i32 to index
      %get3A_2256 = arith.index_cast %add3A_2216 : i32 to index
      %get3A_2257 = arith.constant 0 : index
      %get3A_2258 = tpu.vector_load %arg7[%get3A_2254, %get3A_2255, %get3A_2256, %get3A_2257] {strides = array<i32>} : memref<2x9x64x64xbf16, #tpu.memory_space<vmem>>, vector<32xbf16>,
      %get3A_2259 = arith.constant 1 : i32
      %get3A_2260 = arith.constant 6 : i32
      %get3A_2261 = arith.index_cast %get3A_2259 : i32 to index
      %get3A_2262 = arith.index_cast %get3A_2260 : i32 to index
      %get3A_2263 = arith.index_cast %add3A_2216 : i32 to index
      %get3A_2264 = arith.constant 0 : index
      %get3A_2265 = tpu.vector_load %arg7[%get3A_2261, %get3A_2262, %get3A_2263, %get3A_2264] {strides = array<i32>} : memref<2x9x64x64xbf16, #tpu.memory_space<vmem>>, vector<32xbf16>,
      %get3A_2266 = arith.constant 1 : i32
      %get3A_2267 = arith.constant 7 : i32
      %get3A_2268 = arith.index_cast %get3A_2266 : i32 to index
      %get3A_2269 = arith.index_cast %get3A_2267 : i32 to index
      %get3A_2270 = arith.index_cast %add3A_2216 : i32 to index
      %get3A_2271 = arith.constant 0 : index
      %get3A_2272 = tpu.vector_load %arg7[%get3A_2268, %get3A_2269, %get3A_2270, %get3A_2271] {strides = array<i32>} : memref<2x9x64x64xbf16, #tpu.memory_space<vmem>>, vector<32xbf16>,
      %get3A_2273 = arith.constant 1 : i32
      %get3A_2274 = arith.constant 8 : i32
      %get3A_2275 = arith.index_cast %get3A_2273 : i32 to index
      %get3A_2276 = arith.index_cast %get3A_2274 : i32 to index
      %get3A_2277 = arith.index_cast %add3A_2216 : i32 to index
      %get3A_2278 = arith.constant 0 : index
      %get3A_2279 = tpu.vector_load %arg7[%get3A_2275, %get3A_2276, %get3A_2277, %get3A_2278] {strides = array<i32>} : memref<2x9x64x64xbf16, #tpu.memory_space<vmem>>, vector<32xbf16>,
      %add3A_2280 = arith.addf %get3A_2223, %get3A_2230 : vector<32xbf16>
      %add3A_2281 = arith.addf %get3A_2237, %get3A_2244 : vector<32xbf16>
      %add3A_2282 = arith.addf %get3A_2251, %get3A_2258 : vector<32xbf16>
      %add3A_2283 = arith.addf %get3A_2265, %get3A_2272 : vector<32xbf16>
      %add3A_2284 = arith.addf %add3A_2280, %add3A_2281 : vector<32xbf16>
      %add3A_2285 = arith.addf %add3A_2282, %add3A_2283 : vector<32xbf16>
      %add3A_2286 = arith.addf %add3A_2284, %add3A_2285 : vector<32xbf16>
      %add3A_2287 = arith.addf %add3A_2286, %get3A_2279 : vector<32xbf16>
      %unpack3A_2288 = tpu.unpack_subelements %add3A_2287, 0 {pack_format = #tpu.pack_format<interleaved>} : vector<32xbf16> -> vector<16xf32>
      %unpack3A_2289 = tpu.unpack_subelements %add3A_2287, 1 {pack_format = #tpu.pack_format<interleaved>} : vector<32xbf16> -> vector<16xf32>
      %add3A_2290 = arith.constant 1 : i32
      %add3A_2291 = arith.addi %add3A_2216, %add3A_2290 : i32
      %get3A_2292 = arith.constant 1 : i32
      %get3A_2293 = arith.constant 0 : i32
      %get3A_2294 = arith.index_cast %get3A_2292 : i32 to index
      %get3A_2295 = arith.index_cast %get3A_2293 : i32 to index
      %get3A_2296 = arith.index_cast %add3A_2291 : i32 to index
      %get3A_2297 = arith.constant 32 : index
      %get3A_2298 = tpu.vector_load %arg7[%get3A_2294, %get3A_2295, %get3A_2296, %get3A_2297] {strides = array<i32>} : memref<2x9x64x64xbf16, #tpu.memory_space<vmem>>, vector<32xbf16>,
      %get3A_2299 = arith.constant 1 : i32
      %get3A_2300 = arith.constant 1 : i32
      %get3A_2301 = arith.index_cast %get3A_2299 : i32 to index
      %get3A_2302 = arith.index_cast %get3A_2300 : i32 to index
      %get3A_2303 = arith.index_cast %add3A_2291 : i32 to index
      %get3A_2304 = arith.constant 32 : index
      %get3A_2305 = tpu.vector_load %arg7[%get3A_2301, %get3A_2302, %get3A_2303, %get3A_2304] {strides = array<i32>} : memref<2x9x64x64xbf16, #tpu.memory_space<vmem>>, vector<32xbf16>,
      %get3A_2306 = arith.constant 1 : i32
      %get3A_2307 = arith.constant 2 : i32
      %get3A_2308 = arith.index_cast %get3A_2306 : i32 to index
      %get3A_2309 = arith.index_cast %get3A_2307 : i32 to index
      %get3A_2310 = arith.index_cast %add3A_2291 : i32 to index
      %get3A_2311 = arith.constant 32 : index
      %get3A_2312 = tpu.vector_load %arg7[%get3A_2308, %get3A_2309, %get3A_2310, %get3A_2311] {strides = array<i32>} : memref<2x9x64x64xbf16, #tpu.memory_space<vmem>>, vector<32xbf16>,
      %get3A_2313 = arith.constant 1 : i32
      %get3A_2314 = arith.constant 3 : i32
      %get3A_2315 = arith.index_cast %get3A_2313 : i32 to index
      %get3A_2316 = arith.index_cast %get3A_2314 : i32 to index
      %get3A_2317 = arith.index_cast %add3A_2291 : i32 to index
      %get3A_2318 = arith.constant 32 : index
      %get3A_2319 = tpu.vector_load %arg7[%get3A_2315, %get3A_2316, %get3A_2317, %get3A_2318] {strides = array<i32>} : memref<2x9x64x64xbf16, #tpu.memory_space<vmem>>, vector<32xbf16>,
      %get3A_2320 = arith.constant 1 : i32
      %get3A_2321 = arith.constant 4 : i32
      %get3A_2322 = arith.index_cast %get3A_2320 : i32 to index
      %get3A_2323 = arith.index_cast %get3A_2321 : i32 to index
      %get3A_2324 = arith.index_cast %add3A_2291 : i32 to index
      %get3A_2325 = arith.constant 32 : index
      %get3A_2326 = tpu.vector_load %arg7[%get3A_2322, %get3A_2323, %get3A_2324, %get3A_2325] {strides = array<i32>} : memref<2x9x64x64xbf16, #tpu.memory_space<vmem>>, vector<32xbf16>,
      %get3A_2327 = arith.constant 1 : i32
      %get3A_2328 = arith.constant 5 : i32
      %get3A_2329 = arith.index_cast %get3A_2327 : i32 to index
      %get3A_2330 = arith.index_cast %get3A_2328 : i32 to index
      %get3A_2331 = arith.index_cast %add3A_2291 : i32 to index
      %get3A_2332 = arith.constant 32 : index
      %get3A_2333 = tpu.vector_load %arg7[%get3A_2329, %get3A_2330, %get3A_2331, %get3A_2332] {strides = array<i32>} : memref<2x9x64x64xbf16, #tpu.memory_space<vmem>>, vector<32xbf16>,
      %get3A_2334 = arith.constant 1 : i32
      %get3A_2335 = arith.constant 6 : i32
      %get3A_2336 = arith.index_cast %get3A_2334 : i32 to index
      %get3A_2337 = arith.index_cast %get3A_2335 : i32 to index
      %get3A_2338 = arith.index_cast %add3A_2291 : i32 to index
      %get3A_2339 = arith.constant 32 : index
      %get3A_2340 = tpu.vector_load %arg7[%get3A_2336, %get3A_2337, %get3A_2338, %get3A_2339] {strides = array<i32>} : memref<2x9x64x64xbf16, #tpu.memory_space<vmem>>, vector<32xbf16>,
      %get3A_2341 = arith.constant 1 : i32
      %get3A_2342 = arith.constant 7 : i32
      %get3A_2343 = arith.index_cast %get3A_2341 : i32 to index
      %get3A_2344 = arith.index_cast %get3A_2342 : i32 to index
      %get3A_2345 = arith.index_cast %add3A_2291 : i32 to index
      %get3A_2346 = arith.constant 32 : index
      %get3A_2347 = tpu.vector_load %arg7[%get3A_2343, %get3A_2344, %get3A_2345, %get3A_2346] {strides = array<i32>} : memref<2x9x64x64xbf16, #tpu.memory_space<vmem>>, vector<32xbf16>,
      %get3A_2348 = arith.constant 1 : i32
      %get3A_2349 = arith.constant 8 : i32
      %get3A_2350 = arith.index_cast %get3A_2348 : i32 to index
      %get3A_2351 = arith.index_cast %get3A_2349 : i32 to index
      %get3A_2352 = arith.index_cast %add3A_2291 : i32 to index
      %get3A_2353 = arith.constant 32 : index
      %get3A_2354 = tpu.vector_load %arg7[%get3A_2350, %get3A_2351, %get3A_2352, %get3A_2353] {strides = array<i32>} : memref<2x9x64x64xbf16, #tpu.memory_space<vmem>>, vector<32xbf16>,
      %add3A_2355 = arith.addf %get3A_2298, %get3A_2305 : vector<32xbf16>
      %add3A_2356 = arith.addf %get3A_2312, %get3A_2319 : vector<32xbf16>
      %add3A_2357 = arith.addf %get3A_2326, %get3A_2333 : vector<32xbf16>
      %add3A_2358 = arith.addf %get3A_2340, %get3A_2347 : vector<32xbf16>
      %add3A_2359 = arith.addf %add3A_2355, %add3A_2356 : vector<32xbf16>
      %add3A_2360 = arith.addf %add3A_2357, %add3A_2358 : vector<32xbf16>
      %add3A_2361 = arith.addf %add3A_2359, %add3A_2360 : vector<32xbf16>
      %add3A_2362 = arith.addf %add3A_2361, %get3A_2354 : vector<32xbf16>
      %unpack3A_2363 = tpu.unpack_subelements %add3A_2362, 0 {pack_format = #tpu.pack_format<interleaved>} : vector<32xbf16> -> vector<16xf32>
      %unpack3A_2364 = tpu.unpack_subelements %add3A_2362, 1 {pack_format = #tpu.pack_format<interleaved>} : vector<32xbf16> -> vector<16xf32>
      %add3A_2365 = arith.addf %scan3A_2210, %get3A_3 : vector<16xf32>
      %add3A_2366 = arith.addf %unpack3A_2289, %unpack3A_2363 : vector<16xf32>
      %add3A_2367 = arith.addf %add3A_2365, %add3A_2366 : vector<16xf32>
      %mul3A_2368 = arith.constant 0 : i32
      %mul3A_2369 = vector.broadcast %mul3A_2368 : i32 to vector<16xi32>
      %mul3A_2370 = arith.muli %iota3A, %mul3A_2369 : vector<16xi32>
      %add3A_2371 = vector.broadcast %add3A_2216 : i32 to vector<16xi32>
      %add3A_2372 = arith.addi %mul3A_2370, %add3A_2371 : vector<16xi32>
      %scatter3A_2373 = arith.constant 1 : i32
      %scatter3A_2374 = arith.constant 0 : i32
      %scatter3A_2375 = arith.constant 0 : i32
      %scatter3A_2376 = tpu.memref_slice %arg8[%scatter3A_2373, %scatter3A_2374, %scatter3A_2375] : memref<2x16x64xf32, #tpu.memory_space<vmem>> -> memref<1x16x64xf32, #tpu.memory_space<vmem>>
      %scatter3A_2377 = tpu.memref_squeeze %scatter3A_2376 : memref<1x16x64xf32, #tpu.memory_space<vmem>> -> memref<16x64xf32, #tpu.memory_space<vmem>>
      tpu.vector_store_idx %scatter3A_2377[%iota3A, %add3A_2372], %add3A_2367 : memref<16x64xf32, #tpu.memory_space<vmem>>[vector<16xi32>, vector<16xi32>], vector<16xf32>,
      %scan3A_2378 = arith.constant 61 : i32
      %scan3A_2379 = arith.addi %scan3A_2206, %scan3A_2378 : i32
      %mul3A_2380 = arith.constant 1 : i32
      %mul3A_2381 = arith.muli %scan3A_2379, %mul3A_2380 : i32
      %add3A_2382 = arith.constant 1 : i32
      %add3A_2383 = arith.addi %add3A_2382, %mul3A_2381 : i32
      %get3A_2384 = arith.constant 1 : i32
      %get3A_2385 = arith.constant 0 : i32
      %get3A_2386 = arith.index_cast %get3A_2384 : i32 to index
      %get3A_2387 = arith.index_cast %get3A_2385 : i32 to index
      %get3A_2388 = arith.index_cast %add3A_2383 : i32 to index
      %get3A_2389 = arith.constant 0 : index
      %get3A_2390 = tpu.vector_load %arg7[%get3A_2386, %get3A_2387, %get3A_2388, %get3A_2389] {strides = array<i32>} : memref<2x9x64x64xbf16, #tpu.memory_space<vmem>>, vector<32xbf16>,
      %get3A_2391 = arith.constant 1 : i32
      %get3A_2392 = arith.constant 1 : i32
      %get3A_2393 = arith.index_cast %get3A_2391 : i32 to index
      %get3A_2394 = arith.index_cast %get3A_2392 : i32 to index
      %get3A_2395 = arith.index_cast %add3A_2383 : i32 to index
      %get3A_2396 = arith.constant 0 : index
      %get3A_2397 = tpu.vector_load %arg7[%get3A_2393, %get3A_2394, %get3A_2395, %get3A_2396] {strides = array<i32>} : memref<2x9x64x64xbf16, #tpu.memory_space<vmem>>, vector<32xbf16>,
      %get3A_2398 = arith.constant 1 : i32
      %get3A_2399 = arith.constant 2 : i32
      %get3A_2400 = arith.index_cast %get3A_2398 : i32 to index
      %get3A_2401 = arith.index_cast %get3A_2399 : i32 to index
      %get3A_2402 = arith.index_cast %add3A_2383 : i32 to index
      %get3A_2403 = arith.constant 0 : index
      %get3A_2404 = tpu.vector_load %arg7[%get3A_2400, %get3A_2401, %get3A_2402, %get3A_2403] {strides = array<i32>} : memref<2x9x64x64xbf16, #tpu.memory_space<vmem>>, vector<32xbf16>,
      %get3A_2405 = arith.constant 1 : i32
      %get3A_2406 = arith.constant 3 : i32
      %get3A_2407 = arith.index_cast %get3A_2405 : i32 to index
      %get3A_2408 = arith.index_cast %get3A_2406 : i32 to index
      %get3A_2409 = arith.index_cast %add3A_2383 : i32 to index
      %get3A_2410 = arith.constant 0 : index
      %get3A_2411 = tpu.vector_load %arg7[%get3A_2407, %get3A_2408, %get3A_2409, %get3A_2410] {strides = array<i32>} : memref<2x9x64x64xbf16, #tpu.memory_space<vmem>>, vector<32xbf16>,
      %get3A_2412 = arith.constant 1 : i32
      %get3A_2413 = arith.constant 4 : i32
      %get3A_2414 = arith.index_cast %get3A_2412 : i32 to index
      %get3A_2415 = arith.index_cast %get3A_2413 : i32 to index
      %get3A_2416 = arith.index_cast %add3A_2383 : i32 to index
      %get3A_2417 = arith.constant 0 : index
      %get3A_2418 = tpu.vector_load %arg7[%get3A_2414, %get3A_2415, %get3A_2416, %get3A_2417] {strides = array<i32>} : memref<2x9x64x64xbf16, #tpu.memory_space<vmem>>, vector<32xbf16>,
      %get3A_2419 = arith.constant 1 : i32
      %get3A_2420 = arith.constant 5 : i32
      %get3A_2421 = arith.index_cast %get3A_2419 : i32 to index
      %get3A_2422 = arith.index_cast %get3A_2420 : i32 to index
      %get3A_2423 = arith.index_cast %add3A_2383 : i32 to index
      %get3A_2424 = arith.constant 0 : index
      %get3A_2425 = tpu.vector_load %arg7[%get3A_2421, %get3A_2422, %get3A_2423, %get3A_2424] {strides = array<i32>} : memref<2x9x64x64xbf16, #tpu.memory_space<vmem>>, vector<32xbf16>,
      %get3A_2426 = arith.constant 1 : i32
      %get3A_2427 = arith.constant 6 : i32
      %get3A_2428 = arith.index_cast %get3A_2426 : i32 to index
      %get3A_2429 = arith.index_cast %get3A_2427 : i32 to index
      %get3A_2430 = arith.index_cast %add3A_2383 : i32 to index
      %get3A_2431 = arith.constant 0 : index
      %get3A_2432 = tpu.vector_load %arg7[%get3A_2428, %get3A_2429, %get3A_2430, %get3A_2431] {strides = array<i32>} : memref<2x9x64x64xbf16, #tpu.memory_space<vmem>>, vector<32xbf16>,
      %get3A_2433 = arith.constant 1 : i32
      %get3A_2434 = arith.constant 7 : i32
      %get3A_2435 = arith.index_cast %get3A_2433 : i32 to index
      %get3A_2436 = arith.index_cast %get3A_2434 : i32 to index
      %get3A_2437 = arith.index_cast %add3A_2383 : i32 to index
      %get3A_2438 = arith.constant 0 : index
      %get3A_2439 = tpu.vector_load %arg7[%get3A_2435, %get3A_2436, %get3A_2437, %get3A_2438] {strides = array<i32>} : memref<2x9x64x64xbf16, #tpu.memory_space<vmem>>, vector<32xbf16>,
      %get3A_2440 = arith.constant 1 : i32
      %get3A_2441 = arith.constant 8 : i32
      %get3A_2442 = arith.index_cast %get3A_2440 : i32 to index
      %get3A_2443 = arith.index_cast %get3A_2441 : i32 to index
      %get3A_2444 = arith.index_cast %add3A_2383 : i32 to index
      %get3A_2445 = arith.constant 0 : index
      %get3A_2446 = tpu.vector_load %arg7[%get3A_2442, %get3A_2443, %get3A_2444, %get3A_2445] {strides = array<i32>} : memref<2x9x64x64xbf16, #tpu.memory_space<vmem>>, vector<32xbf16>,
      %add3A_2447 = arith.addf %get3A_2390, %get3A_2397 : vector<32xbf16>
      %add3A_2448 = arith.addf %get3A_2404, %get3A_2411 : vector<32xbf16>
      %add3A_2449 = arith.addf %get3A_2418, %get3A_2425 : vector<32xbf16>
      %add3A_2450 = arith.addf %get3A_2432, %get3A_2439 : vector<32xbf16>
      %add3A_2451 = arith.addf %add3A_2447, %add3A_2448 : vector<32xbf16>
      %add3A_2452 = arith.addf %add3A_2449, %add3A_2450 : vector<32xbf16>
      %add3A_2453 = arith.addf %add3A_2451, %add3A_2452 : vector<32xbf16>
      %add3A_2454 = arith.addf %add3A_2453, %get3A_2446 : vector<32xbf16>
      %unpack3A_2455 = tpu.unpack_subelements %add3A_2454, 0 {pack_format = #tpu.pack_format<interleaved>} : vector<32xbf16> -> vector<16xf32>
      %unpack3A_2456 = tpu.unpack_subelements %add3A_2454, 1 {pack_format = #tpu.pack_format<interleaved>} : vector<32xbf16> -> vector<16xf32>
      %add3A_2457 = arith.constant 1 : i32
      %add3A_2458 = arith.addi %add3A_2383, %add3A_2457 : i32
      %get3A_2459 = arith.constant 1 : i32
      %get3A_2460 = arith.constant 0 : i32
      %get3A_2461 = arith.index_cast %get3A_2459 : i32 to index
      %get3A_2462 = arith.index_cast %get3A_2460 : i32 to index
      %get3A_2463 = arith.index_cast %add3A_2458 : i32 to index
      %get3A_2464 = arith.constant 32 : index
      %get3A_2465 = tpu.vector_load %arg7[%get3A_2461, %get3A_2462, %get3A_2463, %get3A_2464] {strides = array<i32>} : memref<2x9x64x64xbf16, #tpu.memory_space<vmem>>, vector<32xbf16>,
      %get3A_2466 = arith.constant 1 : i32
      %get3A_2467 = arith.constant 1 : i32
      %get3A_2468 = arith.index_cast %get3A_2466 : i32 to index
      %get3A_2469 = arith.index_cast %get3A_2467 : i32 to index
      %get3A_2470 = arith.index_cast %add3A_2458 : i32 to index
      %get3A_2471 = arith.constant 32 : index
      %get3A_2472 = tpu.vector_load %arg7[%get3A_2468, %get3A_2469, %get3A_2470, %get3A_2471] {strides = array<i32>} : memref<2x9x64x64xbf16, #tpu.memory_space<vmem>>, vector<32xbf16>,
      %get3A_2473 = arith.constant 1 : i32
      %get3A_2474 = arith.constant 2 : i32
      %get3A_2475 = arith.index_cast %get3A_2473 : i32 to index
      %get3A_2476 = arith.index_cast %get3A_2474 : i32 to index
      %get3A_2477 = arith.index_cast %add3A_2458 : i32 to index
      %get3A_2478 = arith.constant 32 : index
      %get3A_2479 = tpu.vector_load %arg7[%get3A_2475, %get3A_2476, %get3A_2477, %get3A_2478] {strides = array<i32>} : memref<2x9x64x64xbf16, #tpu.memory_space<vmem>>, vector<32xbf16>,
      %get3A_2480 = arith.constant 1 : i32
      %get3A_2481 = arith.constant 3 : i32
      %get3A_2482 = arith.index_cast %get3A_2480 : i32 to index
      %get3A_2483 = arith.index_cast %get3A_2481 : i32 to index
      %get3A_2484 = arith.index_cast %add3A_2458 : i32 to index
      %get3A_2485 = arith.constant 32 : index
      %get3A_2486 = tpu.vector_load %arg7[%get3A_2482, %get3A_2483, %get3A_2484, %get3A_2485] {strides = array<i32>} : memref<2x9x64x64xbf16, #tpu.memory_space<vmem>>, vector<32xbf16>,
      %get3A_2487 = arith.constant 1 : i32
      %get3A_2488 = arith.constant 4 : i32
      %get3A_2489 = arith.index_cast %get3A_2487 : i32 to index
      %get3A_2490 = arith.index_cast %get3A_2488 : i32 to index
      %get3A_2491 = arith.index_cast %add3A_2458 : i32 to index
      %get3A_2492 = arith.constant 32 : index
      %get3A_2493 = tpu.vector_load %arg7[%get3A_2489, %get3A_2490, %get3A_2491, %get3A_2492] {strides = array<i32>} : memref<2x9x64x64xbf16, #tpu.memory_space<vmem>>, vector<32xbf16>,
      %get3A_2494 = arith.constant 1 : i32
      %get3A_2495 = arith.constant 5 : i32
      %get3A_2496 = arith.index_cast %get3A_2494 : i32 to index
      %get3A_2497 = arith.index_cast %get3A_2495 : i32 to index
      %get3A_2498 = arith.index_cast %add3A_2458 : i32 to index
      %get3A_2499 = arith.constant 32 : index
      %get3A_2500 = tpu.vector_load %arg7[%get3A_2496, %get3A_2497, %get3A_2498, %get3A_2499] {strides = array<i32>} : memref<2x9x64x64xbf16, #tpu.memory_space<vmem>>, vector<32xbf16>,
      %get3A_2501 = arith.constant 1 : i32
      %get3A_2502 = arith.constant 6 : i32
      %get3A_2503 = arith.index_cast %get3A_2501 : i32 to index
      %get3A_2504 = arith.index_cast %get3A_2502 : i32 to index
      %get3A_2505 = arith.index_cast %add3A_2458 : i32 to index
      %get3A_2506 = arith.constant 32 : index
      %get3A_2507 = tpu.vector_load %arg7[%get3A_2503, %get3A_2504, %get3A_2505, %get3A_2506] {strides = array<i32>} : memref<2x9x64x64xbf16, #tpu.memory_space<vmem>>, vector<32xbf16>,
      %get3A_2508 = arith.constant 1 : i32
      %get3A_2509 = arith.constant 7 : i32
      %get3A_2510 = arith.index_cast %get3A_2508 : i32 to index
      %get3A_2511 = arith.index_cast %get3A_2509 : i32 to index
      %get3A_2512 = arith.index_cast %add3A_2458 : i32 to index
      %get3A_2513 = arith.constant 32 : index
      %get3A_2514 = tpu.vector_load %arg7[%get3A_2510, %get3A_2511, %get3A_2512, %get3A_2513] {strides = array<i32>} : memref<2x9x64x64xbf16, #tpu.memory_space<vmem>>, vector<32xbf16>,
      %get3A_2515 = arith.constant 1 : i32
      %get3A_2516 = arith.constant 8 : i32
      %get3A_2517 = arith.index_cast %get3A_2515 : i32 to index
      %get3A_2518 = arith.index_cast %get3A_2516 : i32 to index
      %get3A_2519 = arith.index_cast %add3A_2458 : i32 to index
      %get3A_2520 = arith.constant 32 : index
      %get3A_2521 = tpu.vector_load %arg7[%get3A_2517, %get3A_2518, %get3A_2519, %get3A_2520] {strides = array<i32>} : memref<2x9x64x64xbf16, #tpu.memory_space<vmem>>, vector<32xbf16>,
      %add3A_2522 = arith.addf %get3A_2465, %get3A_2472 : vector<32xbf16>
      %add3A_2523 = arith.addf %get3A_2479, %get3A_2486 : vector<32xbf16>
      %add3A_2524 = arith.addf %get3A_2493, %get3A_2500 : vector<32xbf16>
      %add3A_2525 = arith.addf %get3A_2507, %get3A_2514 : vector<32xbf16>
      %add3A_2526 = arith.addf %add3A_2522, %add3A_2523 : vector<32xbf16>
      %add3A_2527 = arith.addf %add3A_2524, %add3A_2525 : vector<32xbf16>
      %add3A_2528 = arith.addf %add3A_2526, %add3A_2527 : vector<32xbf16>
      %add3A_2529 = arith.addf %add3A_2528, %get3A_2521 : vector<32xbf16>
      %unpack3A_2530 = tpu.unpack_subelements %add3A_2529, 0 {pack_format = #tpu.pack_format<interleaved>} : vector<32xbf16> -> vector<16xf32>
      %unpack3A_2531 = tpu.unpack_subelements %add3A_2529, 1 {pack_format = #tpu.pack_format<interleaved>} : vector<32xbf16> -> vector<16xf32>
      %add3A_2532 = arith.addf %unpack3A_2288, %get3A_3 : vector<16xf32>
      %add3A_2533 = arith.addf %unpack3A_2456, %unpack3A_2530 : vector<16xf32>
      %add3A_2534 = arith.addf %add3A_2532, %add3A_2533 : vector<16xf32>
      %mul3A_2535 = arith.constant 0 : i32
      %mul3A_2536 = vector.broadcast %mul3A_2535 : i32 to vector<16xi32>
      %mul3A_2537 = arith.muli %iota3A, %mul3A_2536 : vector<16xi32>
      %add3A_2538 = vector.broadcast %add3A_2383 : i32 to vector<16xi32>
      %add3A_2539 = arith.addi %mul3A_2537, %add3A_2538 : vector<16xi32>
      %scatter3A_2540 = arith.constant 1 : i32
      %scatter3A_2541 = arith.constant 0 : i32
      %scatter3A_2542 = arith.constant 0 : i32
      %scatter3A_2543 = tpu.memref_slice %arg8[%scatter3A_2540, %scatter3A_2541, %scatter3A_2542] : memref<2x16x64xf32, #tpu.memory_space<vmem>> -> memref<1x16x64xf32, #tpu.memory_space<vmem>>
      %scatter3A_2544 = tpu.memref_squeeze %scatter3A_2543 : memref<1x16x64xf32, #tpu.memory_space<vmem>> -> memref<16x64xf32, #tpu.memory_space<vmem>>
      tpu.vector_store_idx %scatter3A_2544[%iota3A, %add3A_2539], %add3A_2534 : memref<16x64xf32, #tpu.memory_space<vmem>>[vector<16xi32>, vector<16xi32>], vector<16xf32>,
      %scan3A_2545 = arith.constant 62 : i32
      %get3A_2546 = arith.constant 1 : i32
      %get3A_2547 = arith.constant 0 : i32
      %get3A_2548 = arith.constant 63 : i32
      %get3A_2549 = arith.index_cast %get3A_2546 : i32 to index
      %get3A_2550 = arith.index_cast %get3A_2547 : i32 to index
      %get3A_2551 = arith.index_cast %get3A_2548 : i32 to index
      %get3A_2552 = arith.constant 0 : index
      %get3A_2553 = tpu.vector_load %arg7[%get3A_2549, %get3A_2550, %get3A_2551, %get3A_2552] {strides = array<i32>} : memref<2x9x64x64xbf16, #tpu.memory_space<vmem>>, vector<32xbf16>,
      %get3A_2554 = arith.constant 1 : i32
      %get3A_2555 = arith.constant 1 : i32
      %get3A_2556 = arith.constant 63 : i32
      %get3A_2557 = arith.index_cast %get3A_2554 : i32 to index
      %get3A_2558 = arith.index_cast %get3A_2555 : i32 to index
      %get3A_2559 = arith.index_cast %get3A_2556 : i32 to index
      %get3A_2560 = arith.constant 0 : index
      %get3A_2561 = tpu.vector_load %arg7[%get3A_2557, %get3A_2558, %get3A_2559, %get3A_2560] {strides = array<i32>} : memref<2x9x64x64xbf16, #tpu.memory_space<vmem>>, vector<32xbf16>,
      %get3A_2562 = arith.constant 1 : i32
      %get3A_2563 = arith.constant 2 : i32
      %get3A_2564 = arith.constant 63 : i32
      %get3A_2565 = arith.index_cast %get3A_2562 : i32 to index
      %get3A_2566 = arith.index_cast %get3A_2563 : i32 to index
      %get3A_2567 = arith.index_cast %get3A_2564 : i32 to index
      %get3A_2568 = arith.constant 0 : index
      %get3A_2569 = tpu.vector_load %arg7[%get3A_2565, %get3A_2566, %get3A_2567, %get3A_2568] {strides = array<i32>} : memref<2x9x64x64xbf16, #tpu.memory_space<vmem>>, vector<32xbf16>,
      %get3A_2570 = arith.constant 1 : i32
      %get3A_2571 = arith.constant 3 : i32
      %get3A_2572 = arith.constant 63 : i32
      %get3A_2573 = arith.index_cast %get3A_2570 : i32 to index
      %get3A_2574 = arith.index_cast %get3A_2571 : i32 to index
      %get3A_2575 = arith.index_cast %get3A_2572 : i32 to index
      %get3A_2576 = arith.constant 0 : index
      %get3A_2577 = tpu.vector_load %arg7[%get3A_2573, %get3A_2574, %get3A_2575, %get3A_2576] {strides = array<i32>} : memref<2x9x64x64xbf16, #tpu.memory_space<vmem>>, vector<32xbf16>,
      %get3A_2578 = arith.constant 1 : i32
      %get3A_2579 = arith.constant 4 : i32
      %get3A_2580 = arith.constant 63 : i32
      %get3A_2581 = arith.index_cast %get3A_2578 : i32 to index
      %get3A_2582 = arith.index_cast %get3A_2579 : i32 to index
      %get3A_2583 = arith.index_cast %get3A_2580 : i32 to index
      %get3A_2584 = arith.constant 0 : index
      %get3A_2585 = tpu.vector_load %arg7[%get3A_2581, %get3A_2582, %get3A_2583, %get3A_2584] {strides = array<i32>} : memref<2x9x64x64xbf16, #tpu.memory_space<vmem>>, vector<32xbf16>,
      %get3A_2586 = arith.constant 1 : i32
      %get3A_2587 = arith.constant 5 : i32
      %get3A_2588 = arith.constant 63 : i32
      %get3A_2589 = arith.index_cast %get3A_2586 : i32 to index
      %get3A_2590 = arith.index_cast %get3A_2587 : i32 to index
      %get3A_2591 = arith.index_cast %get3A_2588 : i32 to index
      %get3A_2592 = arith.constant 0 : index
      %get3A_2593 = tpu.vector_load %arg7[%get3A_2589, %get3A_2590, %get3A_2591, %get3A_2592] {strides = array<i32>} : memref<2x9x64x64xbf16, #tpu.memory_space<vmem>>, vector<32xbf16>,
      %get3A_2594 = arith.constant 1 : i32
      %get3A_2595 = arith.constant 6 : i32
      %get3A_2596 = arith.constant 63 : i32
      %get3A_2597 = arith.index_cast %get3A_2594 : i32 to index
      %get3A_2598 = arith.index_cast %get3A_2595 : i32 to index
      %get3A_2599 = arith.index_cast %get3A_2596 : i32 to index
      %get3A_2600 = arith.constant 0 : index
      %get3A_2601 = tpu.vector_load %arg7[%get3A_2597, %get3A_2598, %get3A_2599, %get3A_2600] {strides = array<i32>} : memref<2x9x64x64xbf16, #tpu.memory_space<vmem>>, vector<32xbf16>,
      %get3A_2602 = arith.constant 1 : i32
      %get3A_2603 = arith.constant 7 : i32
      %get3A_2604 = arith.constant 63 : i32
      %get3A_2605 = arith.index_cast %get3A_2602 : i32 to index
      %get3A_2606 = arith.index_cast %get3A_2603 : i32 to index
      %get3A_2607 = arith.index_cast %get3A_2604 : i32 to index
      %get3A_2608 = arith.constant 0 : index
      %get3A_2609 = tpu.vector_load %arg7[%get3A_2605, %get3A_2606, %get3A_2607, %get3A_2608] {strides = array<i32>} : memref<2x9x64x64xbf16, #tpu.memory_space<vmem>>, vector<32xbf16>,
      %get3A_2610 = arith.constant 1 : i32
      %get3A_2611 = arith.constant 8 : i32
      %get3A_2612 = arith.constant 63 : i32
      %get3A_2613 = arith.index_cast %get3A_2610 : i32 to index
      %get3A_2614 = arith.index_cast %get3A_2611 : i32 to index
      %get3A_2615 = arith.index_cast %get3A_2612 : i32 to index
      %get3A_2616 = arith.constant 0 : index
      %get3A_2617 = tpu.vector_load %arg7[%get3A_2613, %get3A_2614, %get3A_2615, %get3A_2616] {strides = array<i32>} : memref<2x9x64x64xbf16, #tpu.memory_space<vmem>>, vector<32xbf16>,
      %add3A_2618 = arith.addf %get3A_2553, %get3A_2561 : vector<32xbf16>
      %add3A_2619 = arith.addf %get3A_2569, %get3A_2577 : vector<32xbf16>
      %add3A_2620 = arith.addf %get3A_2585, %get3A_2593 : vector<32xbf16>
      %add3A_2621 = arith.addf %get3A_2601, %get3A_2609 : vector<32xbf16>
      %add3A_2622 = arith.addf %add3A_2618, %add3A_2619 : vector<32xbf16>
      %add3A_2623 = arith.addf %add3A_2620, %add3A_2621 : vector<32xbf16>
      %add3A_2624 = arith.addf %add3A_2622, %add3A_2623 : vector<32xbf16>
      %add3A_2625 = arith.addf %add3A_2624, %get3A_2617 : vector<32xbf16>
      %unpack3A_2626 = tpu.unpack_subelements %add3A_2625, 0 {pack_format = #tpu.pack_format<interleaved>} : vector<32xbf16> -> vector<16xf32>
      %unpack3A_2627 = tpu.unpack_subelements %add3A_2625, 1 {pack_format = #tpu.pack_format<interleaved>} : vector<32xbf16> -> vector<16xf32>
      %get3A_2628 = arith.constant 1 : i32
      %get3A_2629 = arith.constant 0 : i32
      %get3A_2630 = arith.constant 63 : i32
      %get3A_2631 = arith.index_cast %get3A_2628 : i32 to index
      %get3A_2632 = arith.index_cast %get3A_2629 : i32 to index
      %get3A_2633 = arith.index_cast %get3A_2630 : i32 to index
      %get3A_2634 = arith.constant 32 : index
      %get3A_2635 = tpu.vector_load %arg7[%get3A_2631, %get3A_2632, %get3A_2633, %get3A_2634] {strides = array<i32>} : memref<2x9x64x64xbf16, #tpu.memory_space<vmem>>, vector<32xbf16>,
      %get3A_2636 = arith.constant 1 : i32
      %get3A_2637 = arith.constant 1 : i32
      %get3A_2638 = arith.constant 63 : i32
      %get3A_2639 = arith.index_cast %get3A_2636 : i32 to index
      %get3A_2640 = arith.index_cast %get3A_2637 : i32 to index
      %get3A_2641 = arith.index_cast %get3A_2638 : i32 to index
      %get3A_2642 = arith.constant 32 : index
      %get3A_2643 = tpu.vector_load %arg7[%get3A_2639, %get3A_2640, %get3A_2641, %get3A_2642] {strides = array<i32>} : memref<2x9x64x64xbf16, #tpu.memory_space<vmem>>, vector<32xbf16>,
      %get3A_2644 = arith.constant 1 : i32
      %get3A_2645 = arith.constant 2 : i32
      %get3A_2646 = arith.constant 63 : i32
      %get3A_2647 = arith.index_cast %get3A_2644 : i32 to index
      %get3A_2648 = arith.index_cast %get3A_2645 : i32 to index
      %get3A_2649 = arith.index_cast %get3A_2646 : i32 to index
      %get3A_2650 = arith.constant 32 : index
      %get3A_2651 = tpu.vector_load %arg7[%get3A_2647, %get3A_2648, %get3A_2649, %get3A_2650] {strides = array<i32>} : memref<2x9x64x64xbf16, #tpu.memory_space<vmem>>, vector<32xbf16>,
      %get3A_2652 = arith.constant 1 : i32
      %get3A_2653 = arith.constant 3 : i32
      %get3A_2654 = arith.constant 63 : i32
      %get3A_2655 = arith.index_cast %get3A_2652 : i32 to index
      %get3A_2656 = arith.index_cast %get3A_2653 : i32 to index
      %get3A_2657 = arith.index_cast %get3A_2654 : i32 to index
      %get3A_2658 = arith.constant 32 : index
      %get3A_2659 = tpu.vector_load %arg7[%get3A_2655, %get3A_2656, %get3A_2657, %get3A_2658] {strides = array<i32>} : memref<2x9x64x64xbf16, #tpu.memory_space<vmem>>, vector<32xbf16>,
      %get3A_2660 = arith.constant 1 : i32
      %get3A_2661 = arith.constant 4 : i32
      %get3A_2662 = arith.constant 63 : i32
      %get3A_2663 = arith.index_cast %get3A_2660 : i32 to index
      %get3A_2664 = arith.index_cast %get3A_2661 : i32 to index
      %get3A_2665 = arith.index_cast %get3A_2662 : i32 to index
      %get3A_2666 = arith.constant 32 : index
      %get3A_2667 = tpu.vector_load %arg7[%get3A_2663, %get3A_2664, %get3A_2665, %get3A_2666] {strides = array<i32>} : memref<2x9x64x64xbf16, #tpu.memory_space<vmem>>, vector<32xbf16>,
      %get3A_2668 = arith.constant 1 : i32
      %get3A_2669 = arith.constant 5 : i32
      %get3A_2670 = arith.constant 63 : i32
      %get3A_2671 = arith.index_cast %get3A_2668 : i32 to index
      %get3A_2672 = arith.index_cast %get3A_2669 : i32 to index
      %get3A_2673 = arith.index_cast %get3A_2670 : i32 to index
      %get3A_2674 = arith.constant 32 : index
      %get3A_2675 = tpu.vector_load %arg7[%get3A_2671, %get3A_2672, %get3A_2673, %get3A_2674] {strides = array<i32>} : memref<2x9x64x64xbf16, #tpu.memory_space<vmem>>, vector<32xbf16>,
      %get3A_2676 = arith.constant 1 : i32
      %get3A_2677 = arith.constant 6 : i32
      %get3A_2678 = arith.constant 63 : i32
      %get3A_2679 = arith.index_cast %get3A_2676 : i32 to index
      %get3A_2680 = arith.index_cast %get3A_2677 : i32 to index
      %get3A_2681 = arith.index_cast %get3A_2678 : i32 to index
      %get3A_2682 = arith.constant 32 : index
      %get3A_2683 = tpu.vector_load %arg7[%get3A_2679, %get3A_2680, %get3A_2681, %get3A_2682] {strides = array<i32>} : memref<2x9x64x64xbf16, #tpu.memory_space<vmem>>, vector<32xbf16>,
      %get3A_2684 = arith.constant 1 : i32
      %get3A_2685 = arith.constant 7 : i32
      %get3A_2686 = arith.constant 63 : i32
      %get3A_2687 = arith.index_cast %get3A_2684 : i32 to index
      %get3A_2688 = arith.index_cast %get3A_2685 : i32 to index
      %get3A_2689 = arith.index_cast %get3A_2686 : i32 to index
      %get3A_2690 = arith.constant 32 : index
      %get3A_2691 = tpu.vector_load %arg7[%get3A_2687, %get3A_2688, %get3A_2689, %get3A_2690] {strides = array<i32>} : memref<2x9x64x64xbf16, #tpu.memory_space<vmem>>, vector<32xbf16>,
      %get3A_2692 = arith.constant 1 : i32
      %get3A_2693 = arith.constant 8 : i32
      %get3A_2694 = arith.constant 63 : i32
      %get3A_2695 = arith.index_cast %get3A_2692 : i32 to index
      %get3A_2696 = arith.index_cast %get3A_2693 : i32 to index
      %get3A_2697 = arith.index_cast %get3A_2694 : i32 to index
      %get3A_2698 = arith.constant 32 : index
      %get3A_2699 = tpu.vector_load %arg7[%get3A_2695, %get3A_2696, %get3A_2697, %get3A_2698] {strides = array<i32>} : memref<2x9x64x64xbf16, #tpu.memory_space<vmem>>, vector<32xbf16>,
      %add3A_2700 = arith.addf %get3A_2635, %get3A_2643 : vector<32xbf16>
      %add3A_2701 = arith.addf %get3A_2651, %get3A_2659 : vector<32xbf16>
      %add3A_2702 = arith.addf %get3A_2667, %get3A_2675 : vector<32xbf16>
      %add3A_2703 = arith.addf %get3A_2683, %get3A_2691 : vector<32xbf16>
      %add3A_2704 = arith.addf %add3A_2700, %add3A_2701 : vector<32xbf16>
      %add3A_2705 = arith.addf %add3A_2702, %add3A_2703 : vector<32xbf16>
      %add3A_2706 = arith.addf %add3A_2704, %add3A_2705 : vector<32xbf16>
      %add3A_2707 = arith.addf %add3A_2706, %get3A_2699 : vector<32xbf16>
      %unpack3A_2708 = tpu.unpack_subelements %add3A_2707, 0 {pack_format = #tpu.pack_format<interleaved>} : vector<32xbf16> -> vector<16xf32>
      %unpack3A_2709 = tpu.unpack_subelements %add3A_2707, 1 {pack_format = #tpu.pack_format<interleaved>} : vector<32xbf16> -> vector<16xf32>
      %add3A_2710 = arith.addf %unpack3A_2455, %get3A_3 : vector<16xf32>
      %add3A_2711 = arith.addf %unpack3A_2627, %unpack3A_2708 : vector<16xf32>
      %add3A_2712 = arith.addf %add3A_2710, %add3A_2711 : vector<16xf32>
      %mul3A_2713 = arith.constant 0 : i32
      %mul3A_2714 = vector.broadcast %mul3A_2713 : i32 to vector<16xi32>
      %mul3A_2715 = arith.muli %iota3A, %mul3A_2714 : vector<16xi32>
      %add3A_2716 = arith.constant 63 : i32
      %add3A_2717 = vector.broadcast %add3A_2716 : i32 to vector<16xi32>
      %add3A_2718 = arith.addi %mul3A_2715, %add3A_2717 : vector<16xi32>
      %scatter3A_2719 = arith.constant 1 : i32
      %scatter3A_2720 = arith.constant 0 : i32
      %scatter3A_2721 = arith.constant 0 : i32
      %scatter3A_2722 = tpu.memref_slice %arg8[%scatter3A_2719, %scatter3A_2720, %scatter3A_2721] : memref<2x16x64xf32, #tpu.memory_space<vmem>> -> memref<1x16x64xf32, #tpu.memory_space<vmem>>
      %scatter3A_2723 = tpu.memref_squeeze %scatter3A_2722 : memref<1x16x64xf32, #tpu.memory_space<vmem>> -> memref<16x64xf32, #tpu.memory_space<vmem>>
      tpu.vector_store_idx %scatter3A_2723[%iota3A, %add3A_2718], %add3A_2712 : memref<16x64xf32, #tpu.memory_space<vmem>>[vector<16xi32>, vector<16xi32>], vector<16xf32>,
      %shift_right_arithmetic3A_2724 = arith.constant 10 : i32
      %shift_right_arithmetic3A_2725 = arith.shrsi %add3A_1752, %shift_right_arithmetic3A_2724 : i32
      %shift_right_arithmetic3A_2726 = arith.constant 6 : i32
      %shift_right_arithmetic3A_2727 = arith.shrsi %add3A_1752, %shift_right_arithmetic3A_2726 : i32
      %and3A_2728 = arith.constant 15 : i32
      %and3A_2729 = arith.andi %shift_right_arithmetic3A_2727, %and3A_2728 : i32
      %and3A_2730 = arith.constant 63 : i32
      %and3A_2731 = arith.andi %add3A_1752, %and3A_2730 : i32
      %dma_start3A_2732 = arith.constant 1 : i32
      %dma_start3A_2733 = arith.constant 0 : i32
      %dma_start3A_2734 = arith.constant 0 : i32
      %dma_start3A_2735 = tpu.memref_slice %arg8[%dma_start3A_2732, %dma_start3A_2733, %dma_start3A_2734] : memref<2x16x64xf32, #tpu.memory_space<vmem>> -> memref<1x16x64xf32, #tpu.memory_space<vmem>>
      %dma_start3A_2736 = tpu.memref_squeeze %dma_start3A_2735 : memref<1x16x64xf32, #tpu.memory_space<vmem>> -> memref<16x64xf32, #tpu.memory_space<vmem>>
      %dma_start3A_2737 = arith.constant 0 : i32
      %dma_start3A_2738 = arith.constant 0 : i32
      %dma_start3A_2739 = tpu.memref_slice %arg5[%shift_right_arithmetic3A_2725, %dma_start3A_2737, %and3A_2729, %and3A_2731, %dma_start3A_2738] : memref<4x16x16x64x64xf32, #tpu.memory_space<hbm>> -> memref<1x16x1x1x64xf32, #tpu.memory_space<hbm>>
      %dma_start3A_2740 = tpu.memref_squeeze %dma_start3A_2739 : memref<1x16x1x1x64xf32, #tpu.memory_space<hbm>> -> memref<16x64xf32, #tpu.memory_space<hbm>>
      %dma_start3A_2741 = arith.constant 0 : i32
      %dma_start3A_2742 = arith.constant 0 : i32
      %dma_start3A_2743 = tpu.memref_slice %arg5[%shift_right_arithmetic3A_2725, %dma_start3A_2741, %and3A_2729, %and3A_2731, %dma_start3A_2742] : memref<4x16x16x64x64xf32, #tpu.memory_space<hbm>> -> memref<1x16x1x1x64xf32, #tpu.memory_space<hbm>>
      %dma_start3A_2744 = tpu.memref_squeeze %dma_start3A_2743 : memref<1x16x1x1x64xf32, #tpu.memory_space<hbm>> -> memref<16x64xf32, #tpu.memory_space<hbm>>
      %dma_start3A_2745 = arith.constant 0 : i32
      %dma_start3A_2746 = arith.constant 0 : i32
      %dma_start3A_2747 = tpu.memref_slice %arg8[%dma_start3A_2732, %dma_start3A_2745, %dma_start3A_2746] : memref<2x16x64xf32, #tpu.memory_space<vmem>> -> memref<1x16x64xf32, #tpu.memory_space<vmem>>
      %dma_start3A_2748 = tpu.memref_squeeze %dma_start3A_2747 : memref<1x16x64xf32, #tpu.memory_space<vmem>> -> memref<16x64xf32, #tpu.memory_space<vmem>>
      tpu.enqueue_dma source(%dma_start3A_2748 : memref<16x64xf32, #tpu.memory_space<vmem>>) target(%dma_start3A_2744 : memref<16x64xf32, #tpu.memory_space<hbm>>) target_semaphore(%arg15 : memref<!tpu.dma_semaphore, #tpu.memory_space<semaphore_mem>>)
      %add3A_2749 = arith.constant 2 : i32
      %add3A_2750 = arith.addi %add3A_1751, %add3A_2749 : i32
      %lt3A_2751 = arith.constant 128 : i32
      %lt3A_2752 = arith.cmpi slt, %add3A_2750, %lt3A_2751 : i32
      %convert_element_type3A_2753 = arith.extui %lt3A_2752 : i1 to i32
      %cond3A_2754 = arith.constant 0 : i32
      %cond3A_2755 = arith.cmpi ne, %convert_element_type3A_2753, %cond3A_2754 : i32
      scf.if %cond3A_2755 {
        %add3A_2756 = arith.constant 2 : i32
        %add3A_2757 = arith.addi %add3A_1751, %add3A_2756 : i32
        %and3A_2758 = arith.constant 63 : i32
        %and3A_2759 = arith.andi %add3A_2757, %and3A_2758 : i32
        %add3A_2760 = arith.constant -1 : i32
        %add3A_2761 = arith.addi %and3A_2759, %add3A_2760 : i32
        %jit3A_2762 = arith.constant 0 : i32
        %jit3A_2763 = arith.constant 63 : i32
        %max3A_2764 = arith.maxsi %jit3A_2762, %add3A_2761 : i32
        %min3A_2765 = arith.minsi %jit3A_2763, %max3A_2764 : i32
        %shift_right_arithmetic3A_2766 = arith.constant 6 : i32
        %shift_right_arithmetic3A_2767 = arith.shrsi %add3A_2757, %shift_right_arithmetic3A_2766 : i32
        %and3A_2768 = arith.constant 1 : i32
        %and3A_2769 = arith.andi %shift_right_arithmetic3A_2767, %and3A_2768 : i32
        %dma_start3A_2770 = arith.constant 0 : i32
        %dma_start3A_2771 = arith.constant 0 : i32
        %dma_start3A_2772 = arith.constant 1 : i32
        %dma_start3A_2773 = arith.constant 0 : i32
        %dma_start3A_2774 = arith.constant 0 : i32
        %dma_start3A_2775 = arith.constant 0 : i32
        %dma_start3A_2776 = tpu.memref_slice %arg7[%dma_start3A_2772, %dma_start3A_2773, %dma_start3A_2774, %dma_start3A_2775] : memref<2x9x64x64xbf16, #tpu.memory_space<vmem>> -> memref<1x1x64x64xbf16, #tpu.memory_space<vmem>>
        %dma_start3A_2777 = tpu.memref_squeeze %dma_start3A_2776 : memref<1x1x64x64xbf16, #tpu.memory_space<vmem>> -> memref<64x64xbf16, #tpu.memory_space<vmem>>
        %dma_start3A_2778 = arith.constant 0 : i32
        %dma_start3A_2779 = tpu.memref_slice %arg6[%and3A_2769, %dma_start3A_2771, %min3A_2765, %dma_start3A_2778] : memref<2x3x64x64xi32, #tpu.memory_space<vmem>> -> memref<1x1x1x64xi32, #tpu.memory_space<vmem>>
        %dma_start3A_2780 = tpu.memref_squeeze %dma_start3A_2779 : memref<1x1x1x64xi32, #tpu.memory_space<vmem>> -> memref<64xi32, #tpu.memory_space<vmem>>
        %dma_start3A_2781 = arith.constant 0 : i32
        %dma_start3A_2782 = arith.constant 0 : i32
        %dma_start3A_2783 = tpu.memref_slice %arg2[%dma_start3A_2770, %dma_start3A_2781, %dma_start3A_2782] : memref<9x8192x64xbf16, #tpu.memory_space<hbm>> -> memref<1x8192x64xbf16, #tpu.memory_space<hbm>>
        %dma_start3A_2784 = tpu.memref_squeeze %dma_start3A_2783 : memref<1x8192x64xbf16, #tpu.memory_space<hbm>> -> memref<8192x64xbf16, #tpu.memory_space<hbm>>
        %dma_start3A_2785 = arith.constant 0 : i32
        %dma_start3A_2786 = arith.constant 0 : i32
        %dma_start3A_2787 = tpu.memref_slice %dma_start3A_2784[%dma_start3A_2785, %dma_start3A_2786] : memref<8192x64xbf16, #tpu.memory_space<hbm>> -> memref<8192x64xbf16, #tpu.memory_space<hbm>>
        tpu.enqueue_indirect_dma source(%dma_start3A_2787 : memref<8192x64xbf16, #tpu.memory_space<hbm>>) target(%dma_start3A_2777 : memref<64x64xbf16, #tpu.memory_space<vmem>>) offsets(%dma_start3A_2780 : memref<64xi32, #tpu.memory_space<vmem>>) semaphore(%arg13 : memref<!tpu.dma_semaphore, #tpu.memory_space<semaphore_mem>>)
        %and3A_2788 = arith.constant 63 : i32
        %and3A_2789 = arith.andi %add3A_2757, %and3A_2788 : i32
        %add3A_2790 = arith.constant 0 : i32
        %add3A_2791 = arith.addi %and3A_2789, %add3A_2790 : i32
        %jit3A_2792 = arith.constant 0 : i32
        %jit3A_2793 = arith.constant 63 : i32
        %max3A_2794 = arith.maxsi %jit3A_2792, %add3A_2791 : i32
        %min3A_2795 = arith.minsi %jit3A_2793, %max3A_2794 : i32
        %shift_right_arithmetic3A_2796 = arith.constant 6 : i32
        %shift_right_arithmetic3A_2797 = arith.shrsi %add3A_2757, %shift_right_arithmetic3A_2796 : i32
        %and3A_2798 = arith.constant 1 : i32
        %and3A_2799 = arith.andi %shift_right_arithmetic3A_2797, %and3A_2798 : i32
        %dma_start3A_2800 = arith.constant 1 : i32
        %dma_start3A_2801 = arith.constant 0 : i32
        %dma_start3A_2802 = arith.constant 1 : i32
        %dma_start3A_2803 = arith.constant 1 : i32
        %dma_start3A_2804 = arith.constant 0 : i32
        %dma_start3A_2805 = arith.constant 0 : i32
        %dma_start3A_2806 = tpu.memref_slice %arg7[%dma_start3A_2802, %dma_start3A_2803, %dma_start3A_2804, %dma_start3A_2805] : memref<2x9x64x64xbf16, #tpu.memory_space<vmem>> -> memref<1x1x64x64xbf16, #tpu.memory_space<vmem>>
        %dma_start3A_2807 = tpu.memref_squeeze %dma_start3A_2806 : memref<1x1x64x64xbf16, #tpu.memory_space<vmem>> -> memref<64x64xbf16, #tpu.memory_space<vmem>>
        %dma_start3A_2808 = arith.constant 0 : i32
        %dma_start3A_2809 = tpu.memref_slice %arg6[%and3A_2799, %dma_start3A_2801, %min3A_2795, %dma_start3A_2808] : memref<2x3x64x64xi32, #tpu.memory_space<vmem>> -> memref<1x1x1x64xi32, #tpu.memory_space<vmem>>
        %dma_start3A_2810 = tpu.memref_squeeze %dma_start3A_2809 : memref<1x1x1x64xi32, #tpu.memory_space<vmem>> -> memref<64xi32, #tpu.memory_space<vmem>>
        %dma_start3A_2811 = arith.constant 0 : i32
        %dma_start3A_2812 = arith.constant 0 : i32
        %dma_start3A_2813 = tpu.memref_slice %arg2[%dma_start3A_2800, %dma_start3A_2811, %dma_start3A_2812] : memref<9x8192x64xbf16, #tpu.memory_space<hbm>> -> memref<1x8192x64xbf16, #tpu.memory_space<hbm>>
        %dma_start3A_2814 = tpu.memref_squeeze %dma_start3A_2813 : memref<1x8192x64xbf16, #tpu.memory_space<hbm>> -> memref<8192x64xbf16, #tpu.memory_space<hbm>>
        %dma_start3A_2815 = arith.constant 0 : i32
        %dma_start3A_2816 = arith.constant 0 : i32
        %dma_start3A_2817 = tpu.memref_slice %dma_start3A_2814[%dma_start3A_2815, %dma_start3A_2816] : memref<8192x64xbf16, #tpu.memory_space<hbm>> -> memref<8192x64xbf16, #tpu.memory_space<hbm>>
        tpu.enqueue_indirect_dma source(%dma_start3A_2817 : memref<8192x64xbf16, #tpu.memory_space<hbm>>) target(%dma_start3A_2807 : memref<64x64xbf16, #tpu.memory_space<vmem>>) offsets(%dma_start3A_2810 : memref<64xi32, #tpu.memory_space<vmem>>) semaphore(%arg13 : memref<!tpu.dma_semaphore, #tpu.memory_space<semaphore_mem>>)
        %and3A_2818 = arith.constant 63 : i32
        %and3A_2819 = arith.andi %add3A_2757, %and3A_2818 : i32
        %add3A_2820 = arith.constant 1 : i32
        %add3A_2821 = arith.addi %and3A_2819, %add3A_2820 : i32
        %jit3A_2822 = arith.constant 0 : i32
        %jit3A_2823 = arith.constant 63 : i32
        %max3A_2824 = arith.maxsi %jit3A_2822, %add3A_2821 : i32
        %min3A_2825 = arith.minsi %jit3A_2823, %max3A_2824 : i32
        %shift_right_arithmetic3A_2826 = arith.constant 6 : i32
        %shift_right_arithmetic3A_2827 = arith.shrsi %add3A_2757, %shift_right_arithmetic3A_2826 : i32
        %and3A_2828 = arith.constant 1 : i32
        %and3A_2829 = arith.andi %shift_right_arithmetic3A_2827, %and3A_2828 : i32
        %dma_start3A_2830 = arith.constant 2 : i32
        %dma_start3A_2831 = arith.constant 0 : i32
        %dma_start3A_2832 = arith.constant 1 : i32
        %dma_start3A_2833 = arith.constant 2 : i32
        %dma_start3A_2834 = arith.constant 0 : i32
        %dma_start3A_2835 = arith.constant 0 : i32
        %dma_start3A_2836 = tpu.memref_slice %arg7[%dma_start3A_2832, %dma_start3A_2833, %dma_start3A_2834, %dma_start3A_2835] : memref<2x9x64x64xbf16, #tpu.memory_space<vmem>> -> memref<1x1x64x64xbf16, #tpu.memory_space<vmem>>
        %dma_start3A_2837 = tpu.memref_squeeze %dma_start3A_2836 : memref<1x1x64x64xbf16, #tpu.memory_space<vmem>> -> memref<64x64xbf16, #tpu.memory_space<vmem>>
        %dma_start3A_2838 = arith.constant 0 : i32
        %dma_start3A_2839 = tpu.memref_slice %arg6[%and3A_2829, %dma_start3A_2831, %min3A_2825, %dma_start3A_2838] : memref<2x3x64x64xi32, #tpu.memory_space<vmem>> -> memref<1x1x1x64xi32, #tpu.memory_space<vmem>>
        %dma_start3A_2840 = tpu.memref_squeeze %dma_start3A_2839 : memref<1x1x1x64xi32, #tpu.memory_space<vmem>> -> memref<64xi32, #tpu.memory_space<vmem>>
        %dma_start3A_2841 = arith.constant 0 : i32
        %dma_start3A_2842 = arith.constant 0 : i32
        %dma_start3A_2843 = tpu.memref_slice %arg2[%dma_start3A_2830, %dma_start3A_2841, %dma_start3A_2842] : memref<9x8192x64xbf16, #tpu.memory_space<hbm>> -> memref<1x8192x64xbf16, #tpu.memory_space<hbm>>
        %dma_start3A_2844 = tpu.memref_squeeze %dma_start3A_2843 : memref<1x8192x64xbf16, #tpu.memory_space<hbm>> -> memref<8192x64xbf16, #tpu.memory_space<hbm>>
        %dma_start3A_2845 = arith.constant 0 : i32
        %dma_start3A_2846 = arith.constant 0 : i32
        %dma_start3A_2847 = tpu.memref_slice %dma_start3A_2844[%dma_start3A_2845, %dma_start3A_2846] : memref<8192x64xbf16, #tpu.memory_space<hbm>> -> memref<8192x64xbf16, #tpu.memory_space<hbm>>
        tpu.enqueue_indirect_dma source(%dma_start3A_2847 : memref<8192x64xbf16, #tpu.memory_space<hbm>>) target(%dma_start3A_2837 : memref<64x64xbf16, #tpu.memory_space<vmem>>) offsets(%dma_start3A_2840 : memref<64xi32, #tpu.memory_space<vmem>>) semaphore(%arg13 : memref<!tpu.dma_semaphore, #tpu.memory_space<semaphore_mem>>)
        %and3A_2848 = arith.constant 63 : i32
        %and3A_2849 = arith.andi %add3A_2757, %and3A_2848 : i32
        %add3A_2850 = arith.constant -1 : i32
        %add3A_2851 = arith.addi %and3A_2849, %add3A_2850 : i32
        %jit3A_2852 = arith.constant 0 : i32
        %jit3A_2853 = arith.constant 63 : i32
        %max3A_2854 = arith.maxsi %jit3A_2852, %add3A_2851 : i32
        %min3A_2855 = arith.minsi %jit3A_2853, %max3A_2854 : i32
        %shift_right_arithmetic3A_2856 = arith.constant 6 : i32
        %shift_right_arithmetic3A_2857 = arith.shrsi %add3A_2757, %shift_right_arithmetic3A_2856 : i32
        %and3A_2858 = arith.constant 1 : i32
        %and3A_2859 = arith.andi %shift_right_arithmetic3A_2857, %and3A_2858 : i32
        %dma_start3A_2860 = arith.constant 3 : i32
        %dma_start3A_2861 = arith.constant 1 : i32
        %dma_start3A_2862 = arith.constant 1 : i32
        %dma_start3A_2863 = arith.constant 3 : i32
        %dma_start3A_2864 = arith.constant 0 : i32
        %dma_start3A_2865 = arith.constant 0 : i32
        %dma_start3A_2866 = tpu.memref_slice %arg7[%dma_start3A_2862, %dma_start3A_2863, %dma_start3A_2864, %dma_start3A_2865] : memref<2x9x64x64xbf16, #tpu.memory_space<vmem>> -> memref<1x1x64x64xbf16, #tpu.memory_space<vmem>>
        %dma_start3A_2867 = tpu.memref_squeeze %dma_start3A_2866 : memref<1x1x64x64xbf16, #tpu.memory_space<vmem>> -> memref<64x64xbf16, #tpu.memory_space<vmem>>
        %dma_start3A_2868 = arith.constant 0 : i32
        %dma_start3A_2869 = tpu.memref_slice %arg6[%and3A_2859, %dma_start3A_2861, %min3A_2855, %dma_start3A_2868] : memref<2x3x64x64xi32, #tpu.memory_space<vmem>> -> memref<1x1x1x64xi32, #tpu.memory_space<vmem>>
        %dma_start3A_2870 = tpu.memref_squeeze %dma_start3A_2869 : memref<1x1x1x64xi32, #tpu.memory_space<vmem>> -> memref<64xi32, #tpu.memory_space<vmem>>
        %dma_start3A_2871 = arith.constant 0 : i32
        %dma_start3A_2872 = arith.constant 0 : i32
        %dma_start3A_2873 = tpu.memref_slice %arg2[%dma_start3A_2860, %dma_start3A_2871, %dma_start3A_2872] : memref<9x8192x64xbf16, #tpu.memory_space<hbm>> -> memref<1x8192x64xbf16, #tpu.memory_space<hbm>>
        %dma_start3A_2874 = tpu.memref_squeeze %dma_start3A_2873 : memref<1x8192x64xbf16, #tpu.memory_space<hbm>> -> memref<8192x64xbf16, #tpu.memory_space<hbm>>
        %dma_start3A_2875 = arith.constant 0 : i32
        %dma_start3A_2876 = arith.constant 0 : i32
        %dma_start3A_2877 = tpu.memref_slice %dma_start3A_2874[%dma_start3A_2875, %dma_start3A_2876] : memref<8192x64xbf16, #tpu.memory_space<hbm>> -> memref<8192x64xbf16, #tpu.memory_space<hbm>>
        tpu.enqueue_indirect_dma source(%dma_start3A_2877 : memref<8192x64xbf16, #tpu.memory_space<hbm>>) target(%dma_start3A_2867 : memref<64x64xbf16, #tpu.memory_space<vmem>>) offsets(%dma_start3A_2870 : memref<64xi32, #tpu.memory_space<vmem>>) semaphore(%arg13 : memref<!tpu.dma_semaphore, #tpu.memory_space<semaphore_mem>>)
        %and3A_2878 = arith.constant 63 : i32
        %and3A_2879 = arith.andi %add3A_2757, %and3A_2878 : i32
        %add3A_2880 = arith.constant 0 : i32
        %add3A_2881 = arith.addi %and3A_2879, %add3A_2880 : i32
        %jit3A_2882 = arith.constant 0 : i32
        %jit3A_2883 = arith.constant 63 : i32
        %max3A_2884 = arith.maxsi %jit3A_2882, %add3A_2881 : i32
        %min3A_2885 = arith.minsi %jit3A_2883, %max3A_2884 : i32
        %shift_right_arithmetic3A_2886 = arith.constant 6 : i32
        %shift_right_arithmetic3A_2887 = arith.shrsi %add3A_2757, %shift_right_arithmetic3A_2886 : i32
        %and3A_2888 = arith.constant 1 : i32
        %and3A_2889 = arith.andi %shift_right_arithmetic3A_2887, %and3A_2888 : i32
        %dma_start3A_2890 = arith.constant 4 : i32
        %dma_start3A_2891 = arith.constant 1 : i32
        %dma_start3A_2892 = arith.constant 1 : i32
        %dma_start3A_2893 = arith.constant 4 : i32
        %dma_start3A_2894 = arith.constant 0 : i32
        %dma_start3A_2895 = arith.constant 0 : i32
        %dma_start3A_2896 = tpu.memref_slice %arg7[%dma_start3A_2892, %dma_start3A_2893, %dma_start3A_2894, %dma_start3A_2895] : memref<2x9x64x64xbf16, #tpu.memory_space<vmem>> -> memref<1x1x64x64xbf16, #tpu.memory_space<vmem>>
        %dma_start3A_2897 = tpu.memref_squeeze %dma_start3A_2896 : memref<1x1x64x64xbf16, #tpu.memory_space<vmem>> -> memref<64x64xbf16, #tpu.memory_space<vmem>>
        %dma_start3A_2898 = arith.constant 0 : i32
        %dma_start3A_2899 = tpu.memref_slice %arg6[%and3A_2889, %dma_start3A_2891, %min3A_2885, %dma_start3A_2898] : memref<2x3x64x64xi32, #tpu.memory_space<vmem>> -> memref<1x1x1x64xi32, #tpu.memory_space<vmem>>
        %dma_start3A_2900 = tpu.memref_squeeze %dma_start3A_2899 : memref<1x1x1x64xi32, #tpu.memory_space<vmem>> -> memref<64xi32, #tpu.memory_space<vmem>>
        %dma_start3A_2901 = arith.constant 0 : i32
        %dma_start3A_2902 = arith.constant 0 : i32
        %dma_start3A_2903 = tpu.memref_slice %arg2[%dma_start3A_2890, %dma_start3A_2901, %dma_start3A_2902] : memref<9x8192x64xbf16, #tpu.memory_space<hbm>> -> memref<1x8192x64xbf16, #tpu.memory_space<hbm>>
        %dma_start3A_2904 = tpu.memref_squeeze %dma_start3A_2903 : memref<1x8192x64xbf16, #tpu.memory_space<hbm>> -> memref<8192x64xbf16, #tpu.memory_space<hbm>>
        %dma_start3A_2905 = arith.constant 0 : i32
        %dma_start3A_2906 = arith.constant 0 : i32
        %dma_start3A_2907 = tpu.memref_slice %dma_start3A_2904[%dma_start3A_2905, %dma_start3A_2906] : memref<8192x64xbf16, #tpu.memory_space<hbm>> -> memref<8192x64xbf16, #tpu.memory_space<hbm>>
        tpu.enqueue_indirect_dma source(%dma_start3A_2907 : memref<8192x64xbf16, #tpu.memory_space<hbm>>) target(%dma_start3A_2897 : memref<64x64xbf16, #tpu.memory_space<vmem>>) offsets(%dma_start3A_2900 : memref<64xi32, #tpu.memory_space<vmem>>) semaphore(%arg13 : memref<!tpu.dma_semaphore, #tpu.memory_space<semaphore_mem>>)
        %and3A_2908 = arith.constant 63 : i32
        %and3A_2909 = arith.andi %add3A_2757, %and3A_2908 : i32
        %add3A_2910 = arith.constant 1 : i32
        %add3A_2911 = arith.addi %and3A_2909, %add3A_2910 : i32
        %jit3A_2912 = arith.constant 0 : i32
        %jit3A_2913 = arith.constant 63 : i32
        %max3A_2914 = arith.maxsi %jit3A_2912, %add3A_2911 : i32
        %min3A_2915 = arith.minsi %jit3A_2913, %max3A_2914 : i32
        %shift_right_arithmetic3A_2916 = arith.constant 6 : i32
        %shift_right_arithmetic3A_2917 = arith.shrsi %add3A_2757, %shift_right_arithmetic3A_2916 : i32
        %and3A_2918 = arith.constant 1 : i32
        %and3A_2919 = arith.andi %shift_right_arithmetic3A_2917, %and3A_2918 : i32
        %dma_start3A_2920 = arith.constant 5 : i32
        %dma_start3A_2921 = arith.constant 1 : i32
        %dma_start3A_2922 = arith.constant 1 : i32
        %dma_start3A_2923 = arith.constant 5 : i32
        %dma_start3A_2924 = arith.constant 0 : i32
        %dma_start3A_2925 = arith.constant 0 : i32
        %dma_start3A_2926 = tpu.memref_slice %arg7[%dma_start3A_2922, %dma_start3A_2923, %dma_start3A_2924, %dma_start3A_2925] : memref<2x9x64x64xbf16, #tpu.memory_space<vmem>> -> memref<1x1x64x64xbf16, #tpu.memory_space<vmem>>
        %dma_start3A_2927 = tpu.memref_squeeze %dma_start3A_2926 : memref<1x1x64x64xbf16, #tpu.memory_space<vmem>> -> memref<64x64xbf16, #tpu.memory_space<vmem>>
        %dma_start3A_2928 = arith.constant 0 : i32
        %dma_start3A_2929 = tpu.memref_slice %arg6[%and3A_2919, %dma_start3A_2921, %min3A_2915, %dma_start3A_2928] : memref<2x3x64x64xi32, #tpu.memory_space<vmem>> -> memref<1x1x1x64xi32, #tpu.memory_space<vmem>>
        %dma_start3A_2930 = tpu.memref_squeeze %dma_start3A_2929 : memref<1x1x1x64xi32, #tpu.memory_space<vmem>> -> memref<64xi32, #tpu.memory_space<vmem>>
        %dma_start3A_2931 = arith.constant 0 : i32
        %dma_start3A_2932 = arith.constant 0 : i32
        %dma_start3A_2933 = tpu.memref_slice %arg2[%dma_start3A_2920, %dma_start3A_2931, %dma_start3A_2932] : memref<9x8192x64xbf16, #tpu.memory_space<hbm>> -> memref<1x8192x64xbf16, #tpu.memory_space<hbm>>
        %dma_start3A_2934 = tpu.memref_squeeze %dma_start3A_2933 : memref<1x8192x64xbf16, #tpu.memory_space<hbm>> -> memref<8192x64xbf16, #tpu.memory_space<hbm>>
        %dma_start3A_2935 = arith.constant 0 : i32
        %dma_start3A_2936 = arith.constant 0 : i32
        %dma_start3A_2937 = tpu.memref_slice %dma_start3A_2934[%dma_start3A_2935, %dma_start3A_2936] : memref<8192x64xbf16, #tpu.memory_space<hbm>> -> memref<8192x64xbf16, #tpu.memory_space<hbm>>
        tpu.enqueue_indirect_dma source(%dma_start3A_2937 : memref<8192x64xbf16, #tpu.memory_space<hbm>>) target(%dma_start3A_2927 : memref<64x64xbf16, #tpu.memory_space<vmem>>) offsets(%dma_start3A_2930 : memref<64xi32, #tpu.memory_space<vmem>>) semaphore(%arg13 : memref<!tpu.dma_semaphore, #tpu.memory_space<semaphore_mem>>)
        %and3A_2938 = arith.constant 63 : i32
        %and3A_2939 = arith.andi %add3A_2757, %and3A_2938 : i32
        %add3A_2940 = arith.constant -1 : i32
        %add3A_2941 = arith.addi %and3A_2939, %add3A_2940 : i32
        %jit3A_2942 = arith.constant 0 : i32
        %jit3A_2943 = arith.constant 63 : i32
        %max3A_2944 = arith.maxsi %jit3A_2942, %add3A_2941 : i32
        %min3A_2945 = arith.minsi %jit3A_2943, %max3A_2944 : i32
        %shift_right_arithmetic3A_2946 = arith.constant 6 : i32
        %shift_right_arithmetic3A_2947 = arith.shrsi %add3A_2757, %shift_right_arithmetic3A_2946 : i32
        %and3A_2948 = arith.constant 1 : i32
        %and3A_2949 = arith.andi %shift_right_arithmetic3A_2947, %and3A_2948 : i32
        %dma_start3A_2950 = arith.constant 6 : i32
        %dma_start3A_2951 = arith.constant 2 : i32
        %dma_start3A_2952 = arith.constant 1 : i32
        %dma_start3A_2953 = arith.constant 6 : i32
        %dma_start3A_2954 = arith.constant 0 : i32
        %dma_start3A_2955 = arith.constant 0 : i32
        %dma_start3A_2956 = tpu.memref_slice %arg7[%dma_start3A_2952, %dma_start3A_2953, %dma_start3A_2954, %dma_start3A_2955] : memref<2x9x64x64xbf16, #tpu.memory_space<vmem>> -> memref<1x1x64x64xbf16, #tpu.memory_space<vmem>>
        %dma_start3A_2957 = tpu.memref_squeeze %dma_start3A_2956 : memref<1x1x64x64xbf16, #tpu.memory_space<vmem>> -> memref<64x64xbf16, #tpu.memory_space<vmem>>
        %dma_start3A_2958 = arith.constant 0 : i32
        %dma_start3A_2959 = tpu.memref_slice %arg6[%and3A_2949, %dma_start3A_2951, %min3A_2945, %dma_start3A_2958] : memref<2x3x64x64xi32, #tpu.memory_space<vmem>> -> memref<1x1x1x64xi32, #tpu.memory_space<vmem>>
        %dma_start3A_2960 = tpu.memref_squeeze %dma_start3A_2959 : memref<1x1x1x64xi32, #tpu.memory_space<vmem>> -> memref<64xi32, #tpu.memory_space<vmem>>
        %dma_start3A_2961 = arith.constant 0 : i32
        %dma_start3A_2962 = arith.constant 0 : i32
        %dma_start3A_2963 = tpu.memref_slice %arg2[%dma_start3A_2950, %dma_start3A_2961, %dma_start3A_2962] : memref<9x8192x64xbf16, #tpu.memory_space<hbm>> -> memref<1x8192x64xbf16, #tpu.memory_space<hbm>>
        %dma_start3A_2964 = tpu.memref_squeeze %dma_start3A_2963 : memref<1x8192x64xbf16, #tpu.memory_space<hbm>> -> memref<8192x64xbf16, #tpu.memory_space<hbm>>
        %dma_start3A_2965 = arith.constant 0 : i32
        %dma_start3A_2966 = arith.constant 0 : i32
        %dma_start3A_2967 = tpu.memref_slice %dma_start3A_2964[%dma_start3A_2965, %dma_start3A_2966] : memref<8192x64xbf16, #tpu.memory_space<hbm>> -> memref<8192x64xbf16, #tpu.memory_space<hbm>>
        tpu.enqueue_indirect_dma source(%dma_start3A_2967 : memref<8192x64xbf16, #tpu.memory_space<hbm>>) target(%dma_start3A_2957 : memref<64x64xbf16, #tpu.memory_space<vmem>>) offsets(%dma_start3A_2960 : memref<64xi32, #tpu.memory_space<vmem>>) semaphore(%arg13 : memref<!tpu.dma_semaphore, #tpu.memory_space<semaphore_mem>>)
        %and3A_2968 = arith.constant 63 : i32
        %and3A_2969 = arith.andi %add3A_2757, %and3A_2968 : i32
        %add3A_2970 = arith.constant 0 : i32
        %add3A_2971 = arith.addi %and3A_2969, %add3A_2970 : i32
        %jit3A_2972 = arith.constant 0 : i32
        %jit3A_2973 = arith.constant 63 : i32
        %max3A_2974 = arith.maxsi %jit3A_2972, %add3A_2971 : i32
        %min3A_2975 = arith.minsi %jit3A_2973, %max3A_2974 : i32
        %shift_right_arithmetic3A_2976 = arith.constant 6 : i32
        %shift_right_arithmetic3A_2977 = arith.shrsi %add3A_2757, %shift_right_arithmetic3A_2976 : i32
        %and3A_2978 = arith.constant 1 : i32
        %and3A_2979 = arith.andi %shift_right_arithmetic3A_2977, %and3A_2978 : i32
        %dma_start3A_2980 = arith.constant 7 : i32
        %dma_start3A_2981 = arith.constant 2 : i32
        %dma_start3A_2982 = arith.constant 1 : i32
        %dma_start3A_2983 = arith.constant 7 : i32
        %dma_start3A_2984 = arith.constant 0 : i32
        %dma_start3A_2985 = arith.constant 0 : i32
        %dma_start3A_2986 = tpu.memref_slice %arg7[%dma_start3A_2982, %dma_start3A_2983, %dma_start3A_2984, %dma_start3A_2985] : memref<2x9x64x64xbf16, #tpu.memory_space<vmem>> -> memref<1x1x64x64xbf16, #tpu.memory_space<vmem>>
        %dma_start3A_2987 = tpu.memref_squeeze %dma_start3A_2986 : memref<1x1x64x64xbf16, #tpu.memory_space<vmem>> -> memref<64x64xbf16, #tpu.memory_space<vmem>>
        %dma_start3A_2988 = arith.constant 0 : i32
        %dma_start3A_2989 = tpu.memref_slice %arg6[%and3A_2979, %dma_start3A_2981, %min3A_2975, %dma_start3A_2988] : memref<2x3x64x64xi32, #tpu.memory_space<vmem>> -> memref<1x1x1x64xi32, #tpu.memory_space<vmem>>
        %dma_start3A_2990 = tpu.memref_squeeze %dma_start3A_2989 : memref<1x1x1x64xi32, #tpu.memory_space<vmem>> -> memref<64xi32, #tpu.memory_space<vmem>>
        %dma_start3A_2991 = arith.constant 0 : i32
        %dma_start3A_2992 = arith.constant 0 : i32
        %dma_start3A_2993 = tpu.memref_slice %arg2[%dma_start3A_2980, %dma_start3A_2991, %dma_start3A_2992] : memref<9x8192x64xbf16, #tpu.memory_space<hbm>> -> memref<1x8192x64xbf16, #tpu.memory_space<hbm>>
        %dma_start3A_2994 = tpu.memref_squeeze %dma_start3A_2993 : memref<1x8192x64xbf16, #tpu.memory_space<hbm>> -> memref<8192x64xbf16, #tpu.memory_space<hbm>>
        %dma_start3A_2995 = arith.constant 0 : i32
        %dma_start3A_2996 = arith.constant 0 : i32
        %dma_start3A_2997 = tpu.memref_slice %dma_start3A_2994[%dma_start3A_2995, %dma_start3A_2996] : memref<8192x64xbf16, #tpu.memory_space<hbm>> -> memref<8192x64xbf16, #tpu.memory_space<hbm>>
        tpu.enqueue_indirect_dma source(%dma_start3A_2997 : memref<8192x64xbf16, #tpu.memory_space<hbm>>) target(%dma_start3A_2987 : memref<64x64xbf16, #tpu.memory_space<vmem>>) offsets(%dma_start3A_2990 : memref<64xi32, #tpu.memory_space<vmem>>) semaphore(%arg13 : memref<!tpu.dma_semaphore, #tpu.memory_space<semaphore_mem>>)
        %and3A_2998 = arith.constant 63 : i32
        %and3A_2999 = arith.andi %add3A_2757, %and3A_2998 : i32
        %add3A_3000 = arith.constant 1 : i32
        %add3A_3001 = arith.addi %and3A_2999, %add3A_3000 : i32
        %jit3A_3002 = arith.constant 0 : i32
        %jit3A_3003 = arith.constant 63 : i32
        %max3A_3004 = arith.maxsi %jit3A_3002, %add3A_3001 : i32
        %min3A_3005 = arith.minsi %jit3A_3003, %max3A_3004 : i32
        %shift_right_arithmetic3A_3006 = arith.constant 6 : i32
        %shift_right_arithmetic3A_3007 = arith.shrsi %add3A_2757, %shift_right_arithmetic3A_3006 : i32
        %and3A_3008 = arith.constant 1 : i32
        %and3A_3009 = arith.andi %shift_right_arithmetic3A_3007, %and3A_3008 : i32
        %dma_start3A_3010 = arith.constant 8 : i32
        %dma_start3A_3011 = arith.constant 2 : i32
        %dma_start3A_3012 = arith.constant 1 : i32
        %dma_start3A_3013 = arith.constant 8 : i32
        %dma_start3A_3014 = arith.constant 0 : i32
        %dma_start3A_3015 = arith.constant 0 : i32
        %dma_start3A_3016 = tpu.memref_slice %arg7[%dma_start3A_3012, %dma_start3A_3013, %dma_start3A_3014, %dma_start3A_3015] : memref<2x9x64x64xbf16, #tpu.memory_space<vmem>> -> memref<1x1x64x64xbf16, #tpu.memory_space<vmem>>
        %dma_start3A_3017 = tpu.memref_squeeze %dma_start3A_3016 : memref<1x1x64x64xbf16, #tpu.memory_space<vmem>> -> memref<64x64xbf16, #tpu.memory_space<vmem>>
        %dma_start3A_3018 = arith.constant 0 : i32
        %dma_start3A_3019 = tpu.memref_slice %arg6[%and3A_3009, %dma_start3A_3011, %min3A_3005, %dma_start3A_3018] : memref<2x3x64x64xi32, #tpu.memory_space<vmem>> -> memref<1x1x1x64xi32, #tpu.memory_space<vmem>>
        %dma_start3A_3020 = tpu.memref_squeeze %dma_start3A_3019 : memref<1x1x1x64xi32, #tpu.memory_space<vmem>> -> memref<64xi32, #tpu.memory_space<vmem>>
        %dma_start3A_3021 = arith.constant 0 : i32
        %dma_start3A_3022 = arith.constant 0 : i32
        %dma_start3A_3023 = tpu.memref_slice %arg2[%dma_start3A_3010, %dma_start3A_3021, %dma_start3A_3022] : memref<9x8192x64xbf16, #tpu.memory_space<hbm>> -> memref<1x8192x64xbf16, #tpu.memory_space<hbm>>
        %dma_start3A_3024 = tpu.memref_squeeze %dma_start3A_3023 : memref<1x8192x64xbf16, #tpu.memory_space<hbm>> -> memref<8192x64xbf16, #tpu.memory_space<hbm>>
        %dma_start3A_3025 = arith.constant 0 : i32
        %dma_start3A_3026 = arith.constant 0 : i32
        %dma_start3A_3027 = tpu.memref_slice %dma_start3A_3024[%dma_start3A_3025, %dma_start3A_3026] : memref<8192x64xbf16, #tpu.memory_space<hbm>> -> memref<8192x64xbf16, #tpu.memory_space<hbm>>
        tpu.enqueue_indirect_dma source(%dma_start3A_3027 : memref<8192x64xbf16, #tpu.memory_space<hbm>>) target(%dma_start3A_3017 : memref<64x64xbf16, #tpu.memory_space<vmem>>) offsets(%dma_start3A_3020 : memref<64xi32, #tpu.memory_space<vmem>>) semaphore(%arg13 : memref<!tpu.dma_semaphore, #tpu.memory_space<semaphore_mem>>)
      } else {
      }
    }
    %scan3A_704 = arith.constant 64 : i32
    %dma_wait3A_705 = arith.constant 0 : i32
    %dma_wait3A_706 = arith.constant 0 : i32
    %dma_wait3A_707 = arith.constant 0 : i32
    %dma_wait3A_708 = arith.constant 0 : i32
    %dma_wait3A_709 = arith.constant 0 : i32
    %dma_wait3A_710 = arith.constant 0 : i32
    %dma_wait3A_711 = tpu.memref_slice %arg8[%dma_wait3A_705, %dma_wait3A_709, %dma_wait3A_710] : memref<2x16x64xf32, #tpu.memory_space<vmem>> -> memref<1x16x64xf32, #tpu.memory_space<vmem>>
    %dma_wait3A_712 = tpu.memref_squeeze %dma_wait3A_711 : memref<1x16x64xf32, #tpu.memory_space<vmem>> -> memref<16x64xf32, #tpu.memory_space<vmem>>
    %dma_wait3A_713 = arith.constant 0 : i32
    %dma_wait3A_714 = arith.constant 0 : i32
    %dma_wait3A_715 = tpu.memref_slice %arg5[%dma_wait3A_706, %dma_wait3A_713, %dma_wait3A_707, %dma_wait3A_708, %dma_wait3A_714] : memref<4x16x16x64x64xf32, #tpu.memory_space<hbm>> -> memref<1x16x1x1x64xf32, #tpu.memory_space<hbm>>
    %dma_wait3A_716 = tpu.memref_squeeze %dma_wait3A_715 : memref<1x16x1x1x64xf32, #tpu.memory_space<hbm>> -> memref<16x64xf32, #tpu.memory_space<hbm>>
    %dma_wait3A_717 = arith.constant 0 : i32
    %dma_wait3A_718 = arith.constant 0 : i32
    %dma_wait3A_719 = tpu.memref_slice %arg5[%dma_wait3A_706, %dma_wait3A_717, %dma_wait3A_707, %dma_wait3A_708, %dma_wait3A_718] : memref<4x16x16x64x64xf32, #tpu.memory_space<hbm>> -> memref<1x16x1x1x64xf32, #tpu.memory_space<hbm>>
    %dma_wait3A_720 = tpu.memref_squeeze %dma_wait3A_719 : memref<1x16x1x1x64xf32, #tpu.memory_space<hbm>> -> memref<16x64xf32, #tpu.memory_space<hbm>>
    %dma_wait3A_721 = arith.constant 0 : i32
    %dma_wait3A_722 = arith.constant 0 : i32
    %dma_wait3A_723 = tpu.memref_slice %arg8[%dma_wait3A_705, %dma_wait3A_721, %dma_wait3A_722] : memref<2x16x64xf32, #tpu.memory_space<vmem>> -> memref<1x16x64xf32, #tpu.memory_space<vmem>>
    %dma_wait3A_724 = tpu.memref_squeeze %dma_wait3A_723 : memref<1x16x64xf32, #tpu.memory_space<vmem>> -> memref<16x64xf32, #tpu.memory_space<vmem>>
    tpu.wait_dma2 semaphore(%arg14 : memref<!tpu.dma_semaphore, #tpu.memory_space<semaphore_mem>>) src(%dma_wait3A_724 : memref<16x64xf32, #tpu.memory_space<vmem>>) dst(%dma_wait3A_720 : memref<16x64xf32, #tpu.memory_space<hbm>>)
    %dma_wait3A_725 = arith.constant 1 : i32
    %dma_wait3A_726 = arith.constant 0 : i32
    %dma_wait3A_727 = arith.constant 0 : i32
    %dma_wait3A_728 = arith.constant 0 : i32
    %dma_wait3A_729 = arith.constant 0 : i32
    %dma_wait3A_730 = arith.constant 0 : i32
    %dma_wait3A_731 = tpu.memref_slice %arg8[%dma_wait3A_725, %dma_wait3A_729, %dma_wait3A_730] : memref<2x16x64xf32, #tpu.memory_space<vmem>> -> memref<1x16x64xf32, #tpu.memory_space<vmem>>
    %dma_wait3A_732 = tpu.memref_squeeze %dma_wait3A_731 : memref<1x16x64xf32, #tpu.memory_space<vmem>> -> memref<16x64xf32, #tpu.memory_space<vmem>>
    %dma_wait3A_733 = arith.constant 0 : i32
    %dma_wait3A_734 = arith.constant 0 : i32
    %dma_wait3A_735 = tpu.memref_slice %arg5[%dma_wait3A_726, %dma_wait3A_733, %dma_wait3A_727, %dma_wait3A_728, %dma_wait3A_734] : memref<4x16x16x64x64xf32, #tpu.memory_space<hbm>> -> memref<1x16x1x1x64xf32, #tpu.memory_space<hbm>>
    %dma_wait3A_736 = tpu.memref_squeeze %dma_wait3A_735 : memref<1x16x1x1x64xf32, #tpu.memory_space<hbm>> -> memref<16x64xf32, #tpu.memory_space<hbm>>
    %dma_wait3A_737 = arith.constant 0 : i32
    %dma_wait3A_738 = arith.constant 0 : i32
    %dma_wait3A_739 = tpu.memref_slice %arg5[%dma_wait3A_726, %dma_wait3A_737, %dma_wait3A_727, %dma_wait3A_728, %dma_wait3A_738] : memref<4x16x16x64x64xf32, #tpu.memory_space<hbm>> -> memref<1x16x1x1x64xf32, #tpu.memory_space<hbm>>
    %dma_wait3A_740 = tpu.memref_squeeze %dma_wait3A_739 : memref<1x16x1x1x64xf32, #tpu.memory_space<hbm>> -> memref<16x64xf32, #tpu.memory_space<hbm>>
    %dma_wait3A_741 = arith.constant 0 : i32
    %dma_wait3A_742 = arith.constant 0 : i32
    %dma_wait3A_743 = tpu.memref_slice %arg8[%dma_wait3A_725, %dma_wait3A_741, %dma_wait3A_742] : memref<2x16x64xf32, #tpu.memory_space<vmem>> -> memref<1x16x64xf32, #tpu.memory_space<vmem>>
    %dma_wait3A_744 = tpu.memref_squeeze %dma_wait3A_743 : memref<1x16x64xf32, #tpu.memory_space<vmem>> -> memref<16x64xf32, #tpu.memory_space<vmem>>
    tpu.wait_dma2 semaphore(%arg15 : memref<!tpu.dma_semaphore, #tpu.memory_space<semaphore_mem>>) src(%dma_wait3A_744 : memref<16x64xf32, #tpu.memory_space<vmem>>) dst(%dma_wait3A_740 : memref<16x64xf32, #tpu.memory_space<hbm>>)
    return
  }
}

</mosaic_0001>

<sc_bundles>
// kernel: kernel.3.cloned.1.call-start
scs
__scs_entry_jumppad:
0x0: {  	(pc) =	sbr.rel $0x88, $3  }
0x1: {  	(tag) =	ssettag $0x0;
	lr =	simm.s32 $0x1  }
0x2: {  	[smem:$0x3F9E] =	sst lr;
	_ =	strace $0xD0000000  }
0x3: {  	_ = 	snop  }
0x4: {  	_ = 	snop  }
0x5: {  	_ = 	snop  }
0x6: {  	_ = 	snop  }
0x7: {  	_ = 	snop  }
__scs_overlays_trampoline_lowered:
0x8: {  	[smem:$0x3FAD] =	sst s0  }
0x9: {  	[smem:$0x3FAE] =	sst s1  }
0xa: {  	[smem:$0x3FAF] =	sst s2  }
0xb: {  	[smem:$0x3FB0] =	sst s3  }
0xc: {  	[smem:$0x3FB1] =	sst s4  }
0xd: {  	[smem:$0x3FB2] =	sst s5  }
0xe: {  	[smem:$0x3FB3] =	sst s6  }
0xf: {  	[smem:$0x3FB4] =	sst s7  }
0x10: {  	[smem:$0x3FB5] =	sst s8  }
0x11: {  	[smem:$0x3FB6] =	sst s9;
	s0 =	simm.s32 @!p0 $0x0  }
0x12: {  	s1 =	sld [smem:$0x3F9C];
	s0 =	simm.s32 @p0 $0x1  }
0x13: {  	[smem:$0x3FB7] =	sst s0;
	s0 =	simm.s32 @!p1 $0x0  }
0x14: {  	s2 =	sld [smem:$0x3F9B];
	s0 =	simm.s32 @p1 $0x1  }
0x15: {  	[smem:$0x3FB8] =	sst s0;
	s0 =	simm.s32 @!p2 $0x0  }
0x16: {  	s3 =	sld [smem:$0x3FDB];
	s0 =	simm.s32 @p2 $0x1  }
0x17: {  	s4 =	simm.s32 $0x1BF5;
	[smem:$0x3FBA] =	sst s0  }
0x18: {  	s0 =	sld [smem:$0x3F9D];
	_ =	swait.ge [sflag:s4], $0x0  }
0x19: {  	s7 =	sld [smem:$0x3F9E]  }
0x1a: {  	s8 =	sadd.s32 $0xFFFFE003, lr  }
0x1b: {  	s9 =	sadd.s32 $0xFFFFFEF7, lr;
	s5 =	simm.s32 $0xFFFFFFFF;
	p2 =	slt.u32 s8, $0xFFFFF086  }
0x1c: {  	p1 =	slt.u32 s9, $0xF7A;
	s5 =	simm.s32 @!p2 $0x0  }
0x1d: {  	s5 =	simm.s32 @p1 $0x1;
	p0 =	seq.s32 s7, s2  }
0x1e: {  	s7 =	smul.u32 @!p0 $0xF7A, s2;
	p2 =	seq.s32 @!p0 s5, $0x0  }
0x1f: {  	s9 =	smul.u32 $0xF7A, s1;
	s8 =	simm.s32 @!p0 $0x1BF5;
	p2 =	por !p2, p0  }
0x20: {  	[sflag:s8] =	ssyncset.s32 @!p0 $0xFFFFF086;
	s6 =	sadd.s32 @!p0 s3, s7;
	s7 =	simm.s32 @!p0 $0x108  }
0x21: {  	s3 =	sadd.s32 s3, s9;
	s6 =	sadd.s32 @!p0 $0x88, s6;
	s7 =	simm.s32 @p2 $0x1082  }
0x22: {  	[simem:s7], [sflag:s8] =	dma.local @!p0 [hbm:s6], $0xF7A  }
0x23: {  	s9 =	sor.u32 $0xD0000000, s2;
	s6 =	simm.s32 $0x108;
	_ =	swait.ge @!p0 [sflag:s8], $0x0  }
0x24: {  	s3 =	sadd.s32 $0x88, s3;
	s6 =	simm.s32 @!p1 $0x1082;
	[sflag:s4] =	ssyncset.s32 $0xFFFFF086  }
0x25: {  	[simem:s6], [sflag:s4] =	dma.local [hbm:s3], $0xF7A  }
0x26: {  	[smem:$0x3F9E] =	sst s1;
	(tag) =	ssettag s2;
	_ =	strace s9  }
0x27: {  	s1 =	sld [smem:$0x3FAE]  }
0x28: {  	s2 =	sld [smem:$0x3FAF]  }
0x29: {  	s4 =	sld [smem:$0x3FB1]  }
0x2a: {  	p0 =	seq.s32 s5, $0x0;
	s5 =	sld [smem:$0x3FB2]  }
0x2b: {  	s6 =	sld [smem:$0x3FB3]  }
0x2c: {  	s7 =	sld [smem:$0x3FB4]  }
0x2d: {  	s3 =	simm.s32 $0x108;
	s8 =	sld [smem:$0x3FB5]  }
0x2e: {  	s3 =	simm.s32 @!p0 $0x1082;
	s9 =	sld [smem:$0x3FB6]  }
0x2f: {  	lr =	sadd.s32 s0, s3;
	s0 =	sld [smem:$0x3FAD]  }
0x30: {  	s3 =	sld [smem:$0x3FB0]  }
0x31: {  	[smem:$0x3FB9] =	sst s10  }
0x32: {  	s10 =	sld [smem:$0x3FB7];
	_ =	sdelay $0x3  }
0x33: {  	p0 =	seq.s32 s10, $0x1;
	s10 =	sld [smem:$0x3FB9];
	_ =	sdelay $0x3  }
0x34: {  	[smem:$0x3FB9] =	sst s10  }
0x35: {  	s10 =	sld [smem:$0x3FB8];
	_ =	sdelay $0x3  }
0x36: {  	p1 =	seq.s32 s10, $0x1;
	s10 =	sld [smem:$0x3FB9];
	_ =	sdelay $0x3  }
0x37: {  	[smem:$0x3FB9] =	sst s10  }
0x38: {  	s10 =	sld [smem:$0x3FBA]  }
0x39: {  	_ = 	snop;
	(pc) =	sbr.ind lr, $3  }
0x3a: {  	_ = 	snop  }
0x3b: {  	_ = 	snop  }
0x3c: {  	p2 =	seq.s32 s10, $0x1;
	s10 =	sld [smem:$0x3FB9]  }
0x3d: {  	_ =	shalt  }
0x3e: {  	_ =	shalt  }
0x3f: {  	_ =	shalt  }
0x40: {  	_ =	shalt  }
0x41: {  	_ =	shalt  }
0x42: {  	_ =	shalt  }
0x43: {  	_ =	shalt  }
0x44: {  	_ =	shalt  }
0x45: {  	_ =	shalt  }
0x46: {  	_ =	shalt  }
0x47: {  	_ =	shalt  }
0x48: {  	_ =	shalt  }
0x49: {  	_ =	shalt  }
0x4a: {  	_ =	shalt  }
0x4b: {  	_ =	shalt  }
0x4c: {  	_ =	shalt  }
0x4d: {  	_ =	shalt  }
0x4e: {  	_ =	shalt  }
0x4f: {  	_ =	shalt  }
0x50: {  	_ =	shalt  }
0x51: {  	_ =	shalt  }
0x52: {  	_ =	shalt  }
0x53: {  	_ =	shalt  }
0x54: {  	_ =	shalt  }
0x55: {  	_ =	shalt  }
0x56: {  	_ =	shalt  }
0x57: {  	_ =	shalt  }
0x58: {  	_ =	shalt  }
0x59: {  	_ =	shalt  }
0x5a: {  	_ =	shalt  }
0x5b: {  	_ =	shalt  }
0x5c: {  	_ =	shalt  }
0x5d: {  	_ =	shalt  }
0x5e: {  	_ =	shalt  }
0x5f: {  	_ =	shalt  }
0x60: {  	_ =	shalt  }
0x61: {  	_ =	shalt  }
0x62: {  	_ =	shalt  }
0x63: {  	_ =	shalt  }
0x64: {  	_ =	shalt  }
0x65: {  	_ =	shalt  }
0x66: {  	_ =	shalt  }
0x67: {  	_ =	shalt  }
0x68: {  	_ =	shalt  }
0x69: {  	_ =	shalt  }
0x6a: {  	_ =	shalt  }
0x6b: {  	_ =	shalt  }
0x6c: {  	_ =	shalt  }
0x6d: {  	_ =	shalt  }
0x6e: {  	_ =	shalt  }
0x6f: {  	_ =	shalt  }
0x70: {  	_ =	shalt  }
0x71: {  	_ =	shalt  }
0x72: {  	_ =	shalt  }
0x73: {  	_ =	shalt  }
0x74: {  	_ =	shalt  }
0x75: {  	_ =	shalt  }
0x76: {  	_ =	shalt  }
0x77: {  	_ =	shalt  }
0x78: {  	_ =	shalt  }
0x79: {  	_ =	shalt  }
0x7a: {  	_ =	shalt  }
0x7b: {  	_ =	shalt  }
0x7c: {  	_ =	shalt  }
0x7d: {  	_ =	shalt  }
0x7e: {  	_ =	shalt  }
0x7f: {  	_ =	shalt  }
0x80: {  	_ =	shalt  }
0x81: {  	_ =	shalt  }
0x82: {  	_ =	shalt  }
0x83: {  	_ =	shalt  }
0x84: {  	_ =	shalt  }
0x85: {  	_ =	shalt  }
0x86: {  	_ =	shalt  }
0x87: {  	_ =	shalt  }
.Lfunc_end0:
.L_simem_size_0:
called_computation_lowered:
.L_overlay_start_0:
0x88: {  	s2 =	sld [smem:$0x3FD9]  }
0x89: {  	s3 =	sld [smem:$0x3FFE];
	_ =	sdelay $0x1  }
0x8a: {  	s1 =	srdreg.scid  }
0x8b: {  	s0 =	sand.u32 $0x1, s1  }
0x8c: {  	s17 =	sshll.u32 s0, $0xA;
	s2 =	sadd.s32 s3, s2  }
0x8d: {  	s2 =	sadd.s32 s2, s17  }
0x8e: {  	[smem:$0x3FC5] =	sst s2  }
0x8f: {  	_ = 	snop  }
0x90: {  	s2 =	sld [smem:$0x3FC7]  }
0x91: {  	s18 =	sld [smem:$0x3FD0];
	(tm) =	ssettm $0x1  }
0x92: {  	s4 =	sld [smem:$0x3FFB];
	_ =	sdelay $0x3  }
0x93: {  	_ =	strace s4  }
0x94: {  	s4 =	sld [smem:$0x3FFC];
	_ =	sdelay $0x3  }
0x95: {  	_ =	strace s4  }
0x96: {  	s4 =	sld [smem:$0x3FFD];
	_ =	sdelay $0x3  }
0x97: {  	_ =	strace s4  }
0x98: {  	_ =	strace $0x8FFFFFFF  }
0x99: {  	s19 =	sld [smem:$0x3FDB];
	_ =	sdelay $0x1  }
0x9a: {  	s5 =	simm.s32 $_scs_section_size  }
0x9b: {  	s6 =	simm.s32 $_size__tile_overlayer_lowered;
	s7 =	simm.s32 $_tile_overlayer_lowered  }
0x9c: {  	s22 =	simm.s32 $0x1BFF;
	s21 =	sshll.u32 s7, $0x1;
	s4 =	sadd.s32 s5, s19  }
0x9d: {  	s8 =	simm.s32 $0x0;
	s20 =	sshll.u32 s6, $0x1;
	s6 =	sadd.s32 s21, s4  }
0x9e: {  	[timem:s8], [sflag:s22] =	dma.local [hbm:s6], s20  }
0x9f: {  	_ =	swait.ge [sflag:s22], s20  }
0xa0: {  	s5 =	ssub.s32 $0x0, s20;
	[sflag:s22] =	ssyncset.done $0x0  }
0xa1: {  	[sflag:s22] =	ssyncadd.s32 s5;
	_ =	sdelay $0x1  }
0xa2: {  	s23 =	simm.s32 $0x1B8B  }
0xa3: {  	_ =	swait.ge [sflag:s23], $0x1  }
0xa4: {  	[sflag:s23] =	ssyncset.done $0x0  }
0xa5: {  	s25 =	simm.s32 $0x1B8E;
	s24 =	sld [smem:$0x3FFE];
	[sflag:s23] =	ssyncadd.s32 $0xFFFFFFFF  }
0xa6: {  	s26 =	simm.s32 $execute0_lowered;
	[smem:$0x3FD2] =	sst s25  }
0xa7: {  	s6 =	sshll.u32 s26, $0x1;
	_ =	strace $0x80000046;
	[dreg:$0x1] =	wrdreg $0xFFFFFFFF  }
0xa8: {  	s28 =	simm.s32 $_size_execute0_lowered;
	s4 =	sadd.s32 s4, s6;
	[dreg:$0x0] =	wrdreg $0x0  }
0xa9: {  	s6 =	sshll.u32 s28, $0x1;
	[dreg:$0x2] =	wrdreg s4  }
0xaa: {  	[dreg:$0x3] =	wrdreg s6  }
0xab: {  	[dreg:$0x4] =	wrdreg $0xC0  }
0xac: {  	_ =	task [dreg:s8], $0x5FFFF  }
0xad: {  	[dreg:$0x1] =	wrdreg $0xFFFFFFFF  }
0xae: {  	[dreg:$0x0] =	wrdreg $0x60  }
0xaf: {  	[dreg:$0x2] =	wrdreg s18  }
0xb0: {  	[dreg:$0x3] =	wrdreg s24  }
0xb1: {  	[dreg:$0x4] =	wrdreg s2  }
0xb2: {  	[dreg:$0x5] =	wrdreg $0x9  }
0xb3: {  	_ =	task.clear_ibuf [dreg:s8], $0x6FFFF;
	_ =	strace $0x90000046  }
0xb4: {  	s29 =	simm.s32 $0x9;
	_ =	strace $0x80000048  }
0xb5: {  	_ =	swait.ge [sflag:s29], $0x1  }
0xb6: {  	[sflag:s29] =	ssyncadd.s32 $0xFFFFFFFF  }
0xb7: {  	_ =	strace $0x90000048  }
0xb8: {  	_ =	sfence  }
0xb9: {  	s30 =	sld [smem:$0x0];
	_ =	sdelay $0x2  }
0xba: {  	s31 =	sshll.u32 s1, $0xD;
	s1 =	sshrl.u32 s1, $0x2  }
0xbb: {  	s3 =	sand.u32 $0x4000, s31;
	s1 =	sadd.s32 s1, s30  }
0xbc: {  	s0 =	sor.u32 s3, s0;
	s1 =	sshll.u32 s1, $0x11  }
0xbd: {  	s0 =	sor.u32 s1, s0  }
0xbe: {  	s0 =	sadd.s32 $0x8F2B, s0  }
0xbf: {  	[sflag:s0] =	ssyncadd.remote.s32 $0x1  }
0xc0: {  	_ =	sfence.sel $0xFFFF  }
0xc1: {  	[dreg:$0x0] =	wrdreg $0xFFFFFFFF;
	(pc) =	sbr.abs _section_cstart, $3  }
0xc2: {  	[dreg:$0x1] =	wrdreg $0xFFFFFFFF  }
0xc3: {  	_ =	task.clear_ibuf [dreg:s8], $0x2FFFF;
	_ =	strace $0x9FFFFFFF  }
0xc4: {  	(tm) =	ssettm $0x7FFFFFFF  }
0xc5: {  	_ =	shalt  }
tec
execute0_lowered:
.L_overlay_start_1:
0x0: {  	(tag) =	ssettag $0x1  }
0x1: {  	s1 =	rddreg [dreg:$0x0]  }
0x2: {  	s0 =	rddreg [dreg:$0x1];
	s2 =	simm.s32 $0x0;
	s3 =	srdreg.scid  }
0x3: {  	s7 =	stileid.u32;
	s30 =	simm.s32 $0x40;
	s10 =	simm.s32 $0xE000  }
0x4: {  	s20 =	simm.s32 $0xE800;
	[smem:$0x7FF] =	sst s2;
	s22 =	sadd.s32 $0x400, s0  }
0x5: {  	s5 =	sadd.s32 $0x8400, s0;
	s23 =	sand.u32 $0x1, s3;
	s6 =	sshll.u32 s7, $0x7  }
0x6: {  	s7 =	sshll.u32 s7, $0x1;
	s11 =	sadd.s32 $0x8000, s1;
	s12 =	sadd.s32 $0x10000, s1  }
0x7: {  	s13 =	sadd.s32 $0x18000, s1;
	s14 =	sadd.s32 $0x20000, s1;
	s15 =	sadd.s32 $0x28000, s1  }
0x8: {  	s16 =	sadd.s32 $0x30000, s1;
	s17 =	sadd.s32 $0x38000, s1;
	s18 =	sadd.s32 $0x40000, s1  }
0x9: {  	_ =	strace $0x80000047;
	s3 =	ssub.s32 $0x2, s23;
	s0 =	sshll.u32 s23, $0xB  }
0xa: {  	s24 =	sand.u32 $0xE, s7;
	s23 =	simm.s32 $0xF400;
	s4 =	sshrl.u32 s3, $0x1  }
0xb: {  	s0 =	sor.u32 s6, s0;
	s8 =	smax.u32 s24, $0x2;
	s9 =	smax.u32 s24, $0x1  }
0xc: {  	s3 =	ssub.s32 s3, s4;
	s25 =	sshll.u32 s0, $0x6;
	s8 =	sshll.u32 s8, $0xC  }
0xd: {  	s9 =	sshll.u32 s9, $0xC;
	s4 =	sshll.u32 s24, $0xC;
	s0 =	sshll.u32 s0, $0x7  }
0xe: {  	s7 =	sand.u32 $0x30000, s25;
	s19 =	sand.u32 $0x60000, s0;
	s31 =	smax.u32 s3, $0x1  }
0xf: {  	s25 =	simm.s32 $0x2;
	s0 =	simm.s32 $0xF000;
	s8 =	sor.u32 s7, s8  }
0x10: {  	s9 =	sor.u32 s7, s9;
	s4 =	sor.u32 s4, s7;
	[dreg:$0x8] =	wrdreg s31  }
0x11: {  	s26 =	sadd.s32 $0xFFFFE000, s8;
	s28 =	sadd.s32 $0xFFFFF000, s9;
	s4 =	sshrl.u32 s4, $0x3  }
.Ltmp0:
0x12: {  	s7 =	sshrl.u32 s26, $0x3;
	s4 =	sadd.s32 s22, s4;
	(pc) =	sbr.rel .LBB2_1-.Ltmp0, $4  }
0x13: {  	v0 =	vlaneseq.u32;
	s8 =	sshrl.u32 s28, $0x3;
	s7 =	sadd.s32 s22, s7;
	[dreg:$0x4] =	wrdreg s4  }
0x14: {  	v0 =	vmul.u32 $0x40, v0;
	s9 =	simm.s32 $0x3;
	s2 =	sadd.s32 s22, s8;
	[dreg:$0x5] =	wrdreg s7  }
0x15: {  	s29 =	sadd.s32 $0x200, s4;
	s8 =	simm.s32 $0xD800;
	[dreg:$0x6] =	wrdreg s2  }
0x16: {  	v1 =	vor.u32 $0x3D, v0;
	v2 =	vor.u32 $0x3E, v0;
	v3 =	vor.u32 $0x3F, v0;
	s22 =	simm.s32 $0x10000;
	s4 =	simm.s32 $0x0;
	[dreg:$0x7] =	wrdreg s29  }
.LBB2_8:
0x17: {  	s2 =	simm.s32 $0x4  }
0x18: {  	_ =	swait.ge [sflag:s2], $0x400  }
0x19: {  	[sflag:s2] =	ssyncset.done $0x0  }
0x1a: {  	s3 =	simm.s32 $0x5;
	[sflag:s2] =	ssyncadd.s32 $0xFFFFFC00  }
0x1b: {  	_ =	swait.ge [sflag:s3], $0x400  }
0x1c: {  	s4 =	rddreg [dreg:$0x9]  }
0x1d: {  	s31 =	rddreg [dreg:$0x8];
	s4 =	sadd.s32 $0x1, s4  }
0x1e: {  	p0 =	sne.s32 s4, s31  }
.Ltmp1:
0x1f: {  	_ = 	snop;
	(pc) =	sbr.rel @!p0 .LBB2_9-.Ltmp1, $3  }
0x20: {  	_ =	sdelay $0x1  }
0x21: {  	[sflag:s3] =	ssyncset.done $0x0  }
0x22: {  	[sflag:s3] =	ssyncadd.s32 $0xFFFFFC00  }
.LBB2_1:
0x23: {  	[dreg:$0x9] =	wrdreg s4  }
0x24: {  	s2 =	rddreg [dreg:$0x2]  }
0x25: {  	s3 =	simm.s32 $0x0;
	s21 =	simm.s32 $0xF800;
	s24 =	simm.s32 $0x6  }
0x26: {  	[tilespmem:s21], [sflag:$0x6] =	stream.linear.gather [hbm4b:s2+s3], $0x10, $0x38;
	[tilespmem:$0xF810] =	vst v63  }
0x27: {  	_ =	swait.ge [sflag:s24], $0x10  }
0x28: {  	[sflag:s24] =	ssyncset.done $0x0  }
0x29: {  	s26 =	rddreg [dreg:$0x5];
	[sflag:s24] =	ssyncadd.s32 $0xFFFFFFF0  }
0x2a: {  	v4 =	vld [tilespmem:$0xF800];
	[tilespmem:s3], [sflag:$0x1] =	stream.linear.gather [hbm4b:s26+s3], $0x1000, $0x38  }
0x2b: {  	s7 =	simm.s32 $0x1000;
	s28 =	rddreg [dreg:$0x6]  }
0x2c: {  	[tilespmem:s7], [sflag:$0x1] =	stream.linear.gather [hbm4b:s28+s3], $0x1000, $0x38;
	[tilespmem:$0xF810] =	vst v63  }
0x2d: {  	s21 =	simm.s32 $0x2000;
	s29 =	rddreg [dreg:$0x4]  }
0x2e: {  	[tilespmem:s21], [sflag:$0x1] =	stream.linear.gather [hbm4b:s29+s3], $0x1000, $0x38;
	[tilespmem:$0xF810] =	vst v63  }
0x2f: {  	s24 =	simm.s32 $0x3000  }
0x30: {  	[tilespmem:s24], [sflag:$0x1] =	stream.linear.gather [hbm4b:s28+s3], $0x1000, $0x38;
	[tilespmem:$0xF810] =	vst v63  }
0x31: {  	s31 =	simm.s32 $0x4000  }
0x32: {  	[tilespmem:s31], [sflag:$0x1] =	stream.linear.gather [hbm4b:s29+s3], $0x1000, $0x38;
	[tilespmem:$0xF810] =	vst v63  }
0x33: {  	s4 =	rddreg [dreg:$0x7];
	s26 =	simm.s32 $0x1;
	s24 =	simm.s32 $0x5000  }
0x34: {  	[tilespmem:s24], [sflag:$0x1] =	stream.linear.gather [hbm4b:s4+s3], $0x1000, $0x38;
	[tilespmem:$0xF810] =	vst v63  }
0x35: {  	_ =	swait.ge [sflag:s26], $0x1000  }
0x36: {  	[sflag:s26] =	ssyncset.done $0x0  }
0x37: {  	[sflag:s26] =	ssyncadd.s32 $0xFFFFF000  }
0x38: {  	_ =	swait.ge [sflag:s26], $0x1000  }
0x39: {  	[sflag:s26] =	ssyncset.done $0x0  }
0x3a: {  	[sflag:s26] =	ssyncadd.s32 $0xFFFFF000  }
0x3b: {  	_ =	swait.ge [sflag:s26], $0x1000  }
0x3c: {  	[sflag:s26] =	ssyncset.done $0x0  }
0x3d: {  	[sflag:s26] =	ssyncadd.s32 $0xFFFFF000  }
0x3e: {  	_ =	swait.ge [sflag:s26], $0x1000  }
0x3f: {  	[sflag:s26] =	ssyncset.done $0x0  }
0x40: {  	[sflag:s26] =	ssyncadd.s32 $0xFFFFF000  }
0x41: {  	_ =	swait.ge [sflag:s26], $0x1000  }
0x42: {  	[sflag:s26] =	ssyncset.done $0x0  }
0x43: {  	[sflag:s26] =	ssyncadd.s32 $0xFFFFF000  }
0x44: {  	_ =	swait.ge [sflag:s26], $0x1000  }
0x45: {  	[sflag:s26] =	ssyncset.done $0x0  }
0x46: {  	s28 =	simm.s32 $0x6000;
	[sflag:s26] =	ssyncadd.s32 $0xFFFFF000  }
0x47: {  	[tilespmem:s28], [sflag:$0x2] =	stream.indirect.gather [hbm4b:s1+s30], $0x20, s3, s30, $0xb8;
	[tilespmem:$0xF810] =	vst v63  }
0x48: {  	s29 =	simm.s32 $0x6800  }
0x49: {  	[tilespmem:s29], [sflag:$0x2] =	stream.indirect.gather [hbm4b:s11+s30], $0x20, s3, s30, $0xb8;
	[tilespmem:$0xF810] =	vst v63  }
0x4a: {  	s31 =	simm.s32 $0x7000  }
0x4b: {  	[tilespmem:s31], [sflag:$0x2] =	stream.indirect.gather [hbm4b:s12+s30], $0x20, s30, s30, $0xb8;
	[tilespmem:$0xF810] =	vst v63  }
0x4c: {  	s4 =	simm.s32 $0x7800  }
0x4d: {  	[tilespmem:s4], [sflag:$0x2] =	stream.indirect.gather [hbm4b:s13+s30], $0x20, s7, s30, $0xb8;
	[tilespmem:$0xF810] =	vst v63  }
0x4e: {  	s24 =	simm.s32 $0x8000  }
0x4f: {  	[tilespmem:s24], [sflag:$0x2] =	stream.indirect.gather [hbm4b:s14+s30], $0x20, s7, s30, $0xb8;
	[tilespmem:$0xF810] =	vst v63  }
0x50: {  	s2 =	simm.s32 $0x1040;
	s26 =	simm.s32 $0x8800  }
0x51: {  	[tilespmem:s26], [sflag:$0x2] =	stream.indirect.gather [hbm4b:s15+s30], $0x20, s2, s30, $0xb8;
	[tilespmem:$0xF810] =	vst v63  }
0x52: {  	s28 =	simm.s32 $0x9000  }
0x53: {  	[tilespmem:s28], [sflag:$0x2] =	stream.indirect.gather [hbm4b:s16+s30], $0x20, s21, s30, $0xb8;
	[tilespmem:$0xF810] =	vst v63  }
0x54: {  	s29 =	simm.s32 $0x9800  }
0x55: {  	[tilespmem:s29], [sflag:$0x2] =	stream.indirect.gather [hbm4b:s17+s30], $0x20, s21, s30, $0xb8;
	[tilespmem:$0xF810] =	vst v63  }
0x56: {  	s31 =	simm.s32 $0xA000;
	s4 =	simm.s32 $0x2040  }
0x57: {  	[tilespmem:s31], [sflag:$0x2] =	stream.indirect.gather [hbm4b:s18+s30], $0x20, s4, s30, $0xb8;
	[tilespmem:$0xF810] =	vst v63  }
0x58: {  	s26 =	simm.s32 $0xA800  }
0x59: {  	[tilespmem:s26], [sflag:$0x3] =	stream.indirect.gather [hbm4b:s1+s30], $0x20, s3, s30, $0xb8;
	[tilespmem:$0xF810] =	vst v63  }
0x5a: {  	s28 =	simm.s32 $0xB000  }
0x5b: {  	[tilespmem:s28], [sflag:$0x3] =	stream.indirect.gather [hbm4b:s11+s30], $0x20, s30, s30, $0xb8;
	[tilespmem:$0xF810] =	vst v63  }
0x5c: {  	s29 =	simm.s32 $0x80;
	s31 =	simm.s32 $0xB800  }
0x5d: {  	[tilespmem:s31], [sflag:$0x3] =	stream.indirect.gather [hbm4b:s12+s30], $0x20, s29, s30, $0xb8;
	[tilespmem:$0xF810] =	vst v63  }
0x5e: {  	s24 =	simm.s32 $0xC000  }
0x5f: {  	[tilespmem:s24], [sflag:$0x3] =	stream.indirect.gather [hbm4b:s13+s30], $0x20, s7, s30, $0xb8;
	[tilespmem:$0xF810] =	vst v63  }
0x60: {  	s26 =	simm.s32 $0xC800  }
0x61: {  	[tilespmem:s26], [sflag:$0x3] =	stream.indirect.gather [hbm4b:s14+s30], $0x20, s2, s30, $0xb8;
	[tilespmem:$0xF810] =	vst v63  }
0x62: {  	s28 =	simm.s32 $0x1080;
	s29 =	simm.s32 $0xD000  }
0x63: {  	[tilespmem:s29], [sflag:$0x3] =	stream.indirect.gather [hbm4b:s15+s30], $0x20, s28, s30, $0xb8;
	[tilespmem:$0xF810] =	vst v63  }
0x64: {  	_ = 	snop  }
0x65: {  	[tilespmem:s8], [sflag:$0x3] =	stream.indirect.gather [hbm4b:s16+s30], $0x20, s21, s30, $0xb8;
	[tilespmem:$0xF810] =	vst v63  }
0x66: {  	_ = 	snop  }
0x67: {  	[tilespmem:s10], [sflag:$0x3] =	stream.indirect.gather [hbm4b:s17+s30], $0x20, s4, s30, $0xb8;
	[tilespmem:$0xF810] =	vst v63  }
0x68: {  	s31 =	simm.s32 $0x2080;
	s7 =	simm.s32 $0x0  }
0x69: {  	[tilespmem:s20], [sflag:$0x3] =	stream.indirect.gather [hbm4b:s18+s30], $0x20, s31, s30, $0xb8;
	[tilespmem:$0xF810] =	vst v63  }
.LBB2_2:
0x6a: {  	_ =	swait.ge [sflag:s25], $0x800  }
0x6b: {  	[sflag:s25] =	ssyncset.done $0x0  }
0x6c: {  	[sflag:s25] =	ssyncadd.s32 $0xFFFFF800  }
0x6d: {  	_ =	swait.ge [sflag:s25], $0x800  }
0x6e: {  	[sflag:s25] =	ssyncset.done $0x0  }
0x6f: {  	[sflag:s25] =	ssyncadd.s32 $0xFFFFF800  }
0x70: {  	_ =	swait.ge [sflag:s25], $0x800  }
0x71: {  	[sflag:s25] =	ssyncset.done $0x0  }
0x72: {  	[sflag:s25] =	ssyncadd.s32 $0xFFFFF800  }
0x73: {  	_ =	swait.ge [sflag:s25], $0x800  }
0x74: {  	[sflag:s25] =	ssyncset.done $0x0  }
0x75: {  	[sflag:s25] =	ssyncadd.s32 $0xFFFFF800  }
0x76: {  	_ =	swait.ge [sflag:s25], $0x800  }
0x77: {  	[sflag:s25] =	ssyncset.done $0x0  }
0x78: {  	[sflag:s25] =	ssyncadd.s32 $0xFFFFF800  }
0x79: {  	_ =	swait.ge [sflag:s25], $0x800  }
0x7a: {  	[sflag:s25] =	ssyncset.done $0x0  }
0x7b: {  	[sflag:s25] =	ssyncadd.s32 $0xFFFFF800  }
0x7c: {  	_ =	swait.ge [sflag:s25], $0x800  }
0x7d: {  	[sflag:s25] =	ssyncset.done $0x0  }
0x7e: {  	[sflag:s25] =	ssyncadd.s32 $0xFFFFF800  }
0x7f: {  	_ =	swait.ge [sflag:s25], $0x800  }
0x80: {  	[sflag:s25] =	ssyncset.done $0x0  }
0x81: {  	[sflag:s25] =	ssyncadd.s32 $0xFFFFF800  }
0x82: {  	_ =	swait.ge [sflag:s25], $0x800  }
0x83: {  	p0 =	seq.s32 s7, $0x0;
	[sflag:s25] =	ssyncset.done $0x0  }
0x84: {  	s2 =	simm.s32 @!p0 $0x4;
	[sflag:s25] =	ssyncadd.s32 $0xFFFFF800  }
0x85: {  	_ =	swait.ge @!p0 [sflag:s2], $0x400  }
0x86: {  	[sflag:s2] =	ssyncset.done @!p0 $0x0  }
0x87: {  	[sflag:s2] =	ssyncadd.s32 @!p0 $0xFFFFFC00  }
0x88: {  	v5 =	vld [tilespmem:$0x6000]  }
0x89: {  	v6 =	vld [tilespmem:$0x6800]  }
0x8a: {  	v7 =	vld [tilespmem:$0x7000]  }
0x8b: {  	v8 =	vld [tilespmem:$0x7800]  }
0x8c: {  	v9 =	vld [tilespmem:$0x8000]  }
0x8d: {  	v10 =	vld [tilespmem:$0x8800]  }
0x8e: {  	v11 =	vld [tilespmem:$0x9000]  }
0x8f: {  	v12 =	vld [tilespmem:$0x9800]  }
0x90: {  	v13 =	vld [tilespmem:$0x6030]  }
0x91: {  	v14 =	vld [tilespmem:$0x6830]  }
0x92: {  	v15 =	vld [tilespmem:$0x7030]  }
0x93: {  	v16 =	vld [tilespmem:$0x7830]  }
0x94: {  	v17 =	vld [tilespmem:$0x8030]  }
0x95: {  	v18 =	vld [tilespmem:$0x8830]  }
0x96: {  	v19 =	vld [tilespmem:$0x9030]  }
0x97: {  	v20 =	vld [tilespmem:$0x9830];
	_ =	sdelay $0x1  }
0x98: {  	v5 =	vadd.bf16 v6, v5;
	v6 =	vadd.bf16 v8, v7  }
0x99: {  	v7 =	vadd.bf16 v10, v9;
	v55 =	vadd.bf16 v12, v11  }
0x9a: {  	v56 =	vadd.bf16 v14, v13;
	v57 =	vadd.bf16 v16, v15  }
0x9b: {  	v58 =	vld [tilespmem:$0xA000];
	v59 =	vadd.bf16 v18, v17;
	v60 =	vadd.bf16 v20, v19  }
0x9c: {  	v5 =	vadd.bf16 v6, v5;
	v6 =	vadd.bf16 v55, v7;
	v7 =	vld [tilespmem:$0xA030]  }
0x9d: {  	v61 =	vadd.bf16 v57, v56;
	v62 =	vadd.bf16 v60, v59;
	_ =	sdelay $0x1  }
0x9e: {  	v5 =	vadd.bf16 v6, v5;
	v6 =	vadd.bf16 v62, v61;
	_ =	sdelay $0x1  }
0x9f: {  	v5 =	vadd.bf16 v5, v58;
	v6 =	vadd.bf16 v6, v7;
	_ =	sdelay $0x1  }
0xa0: {  	v7 =	vunpack.i.u.bf16.f32 v5;
	v5 =	vunpack.i.l.bf16.f32 v5;
	v6 =	vunpack.i.l.bf16.f32 v6  }
0xa1: {  	v63 =	vadd.f32 v5, v4;
	v6 =	vadd.f32 v6, v7;
	_ =	sdelay $0x1  }
0xa2: {  	v6 =	vadd.f32 v6, v63  }
0xa3: {  	s3 =	sshll.u32 s7, $0x1  }
0xa4: {  	s29 =	simm.s32 $0xFFFFFFFC;
	s24 =	sadd.s32 s6, s3;
	s2 =	simm.s32 $0x0;
	[tilespmem:v0+s0+$0x0] =	vst.idx.msk $0xffff, v6  }
.LBB2_3:
0xa5: {  	s21 =	sshra.s32 s2, $0x2  }
0xa6: {  	v6 =	vld [tilespmem:s21+$0x6020]  }
0xa7: {  	v7 =	vld [tilespmem:s21+$0x6820]  }
0xa8: {  	v8 =	vld [tilespmem:s21+$0x7020]  }
0xa9: {  	v9 =	vld [tilespmem:s21+$0x7820]  }
0xaa: {  	v10 =	vld [tilespmem:s21+$0x8020]  }
0xab: {  	v11 =	vld [tilespmem:s21+$0x8820]  }
0xac: {  	v12 =	vld [tilespmem:s21+$0x9020]  }
0xad: {  	v13 =	vld [tilespmem:s21+$0x9820]  }
0xae: {  	v14 =	vld [tilespmem:s21+$0x6050]  }
0xaf: {  	v15 =	vld [tilespmem:s21+$0x6850]  }
0xb0: {  	v16 =	vld [tilespmem:s21+$0x7050]  }
0xb1: {  	v17 =	vld [tilespmem:s21+$0x7850]  }
0xb2: {  	v18 =	vld [tilespmem:s21+$0x8050]  }
0xb3: {  	v19 =	vld [tilespmem:s21+$0x8850]  }
0xb4: {  	v20 =	vld [tilespmem:s21+$0x9050]  }
0xb5: {  	v21 =	vld [tilespmem:s21+$0x9850];
	_ =	sdelay $0x1  }
0xb6: {  	v6 =	vadd.bf16 v7, v6;
	v7 =	vadd.bf16 v9, v8  }
0xb7: {  	v61 =	vadd.bf16 v11, v10;
	v62 =	vadd.bf16 v13, v12  }
0xb8: {  	v63 =	vadd.bf16 v15, v14;
	v16 =	vadd.bf16 v17, v16  }
0xb9: {  	v17 =	vld [tilespmem:s21+$0xA020];
	v19 =	vadd.bf16 v19, v18;
	v20 =	vadd.bf16 v21, v20  }
0xba: {  	v21 =	vld [tilespmem:s21+$0xA050];
	v6 =	vadd.bf16 v7, v6;
	v7 =	vadd.bf16 v62, v61  }
0xbb: {  	v22 =	vadd.bf16 v16, v63;
	v23 =	vadd.bf16 v20, v19  }
0xbc: {  	s28 =	sadd.s32 $0x5, s29  }
0xbd: {  	v24 =	vmov s28;
	v6 =	vadd.bf16 v7, v6;
	v7 =	vadd.bf16 v23, v22  }
0xbe: {  	v9 =	vand.u32 $0x3D, v24  }
0xbf: {  	v25 =	vbroadcast v9, $0x0;
	v6 =	vadd.bf16 v6, v17;
	v7 =	vadd.bf16 v7, v21;
	_ =	sdelay $0x1  }
0xc0: {  	v8 =	vor.u32 v0, v25;
	v26 =	vunpack.i.u.bf16.f32 v6;
	v7 =	vunpack.i.l.bf16.f32 v7  }
0xc1: {  	v5 =	vadd.f32 v5, v4;
	v7 =	vadd.f32 v7, v26;
	_ =	sdelay $0x1  }
0xc2: {  	v5 =	vadd.f32 v7, v5;
	_ =	sdelay $0x1  }
0xc3: {  	[tilespmem:v8+s0+$0x0] =	vst.idx.msk $0xffff, v5  }
0xc4: {  	v5 =	vld [tilespmem:s21+$0x6040]  }
0xc5: {  	v7 =	vld [tilespmem:s21+$0x6840]  }
0xc6: {  	v8 =	vld [tilespmem:s21+$0x7040]  }
0xc7: {  	v27 =	vld [tilespmem:s21+$0x7840]  }
0xc8: {  	v28 =	vld [tilespmem:s21+$0x8040]  }
0xc9: {  	v29 =	vld [tilespmem:s21+$0x8840]  }
0xca: {  	v30 =	vld [tilespmem:s21+$0x9040]  }
0xcb: {  	v31 =	vld [tilespmem:s21+$0x9840]  }
0xcc: {  	v32 =	vld [tilespmem:s21+$0x6070]  }
0xcd: {  	v33 =	vld [tilespmem:s21+$0x6870]  }
0xce: {  	v34 =	vld [tilespmem:s21+$0x7070]  }
0xcf: {  	v35 =	vld [tilespmem:s21+$0x7870]  }
0xd0: {  	v36 =	vld [tilespmem:s21+$0x8070]  }
0xd1: {  	v37 =	vld [tilespmem:s21+$0x8870]  }
0xd2: {  	v38 =	vld [tilespmem:s21+$0x9070]  }
0xd3: {  	v39 =	vld [tilespmem:s21+$0x9870];
	_ =	sdelay $0x1  }
0xd4: {  	v5 =	vadd.bf16 v7, v5;
	v7 =	vadd.bf16 v27, v8  }
0xd5: {  	v40 =	vadd.bf16 v29, v28;
	v41 =	vadd.bf16 v31, v30  }
0xd6: {  	v42 =	vadd.bf16 v33, v32;
	v43 =	vadd.bf16 v35, v34  }
0xd7: {  	v44 =	vld [tilespmem:s21+$0xA040];
	v45 =	vadd.bf16 v37, v36;
	v46 =	vadd.bf16 v39, v38  }
0xd8: {  	v47 =	vld [tilespmem:s21+$0xA070];
	v5 =	vadd.bf16 v7, v5;
	v7 =	vadd.bf16 v41, v40  }
0xd9: {  	v48 =	vadd.bf16 v43, v42;
	v49 =	vadd.bf16 v46, v45  }
0xda: {  	s4 =	sadd.s32 $0x6, s29  }
0xdb: {  	v50 =	vmov s4;
	v5 =	vadd.bf16 v7, v5;
	v7 =	vadd.bf16 v49, v48  }
0xdc: {  	v9 =	vand.u32 $0x3E, v50  }
0xdd: {  	v51 =	vbroadcast v9, $0x0;
	v5 =	vadd.bf16 v5, v44;
	v7 =	vadd.bf16 v7, v47  }
0xde: {  	v6 =	vunpack.i.l.bf16.f32 v6  }
0xdf: {  	v8 =	vor.u32 v0, v51;
	v52 =	vunpack.i.u.bf16.f32 v5;
	v7 =	vunpack.i.l.bf16.f32 v7  }
0xe0: {  	v6 =	vadd.f32 v6, v4;
	v7 =	vadd.f32 v7, v52;
	_ =	sdelay $0x1  }
0xe1: {  	v6 =	vadd.f32 v7, v6;
	_ =	sdelay $0x1  }
0xe2: {  	[tilespmem:v8+s0+$0x0] =	vst.idx.msk $0xffff, v6  }
0xe3: {  	v6 =	vld [tilespmem:s21+$0x6060]  }
0xe4: {  	v7 =	vld [tilespmem:s21+$0x6860]  }
0xe5: {  	v8 =	vld [tilespmem:s21+$0x7060]  }
0xe6: {  	v53 =	vld [tilespmem:s21+$0x7860]  }
0xe7: {  	v54 =	vld [tilespmem:s21+$0x8060]  }
0xe8: {  	v55 =	vld [tilespmem:s21+$0x8860]  }
0xe9: {  	v56 =	vld [tilespmem:s21+$0x9060]  }
0xea: {  	v57 =	vld [tilespmem:s21+$0x9860]  }
0xeb: {  	v58 =	vld [tilespmem:s21+$0x6090]  }
0xec: {  	v59 =	vld [tilespmem:s21+$0x6890]  }
0xed: {  	v60 =	vld [tilespmem:s21+$0x7090]  }
0xee: {  	v61 =	vld [tilespmem:s21+$0x7890]  }
0xef: {  	v62 =	vld [tilespmem:s21+$0x8090]  }
0xf0: {  	v63 =	vld [tilespmem:s21+$0x8890]  }
0xf1: {  	v24 =	vld [tilespmem:s21+$0x9090]  }
0xf2: {  	v25 =	vld [tilespmem:s21+$0x9890];
	_ =	sdelay $0x1  }
0xf3: {  	v6 =	vadd.bf16 v7, v6;
	v7 =	vadd.bf16 v53, v8  }
0xf4: {  	v26 =	vadd.bf16 v55, v54;
	v27 =	vadd.bf16 v57, v56  }
0xf5: {  	v28 =	vadd.bf16 v59, v58;
	v29 =	vadd.bf16 v61, v60  }
0xf6: {  	v30 =	vld [tilespmem:s21+$0xA060];
	v31 =	vadd.bf16 v63, v62;
	v32 =	vadd.bf16 v25, v24  }
0xf7: {  	v33 =	vld [tilespmem:s21+$0xA090];
	v6 =	vadd.bf16 v7, v6;
	v7 =	vadd.bf16 v27, v26  }
0xf8: {  	v34 =	vadd.bf16 v29, v28;
	v35 =	vadd.bf16 v32, v31  }
0xf9: {  	s26 =	sadd.s32 $0x7, s29  }
0xfa: {  	v36 =	vmov s26;
	v6 =	vadd.bf16 v7, v6;
	v7 =	vadd.bf16 v35, v34  }
0xfb: {  	v9 =	vand.u32 $0x3F, v36  }
0xfc: {  	v37 =	vbroadcast v9, $0x0;
	v6 =	vadd.bf16 v6, v30;
	v7 =	vadd.bf16 v7, v33  }
0xfd: {  	v5 =	vunpack.i.l.bf16.f32 v5  }
0xfe: {  	v8 =	vor.u32 v0, v37;
	v38 =	vunpack.i.u.bf16.f32 v6;
	v7 =	vunpack.i.l.bf16.f32 v7  }
0xff: {  	v5 =	vadd.f32 v5, v4;
	v7 =	vadd.f32 v7, v38;
	_ =	sdelay $0x1  }
0x100: {  	v5 =	vadd.f32 v7, v5;
	_ =	sdelay $0x1  }
0x101: {  	[tilespmem:v8+s0+$0x0] =	vst.idx.msk $0xffff, v5  }
0x102: {  	v5 =	vld [tilespmem:s21+$0x6080]  }
0x103: {  	v7 =	vld [tilespmem:s21+$0x6880]  }
0x104: {  	v8 =	vld [tilespmem:s21+$0x7080]  }
0x105: {  	v39 =	vld [tilespmem:s21+$0x7880]  }
0x106: {  	v40 =	vld [tilespmem:s21+$0x8080]  }
0x107: {  	v41 =	vld [tilespmem:s21+$0x8880]  }
0x108: {  	v42 =	vld [tilespmem:s21+$0x9080]  }
0x109: {  	v43 =	vld [tilespmem:s21+$0x9880]  }
0x10a: {  	v44 =	vld [tilespmem:s21+$0x60B0]  }
0x10b: {  	v45 =	vld [tilespmem:s21+$0x68B0]  }
0x10c: {  	v46 =	vld [tilespmem:s21+$0x70B0]  }
0x10d: {  	v47 =	vld [tilespmem:s21+$0x78B0]  }
0x10e: {  	v48 =	vld [tilespmem:s21+$0x80B0]  }
0x10f: {  	v49 =	vld [tilespmem:s21+$0x88B0]  }
0x110: {  	v50 =	vld [tilespmem:s21+$0x90B0]  }
0x111: {  	v51 =	vld [tilespmem:s21+$0x98B0];
	_ =	sdelay $0x1  }
0x112: {  	v5 =	vadd.bf16 v7, v5;
	v7 =	vadd.bf16 v39, v8  }
0x113: {  	v52 =	vadd.bf16 v41, v40;
	v53 =	vadd.bf16 v43, v42  }
0x114: {  	v54 =	vadd.bf16 v45, v44;
	v55 =	vadd.bf16 v47, v46  }
0x115: {  	v56 =	vld [tilespmem:s21+$0xA080];
	v57 =	vadd.bf16 v49, v48;
	v58 =	vadd.bf16 v51, v50  }
0x116: {  	v59 =	vld [tilespmem:s21+$0xA0B0];
	v5 =	vadd.bf16 v7, v5;
	v7 =	vadd.bf16 v53, v52  }
0x117: {  	v60 =	vadd.bf16 v55, v54;
	v61 =	vadd.bf16 v58, v57;
	_ =	sdelay $0x1  }
0x118: {  	v5 =	vadd.bf16 v7, v5;
	v7 =	vadd.bf16 v61, v60  }
0x119: {  	s31 =	sadd.s32 $0x8, s29  }
0x11a: {  	v62 =	vmov s31;
	v5 =	vadd.bf16 v5, v56;
	v7 =	vadd.bf16 v7, v59  }
0x11b: {  	s29 =	sadd.s32 $0x4, s29;
	v6 =	vunpack.i.l.bf16.f32 v6;
	v8 =	vand.u32 $0x7C, v62  }
0x11c: {  	p1 =	slt.u32 s29, $0x38;
	v8 =	vadd.s32 v0, v8;
	v63 =	vunpack.i.u.bf16.f32 v5;
	v7 =	vunpack.i.l.bf16.f32 v7  }
.Ltmp2:
0x11d: {  	v6 =	vadd.f32 v6, v4;
	v7 =	vadd.f32 v7, v63;
	(pc) =	sbr.rel @p1 .LBB2_3-.Ltmp2, $3  }
0x11e: {  	_ = 	snop  }
0x11f: {  	v6 =	vadd.f32 v7, v6;
	_ =	sdelay $0x1  }
0x120: {  	s2 =	sadd.s32 $0x200, s2;
	v5 =	vunpack.i.l.bf16.f32 v5;
	[tilespmem:v8+s0+$0x0] =	vst.idx.msk $0xffff, v6  }
0x121: {  	v6 =	vld [tilespmem:$0x67A0]  }
0x122: {  	v7 =	vld [tilespmem:$0x6FA0]  }
0x123: {  	v8 =	vld [tilespmem:$0x77A0]  }
0x124: {  	v9 =	vld [tilespmem:$0x7FA0]  }
0x125: {  	v10 =	vld [tilespmem:$0x87A0]  }
0x126: {  	v11 =	vld [tilespmem:$0x8FA0]  }
0x127: {  	v12 =	vld [tilespmem:$0x97A0]  }
0x128: {  	v13 =	vld [tilespmem:$0x9FA0]  }
0x129: {  	v14 =	vld [tilespmem:$0x67D0]  }
0x12a: {  	v15 =	vld [tilespmem:$0x6FD0]  }
0x12b: {  	v16 =	vld [tilespmem:$0x77D0]  }
0x12c: {  	v17 =	vld [tilespmem:$0x7FD0]  }
0x12d: {  	v18 =	vld [tilespmem:$0x87D0]  }
0x12e: {  	v19 =	vld [tilespmem:$0x8FD0]  }
0x12f: {  	v20 =	vld [tilespmem:$0x97D0]  }
0x130: {  	v21 =	vld [tilespmem:$0x9FD0];
	_ =	sdelay $0x1  }
0x131: {  	v6 =	vadd.bf16 v7, v6;
	v7 =	vadd.bf16 v9, v8  }
0x132: {  	v22 =	vadd.bf16 v11, v10;
	v23 =	vadd.bf16 v13, v12  }
0x133: {  	v24 =	vadd.bf16 v15, v14;
	v25 =	vadd.bf16 v17, v16  }
0x134: {  	v26 =	vld [tilespmem:$0xA7A0];
	v27 =	vadd.bf16 v19, v18;
	v28 =	vadd.bf16 v21, v20  }
0x135: {  	v29 =	vld [tilespmem:$0xA7D0];
	v6 =	vadd.bf16 v7, v6;
	v7 =	vadd.bf16 v23, v22  }
0x136: {  	v30 =	vadd.bf16 v25, v24;
	v31 =	vadd.bf16 v28, v27;
	_ =	sdelay $0x1  }
0x137: {  	v6 =	vadd.bf16 v7, v6;
	v7 =	vadd.bf16 v31, v30;
	_ =	sdelay $0x1  }
0x138: {  	v6 =	vadd.bf16 v6, v26;
	v7 =	vadd.bf16 v7, v29;
	_ =	sdelay $0x1  }
0x139: {  	v32 =	vunpack.i.u.bf16.f32 v6;
	v7 =	vunpack.i.l.bf16.f32 v7  }
0x13a: {  	v5 =	vadd.f32 v5, v4;
	v7 =	vadd.f32 v7, v32;
	_ =	sdelay $0x1  }
0x13b: {  	v5 =	vadd.f32 v7, v5;
	_ =	sdelay $0x1  }
0x13c: {  	[tilespmem:v1+s0+$0x0] =	vst.idx.msk $0xffff, v5  }
0x13d: {  	v5 =	vld [tilespmem:$0x67C0]  }
0x13e: {  	v7 =	vld [tilespmem:$0x6FC0]  }
0x13f: {  	v33 =	vld [tilespmem:$0x77C0]  }
0x140: {  	v34 =	vld [tilespmem:$0x7FC0]  }
0x141: {  	v35 =	vld [tilespmem:$0x87C0]  }
0x142: {  	v36 =	vld [tilespmem:$0x8FC0]  }
0x143: {  	v37 =	vld [tilespmem:$0x97C0]  }
0x144: {  	v38 =	vld [tilespmem:$0x9FC0]  }
0x145: {  	v39 =	vld [tilespmem:$0x67F0]  }
0x146: {  	v40 =	vld [tilespmem:$0x6FF0]  }
0x147: {  	v41 =	vld [tilespmem:$0x77F0]  }
0x148: {  	v42 =	vld [tilespmem:$0x7FF0]  }
0x149: {  	v43 =	vld [tilespmem:$0x87F0]  }
0x14a: {  	v44 =	vld [tilespmem:$0x8FF0]  }
0x14b: {  	v45 =	vld [tilespmem:$0x97F0]  }
0x14c: {  	v46 =	vld [tilespmem:$0x9FF0];
	_ =	sdelay $0x1  }
0x14d: {  	v5 =	vadd.bf16 v7, v5;
	v7 =	vadd.bf16 v34, v33  }
0x14e: {  	v47 =	vadd.bf16 v36, v35;
	v48 =	vadd.bf16 v38, v37  }
0x14f: {  	v49 =	vadd.bf16 v40, v39;
	v50 =	vadd.bf16 v42, v41  }
0x150: {  	v51 =	vld [tilespmem:$0xA7C0];
	v52 =	vadd.bf16 v44, v43;
	v53 =	vadd.bf16 v46, v45  }
0x151: {  	v54 =	vld [tilespmem:$0xA7F0];
	v5 =	vadd.bf16 v7, v5;
	v7 =	vadd.bf16 v48, v47  }
0x152: {  	v55 =	vadd.bf16 v50, v49;
	v56 =	vadd.bf16 v53, v52;
	_ =	sdelay $0x1  }
0x153: {  	v5 =	vadd.bf16 v7, v5;
	v7 =	vadd.bf16 v56, v55;
	_ =	sdelay $0x1  }
0x154: {  	v5 =	vadd.bf16 v5, v51;
	v7 =	vadd.bf16 v7, v54;
	_ =	sdelay $0x1  }
0x155: {  	v6 =	vunpack.i.l.bf16.f32 v6;
	v57 =	vunpack.i.u.bf16.f32 v5;
	v7 =	vunpack.i.l.bf16.f32 v7  }
0x156: {  	v6 =	vadd.f32 v6, v4;
	v7 =	vadd.f32 v7, v57;
	_ =	sdelay $0x1  }
0x157: {  	v6 =	vadd.f32 v7, v6;
	_ =	sdelay $0x1  }
0x158: {  	[tilespmem:v2+s0+$0x0] =	vst.idx.msk $0xffff, v6  }
0x159: {  	v6 =	vld [tilespmem:$0x67E0]  }
0x15a: {  	v7 =	vld [tilespmem:$0x6FE0]  }
0x15b: {  	v58 =	vld [tilespmem:$0x77E0]  }
0x15c: {  	v59 =	vld [tilespmem:$0x7FE0]  }
0x15d: {  	v60 =	vld [tilespmem:$0x87E0]  }
0x15e: {  	v61 =	vld [tilespmem:$0x8FE0]  }
0x15f: {  	v62 =	vld [tilespmem:$0x97E0]  }
0x160: {  	v63 =	vld [tilespmem:$0x9FE0]  }
0x161: {  	v24 =	vld [tilespmem:$0x67F0]  }
0x162: {  	v25 =	vld [tilespmem:$0x6FF0]  }
0x163: {  	v26 =	vld [tilespmem:$0x77F0]  }
0x164: {  	v27 =	vld [tilespmem:$0x7FF0]  }
0x165: {  	v28 =	vld [tilespmem:$0x87F0]  }
0x166: {  	v29 =	vld [tilespmem:$0x8FF0]  }
0x167: {  	v30 =	vld [tilespmem:$0x97F0]  }
0x168: {  	v31 =	vld [tilespmem:$0x9FF0];
	_ =	sdelay $0x1  }
0x169: {  	v6 =	vadd.bf16 v7, v6;
	v7 =	vadd.bf16 v59, v58  }
0x16a: {  	v32 =	vadd.bf16 v61, v60;
	v33 =	vadd.bf16 v63, v62  }
0x16b: {  	v34 =	vadd.bf16 v25, v24;
	v35 =	vadd.bf16 v27, v26  }
0x16c: {  	v36 =	vld [tilespmem:$0xA7E0];
	v37 =	vadd.bf16 v29, v28;
	v38 =	vadd.bf16 v31, v30  }
0x16d: {  	v39 =	vld [tilespmem:$0xA7F0];
	v6 =	vadd.bf16 v7, v6;
	v7 =	vadd.bf16 v33, v32  }
0x16e: {  	v40 =	vadd.bf16 v35, v34;
	v41 =	vadd.bf16 v38, v37;
	_ =	sdelay $0x1  }
0x16f: {  	v6 =	vadd.bf16 v7, v6;
	v7 =	vadd.bf16 v41, v40;
	_ =	sdelay $0x1  }
0x170: {  	v6 =	vadd.bf16 v6, v36;
	v7 =	vadd.bf16 v7, v39;
	_ =	sdelay $0x1  }
0x171: {  	v5 =	vunpack.i.l.bf16.f32 v5;
	v6 =	vunpack.i.u.bf16.f32 v6;
	v7 =	vunpack.i.l.bf16.f32 v7  }
0x172: {  	v5 =	vadd.f32 v5, v4;
	v6 =	vadd.f32 v7, v6  }
0x173: {  	s2 =	sshll.u32 s24, $0x3;
	s21 =	sshll.u32 s7, $0x4  }
0x174: {  	s2 =	sand.u32 $0x1E00, s2;
	s29 =	sand.u32 $0x1F0, s21;
	v5 =	vadd.f32 v6, v5  }
0x175: {  	s24 =	sor.u32 s19, s2;
	s31 =	sadd.s32 s5, s29  }
0x176: {  	p1 =	seq.s32 s7, $0x3F;
	s2 =	sadd.s32 s24, s31;
	[tilespmem:v3+s0+$0x0] =	vst.idx.msk $0xffff, v5  }
0x177: {  	[hbm4b:s2+s30] =	stream.strided.scatter [tilespmem:s0], [sflag:$0x4], $0x400, s22, s30, $0x38;
	[tilespmem:$0xF810] =	vst v63  }
0x178: {  	s2 =	sadd.s32 @!p1 $0x2, s3  }
0x179: {  	s21 =	sand.u32 @!p1 $0x3E, s2;
	s2 =	sshll.u32 @!p1 s2, $0x19  }
0x17a: {  	s28 =	smax.u32 @!p1 s21, $0x1;
	s2 =	sshra.s32 @!p1 s2, $0x1F  }
0x17b: {  	s2 =	sand.u32 @!p1 $0x3000, s2;
	s28 =	sshll.u32 @!p1 s28, $0x6  }
0x17c: {  	s4 =	simm.s32 @!p1 $0x40;
	s28 =	sor.u32 @!p1 s28, s2  }
0x17d: {  	s26 =	simm.s32 @!p1 $0x6000;
	s21 =	sshll.u32 @!p1 s21, $0x6;
	s31 =	sadd.s32 @!p1 $0xFFFFFFC0, s28  }
0x17e: {  	[tilespmem:s26], [sflag:$0x2] =	stream.indirect.gather @!p1 [hbm4b:s1+s4], $0x20, s31, s4, $0xb8;
	[tilespmem:$0xF810] =	vst v63  }
0x17f: {  	s2 =	sor.u32 @!p1 s21, s2;
	s21 =	simm.s32 @!p1 $0x6800  }
0x180: {  	[tilespmem:s21], [sflag:$0x2] =	stream.indirect.gather @!p1 [hbm4b:s11+s4], $0x20, s2, s4, $0xb8;
	[tilespmem:$0xF810] =	vst v63  }
0x181: {  	s26 =	simm.s32 @!p1 $0x7000;
	s21 =	sor.u32 @!p1 $0x40, s2  }
0x182: {  	[tilespmem:s26], [sflag:$0x2] =	stream.indirect.gather @!p1 [hbm4b:s12+s4], $0x20, s21, s4, $0xb8;
	[tilespmem:$0xF810] =	vst v63  }
0x183: {  	s21 =	sadd.s32 @!p1 $0xFC0, s28;
	s26 =	simm.s32 @!p1 $0x7800  }
0x184: {  	[tilespmem:s26], [sflag:$0x2] =	stream.indirect.gather @!p1 [hbm4b:s13+s4], $0x20, s21, s4, $0xb8;
	[tilespmem:$0xF810] =	vst v63  }
0x185: {  	s21 =	sadd.s32 @!p1 $0x1000, s2;
	s26 =	simm.s32 @!p1 $0x8000  }
0x186: {  	[tilespmem:s26], [sflag:$0x2] =	stream.indirect.gather @!p1 [hbm4b:s14+s4], $0x20, s21, s4, $0xb8;
	[tilespmem:$0xF810] =	vst v63  }
0x187: {  	s21 =	sadd.s32 @!p1 $0x1040, s2;
	s26 =	simm.s32 @!p1 $0x8800  }
0x188: {  	[tilespmem:s26], [sflag:$0x2] =	stream.indirect.gather @!p1 [hbm4b:s15+s4], $0x20, s21, s4, $0xb8;
	[tilespmem:$0xF810] =	vst v63  }
0x189: {  	s21 =	sadd.s32 @!p1 $0x1FC0, s28;
	s26 =	simm.s32 @!p1 $0x9000  }
0x18a: {  	[tilespmem:s26], [sflag:$0x2] =	stream.indirect.gather @!p1 [hbm4b:s16+s4], $0x20, s21, s4, $0xb8;
	[tilespmem:$0xF810] =	vst v63  }
0x18b: {  	s21 =	sadd.s32 @!p1 $0x2000, s2;
	s26 =	simm.s32 @!p1 $0x9800  }
0x18c: {  	[tilespmem:s26], [sflag:$0x2] =	stream.indirect.gather @!p1 [hbm4b:s17+s4], $0x20, s21, s4, $0xb8;
	[tilespmem:$0xF810] =	vst v63  }
0x18d: {  	s2 =	sadd.s32 @!p1 $0x2040, s2;
	s21 =	simm.s32 @!p1 $0xA000  }
0x18e: {  	[tilespmem:s21], [sflag:$0x2] =	stream.indirect.gather @!p1 [hbm4b:s18+s4], $0x20, s2, s4, $0xb8;
	[tilespmem:$0xF810] =	vst v63  }
0x18f: {  	_ =	swait.ge [sflag:s9], $0x800  }
0x190: {  	[sflag:s9] =	ssyncset.done $0x0  }
0x191: {  	[sflag:s9] =	ssyncadd.s32 $0xFFFFF800  }
0x192: {  	_ =	swait.ge [sflag:s9], $0x800  }
0x193: {  	[sflag:s9] =	ssyncset.done $0x0  }
0x194: {  	[sflag:s9] =	ssyncadd.s32 $0xFFFFF800  }
0x195: {  	_ =	swait.ge [sflag:s9], $0x800  }
0x196: {  	[sflag:s9] =	ssyncset.done $0x0  }
0x197: {  	[sflag:s9] =	ssyncadd.s32 $0xFFFFF800  }
0x198: {  	_ =	swait.ge [sflag:s9], $0x800  }
0x199: {  	[sflag:s9] =	ssyncset.done $0x0  }
0x19a: {  	[sflag:s9] =	ssyncadd.s32 $0xFFFFF800  }
0x19b: {  	_ =	swait.ge [sflag:s9], $0x800  }
0x19c: {  	[sflag:s9] =	ssyncset.done $0x0  }
0x19d: {  	[sflag:s9] =	ssyncadd.s32 $0xFFFFF800  }
0x19e: {  	_ =	swait.ge [sflag:s9], $0x800  }
0x19f: {  	[sflag:s9] =	ssyncset.done $0x0  }
0x1a0: {  	[sflag:s9] =	ssyncadd.s32 $0xFFFFF800  }
0x1a1: {  	_ =	swait.ge [sflag:s9], $0x800  }
0x1a2: {  	[sflag:s9] =	ssyncset.done $0x0  }
0x1a3: {  	[sflag:s9] =	ssyncadd.s32 $0xFFFFF800  }
0x1a4: {  	_ =	swait.ge [sflag:s9], $0x800  }
0x1a5: {  	[sflag:s9] =	ssyncset.done $0x0  }
0x1a6: {  	[sflag:s9] =	ssyncadd.s32 $0xFFFFF800  }
0x1a7: {  	_ =	swait.ge [sflag:s9], $0x800  }
0x1a8: {  	[sflag:s9] =	ssyncset.done $0x0  }
0x1a9: {  	s2 =	simm.s32 @!p0 $0x5;
	[sflag:s9] =	ssyncadd.s32 $0xFFFFF800  }
0x1aa: {  	_ =	swait.ge @!p0 [sflag:s2], $0x400  }
0x1ab: {  	[sflag:s2] =	ssyncset.done @!p0 $0x0  }
0x1ac: {  	[sflag:s2] =	ssyncadd.s32 @!p0 $0xFFFFFC00  }
0x1ad: {  	v5 =	vld [tilespmem:$0xA800]  }
0x1ae: {  	v6 =	vld [tilespmem:$0xB000]  }
0x1af: {  	v7 =	vld [tilespmem:$0xB800]  }
0x1b0: {  	v42 =	vld [tilespmem:$0xC000]  }
0x1b1: {  	v43 =	vld [tilespmem:$0xC800]  }
0x1b2: {  	v44 =	vld [tilespmem:$0xD000]  }
0x1b3: {  	v45 =	vld [tilespmem:$0xD800]  }
0x1b4: {  	v46 =	vld [tilespmem:$0xE000]  }
0x1b5: {  	v47 =	vld [tilespmem:$0xA830]  }
0x1b6: {  	v48 =	vld [tilespmem:$0xB030]  }
0x1b7: {  	v49 =	vld [tilespmem:$0xB830]  }
0x1b8: {  	v50 =	vld [tilespmem:$0xC030]  }
0x1b9: {  	v51 =	vld [tilespmem:$0xC830]  }
0x1ba: {  	v52 =	vld [tilespmem:$0xD030]  }
0x1bb: {  	v53 =	vld [tilespmem:$0xD830]  }
0x1bc: {  	v54 =	vld [tilespmem:$0xE030];
	_ =	sdelay $0x1  }
0x1bd: {  	v5 =	vadd.bf16 v6, v5;
	v6 =	vadd.bf16 v42, v7  }
0x1be: {  	v7 =	vadd.bf16 v44, v43;
	v55 =	vadd.bf16 v46, v45  }
0x1bf: {  	v56 =	vadd.bf16 v48, v47;
	v57 =	vadd.bf16 v50, v49  }
0x1c0: {  	v58 =	vld [tilespmem:$0xE800];
	v59 =	vadd.bf16 v52, v51;
	v60 =	vadd.bf16 v54, v53  }
0x1c1: {  	v5 =	vadd.bf16 v6, v5;
	v6 =	vadd.bf16 v55, v7;
	v7 =	vld [tilespmem:$0xE830]  }
0x1c2: {  	v61 =	vadd.bf16 v57, v56;
	v62 =	vadd.bf16 v60, v59;
	_ =	sdelay $0x1  }
0x1c3: {  	v5 =	vadd.bf16 v6, v5;
	v6 =	vadd.bf16 v62, v61;
	_ =	sdelay $0x1  }
0x1c4: {  	v5 =	vadd.bf16 v5, v58;
	v6 =	vadd.bf16 v6, v7;
	_ =	sdelay $0x1  }
0x1c5: {  	v7 =	vunpack.i.u.bf16.f32 v5;
	v5 =	vunpack.i.l.bf16.f32 v5;
	v6 =	vunpack.i.l.bf16.f32 v6  }
0x1c6: {  	v63 =	vadd.f32 v5, v4;
	v6 =	vadd.f32 v6, v7;
	_ =	sdelay $0x1  }
0x1c7: {  	v6 =	vadd.f32 v6, v63;
	_ =	sdelay $0x1  }
0x1c8: {  	s21 =	simm.s32 $0xA820;
	s2 =	simm.s32 $0xFFFFFFFC;
	[tilespmem:v0+s23+$0x0] =	vst.idx.msk $0xffff, v6  }
.LBB2_5:
0x1c9: {  	v6 =	vld [tilespmem:s21+$0x0]  }
0x1ca: {  	v7 =	vld [tilespmem:s21+$0x800]  }
0x1cb: {  	v8 =	vld [tilespmem:s21+$0x1000]  }
0x1cc: {  	v9 =	vld [tilespmem:s21+$0x1800]  }
0x1cd: {  	v10 =	vld [tilespmem:s21+$0x2000]  }
0x1ce: {  	v11 =	vld [tilespmem:s21+$0x2800]  }
0x1cf: {  	v12 =	vld [tilespmem:s21+$0x3000]  }
0x1d0: {  	v13 =	vld [tilespmem:s21+$0x3800]  }
0x1d1: {  	v14 =	vld [tilespmem:s21+$0x30]  }
0x1d2: {  	v15 =	vld [tilespmem:s21+$0x830]  }
0x1d3: {  	v16 =	vld [tilespmem:s21+$0x1030]  }
0x1d4: {  	v17 =	vld [tilespmem:s21+$0x1830]  }
0x1d5: {  	v18 =	vld [tilespmem:s21+$0x2030]  }
0x1d6: {  	v19 =	vld [tilespmem:s21+$0x2830]  }
0x1d7: {  	v20 =	vld [tilespmem:s21+$0x3030]  }
0x1d8: {  	v21 =	vld [tilespmem:s21+$0x3830];
	_ =	sdelay $0x1  }
0x1d9: {  	v6 =	vadd.bf16 v7, v6;
	v7 =	vadd.bf16 v9, v8  }
0x1da: {  	v61 =	vadd.bf16 v11, v10;
	v62 =	vadd.bf16 v13, v12  }
0x1db: {  	v63 =	vadd.bf16 v15, v14;
	v16 =	vadd.bf16 v17, v16  }
0x1dc: {  	v17 =	vld [tilespmem:s21+$0x4000];
	v19 =	vadd.bf16 v19, v18;
	v20 =	vadd.bf16 v21, v20  }
0x1dd: {  	v21 =	vld [tilespmem:s21+$0x4030];
	v6 =	vadd.bf16 v7, v6;
	v7 =	vadd.bf16 v62, v61  }
0x1de: {  	v22 =	vadd.bf16 v16, v63;
	v23 =	vadd.bf16 v20, v19  }
0x1df: {  	s4 =	sadd.s32 $0x5, s2  }
0x1e0: {  	v24 =	vmov s4;
	v6 =	vadd.bf16 v7, v6;
	v7 =	vadd.bf16 v23, v22  }
0x1e1: {  	v9 =	vand.u32 $0x3D, v24  }
0x1e2: {  	v25 =	vbroadcast v9, $0x0;
	v6 =	vadd.bf16 v6, v17;
	v7 =	vadd.bf16 v7, v21;
	_ =	sdelay $0x1  }
0x1e3: {  	v8 =	vor.u32 v0, v25;
	v26 =	vunpack.i.u.bf16.f32 v6;
	v7 =	vunpack.i.l.bf16.f32 v7  }
0x1e4: {  	v5 =	vadd.f32 v5, v4;
	v7 =	vadd.f32 v7, v26;
	_ =	sdelay $0x1  }
0x1e5: {  	v5 =	vadd.f32 v7, v5;
	_ =	sdelay $0x1  }
0x1e6: {  	[tilespmem:v8+s23+$0x0] =	vst.idx.msk $0xffff, v5  }
0x1e7: {  	v5 =	vld [tilespmem:s21+$0x20]  }
0x1e8: {  	v7 =	vld [tilespmem:s21+$0x820]  }
0x1e9: {  	v8 =	vld [tilespmem:s21+$0x1020]  }
0x1ea: {  	v27 =	vld [tilespmem:s21+$0x1820]  }
0x1eb: {  	v28 =	vld [tilespmem:s21+$0x2020]  }
0x1ec: {  	v29 =	vld [tilespmem:s21+$0x2820]  }
0x1ed: {  	v30 =	vld [tilespmem:s21+$0x3020]  }
0x1ee: {  	v31 =	vld [tilespmem:s21+$0x3820]  }
0x1ef: {  	v32 =	vld [tilespmem:s21+$0x50]  }
0x1f0: {  	v33 =	vld [tilespmem:s21+$0x850]  }
0x1f1: {  	v34 =	vld [tilespmem:s21+$0x1050]  }
0x1f2: {  	v35 =	vld [tilespmem:s21+$0x1850]  }
0x1f3: {  	v36 =	vld [tilespmem:s21+$0x2050]  }
0x1f4: {  	v37 =	vld [tilespmem:s21+$0x2850]  }
0x1f5: {  	v38 =	vld [tilespmem:s21+$0x3050]  }
0x1f6: {  	v39 =	vld [tilespmem:s21+$0x3850];
	_ =	sdelay $0x1  }
0x1f7: {  	v5 =	vadd.bf16 v7, v5;
	v7 =	vadd.bf16 v27, v8  }
0x1f8: {  	v40 =	vadd.bf16 v29, v28;
	v41 =	vadd.bf16 v31, v30  }
0x1f9: {  	v42 =	vadd.bf16 v33, v32;
	v43 =	vadd.bf16 v35, v34  }
0x1fa: {  	v44 =	vld [tilespmem:s21+$0x4020];
	v45 =	vadd.bf16 v37, v36;
	v46 =	vadd.bf16 v39, v38  }
0x1fb: {  	v47 =	vld [tilespmem:s21+$0x4050];
	v5 =	vadd.bf16 v7, v5;
	v7 =	vadd.bf16 v41, v40  }
0x1fc: {  	v48 =	vadd.bf16 v43, v42;
	v49 =	vadd.bf16 v46, v45  }
0x1fd: {  	s26 =	sadd.s32 $0x6, s2  }
0x1fe: {  	v50 =	vmov s26;
	v5 =	vadd.bf16 v7, v5;
	v7 =	vadd.bf16 v49, v48  }
0x1ff: {  	v9 =	vand.u32 $0x3E, v50  }
0x200: {  	v51 =	vbroadcast v9, $0x0;
	v5 =	vadd.bf16 v5, v44;
	v7 =	vadd.bf16 v7, v47  }
0x201: {  	v6 =	vunpack.i.l.bf16.f32 v6  }
0x202: {  	v8 =	vor.u32 v0, v51;
	v52 =	vunpack.i.u.bf16.f32 v5;
	v7 =	vunpack.i.l.bf16.f32 v7  }
0x203: {  	v6 =	vadd.f32 v6, v4;
	v7 =	vadd.f32 v7, v52;
	_ =	sdelay $0x1  }
0x204: {  	v6 =	vadd.f32 v7, v6;
	_ =	sdelay $0x1  }
0x205: {  	[tilespmem:v8+s23+$0x0] =	vst.idx.msk $0xffff, v6  }
0x206: {  	v6 =	vld [tilespmem:s21+$0x40]  }
0x207: {  	v7 =	vld [tilespmem:s21+$0x840]  }
0x208: {  	v8 =	vld [tilespmem:s21+$0x1040]  }
0x209: {  	v53 =	vld [tilespmem:s21+$0x1840]  }
0x20a: {  	v54 =	vld [tilespmem:s21+$0x2040]  }
0x20b: {  	v55 =	vld [tilespmem:s21+$0x2840]  }
0x20c: {  	v56 =	vld [tilespmem:s21+$0x3040]  }
0x20d: {  	v57 =	vld [tilespmem:s21+$0x3840]  }
0x20e: {  	v58 =	vld [tilespmem:s21+$0x70]  }
0x20f: {  	v59 =	vld [tilespmem:s21+$0x870]  }
0x210: {  	v60 =	vld [tilespmem:s21+$0x1070]  }
0x211: {  	v61 =	vld [tilespmem:s21+$0x1870]  }
0x212: {  	v62 =	vld [tilespmem:s21+$0x2070]  }
0x213: {  	v63 =	vld [tilespmem:s21+$0x2870]  }
0x214: {  	v24 =	vld [tilespmem:s21+$0x3070]  }
0x215: {  	v25 =	vld [tilespmem:s21+$0x3870];
	_ =	sdelay $0x1  }
0x216: {  	v6 =	vadd.bf16 v7, v6;
	v7 =	vadd.bf16 v53, v8  }
0x217: {  	v26 =	vadd.bf16 v55, v54;
	v27 =	vadd.bf16 v57, v56  }
0x218: {  	v28 =	vadd.bf16 v59, v58;
	v29 =	vadd.bf16 v61, v60  }
0x219: {  	v30 =	vld [tilespmem:s21+$0x4040];
	v31 =	vadd.bf16 v63, v62;
	v32 =	vadd.bf16 v25, v24  }
0x21a: {  	v33 =	vld [tilespmem:s21+$0x4070];
	v6 =	vadd.bf16 v7, v6;
	v7 =	vadd.bf16 v27, v26  }
0x21b: {  	v34 =	vadd.bf16 v29, v28;
	v35 =	vadd.bf16 v32, v31  }
0x21c: {  	s28 =	sadd.s32 $0x7, s2  }
0x21d: {  	v36 =	vmov s28;
	v6 =	vadd.bf16 v7, v6;
	v7 =	vadd.bf16 v35, v34  }
0x21e: {  	v9 =	vand.u32 $0x3F, v36  }
0x21f: {  	v37 =	vbroadcast v9, $0x0;
	v6 =	vadd.bf16 v6, v30;
	v7 =	vadd.bf16 v7, v33  }
0x220: {  	v5 =	vunpack.i.l.bf16.f32 v5  }
0x221: {  	v8 =	vor.u32 v0, v37;
	v38 =	vunpack.i.u.bf16.f32 v6;
	v7 =	vunpack.i.l.bf16.f32 v7  }
0x222: {  	v5 =	vadd.f32 v5, v4;
	v7 =	vadd.f32 v7, v38;
	_ =	sdelay $0x1  }
0x223: {  	v5 =	vadd.f32 v7, v5;
	_ =	sdelay $0x1  }
0x224: {  	[tilespmem:v8+s23+$0x0] =	vst.idx.msk $0xffff, v5  }
0x225: {  	v5 =	vld [tilespmem:s21+$0x60]  }
0x226: {  	v7 =	vld [tilespmem:s21+$0x860]  }
0x227: {  	v8 =	vld [tilespmem:s21+$0x1060]  }
0x228: {  	v39 =	vld [tilespmem:s21+$0x1860]  }
0x229: {  	v40 =	vld [tilespmem:s21+$0x2060]  }
0x22a: {  	v41 =	vld [tilespmem:s21+$0x2860]  }
0x22b: {  	v42 =	vld [tilespmem:s21+$0x3060]  }
0x22c: {  	v43 =	vld [tilespmem:s21+$0x3860]  }
0x22d: {  	v44 =	vld [tilespmem:s21+$0x90]  }
0x22e: {  	v45 =	vld [tilespmem:s21+$0x890]  }
0x22f: {  	v46 =	vld [tilespmem:s21+$0x1090]  }
0x230: {  	v47 =	vld [tilespmem:s21+$0x1890]  }
0x231: {  	v48 =	vld [tilespmem:s21+$0x2090]  }
0x232: {  	v49 =	vld [tilespmem:s21+$0x2890]  }
0x233: {  	v50 =	vld [tilespmem:s21+$0x3090]  }
0x234: {  	v51 =	vld [tilespmem:s21+$0x3890];
	_ =	sdelay $0x1  }
0x235: {  	v5 =	vadd.bf16 v7, v5;
	v7 =	vadd.bf16 v39, v8  }
0x236: {  	v52 =	vadd.bf16 v41, v40;
	v53 =	vadd.bf16 v43, v42  }
0x237: {  	v54 =	vadd.bf16 v45, v44;
	v55 =	vadd.bf16 v47, v46  }
0x238: {  	v56 =	vld [tilespmem:s21+$0x4060];
	v57 =	vadd.bf16 v49, v48;
	v58 =	vadd.bf16 v51, v50  }
0x239: {  	v59 =	vld [tilespmem:s21+$0x4090];
	v5 =	vadd.bf16 v7, v5;
	v7 =	vadd.bf16 v53, v52  }
0x23a: {  	v60 =	vadd.bf16 v55, v54;
	v61 =	vadd.bf16 v58, v57;
	_ =	sdelay $0x1  }
0x23b: {  	v5 =	vadd.bf16 v7, v5;
	v7 =	vadd.bf16 v61, v60  }
0x23c: {  	s31 =	sadd.s32 $0x8, s2  }
0x23d: {  	v62 =	vmov s31;
	v5 =	vadd.bf16 v5, v56;
	v7 =	vadd.bf16 v7, v59  }
0x23e: {  	s2 =	sadd.s32 $0x4, s2;
	v6 =	vunpack.i.l.bf16.f32 v6;
	v8 =	vand.u32 $0x7C, v62  }
0x23f: {  	p0 =	slt.u32 s2, $0x38;
	v8 =	vadd.s32 v0, v8;
	v63 =	vunpack.i.u.bf16.f32 v5;
	v7 =	vunpack.i.l.bf16.f32 v7  }
.Ltmp3:
0x240: {  	v6 =	vadd.f32 v6, v4;
	v7 =	vadd.f32 v7, v63;
	(pc) =	sbr.rel @p0 .LBB2_5-.Ltmp3, $3  }
0x241: {  	_ = 	snop  }
0x242: {  	v6 =	vadd.f32 v7, v6;
	_ =	sdelay $0x1  }
0x243: {  	s21 =	sadd.s32 $0x80, s21;
	v5 =	vunpack.i.l.bf16.f32 v5;
	[tilespmem:v8+s23+$0x0] =	vst.idx.msk $0xffff, v6  }
0x244: {  	v6 =	vld [tilespmem:$0xAFA0]  }
0x245: {  	v7 =	vld [tilespmem:$0xB7A0]  }
0x246: {  	v8 =	vld [tilespmem:$0xBFA0]  }
0x247: {  	v9 =	vld [tilespmem:$0xC7A0]  }
0x248: {  	v10 =	vld [tilespmem:$0xCFA0]  }
0x249: {  	v11 =	vld [tilespmem:$0xD7A0]  }
0x24a: {  	v12 =	vld [tilespmem:$0xDFA0]  }
0x24b: {  	v13 =	vld [tilespmem:$0xE7A0]  }
0x24c: {  	v14 =	vld [tilespmem:$0xAFD0]  }
0x24d: {  	v15 =	vld [tilespmem:$0xB7D0]  }
0x24e: {  	v16 =	vld [tilespmem:$0xBFD0]  }
0x24f: {  	v17 =	vld [tilespmem:$0xC7D0]  }
0x250: {  	v18 =	vld [tilespmem:$0xCFD0]  }
0x251: {  	v19 =	vld [tilespmem:$0xD7D0]  }
0x252: {  	v20 =	vld [tilespmem:$0xDFD0]  }
0x253: {  	v21 =	vld [tilespmem:$0xE7D0];
	_ =	sdelay $0x1  }
0x254: {  	v6 =	vadd.bf16 v7, v6;
	v7 =	vadd.bf16 v9, v8  }
0x255: {  	v44 =	vadd.bf16 v11, v10;
	v45 =	vadd.bf16 v13, v12  }
0x256: {  	v46 =	vadd.bf16 v15, v14;
	v47 =	vadd.bf16 v17, v16  }
0x257: {  	v48 =	vld [tilespmem:$0xEFA0];
	v49 =	vadd.bf16 v19, v18;
	v50 =	vadd.bf16 v21, v20  }
0x258: {  	v51 =	vld [tilespmem:$0xEFD0];
	v6 =	vadd.bf16 v7, v6;
	v7 =	vadd.bf16 v45, v44  }
0x259: {  	v52 =	vadd.bf16 v47, v46;
	v53 =	vadd.bf16 v50, v49;
	_ =	sdelay $0x1  }
0x25a: {  	v6 =	vadd.bf16 v7, v6;
	v7 =	vadd.bf16 v53, v52;
	_ =	sdelay $0x1  }
0x25b: {  	v6 =	vadd.bf16 v6, v48;
	v7 =	vadd.bf16 v7, v51;
	_ =	sdelay $0x1  }
0x25c: {  	v54 =	vunpack.i.u.bf16.f32 v6;
	v7 =	vunpack.i.l.bf16.f32 v7  }
0x25d: {  	v5 =	vadd.f32 v5, v4;
	v7 =	vadd.f32 v7, v54;
	_ =	sdelay $0x1  }
0x25e: {  	v5 =	vadd.f32 v7, v5;
	_ =	sdelay $0x1  }
0x25f: {  	[tilespmem:v1+s23+$0x0] =	vst.idx.msk $0xffff, v5  }
0x260: {  	v5 =	vld [tilespmem:$0xAFC0]  }
0x261: {  	v7 =	vld [tilespmem:$0xB7C0]  }
0x262: {  	v55 =	vld [tilespmem:$0xBFC0]  }
0x263: {  	v56 =	vld [tilespmem:$0xC7C0]  }
0x264: {  	v57 =	vld [tilespmem:$0xCFC0]  }
0x265: {  	v58 =	vld [tilespmem:$0xD7C0]  }
0x266: {  	v59 =	vld [tilespmem:$0xDFC0]  }
0x267: {  	v60 =	vld [tilespmem:$0xE7C0]  }
0x268: {  	v61 =	vld [tilespmem:$0xAFF0]  }
0x269: {  	v62 =	vld [tilespmem:$0xB7F0]  }
0x26a: {  	v63 =	vld [tilespmem:$0xBFF0]  }
0x26b: {  	v24 =	vld [tilespmem:$0xC7F0]  }
0x26c: {  	v25 =	vld [tilespmem:$0xCFF0]  }
0x26d: {  	v26 =	vld [tilespmem:$0xD7F0]  }
0x26e: {  	v27 =	vld [tilespmem:$0xDFF0]  }
0x26f: {  	v28 =	vld [tilespmem:$0xE7F0];
	_ =	sdelay $0x1  }
0x270: {  	v5 =	vadd.bf16 v7, v5;
	v7 =	vadd.bf16 v56, v55  }
0x271: {  	v29 =	vadd.bf16 v58, v57;
	v30 =	vadd.bf16 v60, v59  }
0x272: {  	v31 =	vadd.bf16 v62, v61;
	v32 =	vadd.bf16 v24, v63  }
0x273: {  	v33 =	vld [tilespmem:$0xEFC0];
	v34 =	vadd.bf16 v26, v25;
	v35 =	vadd.bf16 v28, v27  }
0x274: {  	v36 =	vld [tilespmem:$0xEFF0];
	v5 =	vadd.bf16 v7, v5;
	v7 =	vadd.bf16 v30, v29  }
0x275: {  	v37 =	vadd.bf16 v32, v31;
	v38 =	vadd.bf16 v35, v34;
	_ =	sdelay $0x1  }
0x276: {  	v5 =	vadd.bf16 v7, v5;
	v7 =	vadd.bf16 v38, v37;
	_ =	sdelay $0x1  }
0x277: {  	v5 =	vadd.bf16 v5, v33;
	v7 =	vadd.bf16 v7, v36;
	_ =	sdelay $0x1  }
0x278: {  	v6 =	vunpack.i.l.bf16.f32 v6;
	v39 =	vunpack.i.u.bf16.f32 v5;
	v7 =	vunpack.i.l.bf16.f32 v7  }
0x279: {  	v6 =	vadd.f32 v6, v4;
	v7 =	vadd.f32 v7, v39;
	_ =	sdelay $0x1  }
0x27a: {  	v6 =	vadd.f32 v7, v6;
	_ =	sdelay $0x1  }
0x27b: {  	[tilespmem:v2+s23+$0x0] =	vst.idx.msk $0xffff, v6  }
0x27c: {  	v6 =	vld [tilespmem:$0xAFE0]  }
0x27d: {  	v7 =	vld [tilespmem:$0xB7E0]  }
0x27e: {  	v40 =	vld [tilespmem:$0xBFE0]  }
0x27f: {  	v41 =	vld [tilespmem:$0xC7E0]  }
0x280: {  	v42 =	vld [tilespmem:$0xCFE0]  }
0x281: {  	v43 =	vld [tilespmem:$0xD7E0]  }
0x282: {  	v44 =	vld [tilespmem:$0xDFE0]  }
0x283: {  	v45 =	vld [tilespmem:$0xE7E0]  }
0x284: {  	v46 =	vld [tilespmem:$0xAFF0]  }
0x285: {  	v47 =	vld [tilespmem:$0xB7F0]  }
0x286: {  	v48 =	vld [tilespmem:$0xBFF0]  }
0x287: {  	v49 =	vld [tilespmem:$0xC7F0]  }
0x288: {  	v50 =	vld [tilespmem:$0xCFF0]  }
0x289: {  	v51 =	vld [tilespmem:$0xD7F0]  }
0x28a: {  	v52 =	vld [tilespmem:$0xDFF0]  }
0x28b: {  	v53 =	vld [tilespmem:$0xE7F0];
	_ =	sdelay $0x1  }
0x28c: {  	v6 =	vadd.bf16 v7, v6;
	v7 =	vadd.bf16 v41, v40  }
0x28d: {  	v54 =	vadd.bf16 v43, v42;
	v55 =	vadd.bf16 v45, v44  }
0x28e: {  	v56 =	vadd.bf16 v47, v46;
	v57 =	vadd.bf16 v49, v48  }
0x28f: {  	v58 =	vld [tilespmem:$0xEFE0];
	v59 =	vadd.bf16 v51, v50;
	v60 =	vadd.bf16 v53, v52  }
0x290: {  	v61 =	vld [tilespmem:$0xEFF0];
	v6 =	vadd.bf16 v7, v6;
	v7 =	vadd.bf16 v55, v54  }
0x291: {  	v62 =	vadd.bf16 v57, v56;
	v63 =	vadd.bf16 v60, v59;
	_ =	sdelay $0x1  }
0x292: {  	v6 =	vadd.bf16 v7, v6;
	v7 =	vadd.bf16 v63, v62;
	_ =	sdelay $0x1  }
0x293: {  	v6 =	vadd.bf16 v6, v58;
	v7 =	vadd.bf16 v7, v61;
	_ =	sdelay $0x1  }
0x294: {  	v5 =	vunpack.i.l.bf16.f32 v5;
	v6 =	vunpack.i.u.bf16.f32 v6;
	v7 =	vunpack.i.l.bf16.f32 v7  }
0x295: {  	v5 =	vadd.f32 v5, v4;
	v6 =	vadd.f32 v7, v6  }
.Ltmp4:
0x296: {  	_ = 	snop;
	(pc) =	sbr.rel @p1 .LBB2_8-.Ltmp4, $4  }
0x297: {  	s2 =	sadd.s32 s29, s5;
	v5 =	vadd.f32 v6, v5  }
0x298: {  	s2 =	sadd.s32 s24, s2  }
0x299: {  	s2 =	sadd.s32 $0x8, s2;
	[tilespmem:v3+s23+$0x0] =	vst.idx.msk $0xffff, v5  }
0x29a: {  	[hbm4b:s2+s30] =	stream.strided.scatter [tilespmem:s23], [sflag:$0x5], $0x400, s22, s30, $0x38;
	[tilespmem:$0xF810] =	vst v63  }
0x29b: {  	s2 =	sadd.s32 $0x3, s3  }
0x29c: {  	s3 =	sshll.u32 s2, $0x19  }
0x29d: {  	s2 =	sand.u32 $0x3F, s2;
	s3 =	sshra.s32 s3, $0x1F  }
0x29e: {  	s4 =	sshll.u32 s2, $0x6;
	s3 =	sand.u32 $0x3000, s3  }
0x29f: {  	s2 =	smin.u32 s2, $0x3E;
	s4 =	sor.u32 s4, s3  }
0x2a0: {  	s24 =	simm.s32 $0xA800;
	s2 =	sshll.u32 s2, $0x6;
	s21 =	sadd.s32 $0xFFFFFFC0, s4  }
0x2a1: {  	[tilespmem:s24], [sflag:$0x3] =	stream.indirect.gather [hbm4b:s1+s30], $0x20, s21, s30, $0xb8;
	[tilespmem:$0xF810] =	vst v63  }
0x2a2: {  	s26 =	simm.s32 $0xB000;
	s2 =	sor.u32 s2, s3  }
0x2a3: {  	[tilespmem:s26], [sflag:$0x3] =	stream.indirect.gather [hbm4b:s11+s30], $0x20, s4, s30, $0xb8;
	[tilespmem:$0xF810] =	vst v63  }
0x2a4: {  	s28 =	simm.s32 $0xB800;
	s3 =	sadd.s32 $0x40, s2  }
0x2a5: {  	[tilespmem:s28], [sflag:$0x3] =	stream.indirect.gather [hbm4b:s12+s30], $0x20, s3, s30, $0xb8;
	[tilespmem:$0xF810] =	vst v63  }
0x2a6: {  	s31 =	simm.s32 $0xC000;
	s29 =	sadd.s32 $0xFC0, s4  }
0x2a7: {  	[tilespmem:s31], [sflag:$0x3] =	stream.indirect.gather [hbm4b:s13+s30], $0x20, s29, s30, $0xb8;
	[tilespmem:$0xF810] =	vst v63  }
0x2a8: {  	s21 =	sadd.s32 $0x1000, s4;
	s24 =	simm.s32 $0xC800  }
0x2a9: {  	[tilespmem:s24], [sflag:$0x3] =	stream.indirect.gather [hbm4b:s14+s30], $0x20, s21, s30, $0xb8;
	[tilespmem:$0xF810] =	vst v63  }
0x2aa: {  	s26 =	sadd.s32 $0x1040, s2;
	s28 =	simm.s32 $0xD000  }
0x2ab: {  	[tilespmem:s28], [sflag:$0x3] =	stream.indirect.gather [hbm4b:s15+s30], $0x20, s26, s30, $0xb8;
	[tilespmem:$0xF810] =	vst v63  }
0x2ac: {  	s29 =	sadd.s32 $0x1FC0, s4  }
0x2ad: {  	[tilespmem:s8], [sflag:$0x3] =	stream.indirect.gather [hbm4b:s16+s30], $0x20, s29, s30, $0xb8;
	[tilespmem:$0xF810] =	vst v63  }
.Ltmp5:
0x2ae: {  	_ = 	snop;
	(pc) =	sbr.rel .LBB2_2-.Ltmp5, $4  }
0x2af: {  	s31 =	sadd.s32 $0x2000, s4  }
0x2b0: {  	[tilespmem:s10], [sflag:$0x3] =	stream.indirect.gather [hbm4b:s17+s30], $0x20, s31, s30, $0xb8;
	[tilespmem:$0xF810] =	vst v63  }
0x2b1: {  	s7 =	sadd.s32 $0x1, s7;
	s2 =	sadd.s32 $0x2040, s2  }
0x2b2: {  	[tilespmem:s20], [sflag:$0x3] =	stream.indirect.gather [hbm4b:s18+s30], $0x20, s2, s30, $0xb8;
	[tilespmem:$0xF810] =	vst v63  }
.LBB2_9:
0x2b3: {  	_ =	sfence.sel $0x180000  }
0x2b4: {  	[bflag:$0x0] =	sbarrier.arrive $0xFFFF  }
0x2b5: {  	_ =	strace $0x90000047  }
0x2b6: {  	s0 =	stileid.u32;
	[bflag:$0x2] =	sbarrier.arrive $0xFFFF  }
0x2b7: {  	p0 =	sne.s32 s0, $0x0;
	s0 =	rddreg [dreg:$0x3]  }
0x2b8: {  	s0 =	sadd.s32 @!p0 $0x100000, s0  }
0x2b9: {  	[sflag:s0] =	ssyncadd.tile.s32 @!p0 $0x1;
	_ =	shalt  }
.Lfunc_end2:
_tile_overlayer_lowered:
.L_overlay_start_2:
0x2ba: {  	(tag) =	ssettag $0x2  }
0x2bb: {  	s0 =	rddreg [dreg:$0x0];
	s2 =	stileid.u32  }
0x2bc: {  	s1 =	rddreg [dreg:$0x1];
	p0 =	sne.s32 s2, $0x0  }
0x2bd: {  	s3 =	rddreg [dreg:$0x2];
	[bflag:$0x3] =	sbarrier.arrive $0xFFFF;
	s2 =	simm.s32 @!p0 $0x1C06  }
0x2be: {  	[timem:s3], [sflag:s2] =	dma.local @!p0 [hbm:s0], s1  }
0x2bf: {  	s0 =	simm.s32 @!p0 $0x6  }
0x2c0: {  	_ =	swait.ge @!p0 [sflag:s0], s1  }
0x2c1: {  	s1 =	ssub.s32 @!p0 $0x0, s1;
	[sflag:s0] =	ssyncset.done @!p0 $0x0  }
0x2c2: {  	[sflag:s0] =	ssyncadd.s32 @!p0 s1  }
0x2c3: {  	[bflag:$0x3] =	sbarrier.arrive $0xFFFF  }
0x2c4: {  	_ =	shalt  }

</sc_bundles>
